<compile_context>
chip_gen: v7x
topology: tpu7x:2x2x1
jax: 0.10.2.dev20260603
libtpu: 0.0.44.dev20260713+nightly
codegen_flags: <defaults>
</compile_context>

<pallas_src>
import functools

import jax
import jax.numpy as jnp
import numpy as np
from jax import lax
from jax.experimental import pallas as pl
from jax.experimental.pallas import tpu as pltpu
from jax.experimental.pallas import tpu_sc as plsc

_D, _Z, _Y, _X = 64, 64, 64, 64
_NW = 32
_CH = 32
_G16 = _CH // 16
_NROW = 2 * _Z * (_Y // 2)

_H = np.array([[2., -2., 1., 1.], [-3., 3., -2., -1.],
               [0., 0., 1., 0.], [1., 0., 0., 0.]])
_CRB = _H @ np.array([[0., 1., 0., 0.], [0., 0., 1., 0.],
                      [-0.5, 0., 0.5, 0.], [0., -0.5, 0., 0.5]])


def _collapse_body(idp_ref, cd_ref, knots_ref, out_ref):
    d = pl.program_id(0)
    w = cd_ref[d]
    v = knots_ref[0]

    @pl.when(d == 0)
    def _():
        out_ref[...] = jnp.zeros_like(out_ref)

    out_ref[0] += w * v
    vr = jnp.concatenate([v[:, 1:, :], v[:, :1, :]], axis=1)
    out_ref[1] += w * vr


def _collapse(idp, cd, knots4):
    grid_spec = pltpu.PrefetchScalarGridSpec(
        num_scalar_prefetch=1,
        grid=(4,),
        in_specs=[
            pl.BlockSpec(memory_space=pltpu.SMEM),
            pl.BlockSpec((1, _Z, _Y, _X), lambda d, idp_ref: (idp_ref[d], 0, 0, 0)),
        ],
        out_specs=pl.BlockSpec((2, _Z, _Y, _X), lambda d, idp_ref: (0, 0, 0, 0)),
    )
    return pl.pallas_call(
        _collapse_body,
        grid_spec=grid_spec,
        out_shape=jax.ShapeDtypeStruct((2, _Z, _Y, _X), jnp.float32),
    )(idp, cd, knots4)


def _weights(s):
    w0 = ((-0.5 * s + 1.0) * s - 0.5) * s
    w1 = (1.5 * s - 2.5) * s * s + 1.0
    w2 = ((-1.5 * s + 2.0) * s + 0.5) * s
    w3 = (0.5 * s - 0.5) * s * s
    return w0, w1, w2, w3


def _axis_prep(coord, hi):
    i0 = coord.astype(jnp.int32)
    s = jnp.clip(coord - i0.astype(jnp.float32), 0.0, 1.0)
    b = jnp.clip(i0 - 1, 0, hi - 4)
    return b, _weights(s)


def _interp_body(pw, table, zc, yc, xc, out,
                 zbuf, ybuf, xbuf, idxbufs, valss, wbufs, xbbs, outbuf, sem):
    wid = lax.axis_index("s") * 2 + lax.axis_index("c")
    base = wid * pw
    pltpu.sync_copy(zc.at[pl.ds(base, pw + _CH)], zbuf)
    pltpu.sync_copy(yc.at[pl.ds(base, pw + _CH)], ybuf)
    pltpu.sync_copy(xc.at[pl.ds(base, pw + _CH)], xbuf)

    iota = lax.iota(jnp.int32, 16)

    def phase1(c, nb):
        idxbuf, wbuf, xbb = idxbufs[nb], wbufs[nb], xbbs[nb]
        for g in range(_G16):
            p0 = c * _CH + g * 16
            g16 = pl.ds(g * 16, 16)
            z = zbuf[pl.ds(p0, 16)]
            y = ybuf[pl.ds(p0, 16)]
            x = xbuf[pl.ds(p0, 16)]
            zb, wz = _axis_prep(z, _Z)
            yb, wy = _axis_prep(y, _Y)
            xb, wx = _axis_prep(x, _X)
            for k in range(4):
                wbuf[k, g16] = wz[k]
                wbuf[4 + k, g16] = wy[k]
                wbuf[8 + k, g16] = wx[k]
            xbb[g16] = xb
            ys = jnp.bitwise_and(yb, 1)
            k0 = lax.shift_right_logical(yb, 1)
            base0 = ys * (_Z * (_Y // 2)) + zb * (_Y // 2) + k0
            for a in range(4):
                for e in range(2):
                    idxbuf[a * 2 + e, g16] = base0 + (a * (_Y // 2) + e)
        for j in range(8):
            pltpu.async_copy(table.at[idxbuf.at[j]],
                             valss[nb].at[pl.ds(j * _CH, _CH)], sem)

    def drain(nb):
        for j in range(8):
            pltpu.make_async_copy(table.at[pl.ds(0, _CH)],
                                  valss[nb].at[pl.ds(j * _CH, _CH)], sem).wait()

    def phase2(c, nb):
        vals, wbuf, xbb = valss[nb], wbufs[nb], xbbs[nb]
        for g in range(_G16):
            g16 = pl.ds(g * 16, 16)
            pvec = iota + g * 16
            wz = [wbuf[k, g16] for k in range(4)]
            wy = [wbuf[4 + k, g16] for k in range(4)]
            wx = [wbuf[8 + k, g16] for k in range(4)]
            xb = xbb[g16]
            acc = jnp.zeros((16,), jnp.float32)
            for b in range(4):
                colv = xb + (b & 1) * 64
                for a in range(4):
                    rowv = pvec + (a * 2 + (b >> 1)) * _CH
                    t = plsc.load_gather(vals, [rowv, colv]) * wx[0]
                    t += plsc.load_gather(vals, [rowv, colv + 1]) * wx[1]
                    t += plsc.load_gather(vals, [rowv, colv + 2]) * wx[2]
                    t += plsc.load_gather(vals, [rowv, colv + 3]) * wx[3]
                    acc += t * (wz[a] * wy[b])
            outbuf[pl.ds(c * _CH + g * 16, 16)] = acc

    nch = pw // _CH
    phase1(0, 0)

    def pair(c2, carry):
        ca = 2 * c2
        phase1(ca + 1, 1)
        drain(0)
        phase2(ca, 0)
        phase1(ca + 2, 0)
        drain(1)
        phase2(ca + 1, 1)
        return carry

    lax.fori_loop(0, nch // 2, pair, 0)
    drain(0)
    pltpu.sync_copy(outbuf, out.at[pl.ds(base, pw)])


def _interp(table_rows, zc, yc, xc, npad, pw):
    mesh = plsc.VectorSubcoreMesh(core_axis_name="c", subcore_axis_name="s")
    return pl.kernel(
        functools.partial(_interp_body, pw),
        out_type=jax.ShapeDtypeStruct((npad,), jnp.float32),
        mesh=mesh,
        compiler_params=pltpu.CompilerParams(needs_layout_passes=False),
        scratch_types=[
            pltpu.VMEM((pw + _CH,), jnp.float32),
            pltpu.VMEM((pw + _CH,), jnp.float32),
            pltpu.VMEM((pw + _CH,), jnp.float32),
            [pltpu.VMEM((8, _CH), jnp.int32) for _ in range(2)],
            [pltpu.VMEM((8 * _CH, 2 * _X), jnp.float32) for _ in range(2)],
            [pltpu.VMEM((12, _CH), jnp.float32) for _ in range(2)],
            [pltpu.VMEM((_CH,), jnp.int32) for _ in range(2)],
            pltpu.VMEM((pw,), jnp.float32),
            pltpu.SemaphoreType.DMA,
        ],
    )(table_rows, zc, yc, xc)


def kernel(idx, knots, depth):
    n = idx.shape[0]
    knots4 = knots.reshape(_D, _Z, _Y, _X)

    depths = jnp.arange(_D, dtype=jnp.float32)
    dv = jnp.asarray(depth).astype(jnp.float32)
    ind = jnp.searchsorted(depths, dv, side="right")
    norm = (dv - depths[ind - 1]) / (depths[ind] - depths[ind - 1])
    dloc = (ind - 1).astype(jnp.float32) + norm
    i0 = dloc.astype(jnp.int32)
    sd = jnp.clip(dloc - i0.astype(jnp.float32), 0.0, 1.0)
    idp = jnp.clip(i0 - 1 + jnp.arange(4, dtype=jnp.int32), 0, _D - 1)
    cvec = sd ** jnp.arange(3, -1, -1, dtype=jnp.float32)
    cd = cvec @ jnp.asarray(_CRB, dtype=jnp.float32)

    table = _collapse(idp, cd, knots4)
    table_rows = table.reshape(_NROW, 2 * _X)

    pw = ((n + 2 * _NW * _CH - 1) // (2 * _NW * _CH)) * 2 * _CH
    npad = _NW * pw
    zc = jnp.pad(idx[:, 0], (0, npad + _CH - n), constant_values=1.0)
    yc = jnp.pad(idx[:, 1], (0, npad + _CH - n), constant_values=1.0)
    xc = jnp.pad(idx[:, 2], (0, npad + _CH - n), constant_values=1.0)
    res = _interp(table_rows, zc, yc, xc, npad, pw)
    return res[:n].reshape(n, 1)

# --- scband reference (transcript-rebuilt; emitter-appended) ---
"""Pipeline reference for scband-catmull-rom-spline4-duniform-80470507258270 (READ-ONLY COPY).

The authoritative reference and input builder live on the scoring server;
editing this copy changes nothing except your own understanding.
"""

import jax, jax.numpy as jnp
import numpy as np

D, Z, Y, X, C = 64, 64, 64, 64, 1
N = 100000
DEPTHS = np.arange(D, dtype=np.float64)
_H = np.array([[2., -2., 1., 1.], [-3., 3., -2., -1.], [0., 0., 1., 0.], [1., 0., 0., 0.]])
_CR = _H @ np.array([[0., 1., 0., 0.], [0., 0., 1., 0.], [-0.5, 0., 0.5, 0.], [0., -0.5, 0., 0.5]])
BASIS = jnp.asarray(_CR, dtype=jnp.float32)


def _spline_idx(coord, axis_size):
    idx0 = coord.astype(jnp.int32)
    s = jnp.clip(coord - idx0.astype(coord.dtype), 0.0, 1.0)
    idx = jnp.clip((idx0 - 1)[:, None] + jnp.arange(4, dtype=jnp.int32)[None, :], 0, axis_size - 1)
    c = s[:, None] ** jnp.arange(3, -1, -1, dtype=coord.dtype)[None, :]
    return idx, c @ BASIS


def setup_inputs(seed: int = 0):
    key = jax.random.key(seed)
    k1, k2 = jax.random.split(key)
    # fractional zyx coordinates inside the valid interpolation region [1, Z-2)
    idx = jax.random.uniform(k1, (N, 3), dtype=jnp.float32) * (Z - 3) + 1.0
    knots = jax.random.normal(k2, (D, Z, Y, X, C), dtype=jnp.float32)
    return {"idx": idx, "knots": knots, "depth": 10}


def reference(idx, knots, depth):
    # get_depth_coords (traced, depth arrives as a traced scalar under jit)
    depths_j = jnp.asarray(DEPTHS, dtype=jnp.float32)
    d = jnp.asarray(depth).astype(jnp.float32)
    ind = jnp.searchsorted(depths_j, d, side='right')
    norm = (d - depths_j[ind - 1]) / (depths_j[ind] - depths_j[ind - 1])
    depth_ind = ind - 1
    depth_idx = jnp.full((idx.shape[0],), (depth_ind.astype(idx.dtype) + norm.astype(idx.dtype)), dtype=idx.dtype)
    idp, cd = _spline_idx(depth_idx, knots.shape[0])
    iz, cz = _spline_idx(idx[:, 0], knots.shape[1])
    iy, cy = _spline_idx(idx[:, 1], knots.shape[2])
    ix, cx = _spline_idx(idx[:, 2], knots.shape[3])
    sel = knots[idp[:, :, None, None, None], iz[:, None, :, None, None], iy[:, None, None, :, None], ix[:, None, None, None, :]]
    out = (sel * cd[:, :, None, None, None, None] * cz[:, None, :, None, None, None] * cy[:, None, None, :, None, None] * cx[:, None, None, None, :, None]).sum((1, 2, 3, 4))
    return out

if __name__ == "__main__":
    import jax
    _d = setup_inputs()
    print(jax.jit(kernel)(*tuple(_d.values())))

</pallas_src>

<mosaic_0001>
#map = affine_map<(d0, d1) -> (0, 0)>
#map1 = affine_map<(d0, d1) -> (0)>
module attributes {stable_mosaic.version = 14 : i64} {
  func.func @_interp_body(%arg0: i32, %arg1: i32, %arg2: memref<4096x128xf32, #tpu.memory_space<hbm>>, %arg3: memref<100384xf32, #tpu.memory_space<hbm>>, %arg4: memref<100384xf32, #tpu.memory_space<hbm>>, %arg5: memref<100384xf32, #tpu.memory_space<hbm>>, %arg6: memref<100352xf32, #tpu.memory_space<hbm>>, %arg7: memref<3168xf32, #tpu.memory_space<vmem>>, %arg8: memref<3168xf32, #tpu.memory_space<vmem>>, %arg9: memref<3168xf32, #tpu.memory_space<vmem>>, %arg10: memref<8x32xi32, #tpu.memory_space<vmem>>, %arg11: memref<8x32xi32, #tpu.memory_space<vmem>>, %arg12: memref<256x128xf32, #tpu.memory_space<vmem>>, %arg13: memref<256x128xf32, #tpu.memory_space<vmem>>, %arg14: memref<12x32xf32, #tpu.memory_space<vmem>>, %arg15: memref<12x32xf32, #tpu.memory_space<vmem>>, %arg16: memref<32xi32, #tpu.memory_space<vmem>>, %arg17: memref<32xi32, #tpu.memory_space<vmem>>, %arg18: memref<3136xf32, #tpu.memory_space<vmem>>, %arg19: memref<!tpu.dma_semaphore, #tpu.memory_space<semaphore_mem>>) attributes {dimension_semantics = [#tpu.dimension_semantics<core_parallel>, #tpu.dimension_semantics<subcore_parallel>], iteration_bounds = array<i64: 2, 16>, scalar_prefetch = 0 : i64, scratch_operands = 13 : i64, tpu.core_type = #tpu.core_type<sc_vector_subcore>, window_params = [{transform_indices = #map}, {transform_indices = #map1}, {transform_indices = #map1}, {transform_indices = #map1}, {transform_indices = #map1}]} {
    %mul3A = arith.constant 2 : i32
    %mul3A_0 = arith.muli %arg1, %mul3A : i32
    %add3A = arith.addi %mul3A_0, %arg0 : i32
    %mul3A_1 = arith.constant 3136 : i32
    %mul3A_2 = arith.muli %add3A, %mul3A_1 : i32
    "tpu.region"() ({
      %run_scoped3A = tpu.sem_alloc : memref<!tpu.dma_semaphore, #tpu.memory_space<semaphore_mem>>
      %dma_start3A_779 = tpu.memref_slice %arg3[%mul3A_2] : memref<100384xf32, #tpu.memory_space<hbm>> -> memref<3168xf32, #tpu.memory_space<hbm>>
      %dma_start3A_780 = tpu.memref_slice %arg3[%mul3A_2] : memref<100384xf32, #tpu.memory_space<hbm>> -> memref<3168xf32, #tpu.memory_space<hbm>>
      tpu.enqueue_dma source(%dma_start3A_780 : memref<3168xf32, #tpu.memory_space<hbm>>) target(%arg7 : memref<3168xf32, #tpu.memory_space<vmem>>) target_semaphore(%run_scoped3A : memref<!tpu.dma_semaphore, #tpu.memory_space<semaphore_mem>>)
      %dma_wait3A_781 = tpu.memref_slice %arg3[%mul3A_2] : memref<100384xf32, #tpu.memory_space<hbm>> -> memref<3168xf32, #tpu.memory_space<hbm>>
      %dma_wait3A_782 = tpu.memref_slice %arg3[%mul3A_2] : memref<100384xf32, #tpu.memory_space<hbm>> -> memref<3168xf32, #tpu.memory_space<hbm>>
      tpu.wait_dma2 semaphore(%run_scoped3A : memref<!tpu.dma_semaphore, #tpu.memory_space<semaphore_mem>>) src(%dma_wait3A_782 : memref<3168xf32, #tpu.memory_space<hbm>>) dst(%arg7 : memref<3168xf32, #tpu.memory_space<vmem>>)
      tpu.yield
    }) : () -> ()
    "tpu.region"() ({
      %run_scoped3A = tpu.sem_alloc : memref<!tpu.dma_semaphore, #tpu.memory_space<semaphore_mem>>
      %dma_start3A_779 = tpu.memref_slice %arg4[%mul3A_2] : memref<100384xf32, #tpu.memory_space<hbm>> -> memref<3168xf32, #tpu.memory_space<hbm>>
      %dma_start3A_780 = tpu.memref_slice %arg4[%mul3A_2] : memref<100384xf32, #tpu.memory_space<hbm>> -> memref<3168xf32, #tpu.memory_space<hbm>>
      tpu.enqueue_dma source(%dma_start3A_780 : memref<3168xf32, #tpu.memory_space<hbm>>) target(%arg8 : memref<3168xf32, #tpu.memory_space<vmem>>) target_semaphore(%run_scoped3A : memref<!tpu.dma_semaphore, #tpu.memory_space<semaphore_mem>>)
      %dma_wait3A_781 = tpu.memref_slice %arg4[%mul3A_2] : memref<100384xf32, #tpu.memory_space<hbm>> -> memref<3168xf32, #tpu.memory_space<hbm>>
      %dma_wait3A_782 = tpu.memref_slice %arg4[%mul3A_2] : memref<100384xf32, #tpu.memory_space<hbm>> -> memref<3168xf32, #tpu.memory_space<hbm>>
      tpu.wait_dma2 semaphore(%run_scoped3A : memref<!tpu.dma_semaphore, #tpu.memory_space<semaphore_mem>>) src(%dma_wait3A_782 : memref<3168xf32, #tpu.memory_space<hbm>>) dst(%arg8 : memref<3168xf32, #tpu.memory_space<vmem>>)
      tpu.yield
    }) : () -> ()
    "tpu.region"() ({
      %run_scoped3A = tpu.sem_alloc : memref<!tpu.dma_semaphore, #tpu.memory_space<semaphore_mem>>
      %dma_start3A_779 = tpu.memref_slice %arg5[%mul3A_2] : memref<100384xf32, #tpu.memory_space<hbm>> -> memref<3168xf32, #tpu.memory_space<hbm>>
      %dma_start3A_780 = tpu.memref_slice %arg5[%mul3A_2] : memref<100384xf32, #tpu.memory_space<hbm>> -> memref<3168xf32, #tpu.memory_space<hbm>>
      tpu.enqueue_dma source(%dma_start3A_780 : memref<3168xf32, #tpu.memory_space<hbm>>) target(%arg9 : memref<3168xf32, #tpu.memory_space<vmem>>) target_semaphore(%run_scoped3A : memref<!tpu.dma_semaphore, #tpu.memory_space<semaphore_mem>>)
      %dma_wait3A_781 = tpu.memref_slice %arg5[%mul3A_2] : memref<100384xf32, #tpu.memory_space<hbm>> -> memref<3168xf32, #tpu.memory_space<hbm>>
      %dma_wait3A_782 = tpu.memref_slice %arg5[%mul3A_2] : memref<100384xf32, #tpu.memory_space<hbm>> -> memref<3168xf32, #tpu.memory_space<hbm>>
      tpu.wait_dma2 semaphore(%run_scoped3A : memref<!tpu.dma_semaphore, #tpu.memory_space<semaphore_mem>>) src(%dma_wait3A_782 : memref<3168xf32, #tpu.memory_space<hbm>>) dst(%arg9 : memref<3168xf32, #tpu.memory_space<vmem>>)
      tpu.yield
    }) : () -> ()
    %iota3A = tpu.iota {dimensions = array<i32: 0>} : vector<16xi32>
    %get3A = arith.constant 0 : index
    %get3A_3 = tpu.vector_load %arg7[%get3A] {strides = array<i32>} : memref<3168xf32, #tpu.memory_space<vmem>>, vector<16xf32>,
    %get3A_4 = arith.constant 0 : index
    %get3A_5 = tpu.vector_load %arg8[%get3A_4] {strides = array<i32>} : memref<3168xf32, #tpu.memory_space<vmem>>, vector<16xf32>,
    %get3A_6 = arith.constant 0 : index
    %get3A_7 = tpu.vector_load %arg9[%get3A_6] {strides = array<i32>} : memref<3168xf32, #tpu.memory_space<vmem>>, vector<16xf32>,
    %convert_element_type3A = arith.fptosi %get3A_3 : vector<16xf32> to vector<16xi32>
    %convert_element_type3A_8 = arith.sitofp %convert_element_type3A : vector<16xi32> to vector<16xf32>
    %sub3A = arith.subf %get3A_3, %convert_element_type3A_8 : vector<16xf32>
    %jit3A = arith.constant 0.000000e+00 : f32
    %jit3A_9 = arith.constant 1.000000e+00 : f32
    %max3A = vector.broadcast %jit3A : f32 to vector<16xf32>
    %max3A_10 = arith.maximumf %max3A, %sub3A : vector<16xf32>
    %min3A = vector.broadcast %jit3A_9 : f32 to vector<16xf32>
    %min3A_11 = arith.minimumf %min3A, %max3A_10 : vector<16xf32>
    %sub3A_12 = arith.constant 1 : i32
    %sub3A_13 = vector.broadcast %sub3A_12 : i32 to vector<16xi32>
    %sub3A_14 = arith.subi %convert_element_type3A, %sub3A_13 : vector<16xi32>
    %jit3A_15 = arith.constant 0 : i32
    %jit3A_16 = arith.constant 60 : i32
    %max3A_17 = vector.broadcast %jit3A_15 : i32 to vector<16xi32>
    %max3A_18 = arith.maxsi %max3A_17, %sub3A_14 : vector<16xi32>
    %min3A_19 = vector.broadcast %jit3A_16 : i32 to vector<16xi32>
    %min3A_20 = arith.minsi %min3A_19, %max3A_18 : vector<16xi32>
    %mul3A_21 = arith.constant -5.000000e-01 : f32
    %mul3A_22 = vector.broadcast %mul3A_21 : f32 to vector<16xf32>
    %mul3A_23 = arith.mulf %mul3A_22, %min3A_11 : vector<16xf32>
    %add3A_24 = arith.constant 1.000000e+00 : f32
    %add3A_25 = vector.broadcast %add3A_24 : f32 to vector<16xf32>
    %add3A_26 = arith.addf %mul3A_23, %add3A_25 : vector<16xf32>
    %mul3A_27 = arith.mulf %add3A_26, %min3A_11 : vector<16xf32>
    %sub3A_28 = arith.constant 5.000000e-01 : f32
    %sub3A_29 = vector.broadcast %sub3A_28 : f32 to vector<16xf32>
    %sub3A_30 = arith.subf %mul3A_27, %sub3A_29 : vector<16xf32>
    %mul3A_31 = arith.mulf %sub3A_30, %min3A_11 : vector<16xf32>
    %mul3A_32 = arith.constant 1.500000e+00 : f32
    %mul3A_33 = vector.broadcast %mul3A_32 : f32 to vector<16xf32>
    %mul3A_34 = arith.mulf %mul3A_33, %min3A_11 : vector<16xf32>
    %sub3A_35 = arith.constant 2.500000e+00 : f32
    %sub3A_36 = vector.broadcast %sub3A_35 : f32 to vector<16xf32>
    %sub3A_37 = arith.subf %mul3A_34, %sub3A_36 : vector<16xf32>
    %mul3A_38 = arith.mulf %sub3A_37, %min3A_11 : vector<16xf32>
    %mul3A_39 = arith.mulf %mul3A_38, %min3A_11 : vector<16xf32>
    %add3A_40 = arith.constant 1.000000e+00 : f32
    %add3A_41 = vector.broadcast %add3A_40 : f32 to vector<16xf32>
    %add3A_42 = arith.addf %mul3A_39, %add3A_41 : vector<16xf32>
    %mul3A_43 = arith.constant -1.500000e+00 : f32
    %mul3A_44 = vector.broadcast %mul3A_43 : f32 to vector<16xf32>
    %mul3A_45 = arith.mulf %mul3A_44, %min3A_11 : vector<16xf32>
    %add3A_46 = arith.constant 2.000000e+00 : f32
    %add3A_47 = vector.broadcast %add3A_46 : f32 to vector<16xf32>
    %add3A_48 = arith.addf %mul3A_45, %add3A_47 : vector<16xf32>
    %mul3A_49 = arith.mulf %add3A_48, %min3A_11 : vector<16xf32>
    %add3A_50 = arith.constant 5.000000e-01 : f32
    %add3A_51 = vector.broadcast %add3A_50 : f32 to vector<16xf32>
    %add3A_52 = arith.addf %mul3A_49, %add3A_51 : vector<16xf32>
    %mul3A_53 = arith.mulf %add3A_52, %min3A_11 : vector<16xf32>
    %mul3A_54 = arith.constant 5.000000e-01 : f32
    %mul3A_55 = vector.broadcast %mul3A_54 : f32 to vector<16xf32>
    %mul3A_56 = arith.mulf %mul3A_55, %min3A_11 : vector<16xf32>
    %sub3A_57 = arith.constant 5.000000e-01 : f32
    %sub3A_58 = vector.broadcast %sub3A_57 : f32 to vector<16xf32>
    %sub3A_59 = arith.subf %mul3A_56, %sub3A_58 : vector<16xf32>
    %mul3A_60 = arith.mulf %sub3A_59, %min3A_11 : vector<16xf32>
    %mul3A_61 = arith.mulf %mul3A_60, %min3A_11 : vector<16xf32>
    %convert_element_type3A_62 = arith.fptosi %get3A_5 : vector<16xf32> to vector<16xi32>
    %convert_element_type3A_63 = arith.sitofp %convert_element_type3A_62 : vector<16xi32> to vector<16xf32>
    %sub3A_64 = arith.subf %get3A_5, %convert_element_type3A_63 : vector<16xf32>
    %jit3A_65 = arith.constant 0.000000e+00 : f32
    %jit3A_66 = arith.constant 1.000000e+00 : f32
    %max3A_67 = vector.broadcast %jit3A_65 : f32 to vector<16xf32>
    %max3A_68 = arith.maximumf %max3A_67, %sub3A_64 : vector<16xf32>
    %min3A_69 = vector.broadcast %jit3A_66 : f32 to vector<16xf32>
    %min3A_70 = arith.minimumf %min3A_69, %max3A_68 : vector<16xf32>
    %sub3A_71 = arith.constant 1 : i32
    %sub3A_72 = vector.broadcast %sub3A_71 : i32 to vector<16xi32>
    %sub3A_73 = arith.subi %convert_element_type3A_62, %sub3A_72 : vector<16xi32>
    %jit3A_74 = arith.constant 0 : i32
    %jit3A_75 = arith.constant 60 : i32
    %max3A_76 = vector.broadcast %jit3A_74 : i32 to vector<16xi32>
    %max3A_77 = arith.maxsi %max3A_76, %sub3A_73 : vector<16xi32>
    %min3A_78 = vector.broadcast %jit3A_75 : i32 to vector<16xi32>
    %min3A_79 = arith.minsi %min3A_78, %max3A_77 : vector<16xi32>
    %mul3A_80 = arith.constant -5.000000e-01 : f32
    %mul3A_81 = vector.broadcast %mul3A_80 : f32 to vector<16xf32>
    %mul3A_82 = arith.mulf %mul3A_81, %min3A_70 : vector<16xf32>
    %add3A_83 = arith.constant 1.000000e+00 : f32
    %add3A_84 = vector.broadcast %add3A_83 : f32 to vector<16xf32>
    %add3A_85 = arith.addf %mul3A_82, %add3A_84 : vector<16xf32>
    %mul3A_86 = arith.mulf %add3A_85, %min3A_70 : vector<16xf32>
    %sub3A_87 = arith.constant 5.000000e-01 : f32
    %sub3A_88 = vector.broadcast %sub3A_87 : f32 to vector<16xf32>
    %sub3A_89 = arith.subf %mul3A_86, %sub3A_88 : vector<16xf32>
    %mul3A_90 = arith.mulf %sub3A_89, %min3A_70 : vector<16xf32>
    %mul3A_91 = arith.constant 1.500000e+00 : f32
    %mul3A_92 = vector.broadcast %mul3A_91 : f32 to vector<16xf32>
    %mul3A_93 = arith.mulf %mul3A_92, %min3A_70 : vector<16xf32>
    %sub3A_94 = arith.constant 2.500000e+00 : f32
    %sub3A_95 = vector.broadcast %sub3A_94 : f32 to vector<16xf32>
    %sub3A_96 = arith.subf %mul3A_93, %sub3A_95 : vector<16xf32>
    %mul3A_97 = arith.mulf %sub3A_96, %min3A_70 : vector<16xf32>
    %mul3A_98 = arith.mulf %mul3A_97, %min3A_70 : vector<16xf32>
    %add3A_99 = arith.constant 1.000000e+00 : f32
    %add3A_100 = vector.broadcast %add3A_99 : f32 to vector<16xf32>
    %add3A_101 = arith.addf %mul3A_98, %add3A_100 : vector<16xf32>
    %mul3A_102 = arith.constant -1.500000e+00 : f32
    %mul3A_103 = vector.broadcast %mul3A_102 : f32 to vector<16xf32>
    %mul3A_104 = arith.mulf %mul3A_103, %min3A_70 : vector<16xf32>
    %add3A_105 = arith.constant 2.000000e+00 : f32
    %add3A_106 = vector.broadcast %add3A_105 : f32 to vector<16xf32>
    %add3A_107 = arith.addf %mul3A_104, %add3A_106 : vector<16xf32>
    %mul3A_108 = arith.mulf %add3A_107, %min3A_70 : vector<16xf32>
    %add3A_109 = arith.constant 5.000000e-01 : f32
    %add3A_110 = vector.broadcast %add3A_109 : f32 to vector<16xf32>
    %add3A_111 = arith.addf %mul3A_108, %add3A_110 : vector<16xf32>
    %mul3A_112 = arith.mulf %add3A_111, %min3A_70 : vector<16xf32>
    %mul3A_113 = arith.constant 5.000000e-01 : f32
    %mul3A_114 = vector.broadcast %mul3A_113 : f32 to vector<16xf32>
    %mul3A_115 = arith.mulf %mul3A_114, %min3A_70 : vector<16xf32>
    %sub3A_116 = arith.constant 5.000000e-01 : f32
    %sub3A_117 = vector.broadcast %sub3A_116 : f32 to vector<16xf32>
    %sub3A_118 = arith.subf %mul3A_115, %sub3A_117 : vector<16xf32>
    %mul3A_119 = arith.mulf %sub3A_118, %min3A_70 : vector<16xf32>
    %mul3A_120 = arith.mulf %mul3A_119, %min3A_70 : vector<16xf32>
    %convert_element_type3A_121 = arith.fptosi %get3A_7 : vector<16xf32> to vector<16xi32>
    %convert_element_type3A_122 = arith.sitofp %convert_element_type3A_121 : vector<16xi32> to vector<16xf32>
    %sub3A_123 = arith.subf %get3A_7, %convert_element_type3A_122 : vector<16xf32>
    %jit3A_124 = arith.constant 0.000000e+00 : f32
    %jit3A_125 = arith.constant 1.000000e+00 : f32
    %max3A_126 = vector.broadcast %jit3A_124 : f32 to vector<16xf32>
    %max3A_127 = arith.maximumf %max3A_126, %sub3A_123 : vector<16xf32>
    %min3A_128 = vector.broadcast %jit3A_125 : f32 to vector<16xf32>
    %min3A_129 = arith.minimumf %min3A_128, %max3A_127 : vector<16xf32>
    %sub3A_130 = arith.constant 1 : i32
    %sub3A_131 = vector.broadcast %sub3A_130 : i32 to vector<16xi32>
    %sub3A_132 = arith.subi %convert_element_type3A_121, %sub3A_131 : vector<16xi32>
    %jit3A_133 = arith.constant 0 : i32
    %jit3A_134 = arith.constant 60 : i32
    %max3A_135 = vector.broadcast %jit3A_133 : i32 to vector<16xi32>
    %max3A_136 = arith.maxsi %max3A_135, %sub3A_132 : vector<16xi32>
    %min3A_137 = vector.broadcast %jit3A_134 : i32 to vector<16xi32>
    %min3A_138 = arith.minsi %min3A_137, %max3A_136 : vector<16xi32>
    %mul3A_139 = arith.constant -5.000000e-01 : f32
    %mul3A_140 = vector.broadcast %mul3A_139 : f32 to vector<16xf32>
    %mul3A_141 = arith.mulf %mul3A_140, %min3A_129 : vector<16xf32>
    %add3A_142 = arith.constant 1.000000e+00 : f32
    %add3A_143 = vector.broadcast %add3A_142 : f32 to vector<16xf32>
    %add3A_144 = arith.addf %mul3A_141, %add3A_143 : vector<16xf32>
    %mul3A_145 = arith.mulf %add3A_144, %min3A_129 : vector<16xf32>
    %sub3A_146 = arith.constant 5.000000e-01 : f32
    %sub3A_147 = vector.broadcast %sub3A_146 : f32 to vector<16xf32>
    %sub3A_148 = arith.subf %mul3A_145, %sub3A_147 : vector<16xf32>
    %mul3A_149 = arith.mulf %sub3A_148, %min3A_129 : vector<16xf32>
    %mul3A_150 = arith.constant 1.500000e+00 : f32
    %mul3A_151 = vector.broadcast %mul3A_150 : f32 to vector<16xf32>
    %mul3A_152 = arith.mulf %mul3A_151, %min3A_129 : vector<16xf32>
    %sub3A_153 = arith.constant 2.500000e+00 : f32
    %sub3A_154 = vector.broadcast %sub3A_153 : f32 to vector<16xf32>
    %sub3A_155 = arith.subf %mul3A_152, %sub3A_154 : vector<16xf32>
    %mul3A_156 = arith.mulf %sub3A_155, %min3A_129 : vector<16xf32>
    %mul3A_157 = arith.mulf %mul3A_156, %min3A_129 : vector<16xf32>
    %add3A_158 = arith.constant 1.000000e+00 : f32
    %add3A_159 = vector.broadcast %add3A_158 : f32 to vector<16xf32>
    %add3A_160 = arith.addf %mul3A_157, %add3A_159 : vector<16xf32>
    %mul3A_161 = arith.constant -1.500000e+00 : f32
    %mul3A_162 = vector.broadcast %mul3A_161 : f32 to vector<16xf32>
    %mul3A_163 = arith.mulf %mul3A_162, %min3A_129 : vector<16xf32>
    %add3A_164 = arith.constant 2.000000e+00 : f32
    %add3A_165 = vector.broadcast %add3A_164 : f32 to vector<16xf32>
    %add3A_166 = arith.addf %mul3A_163, %add3A_165 : vector<16xf32>
    %mul3A_167 = arith.mulf %add3A_166, %min3A_129 : vector<16xf32>
    %add3A_168 = arith.constant 5.000000e-01 : f32
    %add3A_169 = vector.broadcast %add3A_168 : f32 to vector<16xf32>
    %add3A_170 = arith.addf %mul3A_167, %add3A_169 : vector<16xf32>
    %mul3A_171 = arith.mulf %add3A_170, %min3A_129 : vector<16xf32>
    %mul3A_172 = arith.constant 5.000000e-01 : f32
    %mul3A_173 = vector.broadcast %mul3A_172 : f32 to vector<16xf32>
    %mul3A_174 = arith.mulf %mul3A_173, %min3A_129 : vector<16xf32>
    %sub3A_175 = arith.constant 5.000000e-01 : f32
    %sub3A_176 = vector.broadcast %sub3A_175 : f32 to vector<16xf32>
    %sub3A_177 = arith.subf %mul3A_174, %sub3A_176 : vector<16xf32>
    %mul3A_178 = arith.mulf %sub3A_177, %min3A_129 : vector<16xf32>
    %mul3A_179 = arith.mulf %mul3A_178, %min3A_129 : vector<16xf32>
    %swap3A = arith.constant 0 : i32
    %swap3A_180 = arith.index_cast %swap3A : i32 to index
    %swap3A_181 = arith.constant 0 : index
    %swap3A_182 = tpu.vector_load %arg14[%swap3A_180, %swap3A_181] {strides = array<i32>} : memref<12x32xf32, #tpu.memory_space<vmem>>, vector<16xf32>,
    tpu.vector_store %arg14[%swap3A_180, %swap3A_181], %mul3A_31 {strides = array<i32>} : memref<12x32xf32, #tpu.memory_space<vmem>>, vector<16xf32>,
    %swap3A_183 = arith.constant 4 : i32
    %swap3A_184 = arith.index_cast %swap3A_183 : i32 to index
    %swap3A_185 = arith.constant 0 : index
    %swap3A_186 = tpu.vector_load %arg14[%swap3A_184, %swap3A_185] {strides = array<i32>} : memref<12x32xf32, #tpu.memory_space<vmem>>, vector<16xf32>,
    tpu.vector_store %arg14[%swap3A_184, %swap3A_185], %mul3A_90 {strides = array<i32>} : memref<12x32xf32, #tpu.memory_space<vmem>>, vector<16xf32>,
    %swap3A_187 = arith.constant 8 : i32
    %swap3A_188 = arith.index_cast %swap3A_187 : i32 to index
    %swap3A_189 = arith.constant 0 : index
    %swap3A_190 = tpu.vector_load %arg14[%swap3A_188, %swap3A_189] {strides = array<i32>} : memref<12x32xf32, #tpu.memory_space<vmem>>, vector<16xf32>,
    tpu.vector_store %arg14[%swap3A_188, %swap3A_189], %mul3A_149 {strides = array<i32>} : memref<12x32xf32, #tpu.memory_space<vmem>>, vector<16xf32>,
    %swap3A_191 = arith.constant 1 : i32
    %swap3A_192 = arith.index_cast %swap3A_191 : i32 to index
    %swap3A_193 = arith.constant 0 : index
    %swap3A_194 = tpu.vector_load %arg14[%swap3A_192, %swap3A_193] {strides = array<i32>} : memref<12x32xf32, #tpu.memory_space<vmem>>, vector<16xf32>,
    tpu.vector_store %arg14[%swap3A_192, %swap3A_193], %add3A_42 {strides = array<i32>} : memref<12x32xf32, #tpu.memory_space<vmem>>, vector<16xf32>,
    %swap3A_195 = arith.constant 5 : i32
    %swap3A_196 = arith.index_cast %swap3A_195 : i32 to index
    %swap3A_197 = arith.constant 0 : index
    %swap3A_198 = tpu.vector_load %arg14[%swap3A_196, %swap3A_197] {strides = array<i32>} : memref<12x32xf32, #tpu.memory_space<vmem>>, vector<16xf32>,
    tpu.vector_store %arg14[%swap3A_196, %swap3A_197], %add3A_101 {strides = array<i32>} : memref<12x32xf32, #tpu.memory_space<vmem>>, vector<16xf32>,
    %swap3A_199 = arith.constant 9 : i32
    %swap3A_200 = arith.index_cast %swap3A_199 : i32 to index
    %swap3A_201 = arith.constant 0 : index
    %swap3A_202 = tpu.vector_load %arg14[%swap3A_200, %swap3A_201] {strides = array<i32>} : memref<12x32xf32, #tpu.memory_space<vmem>>, vector<16xf32>,
    tpu.vector_store %arg14[%swap3A_200, %swap3A_201], %add3A_160 {strides = array<i32>} : memref<12x32xf32, #tpu.memory_space<vmem>>, vector<16xf32>,
    %swap3A_203 = arith.constant 2 : i32
    %swap3A_204 = arith.index_cast %swap3A_203 : i32 to index
    %swap3A_205 = arith.constant 0 : index
    %swap3A_206 = tpu.vector_load %arg14[%swap3A_204, %swap3A_205] {strides = array<i32>} : memref<12x32xf32, #tpu.memory_space<vmem>>, vector<16xf32>,
    tpu.vector_store %arg14[%swap3A_204, %swap3A_205], %mul3A_53 {strides = array<i32>} : memref<12x32xf32, #tpu.memory_space<vmem>>, vector<16xf32>,
    %swap3A_207 = arith.constant 6 : i32
    %swap3A_208 = arith.index_cast %swap3A_207 : i32 to index
    %swap3A_209 = arith.constant 0 : index
    %swap3A_210 = tpu.vector_load %arg14[%swap3A_208, %swap3A_209] {strides = array<i32>} : memref<12x32xf32, #tpu.memory_space<vmem>>, vector<16xf32>,
    tpu.vector_store %arg14[%swap3A_208, %swap3A_209], %mul3A_112 {strides = array<i32>} : memref<12x32xf32, #tpu.memory_space<vmem>>, vector<16xf32>,
    %swap3A_211 = arith.constant 10 : i32
    %swap3A_212 = arith.index_cast %swap3A_211 : i32 to index
    %swap3A_213 = arith.constant 0 : index
    %swap3A_214 = tpu.vector_load %arg14[%swap3A_212, %swap3A_213] {strides = array<i32>} : memref<12x32xf32, #tpu.memory_space<vmem>>, vector<16xf32>,
    tpu.vector_store %arg14[%swap3A_212, %swap3A_213], %mul3A_171 {strides = array<i32>} : memref<12x32xf32, #tpu.memory_space<vmem>>, vector<16xf32>,
    %swap3A_215 = arith.constant 3 : i32
    %swap3A_216 = arith.index_cast %swap3A_215 : i32 to index
    %swap3A_217 = arith.constant 0 : index
    %swap3A_218 = tpu.vector_load %arg14[%swap3A_216, %swap3A_217] {strides = array<i32>} : memref<12x32xf32, #tpu.memory_space<vmem>>, vector<16xf32>,
    tpu.vector_store %arg14[%swap3A_216, %swap3A_217], %mul3A_61 {strides = array<i32>} : memref<12x32xf32, #tpu.memory_space<vmem>>, vector<16xf32>,
    %swap3A_219 = arith.constant 7 : i32
    %swap3A_220 = arith.index_cast %swap3A_219 : i32 to index
    %swap3A_221 = arith.constant 0 : index
    %swap3A_222 = tpu.vector_load %arg14[%swap3A_220, %swap3A_221] {strides = array<i32>} : memref<12x32xf32, #tpu.memory_space<vmem>>, vector<16xf32>,
    tpu.vector_store %arg14[%swap3A_220, %swap3A_221], %mul3A_120 {strides = array<i32>} : memref<12x32xf32, #tpu.memory_space<vmem>>, vector<16xf32>,
    %swap3A_223 = arith.constant 11 : i32
    %swap3A_224 = arith.index_cast %swap3A_223 : i32 to index
    %swap3A_225 = arith.constant 0 : index
    %swap3A_226 = tpu.vector_load %arg14[%swap3A_224, %swap3A_225] {strides = array<i32>} : memref<12x32xf32, #tpu.memory_space<vmem>>, vector<16xf32>,
    tpu.vector_store %arg14[%swap3A_224, %swap3A_225], %mul3A_179 {strides = array<i32>} : memref<12x32xf32, #tpu.memory_space<vmem>>, vector<16xf32>,
    %swap3A_227 = arith.constant 0 : index
    %swap3A_228 = tpu.vector_load %arg16[%swap3A_227] {strides = array<i32>} : memref<32xi32, #tpu.memory_space<vmem>>, vector<16xi32>,
    tpu.vector_store %arg16[%swap3A_227], %min3A_138 {strides = array<i32>} : memref<32xi32, #tpu.memory_space<vmem>>, vector<16xi32>,
    %and3A = arith.constant 1 : i32
    %and3A_229 = vector.broadcast %and3A : i32 to vector<16xi32>
    %and3A_230 = arith.andi %min3A_79, %and3A_229 : vector<16xi32>
    %shift_right_logical3A = arith.constant 1 : i32
    %shift_right_logical3A_231 = vector.broadcast %shift_right_logical3A : i32 to vector<16xi32>
    %shift_right_logical3A_232 = arith.shrui %min3A_79, %shift_right_logical3A_231 : vector<16xi32>
    %mul3A_233 = arith.constant 2048 : i32
    %mul3A_234 = vector.broadcast %mul3A_233 : i32 to vector<16xi32>
    %mul3A_235 = arith.muli %and3A_230, %mul3A_234 : vector<16xi32>
    %mul3A_236 = arith.constant 32 : i32
    %mul3A_237 = vector.broadcast %mul3A_236 : i32 to vector<16xi32>
    %mul3A_238 = arith.muli %min3A_20, %mul3A_237 : vector<16xi32>
    %add3A_239 = arith.addi %mul3A_235, %mul3A_238 : vector<16xi32>
    %add3A_240 = arith.addi %add3A_239, %shift_right_logical3A_232 : vector<16xi32>
    %add3A_241 = arith.constant 0 : i32
    %add3A_242 = vector.broadcast %add3A_241 : i32 to vector<16xi32>
    %add3A_243 = arith.addi %add3A_240, %add3A_242 : vector<16xi32>
    %swap3A_244 = arith.constant 0 : i32
    %swap3A_245 = arith.index_cast %swap3A_244 : i32 to index
    %swap3A_246 = arith.constant 0 : index
    %swap3A_247 = tpu.vector_load %arg10[%swap3A_245, %swap3A_246] {strides = array<i32>} : memref<8x32xi32, #tpu.memory_space<vmem>>, vector<16xi32>,
    tpu.vector_store %arg10[%swap3A_245, %swap3A_246], %add3A_243 {strides = array<i32>} : memref<8x32xi32, #tpu.memory_space<vmem>>, vector<16xi32>,
    %add3A_248 = arith.constant 1 : i32
    %add3A_249 = vector.broadcast %add3A_248 : i32 to vector<16xi32>
    %add3A_250 = arith.addi %add3A_240, %add3A_249 : vector<16xi32>
    %swap3A_251 = arith.constant 1 : i32
    %swap3A_252 = arith.index_cast %swap3A_251 : i32 to index
    %swap3A_253 = arith.constant 0 : index
    %swap3A_254 = tpu.vector_load %arg10[%swap3A_252, %swap3A_253] {strides = array<i32>} : memref<8x32xi32, #tpu.memory_space<vmem>>, vector<16xi32>,
    tpu.vector_store %arg10[%swap3A_252, %swap3A_253], %add3A_250 {strides = array<i32>} : memref<8x32xi32, #tpu.memory_space<vmem>>, vector<16xi32>,
    %add3A_255 = arith.constant 32 : i32
    %add3A_256 = vector.broadcast %add3A_255 : i32 to vector<16xi32>
    %add3A_257 = arith.addi %add3A_240, %add3A_256 : vector<16xi32>
    %swap3A_258 = arith.constant 2 : i32
    %swap3A_259 = arith.index_cast %swap3A_258 : i32 to index
    %swap3A_260 = arith.constant 0 : index
    %swap3A_261 = tpu.vector_load %arg10[%swap3A_259, %swap3A_260] {strides = array<i32>} : memref<8x32xi32, #tpu.memory_space<vmem>>, vector<16xi32>,
    tpu.vector_store %arg10[%swap3A_259, %swap3A_260], %add3A_257 {strides = array<i32>} : memref<8x32xi32, #tpu.memory_space<vmem>>, vector<16xi32>,
    %add3A_262 = arith.constant 33 : i32
    %add3A_263 = vector.broadcast %add3A_262 : i32 to vector<16xi32>
    %add3A_264 = arith.addi %add3A_240, %add3A_263 : vector<16xi32>
    %swap3A_265 = arith.constant 3 : i32
    %swap3A_266 = arith.index_cast %swap3A_265 : i32 to index
    %swap3A_267 = arith.constant 0 : index
    %swap3A_268 = tpu.vector_load %arg10[%swap3A_266, %swap3A_267] {strides = array<i32>} : memref<8x32xi32, #tpu.memory_space<vmem>>, vector<16xi32>,
    tpu.vector_store %arg10[%swap3A_266, %swap3A_267], %add3A_264 {strides = array<i32>} : memref<8x32xi32, #tpu.memory_space<vmem>>, vector<16xi32>,
    %add3A_269 = arith.constant 64 : i32
    %add3A_270 = vector.broadcast %add3A_269 : i32 to vector<16xi32>
    %add3A_271 = arith.addi %add3A_240, %add3A_270 : vector<16xi32>
    %swap3A_272 = arith.constant 4 : i32
    %swap3A_273 = arith.index_cast %swap3A_272 : i32 to index
    %swap3A_274 = arith.constant 0 : index
    %swap3A_275 = tpu.vector_load %arg10[%swap3A_273, %swap3A_274] {strides = array<i32>} : memref<8x32xi32, #tpu.memory_space<vmem>>, vector<16xi32>,
    tpu.vector_store %arg10[%swap3A_273, %swap3A_274], %add3A_271 {strides = array<i32>} : memref<8x32xi32, #tpu.memory_space<vmem>>, vector<16xi32>,
    %add3A_276 = arith.constant 65 : i32
    %add3A_277 = vector.broadcast %add3A_276 : i32 to vector<16xi32>
    %add3A_278 = arith.addi %add3A_240, %add3A_277 : vector<16xi32>
    %swap3A_279 = arith.constant 5 : i32
    %swap3A_280 = arith.index_cast %swap3A_279 : i32 to index
    %swap3A_281 = arith.constant 0 : index
    %swap3A_282 = tpu.vector_load %arg10[%swap3A_280, %swap3A_281] {strides = array<i32>} : memref<8x32xi32, #tpu.memory_space<vmem>>, vector<16xi32>,
    tpu.vector_store %arg10[%swap3A_280, %swap3A_281], %add3A_278 {strides = array<i32>} : memref<8x32xi32, #tpu.memory_space<vmem>>, vector<16xi32>,
    %add3A_283 = arith.constant 96 : i32
    %add3A_284 = vector.broadcast %add3A_283 : i32 to vector<16xi32>
    %add3A_285 = arith.addi %add3A_240, %add3A_284 : vector<16xi32>
    %swap3A_286 = arith.constant 6 : i32
    %swap3A_287 = arith.index_cast %swap3A_286 : i32 to index
    %swap3A_288 = arith.constant 0 : index
    %swap3A_289 = tpu.vector_load %arg10[%swap3A_287, %swap3A_288] {strides = array<i32>} : memref<8x32xi32, #tpu.memory_space<vmem>>, vector<16xi32>,
    tpu.vector_store %arg10[%swap3A_287, %swap3A_288], %add3A_285 {strides = array<i32>} : memref<8x32xi32, #tpu.memory_space<vmem>>, vector<16xi32>,
    %add3A_290 = arith.constant 97 : i32
    %add3A_291 = vector.broadcast %add3A_290 : i32 to vector<16xi32>
    %add3A_292 = arith.addi %add3A_240, %add3A_291 : vector<16xi32>
    %swap3A_293 = arith.constant 7 : i32
    %swap3A_294 = arith.index_cast %swap3A_293 : i32 to index
    %swap3A_295 = arith.constant 0 : index
    %swap3A_296 = tpu.vector_load %arg10[%swap3A_294, %swap3A_295] {strides = array<i32>} : memref<8x32xi32, #tpu.memory_space<vmem>>, vector<16xi32>,
    tpu.vector_store %arg10[%swap3A_294, %swap3A_295], %add3A_292 {strides = array<i32>} : memref<8x32xi32, #tpu.memory_space<vmem>>, vector<16xi32>,
    %get3A_297 = arith.constant 16 : index
    %get3A_298 = tpu.vector_load %arg7[%get3A_297] {strides = array<i32>} : memref<3168xf32, #tpu.memory_space<vmem>>, vector<16xf32>,
    %get3A_299 = arith.constant 16 : index
    %get3A_300 = tpu.vector_load %arg8[%get3A_299] {strides = array<i32>} : memref<3168xf32, #tpu.memory_space<vmem>>, vector<16xf32>,
    %get3A_301 = arith.constant 16 : index
    %get3A_302 = tpu.vector_load %arg9[%get3A_301] {strides = array<i32>} : memref<3168xf32, #tpu.memory_space<vmem>>, vector<16xf32>,
    %convert_element_type3A_303 = arith.fptosi %get3A_298 : vector<16xf32> to vector<16xi32>
    %convert_element_type3A_304 = arith.sitofp %convert_element_type3A_303 : vector<16xi32> to vector<16xf32>
    %sub3A_305 = arith.subf %get3A_298, %convert_element_type3A_304 : vector<16xf32>
    %jit3A_306 = arith.constant 0.000000e+00 : f32
    %jit3A_307 = arith.constant 1.000000e+00 : f32
    %max3A_308 = vector.broadcast %jit3A_306 : f32 to vector<16xf32>
    %max3A_309 = arith.maximumf %max3A_308, %sub3A_305 : vector<16xf32>
    %min3A_310 = vector.broadcast %jit3A_307 : f32 to vector<16xf32>
    %min3A_311 = arith.minimumf %min3A_310, %max3A_309 : vector<16xf32>
    %sub3A_312 = arith.constant 1 : i32
    %sub3A_313 = vector.broadcast %sub3A_312 : i32 to vector<16xi32>
    %sub3A_314 = arith.subi %convert_element_type3A_303, %sub3A_313 : vector<16xi32>
    %jit3A_315 = arith.constant 0 : i32
    %jit3A_316 = arith.constant 60 : i32
    %max3A_317 = vector.broadcast %jit3A_315 : i32 to vector<16xi32>
    %max3A_318 = arith.maxsi %max3A_317, %sub3A_314 : vector<16xi32>
    %min3A_319 = vector.broadcast %jit3A_316 : i32 to vector<16xi32>
    %min3A_320 = arith.minsi %min3A_319, %max3A_318 : vector<16xi32>
    %mul3A_321 = arith.constant -5.000000e-01 : f32
    %mul3A_322 = vector.broadcast %mul3A_321 : f32 to vector<16xf32>
    %mul3A_323 = arith.mulf %mul3A_322, %min3A_311 : vector<16xf32>
    %add3A_324 = arith.constant 1.000000e+00 : f32
    %add3A_325 = vector.broadcast %add3A_324 : f32 to vector<16xf32>
    %add3A_326 = arith.addf %mul3A_323, %add3A_325 : vector<16xf32>
    %mul3A_327 = arith.mulf %add3A_326, %min3A_311 : vector<16xf32>
    %sub3A_328 = arith.constant 5.000000e-01 : f32
    %sub3A_329 = vector.broadcast %sub3A_328 : f32 to vector<16xf32>
    %sub3A_330 = arith.subf %mul3A_327, %sub3A_329 : vector<16xf32>
    %mul3A_331 = arith.mulf %sub3A_330, %min3A_311 : vector<16xf32>
    %mul3A_332 = arith.constant 1.500000e+00 : f32
    %mul3A_333 = vector.broadcast %mul3A_332 : f32 to vector<16xf32>
    %mul3A_334 = arith.mulf %mul3A_333, %min3A_311 : vector<16xf32>
    %sub3A_335 = arith.constant 2.500000e+00 : f32
    %sub3A_336 = vector.broadcast %sub3A_335 : f32 to vector<16xf32>
    %sub3A_337 = arith.subf %mul3A_334, %sub3A_336 : vector<16xf32>
    %mul3A_338 = arith.mulf %sub3A_337, %min3A_311 : vector<16xf32>
    %mul3A_339 = arith.mulf %mul3A_338, %min3A_311 : vector<16xf32>
    %add3A_340 = arith.constant 1.000000e+00 : f32
    %add3A_341 = vector.broadcast %add3A_340 : f32 to vector<16xf32>
    %add3A_342 = arith.addf %mul3A_339, %add3A_341 : vector<16xf32>
    %mul3A_343 = arith.constant -1.500000e+00 : f32
    %mul3A_344 = vector.broadcast %mul3A_343 : f32 to vector<16xf32>
    %mul3A_345 = arith.mulf %mul3A_344, %min3A_311 : vector<16xf32>
    %add3A_346 = arith.constant 2.000000e+00 : f32
    %add3A_347 = vector.broadcast %add3A_346 : f32 to vector<16xf32>
    %add3A_348 = arith.addf %mul3A_345, %add3A_347 : vector<16xf32>
    %mul3A_349 = arith.mulf %add3A_348, %min3A_311 : vector<16xf32>
    %add3A_350 = arith.constant 5.000000e-01 : f32
    %add3A_351 = vector.broadcast %add3A_350 : f32 to vector<16xf32>
    %add3A_352 = arith.addf %mul3A_349, %add3A_351 : vector<16xf32>
    %mul3A_353 = arith.mulf %add3A_352, %min3A_311 : vector<16xf32>
    %mul3A_354 = arith.constant 5.000000e-01 : f32
    %mul3A_355 = vector.broadcast %mul3A_354 : f32 to vector<16xf32>
    %mul3A_356 = arith.mulf %mul3A_355, %min3A_311 : vector<16xf32>
    %sub3A_357 = arith.constant 5.000000e-01 : f32
    %sub3A_358 = vector.broadcast %sub3A_357 : f32 to vector<16xf32>
    %sub3A_359 = arith.subf %mul3A_356, %sub3A_358 : vector<16xf32>
    %mul3A_360 = arith.mulf %sub3A_359, %min3A_311 : vector<16xf32>
    %mul3A_361 = arith.mulf %mul3A_360, %min3A_311 : vector<16xf32>
    %convert_element_type3A_362 = arith.fptosi %get3A_300 : vector<16xf32> to vector<16xi32>
    %convert_element_type3A_363 = arith.sitofp %convert_element_type3A_362 : vector<16xi32> to vector<16xf32>
    %sub3A_364 = arith.subf %get3A_300, %convert_element_type3A_363 : vector<16xf32>
    %jit3A_365 = arith.constant 0.000000e+00 : f32
    %jit3A_366 = arith.constant 1.000000e+00 : f32
    %max3A_367 = vector.broadcast %jit3A_365 : f32 to vector<16xf32>
    %max3A_368 = arith.maximumf %max3A_367, %sub3A_364 : vector<16xf32>
    %min3A_369 = vector.broadcast %jit3A_366 : f32 to vector<16xf32>
    %min3A_370 = arith.minimumf %min3A_369, %max3A_368 : vector<16xf32>
    %sub3A_371 = arith.constant 1 : i32
    %sub3A_372 = vector.broadcast %sub3A_371 : i32 to vector<16xi32>
    %sub3A_373 = arith.subi %convert_element_type3A_362, %sub3A_372 : vector<16xi32>
    %jit3A_374 = arith.constant 0 : i32
    %jit3A_375 = arith.constant 60 : i32
    %max3A_376 = vector.broadcast %jit3A_374 : i32 to vector<16xi32>
    %max3A_377 = arith.maxsi %max3A_376, %sub3A_373 : vector<16xi32>
    %min3A_378 = vector.broadcast %jit3A_375 : i32 to vector<16xi32>
    %min3A_379 = arith.minsi %min3A_378, %max3A_377 : vector<16xi32>
    %mul3A_380 = arith.constant -5.000000e-01 : f32
    %mul3A_381 = vector.broadcast %mul3A_380 : f32 to vector<16xf32>
    %mul3A_382 = arith.mulf %mul3A_381, %min3A_370 : vector<16xf32>
    %add3A_383 = arith.constant 1.000000e+00 : f32
    %add3A_384 = vector.broadcast %add3A_383 : f32 to vector<16xf32>
    %add3A_385 = arith.addf %mul3A_382, %add3A_384 : vector<16xf32>
    %mul3A_386 = arith.mulf %add3A_385, %min3A_370 : vector<16xf32>
    %sub3A_387 = arith.constant 5.000000e-01 : f32
    %sub3A_388 = vector.broadcast %sub3A_387 : f32 to vector<16xf32>
    %sub3A_389 = arith.subf %mul3A_386, %sub3A_388 : vector<16xf32>
    %mul3A_390 = arith.mulf %sub3A_389, %min3A_370 : vector<16xf32>
    %mul3A_391 = arith.constant 1.500000e+00 : f32
    %mul3A_392 = vector.broadcast %mul3A_391 : f32 to vector<16xf32>
    %mul3A_393 = arith.mulf %mul3A_392, %min3A_370 : vector<16xf32>
    %sub3A_394 = arith.constant 2.500000e+00 : f32
    %sub3A_395 = vector.broadcast %sub3A_394 : f32 to vector<16xf32>
    %sub3A_396 = arith.subf %mul3A_393, %sub3A_395 : vector<16xf32>
    %mul3A_397 = arith.mulf %sub3A_396, %min3A_370 : vector<16xf32>
    %mul3A_398 = arith.mulf %mul3A_397, %min3A_370 : vector<16xf32>
    %add3A_399 = arith.constant 1.000000e+00 : f32
    %add3A_400 = vector.broadcast %add3A_399 : f32 to vector<16xf32>
    %add3A_401 = arith.addf %mul3A_398, %add3A_400 : vector<16xf32>
    %mul3A_402 = arith.constant -1.500000e+00 : f32
    %mul3A_403 = vector.broadcast %mul3A_402 : f32 to vector<16xf32>
    %mul3A_404 = arith.mulf %mul3A_403, %min3A_370 : vector<16xf32>
    %add3A_405 = arith.constant 2.000000e+00 : f32
    %add3A_406 = vector.broadcast %add3A_405 : f32 to vector<16xf32>
    %add3A_407 = arith.addf %mul3A_404, %add3A_406 : vector<16xf32>
    %mul3A_408 = arith.mulf %add3A_407, %min3A_370 : vector<16xf32>
    %add3A_409 = arith.constant 5.000000e-01 : f32
    %add3A_410 = vector.broadcast %add3A_409 : f32 to vector<16xf32>
    %add3A_411 = arith.addf %mul3A_408, %add3A_410 : vector<16xf32>
    %mul3A_412 = arith.mulf %add3A_411, %min3A_370 : vector<16xf32>
    %mul3A_413 = arith.constant 5.000000e-01 : f32
    %mul3A_414 = vector.broadcast %mul3A_413 : f32 to vector<16xf32>
    %mul3A_415 = arith.mulf %mul3A_414, %min3A_370 : vector<16xf32>
    %sub3A_416 = arith.constant 5.000000e-01 : f32
    %sub3A_417 = vector.broadcast %sub3A_416 : f32 to vector<16xf32>
    %sub3A_418 = arith.subf %mul3A_415, %sub3A_417 : vector<16xf32>
    %mul3A_419 = arith.mulf %sub3A_418, %min3A_370 : vector<16xf32>
    %mul3A_420 = arith.mulf %mul3A_419, %min3A_370 : vector<16xf32>
    %convert_element_type3A_421 = arith.fptosi %get3A_302 : vector<16xf32> to vector<16xi32>
    %convert_element_type3A_422 = arith.sitofp %convert_element_type3A_421 : vector<16xi32> to vector<16xf32>
    %sub3A_423 = arith.subf %get3A_302, %convert_element_type3A_422 : vector<16xf32>
    %jit3A_424 = arith.constant 0.000000e+00 : f32
    %jit3A_425 = arith.constant 1.000000e+00 : f32
    %max3A_426 = vector.broadcast %jit3A_424 : f32 to vector<16xf32>
    %max3A_427 = arith.maximumf %max3A_426, %sub3A_423 : vector<16xf32>
    %min3A_428 = vector.broadcast %jit3A_425 : f32 to vector<16xf32>
    %min3A_429 = arith.minimumf %min3A_428, %max3A_427 : vector<16xf32>
    %sub3A_430 = arith.constant 1 : i32
    %sub3A_431 = vector.broadcast %sub3A_430 : i32 to vector<16xi32>
    %sub3A_432 = arith.subi %convert_element_type3A_421, %sub3A_431 : vector<16xi32>
    %jit3A_433 = arith.constant 0 : i32
    %jit3A_434 = arith.constant 60 : i32
    %max3A_435 = vector.broadcast %jit3A_433 : i32 to vector<16xi32>
    %max3A_436 = arith.maxsi %max3A_435, %sub3A_432 : vector<16xi32>
    %min3A_437 = vector.broadcast %jit3A_434 : i32 to vector<16xi32>
    %min3A_438 = arith.minsi %min3A_437, %max3A_436 : vector<16xi32>
    %mul3A_439 = arith.constant -5.000000e-01 : f32
    %mul3A_440 = vector.broadcast %mul3A_439 : f32 to vector<16xf32>
    %mul3A_441 = arith.mulf %mul3A_440, %min3A_429 : vector<16xf32>
    %add3A_442 = arith.constant 1.000000e+00 : f32
    %add3A_443 = vector.broadcast %add3A_442 : f32 to vector<16xf32>
    %add3A_444 = arith.addf %mul3A_441, %add3A_443 : vector<16xf32>
    %mul3A_445 = arith.mulf %add3A_444, %min3A_429 : vector<16xf32>
    %sub3A_446 = arith.constant 5.000000e-01 : f32
    %sub3A_447 = vector.broadcast %sub3A_446 : f32 to vector<16xf32>
    %sub3A_448 = arith.subf %mul3A_445, %sub3A_447 : vector<16xf32>
    %mul3A_449 = arith.mulf %sub3A_448, %min3A_429 : vector<16xf32>
    %mul3A_450 = arith.constant 1.500000e+00 : f32
    %mul3A_451 = vector.broadcast %mul3A_450 : f32 to vector<16xf32>
    %mul3A_452 = arith.mulf %mul3A_451, %min3A_429 : vector<16xf32>
    %sub3A_453 = arith.constant 2.500000e+00 : f32
    %sub3A_454 = vector.broadcast %sub3A_453 : f32 to vector<16xf32>
    %sub3A_455 = arith.subf %mul3A_452, %sub3A_454 : vector<16xf32>
    %mul3A_456 = arith.mulf %sub3A_455, %min3A_429 : vector<16xf32>
    %mul3A_457 = arith.mulf %mul3A_456, %min3A_429 : vector<16xf32>
    %add3A_458 = arith.constant 1.000000e+00 : f32
    %add3A_459 = vector.broadcast %add3A_458 : f32 to vector<16xf32>
    %add3A_460 = arith.addf %mul3A_457, %add3A_459 : vector<16xf32>
    %mul3A_461 = arith.constant -1.500000e+00 : f32
    %mul3A_462 = vector.broadcast %mul3A_461 : f32 to vector<16xf32>
    %mul3A_463 = arith.mulf %mul3A_462, %min3A_429 : vector<16xf32>
    %add3A_464 = arith.constant 2.000000e+00 : f32
    %add3A_465 = vector.broadcast %add3A_464 : f32 to vector<16xf32>
    %add3A_466 = arith.addf %mul3A_463, %add3A_465 : vector<16xf32>
    %mul3A_467 = arith.mulf %add3A_466, %min3A_429 : vector<16xf32>
    %add3A_468 = arith.constant 5.000000e-01 : f32
    %add3A_469 = vector.broadcast %add3A_468 : f32 to vector<16xf32>
    %add3A_470 = arith.addf %mul3A_467, %add3A_469 : vector<16xf32>
    %mul3A_471 = arith.mulf %add3A_470, %min3A_429 : vector<16xf32>
    %mul3A_472 = arith.constant 5.000000e-01 : f32
    %mul3A_473 = vector.broadcast %mul3A_472 : f32 to vector<16xf32>
    %mul3A_474 = arith.mulf %mul3A_473, %min3A_429 : vector<16xf32>
    %sub3A_475 = arith.constant 5.000000e-01 : f32
    %sub3A_476 = vector.broadcast %sub3A_475 : f32 to vector<16xf32>
    %sub3A_477 = arith.subf %mul3A_474, %sub3A_476 : vector<16xf32>
    %mul3A_478 = arith.mulf %sub3A_477, %min3A_429 : vector<16xf32>
    %mul3A_479 = arith.mulf %mul3A_478, %min3A_429 : vector<16xf32>
    %swap3A_480 = arith.constant 0 : i32
    %swap3A_481 = arith.index_cast %swap3A_480 : i32 to index
    %swap3A_482 = arith.constant 16 : index
    %swap3A_483 = tpu.vector_load %arg14[%swap3A_481, %swap3A_482] {strides = array<i32>} : memref<12x32xf32, #tpu.memory_space<vmem>>, vector<16xf32>,
    tpu.vector_store %arg14[%swap3A_481, %swap3A_482], %mul3A_331 {strides = array<i32>} : memref<12x32xf32, #tpu.memory_space<vmem>>, vector<16xf32>,
    %swap3A_484 = arith.constant 4 : i32
    %swap3A_485 = arith.index_cast %swap3A_484 : i32 to index
    %swap3A_486 = arith.constant 16 : index
    %swap3A_487 = tpu.vector_load %arg14[%swap3A_485, %swap3A_486] {strides = array<i32>} : memref<12x32xf32, #tpu.memory_space<vmem>>, vector<16xf32>,
    tpu.vector_store %arg14[%swap3A_485, %swap3A_486], %mul3A_390 {strides = array<i32>} : memref<12x32xf32, #tpu.memory_space<vmem>>, vector<16xf32>,
    %swap3A_488 = arith.constant 8 : i32
    %swap3A_489 = arith.index_cast %swap3A_488 : i32 to index
    %swap3A_490 = arith.constant 16 : index
    %swap3A_491 = tpu.vector_load %arg14[%swap3A_489, %swap3A_490] {strides = array<i32>} : memref<12x32xf32, #tpu.memory_space<vmem>>, vector<16xf32>,
    tpu.vector_store %arg14[%swap3A_489, %swap3A_490], %mul3A_449 {strides = array<i32>} : memref<12x32xf32, #tpu.memory_space<vmem>>, vector<16xf32>,
    %swap3A_492 = arith.constant 1 : i32
    %swap3A_493 = arith.index_cast %swap3A_492 : i32 to index
    %swap3A_494 = arith.constant 16 : index
    %swap3A_495 = tpu.vector_load %arg14[%swap3A_493, %swap3A_494] {strides = array<i32>} : memref<12x32xf32, #tpu.memory_space<vmem>>, vector<16xf32>,
    tpu.vector_store %arg14[%swap3A_493, %swap3A_494], %add3A_342 {strides = array<i32>} : memref<12x32xf32, #tpu.memory_space<vmem>>, vector<16xf32>,
    %swap3A_496 = arith.constant 5 : i32
    %swap3A_497 = arith.index_cast %swap3A_496 : i32 to index
    %swap3A_498 = arith.constant 16 : index
    %swap3A_499 = tpu.vector_load %arg14[%swap3A_497, %swap3A_498] {strides = array<i32>} : memref<12x32xf32, #tpu.memory_space<vmem>>, vector<16xf32>,
    tpu.vector_store %arg14[%swap3A_497, %swap3A_498], %add3A_401 {strides = array<i32>} : memref<12x32xf32, #tpu.memory_space<vmem>>, vector<16xf32>,
    %swap3A_500 = arith.constant 9 : i32
    %swap3A_501 = arith.index_cast %swap3A_500 : i32 to index
    %swap3A_502 = arith.constant 16 : index
    %swap3A_503 = tpu.vector_load %arg14[%swap3A_501, %swap3A_502] {strides = array<i32>} : memref<12x32xf32, #tpu.memory_space<vmem>>, vector<16xf32>,
    tpu.vector_store %arg14[%swap3A_501, %swap3A_502], %add3A_460 {strides = array<i32>} : memref<12x32xf32, #tpu.memory_space<vmem>>, vector<16xf32>,
    %swap3A_504 = arith.constant 2 : i32
    %swap3A_505 = arith.index_cast %swap3A_504 : i32 to index
    %swap3A_506 = arith.constant 16 : index
    %swap3A_507 = tpu.vector_load %arg14[%swap3A_505, %swap3A_506] {strides = array<i32>} : memref<12x32xf32, #tpu.memory_space<vmem>>, vector<16xf32>,
    tpu.vector_store %arg14[%swap3A_505, %swap3A_506], %mul3A_353 {strides = array<i32>} : memref<12x32xf32, #tpu.memory_space<vmem>>, vector<16xf32>,
    %swap3A_508 = arith.constant 6 : i32
    %swap3A_509 = arith.index_cast %swap3A_508 : i32 to index
    %swap3A_510 = arith.constant 16 : index
    %swap3A_511 = tpu.vector_load %arg14[%swap3A_509, %swap3A_510] {strides = array<i32>} : memref<12x32xf32, #tpu.memory_space<vmem>>, vector<16xf32>,
    tpu.vector_store %arg14[%swap3A_509, %swap3A_510], %mul3A_412 {strides = array<i32>} : memref<12x32xf32, #tpu.memory_space<vmem>>, vector<16xf32>,
    %swap3A_512 = arith.constant 10 : i32
    %swap3A_513 = arith.index_cast %swap3A_512 : i32 to index
    %swap3A_514 = arith.constant 16 : index
    %swap3A_515 = tpu.vector_load %arg14[%swap3A_513, %swap3A_514] {strides = array<i32>} : memref<12x32xf32, #tpu.memory_space<vmem>>, vector<16xf32>,
    tpu.vector_store %arg14[%swap3A_513, %swap3A_514], %mul3A_471 {strides = array<i32>} : memref<12x32xf32, #tpu.memory_space<vmem>>, vector<16xf32>,
    %swap3A_516 = arith.constant 3 : i32
    %swap3A_517 = arith.index_cast %swap3A_516 : i32 to index
    %swap3A_518 = arith.constant 16 : index
    %swap3A_519 = tpu.vector_load %arg14[%swap3A_517, %swap3A_518] {strides = array<i32>} : memref<12x32xf32, #tpu.memory_space<vmem>>, vector<16xf32>,
    tpu.vector_store %arg14[%swap3A_517, %swap3A_518], %mul3A_361 {strides = array<i32>} : memref<12x32xf32, #tpu.memory_space<vmem>>, vector<16xf32>,
    %swap3A_520 = arith.constant 7 : i32
    %swap3A_521 = arith.index_cast %swap3A_520 : i32 to index
    %swap3A_522 = arith.constant 16 : index
    %swap3A_523 = tpu.vector_load %arg14[%swap3A_521, %swap3A_522] {strides = array<i32>} : memref<12x32xf32, #tpu.memory_space<vmem>>, vector<16xf32>,
    tpu.vector_store %arg14[%swap3A_521, %swap3A_522], %mul3A_420 {strides = array<i32>} : memref<12x32xf32, #tpu.memory_space<vmem>>, vector<16xf32>,
    %swap3A_524 = arith.constant 11 : i32
    %swap3A_525 = arith.index_cast %swap3A_524 : i32 to index
    %swap3A_526 = arith.constant 16 : index
    %swap3A_527 = tpu.vector_load %arg14[%swap3A_525, %swap3A_526] {strides = array<i32>} : memref<12x32xf32, #tpu.memory_space<vmem>>, vector<16xf32>,
    tpu.vector_store %arg14[%swap3A_525, %swap3A_526], %mul3A_479 {strides = array<i32>} : memref<12x32xf32, #tpu.memory_space<vmem>>, vector<16xf32>,
    %swap3A_528 = arith.constant 16 : index
    %swap3A_529 = tpu.vector_load %arg16[%swap3A_528] {strides = array<i32>} : memref<32xi32, #tpu.memory_space<vmem>>, vector<16xi32>,
    tpu.vector_store %arg16[%swap3A_528], %min3A_438 {strides = array<i32>} : memref<32xi32, #tpu.memory_space<vmem>>, vector<16xi32>,
    %and3A_530 = arith.constant 1 : i32
    %and3A_531 = vector.broadcast %and3A_530 : i32 to vector<16xi32>
    %and3A_532 = arith.andi %min3A_379, %and3A_531 : vector<16xi32>
    %shift_right_logical3A_533 = arith.constant 1 : i32
    %shift_right_logical3A_534 = vector.broadcast %shift_right_logical3A_533 : i32 to vector<16xi32>
    %shift_right_logical3A_535 = arith.shrui %min3A_379, %shift_right_logical3A_534 : vector<16xi32>
    %mul3A_536 = arith.constant 2048 : i32
    %mul3A_537 = vector.broadcast %mul3A_536 : i32 to vector<16xi32>
    %mul3A_538 = arith.muli %and3A_532, %mul3A_537 : vector<16xi32>
    %mul3A_539 = arith.constant 32 : i32
    %mul3A_540 = vector.broadcast %mul3A_539 : i32 to vector<16xi32>
    %mul3A_541 = arith.muli %min3A_320, %mul3A_540 : vector<16xi32>
    %add3A_542 = arith.addi %mul3A_538, %mul3A_541 : vector<16xi32>
    %add3A_543 = arith.addi %add3A_542, %shift_right_logical3A_535 : vector<16xi32>
    %add3A_544 = arith.constant 0 : i32
    %add3A_545 = vector.broadcast %add3A_544 : i32 to vector<16xi32>
    %add3A_546 = arith.addi %add3A_543, %add3A_545 : vector<16xi32>
    %swap3A_547 = arith.constant 0 : i32
    %swap3A_548 = arith.index_cast %swap3A_547 : i32 to index
    %swap3A_549 = arith.constant 16 : index
    %swap3A_550 = tpu.vector_load %arg10[%swap3A_548, %swap3A_549] {strides = array<i32>} : memref<8x32xi32, #tpu.memory_space<vmem>>, vector<16xi32>,
    tpu.vector_store %arg10[%swap3A_548, %swap3A_549], %add3A_546 {strides = array<i32>} : memref<8x32xi32, #tpu.memory_space<vmem>>, vector<16xi32>,
    %add3A_551 = arith.constant 1 : i32
    %add3A_552 = vector.broadcast %add3A_551 : i32 to vector<16xi32>
    %add3A_553 = arith.addi %add3A_543, %add3A_552 : vector<16xi32>
    %swap3A_554 = arith.constant 1 : i32
    %swap3A_555 = arith.index_cast %swap3A_554 : i32 to index
    %swap3A_556 = arith.constant 16 : index
    %swap3A_557 = tpu.vector_load %arg10[%swap3A_555, %swap3A_556] {strides = array<i32>} : memref<8x32xi32, #tpu.memory_space<vmem>>, vector<16xi32>,
    tpu.vector_store %arg10[%swap3A_555, %swap3A_556], %add3A_553 {strides = array<i32>} : memref<8x32xi32, #tpu.memory_space<vmem>>, vector<16xi32>,
    %add3A_558 = arith.constant 32 : i32
    %add3A_559 = vector.broadcast %add3A_558 : i32 to vector<16xi32>
    %add3A_560 = arith.addi %add3A_543, %add3A_559 : vector<16xi32>
    %swap3A_561 = arith.constant 2 : i32
    %swap3A_562 = arith.index_cast %swap3A_561 : i32 to index
    %swap3A_563 = arith.constant 16 : index
    %swap3A_564 = tpu.vector_load %arg10[%swap3A_562, %swap3A_563] {strides = array<i32>} : memref<8x32xi32, #tpu.memory_space<vmem>>, vector<16xi32>,
    tpu.vector_store %arg10[%swap3A_562, %swap3A_563], %add3A_560 {strides = array<i32>} : memref<8x32xi32, #tpu.memory_space<vmem>>, vector<16xi32>,
    %add3A_565 = arith.constant 33 : i32
    %add3A_566 = vector.broadcast %add3A_565 : i32 to vector<16xi32>
    %add3A_567 = arith.addi %add3A_543, %add3A_566 : vector<16xi32>
    %swap3A_568 = arith.constant 3 : i32
    %swap3A_569 = arith.index_cast %swap3A_568 : i32 to index
    %swap3A_570 = arith.constant 16 : index
    %swap3A_571 = tpu.vector_load %arg10[%swap3A_569, %swap3A_570] {strides = array<i32>} : memref<8x32xi32, #tpu.memory_space<vmem>>, vector<16xi32>,
    tpu.vector_store %arg10[%swap3A_569, %swap3A_570], %add3A_567 {strides = array<i32>} : memref<8x32xi32, #tpu.memory_space<vmem>>, vector<16xi32>,
    %add3A_572 = arith.constant 64 : i32
    %add3A_573 = vector.broadcast %add3A_572 : i32 to vector<16xi32>
    %add3A_574 = arith.addi %add3A_543, %add3A_573 : vector<16xi32>
    %swap3A_575 = arith.constant 4 : i32
    %swap3A_576 = arith.index_cast %swap3A_575 : i32 to index
    %swap3A_577 = arith.constant 16 : index
    %swap3A_578 = tpu.vector_load %arg10[%swap3A_576, %swap3A_577] {strides = array<i32>} : memref<8x32xi32, #tpu.memory_space<vmem>>, vector<16xi32>,
    tpu.vector_store %arg10[%swap3A_576, %swap3A_577], %add3A_574 {strides = array<i32>} : memref<8x32xi32, #tpu.memory_space<vmem>>, vector<16xi32>,
    %add3A_579 = arith.constant 65 : i32
    %add3A_580 = vector.broadcast %add3A_579 : i32 to vector<16xi32>
    %add3A_581 = arith.addi %add3A_543, %add3A_580 : vector<16xi32>
    %swap3A_582 = arith.constant 5 : i32
    %swap3A_583 = arith.index_cast %swap3A_582 : i32 to index
    %swap3A_584 = arith.constant 16 : index
    %swap3A_585 = tpu.vector_load %arg10[%swap3A_583, %swap3A_584] {strides = array<i32>} : memref<8x32xi32, #tpu.memory_space<vmem>>, vector<16xi32>,
    tpu.vector_store %arg10[%swap3A_583, %swap3A_584], %add3A_581 {strides = array<i32>} : memref<8x32xi32, #tpu.memory_space<vmem>>, vector<16xi32>,
    %add3A_586 = arith.constant 96 : i32
    %add3A_587 = vector.broadcast %add3A_586 : i32 to vector<16xi32>
    %add3A_588 = arith.addi %add3A_543, %add3A_587 : vector<16xi32>
    %swap3A_589 = arith.constant 6 : i32
    %swap3A_590 = arith.index_cast %swap3A_589 : i32 to index
    %swap3A_591 = arith.constant 16 : index
    %swap3A_592 = tpu.vector_load %arg10[%swap3A_590, %swap3A_591] {strides = array<i32>} : memref<8x32xi32, #tpu.memory_space<vmem>>, vector<16xi32>,
    tpu.vector_store %arg10[%swap3A_590, %swap3A_591], %add3A_588 {strides = array<i32>} : memref<8x32xi32, #tpu.memory_space<vmem>>, vector<16xi32>,
    %add3A_593 = arith.constant 97 : i32
    %add3A_594 = vector.broadcast %add3A_593 : i32 to vector<16xi32>
    %add3A_595 = arith.addi %add3A_543, %add3A_594 : vector<16xi32>
    %swap3A_596 = arith.constant 7 : i32
    %swap3A_597 = arith.index_cast %swap3A_596 : i32 to index
    %swap3A_598 = arith.constant 16 : index
    %swap3A_599 = tpu.vector_load %arg10[%swap3A_597, %swap3A_598] {strides = array<i32>} : memref<8x32xi32, #tpu.memory_space<vmem>>, vector<16xi32>,
    tpu.vector_store %arg10[%swap3A_597, %swap3A_598], %add3A_595 {strides = array<i32>} : memref<8x32xi32, #tpu.memory_space<vmem>>, vector<16xi32>,
    %dma_start3A = arith.constant 0 : i32
    %dma_start3A_600 = arith.constant 0 : i32
    %dma_start3A_601 = arith.constant 0 : i32
    %dma_start3A_602 = tpu.memref_slice %arg12[%dma_start3A_600, %dma_start3A_601] : memref<256x128xf32, #tpu.memory_space<vmem>> -> memref<32x128xf32, #tpu.memory_space<vmem>>
    %dma_start3A_603 = arith.constant 0 : i32
    %dma_start3A_604 = tpu.memref_slice %arg10[%dma_start3A, %dma_start3A_603] : memref<8x32xi32, #tpu.memory_space<vmem>> -> memref<1x32xi32, #tpu.memory_space<vmem>>
    %dma_start3A_605 = tpu.memref_squeeze %dma_start3A_604 : memref<1x32xi32, #tpu.memory_space<vmem>> -> memref<32xi32, #tpu.memory_space<vmem>>
    %dma_start3A_606 = arith.constant 0 : i32
    %dma_start3A_607 = arith.constant 0 : i32
    %dma_start3A_608 = tpu.memref_slice %arg2[%dma_start3A_606, %dma_start3A_607] : memref<4096x128xf32, #tpu.memory_space<hbm>> -> memref<4096x128xf32, #tpu.memory_space<hbm>>
    tpu.enqueue_indirect_dma source(%dma_start3A_608 : memref<4096x128xf32, #tpu.memory_space<hbm>>) target(%dma_start3A_602 : memref<32x128xf32, #tpu.memory_space<vmem>>) offsets(%dma_start3A_605 : memref<32xi32, #tpu.memory_space<vmem>>) semaphore(%arg19 : memref<!tpu.dma_semaphore, #tpu.memory_space<semaphore_mem>>)
    %dma_start3A_609 = arith.constant 1 : i32
    %dma_start3A_610 = arith.constant 32 : i32
    %dma_start3A_611 = arith.constant 0 : i32
    %dma_start3A_612 = tpu.memref_slice %arg12[%dma_start3A_610, %dma_start3A_611] : memref<256x128xf32, #tpu.memory_space<vmem>> -> memref<32x128xf32, #tpu.memory_space<vmem>>
    %dma_start3A_613 = arith.constant 0 : i32
    %dma_start3A_614 = tpu.memref_slice %arg10[%dma_start3A_609, %dma_start3A_613] : memref<8x32xi32, #tpu.memory_space<vmem>> -> memref<1x32xi32, #tpu.memory_space<vmem>>
    %dma_start3A_615 = tpu.memref_squeeze %dma_start3A_614 : memref<1x32xi32, #tpu.memory_space<vmem>> -> memref<32xi32, #tpu.memory_space<vmem>>
    %dma_start3A_616 = arith.constant 0 : i32
    %dma_start3A_617 = arith.constant 0 : i32
    %dma_start3A_618 = tpu.memref_slice %arg2[%dma_start3A_616, %dma_start3A_617] : memref<4096x128xf32, #tpu.memory_space<hbm>> -> memref<4096x128xf32, #tpu.memory_space<hbm>>
    tpu.enqueue_indirect_dma source(%dma_start3A_618 : memref<4096x128xf32, #tpu.memory_space<hbm>>) target(%dma_start3A_612 : memref<32x128xf32, #tpu.memory_space<vmem>>) offsets(%dma_start3A_615 : memref<32xi32, #tpu.memory_space<vmem>>) semaphore(%arg19 : memref<!tpu.dma_semaphore, #tpu.memory_space<semaphore_mem>>)
    %dma_start3A_619 = arith.constant 2 : i32
    %dma_start3A_620 = arith.constant 64 : i32
    %dma_start3A_621 = arith.constant 0 : i32
    %dma_start3A_622 = tpu.memref_slice %arg12[%dma_start3A_620, %dma_start3A_621] : memref<256x128xf32, #tpu.memory_space<vmem>> -> memref<32x128xf32, #tpu.memory_space<vmem>>
    %dma_start3A_623 = arith.constant 0 : i32
    %dma_start3A_624 = tpu.memref_slice %arg10[%dma_start3A_619, %dma_start3A_623] : memref<8x32xi32, #tpu.memory_space<vmem>> -> memref<1x32xi32, #tpu.memory_space<vmem>>
    %dma_start3A_625 = tpu.memref_squeeze %dma_start3A_624 : memref<1x32xi32, #tpu.memory_space<vmem>> -> memref<32xi32, #tpu.memory_space<vmem>>
    %dma_start3A_626 = arith.constant 0 : i32
    %dma_start3A_627 = arith.constant 0 : i32
    %dma_start3A_628 = tpu.memref_slice %arg2[%dma_start3A_626, %dma_start3A_627] : memref<4096x128xf32, #tpu.memory_space<hbm>> -> memref<4096x128xf32, #tpu.memory_space<hbm>>
    tpu.enqueue_indirect_dma source(%dma_start3A_628 : memref<4096x128xf32, #tpu.memory_space<hbm>>) target(%dma_start3A_622 : memref<32x128xf32, #tpu.memory_space<vmem>>) offsets(%dma_start3A_625 : memref<32xi32, #tpu.memory_space<vmem>>) semaphore(%arg19 : memref<!tpu.dma_semaphore, #tpu.memory_space<semaphore_mem>>)
    %dma_start3A_629 = arith.constant 3 : i32
    %dma_start3A_630 = arith.constant 96 : i32
    %dma_start3A_631 = arith.constant 0 : i32
    %dma_start3A_632 = tpu.memref_slice %arg12[%dma_start3A_630, %dma_start3A_631] : memref<256x128xf32, #tpu.memory_space<vmem>> -> memref<32x128xf32, #tpu.memory_space<vmem>>
    %dma_start3A_633 = arith.constant 0 : i32
    %dma_start3A_634 = tpu.memref_slice %arg10[%dma_start3A_629, %dma_start3A_633] : memref<8x32xi32, #tpu.memory_space<vmem>> -> memref<1x32xi32, #tpu.memory_space<vmem>>
    %dma_start3A_635 = tpu.memref_squeeze %dma_start3A_634 : memref<1x32xi32, #tpu.memory_space<vmem>> -> memref<32xi32, #tpu.memory_space<vmem>>
    %dma_start3A_636 = arith.constant 0 : i32
    %dma_start3A_637 = arith.constant 0 : i32
    %dma_start3A_638 = tpu.memref_slice %arg2[%dma_start3A_636, %dma_start3A_637] : memref<4096x128xf32, #tpu.memory_space<hbm>> -> memref<4096x128xf32, #tpu.memory_space<hbm>>
    tpu.enqueue_indirect_dma source(%dma_start3A_638 : memref<4096x128xf32, #tpu.memory_space<hbm>>) target(%dma_start3A_632 : memref<32x128xf32, #tpu.memory_space<vmem>>) offsets(%dma_start3A_635 : memref<32xi32, #tpu.memory_space<vmem>>) semaphore(%arg19 : memref<!tpu.dma_semaphore, #tpu.memory_space<semaphore_mem>>)
    %dma_start3A_639 = arith.constant 4 : i32
    %dma_start3A_640 = arith.constant 128 : i32
    %dma_start3A_641 = arith.constant 0 : i32
    %dma_start3A_642 = tpu.memref_slice %arg12[%dma_start3A_640, %dma_start3A_641] : memref<256x128xf32, #tpu.memory_space<vmem>> -> memref<32x128xf32, #tpu.memory_space<vmem>>
    %dma_start3A_643 = arith.constant 0 : i32
    %dma_start3A_644 = tpu.memref_slice %arg10[%dma_start3A_639, %dma_start3A_643] : memref<8x32xi32, #tpu.memory_space<vmem>> -> memref<1x32xi32, #tpu.memory_space<vmem>>
    %dma_start3A_645 = tpu.memref_squeeze %dma_start3A_644 : memref<1x32xi32, #tpu.memory_space<vmem>> -> memref<32xi32, #tpu.memory_space<vmem>>
    %dma_start3A_646 = arith.constant 0 : i32
    %dma_start3A_647 = arith.constant 0 : i32
    %dma_start3A_648 = tpu.memref_slice %arg2[%dma_start3A_646, %dma_start3A_647] : memref<4096x128xf32, #tpu.memory_space<hbm>> -> memref<4096x128xf32, #tpu.memory_space<hbm>>
    tpu.enqueue_indirect_dma source(%dma_start3A_648 : memref<4096x128xf32, #tpu.memory_space<hbm>>) target(%dma_start3A_642 : memref<32x128xf32, #tpu.memory_space<vmem>>) offsets(%dma_start3A_645 : memref<32xi32, #tpu.memory_space<vmem>>) semaphore(%arg19 : memref<!tpu.dma_semaphore, #tpu.memory_space<semaphore_mem>>)
    %dma_start3A_649 = arith.constant 5 : i32
    %dma_start3A_650 = arith.constant 160 : i32
    %dma_start3A_651 = arith.constant 0 : i32
    %dma_start3A_652 = tpu.memref_slice %arg12[%dma_start3A_650, %dma_start3A_651] : memref<256x128xf32, #tpu.memory_space<vmem>> -> memref<32x128xf32, #tpu.memory_space<vmem>>
    %dma_start3A_653 = arith.constant 0 : i32
    %dma_start3A_654 = tpu.memref_slice %arg10[%dma_start3A_649, %dma_start3A_653] : memref<8x32xi32, #tpu.memory_space<vmem>> -> memref<1x32xi32, #tpu.memory_space<vmem>>
    %dma_start3A_655 = tpu.memref_squeeze %dma_start3A_654 : memref<1x32xi32, #tpu.memory_space<vmem>> -> memref<32xi32, #tpu.memory_space<vmem>>
    %dma_start3A_656 = arith.constant 0 : i32
    %dma_start3A_657 = arith.constant 0 : i32
    %dma_start3A_658 = tpu.memref_slice %arg2[%dma_start3A_656, %dma_start3A_657] : memref<4096x128xf32, #tpu.memory_space<hbm>> -> memref<4096x128xf32, #tpu.memory_space<hbm>>
    tpu.enqueue_indirect_dma source(%dma_start3A_658 : memref<4096x128xf32, #tpu.memory_space<hbm>>) target(%dma_start3A_652 : memref<32x128xf32, #tpu.memory_space<vmem>>) offsets(%dma_start3A_655 : memref<32xi32, #tpu.memory_space<vmem>>) semaphore(%arg19 : memref<!tpu.dma_semaphore, #tpu.memory_space<semaphore_mem>>)
    %dma_start3A_659 = arith.constant 6 : i32
    %dma_start3A_660 = arith.constant 192 : i32
    %dma_start3A_661 = arith.constant 0 : i32
    %dma_start3A_662 = tpu.memref_slice %arg12[%dma_start3A_660, %dma_start3A_661] : memref<256x128xf32, #tpu.memory_space<vmem>> -> memref<32x128xf32, #tpu.memory_space<vmem>>
    %dma_start3A_663 = arith.constant 0 : i32
    %dma_start3A_664 = tpu.memref_slice %arg10[%dma_start3A_659, %dma_start3A_663] : memref<8x32xi32, #tpu.memory_space<vmem>> -> memref<1x32xi32, #tpu.memory_space<vmem>>
    %dma_start3A_665 = tpu.memref_squeeze %dma_start3A_664 : memref<1x32xi32, #tpu.memory_space<vmem>> -> memref<32xi32, #tpu.memory_space<vmem>>
    %dma_start3A_666 = arith.constant 0 : i32
    %dma_start3A_667 = arith.constant 0 : i32
    %dma_start3A_668 = tpu.memref_slice %arg2[%dma_start3A_666, %dma_start3A_667] : memref<4096x128xf32, #tpu.memory_space<hbm>> -> memref<4096x128xf32, #tpu.memory_space<hbm>>
    tpu.enqueue_indirect_dma source(%dma_start3A_668 : memref<4096x128xf32, #tpu.memory_space<hbm>>) target(%dma_start3A_662 : memref<32x128xf32, #tpu.memory_space<vmem>>) offsets(%dma_start3A_665 : memref<32xi32, #tpu.memory_space<vmem>>) semaphore(%arg19 : memref<!tpu.dma_semaphore, #tpu.memory_space<semaphore_mem>>)
    %dma_start3A_669 = arith.constant 7 : i32
    %dma_start3A_670 = arith.constant 224 : i32
    %dma_start3A_671 = arith.constant 0 : i32
    %dma_start3A_672 = tpu.memref_slice %arg12[%dma_start3A_670, %dma_start3A_671] : memref<256x128xf32, #tpu.memory_space<vmem>> -> memref<32x128xf32, #tpu.memory_space<vmem>>
    %dma_start3A_673 = arith.constant 0 : i32
    %dma_start3A_674 = tpu.memref_slice %arg10[%dma_start3A_669, %dma_start3A_673] : memref<8x32xi32, #tpu.memory_space<vmem>> -> memref<1x32xi32, #tpu.memory_space<vmem>>
    %dma_start3A_675 = tpu.memref_squeeze %dma_start3A_674 : memref<1x32xi32, #tpu.memory_space<vmem>> -> memref<32xi32, #tpu.memory_space<vmem>>
    %dma_start3A_676 = arith.constant 0 : i32
    %dma_start3A_677 = arith.constant 0 : i32
    %dma_start3A_678 = tpu.memref_slice %arg2[%dma_start3A_676, %dma_start3A_677] : memref<4096x128xf32, #tpu.memory_space<hbm>> -> memref<4096x128xf32, #tpu.memory_space<hbm>>
    tpu.enqueue_indirect_dma source(%dma_start3A_678 : memref<4096x128xf32, #tpu.memory_space<hbm>>) target(%dma_start3A_672 : memref<32x128xf32, #tpu.memory_space<vmem>>) offsets(%dma_start3A_675 : memref<32xi32, #tpu.memory_space<vmem>>) semaphore(%arg19 : memref<!tpu.dma_semaphore, #tpu.memory_space<semaphore_mem>>)
    %scan3A = arith.constant 0 : i32
    %scan3A_679 = arith.constant 0 : i32
    %scan3A_680 = arith.constant 49 : i32
    %scan3A_681 = arith.addi %scan3A_679, %scan3A_680 : i32
    %scan3A_682 = arith.constant 1 : i32
    scf.for %scan3A_779 = %scan3A_679 to %scan3A_681 step %scan3A_682  : i32 {
      %mul3A_780 = arith.constant 2 : i32
      %mul3A_781 = arith.muli %mul3A_780, %scan3A_779 : i32
      %add3A_782 = arith.constant 1 : i32
      %add3A_783 = arith.addi %mul3A_781, %add3A_782 : i32
      %mul3A_784 = arith.constant 32 : i32
      %mul3A_785 = arith.muli %add3A_783, %mul3A_784 : i32
      %add3A_786 = arith.constant 0 : i32
      %add3A_787 = arith.addi %mul3A_785, %add3A_786 : i32
      %get3A_788 = arith.index_cast %add3A_787 : i32 to index
      %get3A_789 = tpu.vector_load %arg7[%get3A_788] {strides = array<i32>} : memref<3168xf32, #tpu.memory_space<vmem>>, vector<16xf32>,
      %get3A_790 = arith.index_cast %add3A_787 : i32 to index
      %get3A_791 = tpu.vector_load %arg8[%get3A_790] {strides = array<i32>} : memref<3168xf32, #tpu.memory_space<vmem>>, vector<16xf32>,
      %get3A_792 = arith.index_cast %add3A_787 : i32 to index
      %get3A_793 = tpu.vector_load %arg9[%get3A_792] {strides = array<i32>} : memref<3168xf32, #tpu.memory_space<vmem>>, vector<16xf32>,
      %convert_element_type3A_794 = arith.fptosi %get3A_789 : vector<16xf32> to vector<16xi32>
      %convert_element_type3A_795 = arith.sitofp %convert_element_type3A_794 : vector<16xi32> to vector<16xf32>
      %sub3A_796 = arith.subf %get3A_789, %convert_element_type3A_795 : vector<16xf32>
      %jit3A_797 = arith.constant 0.000000e+00 : f32
      %jit3A_798 = arith.constant 1.000000e+00 : f32
      %max3A_799 = vector.broadcast %jit3A_797 : f32 to vector<16xf32>
      %max3A_800 = arith.maximumf %max3A_799, %sub3A_796 : vector<16xf32>
      %min3A_801 = vector.broadcast %jit3A_798 : f32 to vector<16xf32>
      %min3A_802 = arith.minimumf %min3A_801, %max3A_800 : vector<16xf32>
      %sub3A_803 = arith.constant 1 : i32
      %sub3A_804 = vector.broadcast %sub3A_803 : i32 to vector<16xi32>
      %sub3A_805 = arith.subi %convert_element_type3A_794, %sub3A_804 : vector<16xi32>
      %jit3A_806 = arith.constant 0 : i32
      %jit3A_807 = arith.constant 60 : i32
      %max3A_808 = vector.broadcast %jit3A_806 : i32 to vector<16xi32>
      %max3A_809 = arith.maxsi %max3A_808, %sub3A_805 : vector<16xi32>
      %min3A_810 = vector.broadcast %jit3A_807 : i32 to vector<16xi32>
      %min3A_811 = arith.minsi %min3A_810, %max3A_809 : vector<16xi32>
      %mul3A_812 = arith.constant -5.000000e-01 : f32
      %mul3A_813 = vector.broadcast %mul3A_812 : f32 to vector<16xf32>
      %mul3A_814 = arith.mulf %mul3A_813, %min3A_802 : vector<16xf32>
      %add3A_815 = arith.constant 1.000000e+00 : f32
      %add3A_816 = vector.broadcast %add3A_815 : f32 to vector<16xf32>
      %add3A_817 = arith.addf %mul3A_814, %add3A_816 : vector<16xf32>
      %mul3A_818 = arith.mulf %add3A_817, %min3A_802 : vector<16xf32>
      %sub3A_819 = arith.constant 5.000000e-01 : f32
      %sub3A_820 = vector.broadcast %sub3A_819 : f32 to vector<16xf32>
      %sub3A_821 = arith.subf %mul3A_818, %sub3A_820 : vector<16xf32>
      %mul3A_822 = arith.mulf %sub3A_821, %min3A_802 : vector<16xf32>
      %mul3A_823 = arith.constant 1.500000e+00 : f32
      %mul3A_824 = vector.broadcast %mul3A_823 : f32 to vector<16xf32>
      %mul3A_825 = arith.mulf %mul3A_824, %min3A_802 : vector<16xf32>
      %sub3A_826 = arith.constant 2.500000e+00 : f32
      %sub3A_827 = vector.broadcast %sub3A_826 : f32 to vector<16xf32>
      %sub3A_828 = arith.subf %mul3A_825, %sub3A_827 : vector<16xf32>
      %mul3A_829 = arith.mulf %sub3A_828, %min3A_802 : vector<16xf32>
      %mul3A_830 = arith.mulf %mul3A_829, %min3A_802 : vector<16xf32>
      %add3A_831 = arith.constant 1.000000e+00 : f32
      %add3A_832 = vector.broadcast %add3A_831 : f32 to vector<16xf32>
      %add3A_833 = arith.addf %mul3A_830, %add3A_832 : vector<16xf32>
      %mul3A_834 = arith.constant -1.500000e+00 : f32
      %mul3A_835 = vector.broadcast %mul3A_834 : f32 to vector<16xf32>
      %mul3A_836 = arith.mulf %mul3A_835, %min3A_802 : vector<16xf32>
      %add3A_837 = arith.constant 2.000000e+00 : f32
      %add3A_838 = vector.broadcast %add3A_837 : f32 to vector<16xf32>
      %add3A_839 = arith.addf %mul3A_836, %add3A_838 : vector<16xf32>
      %mul3A_840 = arith.mulf %add3A_839, %min3A_802 : vector<16xf32>
      %add3A_841 = arith.constant 5.000000e-01 : f32
      %add3A_842 = vector.broadcast %add3A_841 : f32 to vector<16xf32>
      %add3A_843 = arith.addf %mul3A_840, %add3A_842 : vector<16xf32>
      %mul3A_844 = arith.mulf %add3A_843, %min3A_802 : vector<16xf32>
      %mul3A_845 = arith.constant 5.000000e-01 : f32
      %mul3A_846 = vector.broadcast %mul3A_845 : f32 to vector<16xf32>
      %mul3A_847 = arith.mulf %mul3A_846, %min3A_802 : vector<16xf32>
      %sub3A_848 = arith.constant 5.000000e-01 : f32
      %sub3A_849 = vector.broadcast %sub3A_848 : f32 to vector<16xf32>
      %sub3A_850 = arith.subf %mul3A_847, %sub3A_849 : vector<16xf32>
      %mul3A_851 = arith.mulf %sub3A_850, %min3A_802 : vector<16xf32>
      %mul3A_852 = arith.mulf %mul3A_851, %min3A_802 : vector<16xf32>
      %convert_element_type3A_853 = arith.fptosi %get3A_791 : vector<16xf32> to vector<16xi32>
      %convert_element_type3A_854 = arith.sitofp %convert_element_type3A_853 : vector<16xi32> to vector<16xf32>
      %sub3A_855 = arith.subf %get3A_791, %convert_element_type3A_854 : vector<16xf32>
      %jit3A_856 = arith.constant 0.000000e+00 : f32
      %jit3A_857 = arith.constant 1.000000e+00 : f32
      %max3A_858 = vector.broadcast %jit3A_856 : f32 to vector<16xf32>
      %max3A_859 = arith.maximumf %max3A_858, %sub3A_855 : vector<16xf32>
      %min3A_860 = vector.broadcast %jit3A_857 : f32 to vector<16xf32>
      %min3A_861 = arith.minimumf %min3A_860, %max3A_859 : vector<16xf32>
      %sub3A_862 = arith.constant 1 : i32
      %sub3A_863 = vector.broadcast %sub3A_862 : i32 to vector<16xi32>
      %sub3A_864 = arith.subi %convert_element_type3A_853, %sub3A_863 : vector<16xi32>
      %jit3A_865 = arith.constant 0 : i32
      %jit3A_866 = arith.constant 60 : i32
      %max3A_867 = vector.broadcast %jit3A_865 : i32 to vector<16xi32>
      %max3A_868 = arith.maxsi %max3A_867, %sub3A_864 : vector<16xi32>
      %min3A_869 = vector.broadcast %jit3A_866 : i32 to vector<16xi32>
      %min3A_870 = arith.minsi %min3A_869, %max3A_868 : vector<16xi32>
      %mul3A_871 = arith.constant -5.000000e-01 : f32
      %mul3A_872 = vector.broadcast %mul3A_871 : f32 to vector<16xf32>
      %mul3A_873 = arith.mulf %mul3A_872, %min3A_861 : vector<16xf32>
      %add3A_874 = arith.constant 1.000000e+00 : f32
      %add3A_875 = vector.broadcast %add3A_874 : f32 to vector<16xf32>
      %add3A_876 = arith.addf %mul3A_873, %add3A_875 : vector<16xf32>
      %mul3A_877 = arith.mulf %add3A_876, %min3A_861 : vector<16xf32>
      %sub3A_878 = arith.constant 5.000000e-01 : f32
      %sub3A_879 = vector.broadcast %sub3A_878 : f32 to vector<16xf32>
      %sub3A_880 = arith.subf %mul3A_877, %sub3A_879 : vector<16xf32>
      %mul3A_881 = arith.mulf %sub3A_880, %min3A_861 : vector<16xf32>
      %mul3A_882 = arith.constant 1.500000e+00 : f32
      %mul3A_883 = vector.broadcast %mul3A_882 : f32 to vector<16xf32>
      %mul3A_884 = arith.mulf %mul3A_883, %min3A_861 : vector<16xf32>
      %sub3A_885 = arith.constant 2.500000e+00 : f32
      %sub3A_886 = vector.broadcast %sub3A_885 : f32 to vector<16xf32>
      %sub3A_887 = arith.subf %mul3A_884, %sub3A_886 : vector<16xf32>
      %mul3A_888 = arith.mulf %sub3A_887, %min3A_861 : vector<16xf32>
      %mul3A_889 = arith.mulf %mul3A_888, %min3A_861 : vector<16xf32>
      %add3A_890 = arith.constant 1.000000e+00 : f32
      %add3A_891 = vector.broadcast %add3A_890 : f32 to vector<16xf32>
      %add3A_892 = arith.addf %mul3A_889, %add3A_891 : vector<16xf32>
      %mul3A_893 = arith.constant -1.500000e+00 : f32
      %mul3A_894 = vector.broadcast %mul3A_893 : f32 to vector<16xf32>
      %mul3A_895 = arith.mulf %mul3A_894, %min3A_861 : vector<16xf32>
      %add3A_896 = arith.constant 2.000000e+00 : f32
      %add3A_897 = vector.broadcast %add3A_896 : f32 to vector<16xf32>
      %add3A_898 = arith.addf %mul3A_895, %add3A_897 : vector<16xf32>
      %mul3A_899 = arith.mulf %add3A_898, %min3A_861 : vector<16xf32>
      %add3A_900 = arith.constant 5.000000e-01 : f32
      %add3A_901 = vector.broadcast %add3A_900 : f32 to vector<16xf32>
      %add3A_902 = arith.addf %mul3A_899, %add3A_901 : vector<16xf32>
      %mul3A_903 = arith.mulf %add3A_902, %min3A_861 : vector<16xf32>
      %mul3A_904 = arith.constant 5.000000e-01 : f32
      %mul3A_905 = vector.broadcast %mul3A_904 : f32 to vector<16xf32>
      %mul3A_906 = arith.mulf %mul3A_905, %min3A_861 : vector<16xf32>
      %sub3A_907 = arith.constant 5.000000e-01 : f32
      %sub3A_908 = vector.broadcast %sub3A_907 : f32 to vector<16xf32>
      %sub3A_909 = arith.subf %mul3A_906, %sub3A_908 : vector<16xf32>
      %mul3A_910 = arith.mulf %sub3A_909, %min3A_861 : vector<16xf32>
      %mul3A_911 = arith.mulf %mul3A_910, %min3A_861 : vector<16xf32>
      %convert_element_type3A_912 = arith.fptosi %get3A_793 : vector<16xf32> to vector<16xi32>
      %convert_element_type3A_913 = arith.sitofp %convert_element_type3A_912 : vector<16xi32> to vector<16xf32>
      %sub3A_914 = arith.subf %get3A_793, %convert_element_type3A_913 : vector<16xf32>
      %jit3A_915 = arith.constant 0.000000e+00 : f32
      %jit3A_916 = arith.constant 1.000000e+00 : f32
      %max3A_917 = vector.broadcast %jit3A_915 : f32 to vector<16xf32>
      %max3A_918 = arith.maximumf %max3A_917, %sub3A_914 : vector<16xf32>
      %min3A_919 = vector.broadcast %jit3A_916 : f32 to vector<16xf32>
      %min3A_920 = arith.minimumf %min3A_919, %max3A_918 : vector<16xf32>
      %sub3A_921 = arith.constant 1 : i32
      %sub3A_922 = vector.broadcast %sub3A_921 : i32 to vector<16xi32>
      %sub3A_923 = arith.subi %convert_element_type3A_912, %sub3A_922 : vector<16xi32>
      %jit3A_924 = arith.constant 0 : i32
      %jit3A_925 = arith.constant 60 : i32
      %max3A_926 = vector.broadcast %jit3A_924 : i32 to vector<16xi32>
      %max3A_927 = arith.maxsi %max3A_926, %sub3A_923 : vector<16xi32>
      %min3A_928 = vector.broadcast %jit3A_925 : i32 to vector<16xi32>
      %min3A_929 = arith.minsi %min3A_928, %max3A_927 : vector<16xi32>
      %mul3A_930 = arith.constant -5.000000e-01 : f32
      %mul3A_931 = vector.broadcast %mul3A_930 : f32 to vector<16xf32>
      %mul3A_932 = arith.mulf %mul3A_931, %min3A_920 : vector<16xf32>
      %add3A_933 = arith.constant 1.000000e+00 : f32
      %add3A_934 = vector.broadcast %add3A_933 : f32 to vector<16xf32>
      %add3A_935 = arith.addf %mul3A_932, %add3A_934 : vector<16xf32>
      %mul3A_936 = arith.mulf %add3A_935, %min3A_920 : vector<16xf32>
      %sub3A_937 = arith.constant 5.000000e-01 : f32
      %sub3A_938 = vector.broadcast %sub3A_937 : f32 to vector<16xf32>
      %sub3A_939 = arith.subf %mul3A_936, %sub3A_938 : vector<16xf32>
      %mul3A_940 = arith.mulf %sub3A_939, %min3A_920 : vector<16xf32>
      %mul3A_941 = arith.constant 1.500000e+00 : f32
      %mul3A_942 = vector.broadcast %mul3A_941 : f32 to vector<16xf32>
      %mul3A_943 = arith.mulf %mul3A_942, %min3A_920 : vector<16xf32>
      %sub3A_944 = arith.constant 2.500000e+00 : f32
      %sub3A_945 = vector.broadcast %sub3A_944 : f32 to vector<16xf32>
      %sub3A_946 = arith.subf %mul3A_943, %sub3A_945 : vector<16xf32>
      %mul3A_947 = arith.mulf %sub3A_946, %min3A_920 : vector<16xf32>
      %mul3A_948 = arith.mulf %mul3A_947, %min3A_920 : vector<16xf32>
      %add3A_949 = arith.constant 1.000000e+00 : f32
      %add3A_950 = vector.broadcast %add3A_949 : f32 to vector<16xf32>
      %add3A_951 = arith.addf %mul3A_948, %add3A_950 : vector<16xf32>
      %mul3A_952 = arith.constant -1.500000e+00 : f32
      %mul3A_953 = vector.broadcast %mul3A_952 : f32 to vector<16xf32>
      %mul3A_954 = arith.mulf %mul3A_953, %min3A_920 : vector<16xf32>
      %add3A_955 = arith.constant 2.000000e+00 : f32
      %add3A_956 = vector.broadcast %add3A_955 : f32 to vector<16xf32>
      %add3A_957 = arith.addf %mul3A_954, %add3A_956 : vector<16xf32>
      %mul3A_958 = arith.mulf %add3A_957, %min3A_920 : vector<16xf32>
      %add3A_959 = arith.constant 5.000000e-01 : f32
      %add3A_960 = vector.broadcast %add3A_959 : f32 to vector<16xf32>
      %add3A_961 = arith.addf %mul3A_958, %add3A_960 : vector<16xf32>
      %mul3A_962 = arith.mulf %add3A_961, %min3A_920 : vector<16xf32>
      %mul3A_963 = arith.constant 5.000000e-01 : f32
      %mul3A_964 = vector.broadcast %mul3A_963 : f32 to vector<16xf32>
      %mul3A_965 = arith.mulf %mul3A_964, %min3A_920 : vector<16xf32>
      %sub3A_966 = arith.constant 5.000000e-01 : f32
      %sub3A_967 = vector.broadcast %sub3A_966 : f32 to vector<16xf32>
      %sub3A_968 = arith.subf %mul3A_965, %sub3A_967 : vector<16xf32>
      %mul3A_969 = arith.mulf %sub3A_968, %min3A_920 : vector<16xf32>
      %mul3A_970 = arith.mulf %mul3A_969, %min3A_920 : vector<16xf32>
      %swap3A_971 = arith.constant 0 : i32
      %swap3A_972 = arith.index_cast %swap3A_971 : i32 to index
      %swap3A_973 = arith.constant 0 : index
      %swap3A_974 = tpu.vector_load %arg15[%swap3A_972, %swap3A_973] {strides = array<i32>} : memref<12x32xf32, #tpu.memory_space<vmem>>, vector<16xf32>,
      tpu.vector_store %arg15[%swap3A_972, %swap3A_973], %mul3A_822 {strides = array<i32>} : memref<12x32xf32, #tpu.memory_space<vmem>>, vector<16xf32>,
      %swap3A_975 = arith.constant 4 : i32
      %swap3A_976 = arith.index_cast %swap3A_975 : i32 to index
      %swap3A_977 = arith.constant 0 : index
      %swap3A_978 = tpu.vector_load %arg15[%swap3A_976, %swap3A_977] {strides = array<i32>} : memref<12x32xf32, #tpu.memory_space<vmem>>, vector<16xf32>,
      tpu.vector_store %arg15[%swap3A_976, %swap3A_977], %mul3A_881 {strides = array<i32>} : memref<12x32xf32, #tpu.memory_space<vmem>>, vector<16xf32>,
      %swap3A_979 = arith.constant 8 : i32
      %swap3A_980 = arith.index_cast %swap3A_979 : i32 to index
      %swap3A_981 = arith.constant 0 : index
      %swap3A_982 = tpu.vector_load %arg15[%swap3A_980, %swap3A_981] {strides = array<i32>} : memref<12x32xf32, #tpu.memory_space<vmem>>, vector<16xf32>,
      tpu.vector_store %arg15[%swap3A_980, %swap3A_981], %mul3A_940 {strides = array<i32>} : memref<12x32xf32, #tpu.memory_space<vmem>>, vector<16xf32>,
      %swap3A_983 = arith.constant 1 : i32
      %swap3A_984 = arith.index_cast %swap3A_983 : i32 to index
      %swap3A_985 = arith.constant 0 : index
      %swap3A_986 = tpu.vector_load %arg15[%swap3A_984, %swap3A_985] {strides = array<i32>} : memref<12x32xf32, #tpu.memory_space<vmem>>, vector<16xf32>,
      tpu.vector_store %arg15[%swap3A_984, %swap3A_985], %add3A_833 {strides = array<i32>} : memref<12x32xf32, #tpu.memory_space<vmem>>, vector<16xf32>,
      %swap3A_987 = arith.constant 5 : i32
      %swap3A_988 = arith.index_cast %swap3A_987 : i32 to index
      %swap3A_989 = arith.constant 0 : index
      %swap3A_990 = tpu.vector_load %arg15[%swap3A_988, %swap3A_989] {strides = array<i32>} : memref<12x32xf32, #tpu.memory_space<vmem>>, vector<16xf32>,
      tpu.vector_store %arg15[%swap3A_988, %swap3A_989], %add3A_892 {strides = array<i32>} : memref<12x32xf32, #tpu.memory_space<vmem>>, vector<16xf32>,
      %swap3A_991 = arith.constant 9 : i32
      %swap3A_992 = arith.index_cast %swap3A_991 : i32 to index
      %swap3A_993 = arith.constant 0 : index
      %swap3A_994 = tpu.vector_load %arg15[%swap3A_992, %swap3A_993] {strides = array<i32>} : memref<12x32xf32, #tpu.memory_space<vmem>>, vector<16xf32>,
      tpu.vector_store %arg15[%swap3A_992, %swap3A_993], %add3A_951 {strides = array<i32>} : memref<12x32xf32, #tpu.memory_space<vmem>>, vector<16xf32>,
      %swap3A_995 = arith.constant 2 : i32
      %swap3A_996 = arith.index_cast %swap3A_995 : i32 to index
      %swap3A_997 = arith.constant 0 : index
      %swap3A_998 = tpu.vector_load %arg15[%swap3A_996, %swap3A_997] {strides = array<i32>} : memref<12x32xf32, #tpu.memory_space<vmem>>, vector<16xf32>,
      tpu.vector_store %arg15[%swap3A_996, %swap3A_997], %mul3A_844 {strides = array<i32>} : memref<12x32xf32, #tpu.memory_space<vmem>>, vector<16xf32>,
      %swap3A_999 = arith.constant 6 : i32
      %swap3A_1000 = arith.index_cast %swap3A_999 : i32 to index
      %swap3A_1001 = arith.constant 0 : index
      %swap3A_1002 = tpu.vector_load %arg15[%swap3A_1000, %swap3A_1001] {strides = array<i32>} : memref<12x32xf32, #tpu.memory_space<vmem>>, vector<16xf32>,
      tpu.vector_store %arg15[%swap3A_1000, %swap3A_1001], %mul3A_903 {strides = array<i32>} : memref<12x32xf32, #tpu.memory_space<vmem>>, vector<16xf32>,
      %swap3A_1003 = arith.constant 10 : i32
      %swap3A_1004 = arith.index_cast %swap3A_1003 : i32 to index
      %swap3A_1005 = arith.constant 0 : index
      %swap3A_1006 = tpu.vector_load %arg15[%swap3A_1004, %swap3A_1005] {strides = array<i32>} : memref<12x32xf32, #tpu.memory_space<vmem>>, vector<16xf32>,
      tpu.vector_store %arg15[%swap3A_1004, %swap3A_1005], %mul3A_962 {strides = array<i32>} : memref<12x32xf32, #tpu.memory_space<vmem>>, vector<16xf32>,
      %swap3A_1007 = arith.constant 3 : i32
      %swap3A_1008 = arith.index_cast %swap3A_1007 : i32 to index
      %swap3A_1009 = arith.constant 0 : index
      %swap3A_1010 = tpu.vector_load %arg15[%swap3A_1008, %swap3A_1009] {strides = array<i32>} : memref<12x32xf32, #tpu.memory_space<vmem>>, vector<16xf32>,
      tpu.vector_store %arg15[%swap3A_1008, %swap3A_1009], %mul3A_852 {strides = array<i32>} : memref<12x32xf32, #tpu.memory_space<vmem>>, vector<16xf32>,
      %swap3A_1011 = arith.constant 7 : i32
      %swap3A_1012 = arith.index_cast %swap3A_1011 : i32 to index
      %swap3A_1013 = arith.constant 0 : index
      %swap3A_1014 = tpu.vector_load %arg15[%swap3A_1012, %swap3A_1013] {strides = array<i32>} : memref<12x32xf32, #tpu.memory_space<vmem>>, vector<16xf32>,
      tpu.vector_store %arg15[%swap3A_1012, %swap3A_1013], %mul3A_911 {strides = array<i32>} : memref<12x32xf32, #tpu.memory_space<vmem>>, vector<16xf32>,
      %swap3A_1015 = arith.constant 11 : i32
      %swap3A_1016 = arith.index_cast %swap3A_1015 : i32 to index
      %swap3A_1017 = arith.constant 0 : index
      %swap3A_1018 = tpu.vector_load %arg15[%swap3A_1016, %swap3A_1017] {strides = array<i32>} : memref<12x32xf32, #tpu.memory_space<vmem>>, vector<16xf32>,
      tpu.vector_store %arg15[%swap3A_1016, %swap3A_1017], %mul3A_970 {strides = array<i32>} : memref<12x32xf32, #tpu.memory_space<vmem>>, vector<16xf32>,
      %swap3A_1019 = arith.constant 0 : index
      %swap3A_1020 = tpu.vector_load %arg17[%swap3A_1019] {strides = array<i32>} : memref<32xi32, #tpu.memory_space<vmem>>, vector<16xi32>,
      tpu.vector_store %arg17[%swap3A_1019], %min3A_929 {strides = array<i32>} : memref<32xi32, #tpu.memory_space<vmem>>, vector<16xi32>,
      %and3A_1021 = arith.constant 1 : i32
      %and3A_1022 = vector.broadcast %and3A_1021 : i32 to vector<16xi32>
      %and3A_1023 = arith.andi %min3A_870, %and3A_1022 : vector<16xi32>
      %shift_right_logical3A_1024 = arith.constant 1 : i32
      %shift_right_logical3A_1025 = vector.broadcast %shift_right_logical3A_1024 : i32 to vector<16xi32>
      %shift_right_logical3A_1026 = arith.shrui %min3A_870, %shift_right_logical3A_1025 : vector<16xi32>
      %mul3A_1027 = arith.constant 2048 : i32
      %mul3A_1028 = vector.broadcast %mul3A_1027 : i32 to vector<16xi32>
      %mul3A_1029 = arith.muli %and3A_1023, %mul3A_1028 : vector<16xi32>
      %mul3A_1030 = arith.constant 32 : i32
      %mul3A_1031 = vector.broadcast %mul3A_1030 : i32 to vector<16xi32>
      %mul3A_1032 = arith.muli %min3A_811, %mul3A_1031 : vector<16xi32>
      %add3A_1033 = arith.addi %mul3A_1029, %mul3A_1032 : vector<16xi32>
      %add3A_1034 = arith.addi %add3A_1033, %shift_right_logical3A_1026 : vector<16xi32>
      %add3A_1035 = arith.constant 0 : i32
      %add3A_1036 = vector.broadcast %add3A_1035 : i32 to vector<16xi32>
      %add3A_1037 = arith.addi %add3A_1034, %add3A_1036 : vector<16xi32>
      %swap3A_1038 = arith.constant 0 : i32
      %swap3A_1039 = arith.index_cast %swap3A_1038 : i32 to index
      %swap3A_1040 = arith.constant 0 : index
      %swap3A_1041 = tpu.vector_load %arg11[%swap3A_1039, %swap3A_1040] {strides = array<i32>} : memref<8x32xi32, #tpu.memory_space<vmem>>, vector<16xi32>,
      tpu.vector_store %arg11[%swap3A_1039, %swap3A_1040], %add3A_1037 {strides = array<i32>} : memref<8x32xi32, #tpu.memory_space<vmem>>, vector<16xi32>,
      %add3A_1042 = arith.constant 1 : i32
      %add3A_1043 = vector.broadcast %add3A_1042 : i32 to vector<16xi32>
      %add3A_1044 = arith.addi %add3A_1034, %add3A_1043 : vector<16xi32>
      %swap3A_1045 = arith.constant 1 : i32
      %swap3A_1046 = arith.index_cast %swap3A_1045 : i32 to index
      %swap3A_1047 = arith.constant 0 : index
      %swap3A_1048 = tpu.vector_load %arg11[%swap3A_1046, %swap3A_1047] {strides = array<i32>} : memref<8x32xi32, #tpu.memory_space<vmem>>, vector<16xi32>,
      tpu.vector_store %arg11[%swap3A_1046, %swap3A_1047], %add3A_1044 {strides = array<i32>} : memref<8x32xi32, #tpu.memory_space<vmem>>, vector<16xi32>,
      %add3A_1049 = arith.constant 32 : i32
      %add3A_1050 = vector.broadcast %add3A_1049 : i32 to vector<16xi32>
      %add3A_1051 = arith.addi %add3A_1034, %add3A_1050 : vector<16xi32>
      %swap3A_1052 = arith.constant 2 : i32
      %swap3A_1053 = arith.index_cast %swap3A_1052 : i32 to index
      %swap3A_1054 = arith.constant 0 : index
      %swap3A_1055 = tpu.vector_load %arg11[%swap3A_1053, %swap3A_1054] {strides = array<i32>} : memref<8x32xi32, #tpu.memory_space<vmem>>, vector<16xi32>,
      tpu.vector_store %arg11[%swap3A_1053, %swap3A_1054], %add3A_1051 {strides = array<i32>} : memref<8x32xi32, #tpu.memory_space<vmem>>, vector<16xi32>,
      %add3A_1056 = arith.constant 33 : i32
      %add3A_1057 = vector.broadcast %add3A_1056 : i32 to vector<16xi32>
      %add3A_1058 = arith.addi %add3A_1034, %add3A_1057 : vector<16xi32>
      %swap3A_1059 = arith.constant 3 : i32
      %swap3A_1060 = arith.index_cast %swap3A_1059 : i32 to index
      %swap3A_1061 = arith.constant 0 : index
      %swap3A_1062 = tpu.vector_load %arg11[%swap3A_1060, %swap3A_1061] {strides = array<i32>} : memref<8x32xi32, #tpu.memory_space<vmem>>, vector<16xi32>,
      tpu.vector_store %arg11[%swap3A_1060, %swap3A_1061], %add3A_1058 {strides = array<i32>} : memref<8x32xi32, #tpu.memory_space<vmem>>, vector<16xi32>,
      %add3A_1063 = arith.constant 64 : i32
      %add3A_1064 = vector.broadcast %add3A_1063 : i32 to vector<16xi32>
      %add3A_1065 = arith.addi %add3A_1034, %add3A_1064 : vector<16xi32>
      %swap3A_1066 = arith.constant 4 : i32
      %swap3A_1067 = arith.index_cast %swap3A_1066 : i32 to index
      %swap3A_1068 = arith.constant 0 : index
      %swap3A_1069 = tpu.vector_load %arg11[%swap3A_1067, %swap3A_1068] {strides = array<i32>} : memref<8x32xi32, #tpu.memory_space<vmem>>, vector<16xi32>,
      tpu.vector_store %arg11[%swap3A_1067, %swap3A_1068], %add3A_1065 {strides = array<i32>} : memref<8x32xi32, #tpu.memory_space<vmem>>, vector<16xi32>,
      %add3A_1070 = arith.constant 65 : i32
      %add3A_1071 = vector.broadcast %add3A_1070 : i32 to vector<16xi32>
      %add3A_1072 = arith.addi %add3A_1034, %add3A_1071 : vector<16xi32>
      %swap3A_1073 = arith.constant 5 : i32
      %swap3A_1074 = arith.index_cast %swap3A_1073 : i32 to index
      %swap3A_1075 = arith.constant 0 : index
      %swap3A_1076 = tpu.vector_load %arg11[%swap3A_1074, %swap3A_1075] {strides = array<i32>} : memref<8x32xi32, #tpu.memory_space<vmem>>, vector<16xi32>,
      tpu.vector_store %arg11[%swap3A_1074, %swap3A_1075], %add3A_1072 {strides = array<i32>} : memref<8x32xi32, #tpu.memory_space<vmem>>, vector<16xi32>,
      %add3A_1077 = arith.constant 96 : i32
      %add3A_1078 = vector.broadcast %add3A_1077 : i32 to vector<16xi32>
      %add3A_1079 = arith.addi %add3A_1034, %add3A_1078 : vector<16xi32>
      %swap3A_1080 = arith.constant 6 : i32
      %swap3A_1081 = arith.index_cast %swap3A_1080 : i32 to index
      %swap3A_1082 = arith.constant 0 : index
      %swap3A_1083 = tpu.vector_load %arg11[%swap3A_1081, %swap3A_1082] {strides = array<i32>} : memref<8x32xi32, #tpu.memory_space<vmem>>, vector<16xi32>,
      tpu.vector_store %arg11[%swap3A_1081, %swap3A_1082], %add3A_1079 {strides = array<i32>} : memref<8x32xi32, #tpu.memory_space<vmem>>, vector<16xi32>,
      %add3A_1084 = arith.constant 97 : i32
      %add3A_1085 = vector.broadcast %add3A_1084 : i32 to vector<16xi32>
      %add3A_1086 = arith.addi %add3A_1034, %add3A_1085 : vector<16xi32>
      %swap3A_1087 = arith.constant 7 : i32
      %swap3A_1088 = arith.index_cast %swap3A_1087 : i32 to index
      %swap3A_1089 = arith.constant 0 : index
      %swap3A_1090 = tpu.vector_load %arg11[%swap3A_1088, %swap3A_1089] {strides = array<i32>} : memref<8x32xi32, #tpu.memory_space<vmem>>, vector<16xi32>,
      tpu.vector_store %arg11[%swap3A_1088, %swap3A_1089], %add3A_1086 {strides = array<i32>} : memref<8x32xi32, #tpu.memory_space<vmem>>, vector<16xi32>,
      %mul3A_1091 = arith.constant 32 : i32
      %mul3A_1092 = arith.muli %add3A_783, %mul3A_1091 : i32
      %add3A_1093 = arith.constant 16 : i32
      %add3A_1094 = arith.addi %mul3A_1092, %add3A_1093 : i32
      %get3A_1095 = arith.index_cast %add3A_1094 : i32 to index
      %get3A_1096 = tpu.vector_load %arg7[%get3A_1095] {strides = array<i32>} : memref<3168xf32, #tpu.memory_space<vmem>>, vector<16xf32>,
      %get3A_1097 = arith.index_cast %add3A_1094 : i32 to index
      %get3A_1098 = tpu.vector_load %arg8[%get3A_1097] {strides = array<i32>} : memref<3168xf32, #tpu.memory_space<vmem>>, vector<16xf32>,
      %get3A_1099 = arith.index_cast %add3A_1094 : i32 to index
      %get3A_1100 = tpu.vector_load %arg9[%get3A_1099] {strides = array<i32>} : memref<3168xf32, #tpu.memory_space<vmem>>, vector<16xf32>,
      %convert_element_type3A_1101 = arith.fptosi %get3A_1096 : vector<16xf32> to vector<16xi32>
      %convert_element_type3A_1102 = arith.sitofp %convert_element_type3A_1101 : vector<16xi32> to vector<16xf32>
      %sub3A_1103 = arith.subf %get3A_1096, %convert_element_type3A_1102 : vector<16xf32>
      %jit3A_1104 = arith.constant 0.000000e+00 : f32
      %jit3A_1105 = arith.constant 1.000000e+00 : f32
      %max3A_1106 = vector.broadcast %jit3A_1104 : f32 to vector<16xf32>
      %max3A_1107 = arith.maximumf %max3A_1106, %sub3A_1103 : vector<16xf32>
      %min3A_1108 = vector.broadcast %jit3A_1105 : f32 to vector<16xf32>
      %min3A_1109 = arith.minimumf %min3A_1108, %max3A_1107 : vector<16xf32>
      %sub3A_1110 = arith.constant 1 : i32
      %sub3A_1111 = vector.broadcast %sub3A_1110 : i32 to vector<16xi32>
      %sub3A_1112 = arith.subi %convert_element_type3A_1101, %sub3A_1111 : vector<16xi32>
      %jit3A_1113 = arith.constant 0 : i32
      %jit3A_1114 = arith.constant 60 : i32
      %max3A_1115 = vector.broadcast %jit3A_1113 : i32 to vector<16xi32>
      %max3A_1116 = arith.maxsi %max3A_1115, %sub3A_1112 : vector<16xi32>
      %min3A_1117 = vector.broadcast %jit3A_1114 : i32 to vector<16xi32>
      %min3A_1118 = arith.minsi %min3A_1117, %max3A_1116 : vector<16xi32>
      %mul3A_1119 = arith.constant -5.000000e-01 : f32
      %mul3A_1120 = vector.broadcast %mul3A_1119 : f32 to vector<16xf32>
      %mul3A_1121 = arith.mulf %mul3A_1120, %min3A_1109 : vector<16xf32>
      %add3A_1122 = arith.constant 1.000000e+00 : f32
      %add3A_1123 = vector.broadcast %add3A_1122 : f32 to vector<16xf32>
      %add3A_1124 = arith.addf %mul3A_1121, %add3A_1123 : vector<16xf32>
      %mul3A_1125 = arith.mulf %add3A_1124, %min3A_1109 : vector<16xf32>
      %sub3A_1126 = arith.constant 5.000000e-01 : f32
      %sub3A_1127 = vector.broadcast %sub3A_1126 : f32 to vector<16xf32>
      %sub3A_1128 = arith.subf %mul3A_1125, %sub3A_1127 : vector<16xf32>
      %mul3A_1129 = arith.mulf %sub3A_1128, %min3A_1109 : vector<16xf32>
      %mul3A_1130 = arith.constant 1.500000e+00 : f32
      %mul3A_1131 = vector.broadcast %mul3A_1130 : f32 to vector<16xf32>
      %mul3A_1132 = arith.mulf %mul3A_1131, %min3A_1109 : vector<16xf32>
      %sub3A_1133 = arith.constant 2.500000e+00 : f32
      %sub3A_1134 = vector.broadcast %sub3A_1133 : f32 to vector<16xf32>
      %sub3A_1135 = arith.subf %mul3A_1132, %sub3A_1134 : vector<16xf32>
      %mul3A_1136 = arith.mulf %sub3A_1135, %min3A_1109 : vector<16xf32>
      %mul3A_1137 = arith.mulf %mul3A_1136, %min3A_1109 : vector<16xf32>
      %add3A_1138 = arith.constant 1.000000e+00 : f32
      %add3A_1139 = vector.broadcast %add3A_1138 : f32 to vector<16xf32>
      %add3A_1140 = arith.addf %mul3A_1137, %add3A_1139 : vector<16xf32>
      %mul3A_1141 = arith.constant -1.500000e+00 : f32
      %mul3A_1142 = vector.broadcast %mul3A_1141 : f32 to vector<16xf32>
      %mul3A_1143 = arith.mulf %mul3A_1142, %min3A_1109 : vector<16xf32>
      %add3A_1144 = arith.constant 2.000000e+00 : f32
      %add3A_1145 = vector.broadcast %add3A_1144 : f32 to vector<16xf32>
      %add3A_1146 = arith.addf %mul3A_1143, %add3A_1145 : vector<16xf32>
      %mul3A_1147 = arith.mulf %add3A_1146, %min3A_1109 : vector<16xf32>
      %add3A_1148 = arith.constant 5.000000e-01 : f32
      %add3A_1149 = vector.broadcast %add3A_1148 : f32 to vector<16xf32>
      %add3A_1150 = arith.addf %mul3A_1147, %add3A_1149 : vector<16xf32>
      %mul3A_1151 = arith.mulf %add3A_1150, %min3A_1109 : vector<16xf32>
      %mul3A_1152 = arith.constant 5.000000e-01 : f32
      %mul3A_1153 = vector.broadcast %mul3A_1152 : f32 to vector<16xf32>
      %mul3A_1154 = arith.mulf %mul3A_1153, %min3A_1109 : vector<16xf32>
      %sub3A_1155 = arith.constant 5.000000e-01 : f32
      %sub3A_1156 = vector.broadcast %sub3A_1155 : f32 to vector<16xf32>
      %sub3A_1157 = arith.subf %mul3A_1154, %sub3A_1156 : vector<16xf32>
      %mul3A_1158 = arith.mulf %sub3A_1157, %min3A_1109 : vector<16xf32>
      %mul3A_1159 = arith.mulf %mul3A_1158, %min3A_1109 : vector<16xf32>
      %convert_element_type3A_1160 = arith.fptosi %get3A_1098 : vector<16xf32> to vector<16xi32>
      %convert_element_type3A_1161 = arith.sitofp %convert_element_type3A_1160 : vector<16xi32> to vector<16xf32>
      %sub3A_1162 = arith.subf %get3A_1098, %convert_element_type3A_1161 : vector<16xf32>
      %jit3A_1163 = arith.constant 0.000000e+00 : f32
      %jit3A_1164 = arith.constant 1.000000e+00 : f32
      %max3A_1165 = vector.broadcast %jit3A_1163 : f32 to vector<16xf32>
      %max3A_1166 = arith.maximumf %max3A_1165, %sub3A_1162 : vector<16xf32>
      %min3A_1167 = vector.broadcast %jit3A_1164 : f32 to vector<16xf32>
      %min3A_1168 = arith.minimumf %min3A_1167, %max3A_1166 : vector<16xf32>
      %sub3A_1169 = arith.constant 1 : i32
      %sub3A_1170 = vector.broadcast %sub3A_1169 : i32 to vector<16xi32>
      %sub3A_1171 = arith.subi %convert_element_type3A_1160, %sub3A_1170 : vector<16xi32>
      %jit3A_1172 = arith.constant 0 : i32
      %jit3A_1173 = arith.constant 60 : i32
      %max3A_1174 = vector.broadcast %jit3A_1172 : i32 to vector<16xi32>
      %max3A_1175 = arith.maxsi %max3A_1174, %sub3A_1171 : vector<16xi32>
      %min3A_1176 = vector.broadcast %jit3A_1173 : i32 to vector<16xi32>
      %min3A_1177 = arith.minsi %min3A_1176, %max3A_1175 : vector<16xi32>
      %mul3A_1178 = arith.constant -5.000000e-01 : f32
      %mul3A_1179 = vector.broadcast %mul3A_1178 : f32 to vector<16xf32>
      %mul3A_1180 = arith.mulf %mul3A_1179, %min3A_1168 : vector<16xf32>
      %add3A_1181 = arith.constant 1.000000e+00 : f32
      %add3A_1182 = vector.broadcast %add3A_1181 : f32 to vector<16xf32>
      %add3A_1183 = arith.addf %mul3A_1180, %add3A_1182 : vector<16xf32>
      %mul3A_1184 = arith.mulf %add3A_1183, %min3A_1168 : vector<16xf32>
      %sub3A_1185 = arith.constant 5.000000e-01 : f32
      %sub3A_1186 = vector.broadcast %sub3A_1185 : f32 to vector<16xf32>
      %sub3A_1187 = arith.subf %mul3A_1184, %sub3A_1186 : vector<16xf32>
      %mul3A_1188 = arith.mulf %sub3A_1187, %min3A_1168 : vector<16xf32>
      %mul3A_1189 = arith.constant 1.500000e+00 : f32
      %mul3A_1190 = vector.broadcast %mul3A_1189 : f32 to vector<16xf32>
      %mul3A_1191 = arith.mulf %mul3A_1190, %min3A_1168 : vector<16xf32>
      %sub3A_1192 = arith.constant 2.500000e+00 : f32
      %sub3A_1193 = vector.broadcast %sub3A_1192 : f32 to vector<16xf32>
      %sub3A_1194 = arith.subf %mul3A_1191, %sub3A_1193 : vector<16xf32>
      %mul3A_1195 = arith.mulf %sub3A_1194, %min3A_1168 : vector<16xf32>
      %mul3A_1196 = arith.mulf %mul3A_1195, %min3A_1168 : vector<16xf32>
      %add3A_1197 = arith.constant 1.000000e+00 : f32
      %add3A_1198 = vector.broadcast %add3A_1197 : f32 to vector<16xf32>
      %add3A_1199 = arith.addf %mul3A_1196, %add3A_1198 : vector<16xf32>
      %mul3A_1200 = arith.constant -1.500000e+00 : f32
      %mul3A_1201 = vector.broadcast %mul3A_1200 : f32 to vector<16xf32>
      %mul3A_1202 = arith.mulf %mul3A_1201, %min3A_1168 : vector<16xf32>
      %add3A_1203 = arith.constant 2.000000e+00 : f32
      %add3A_1204 = vector.broadcast %add3A_1203 : f32 to vector<16xf32>
      %add3A_1205 = arith.addf %mul3A_1202, %add3A_1204 : vector<16xf32>
      %mul3A_1206 = arith.mulf %add3A_1205, %min3A_1168 : vector<16xf32>
      %add3A_1207 = arith.constant 5.000000e-01 : f32
      %add3A_1208 = vector.broadcast %add3A_1207 : f32 to vector<16xf32>
      %add3A_1209 = arith.addf %mul3A_1206, %add3A_1208 : vector<16xf32>
      %mul3A_1210 = arith.mulf %add3A_1209, %min3A_1168 : vector<16xf32>
      %mul3A_1211 = arith.constant 5.000000e-01 : f32
      %mul3A_1212 = vector.broadcast %mul3A_1211 : f32 to vector<16xf32>
      %mul3A_1213 = arith.mulf %mul3A_1212, %min3A_1168 : vector<16xf32>
      %sub3A_1214 = arith.constant 5.000000e-01 : f32
      %sub3A_1215 = vector.broadcast %sub3A_1214 : f32 to vector<16xf32>
      %sub3A_1216 = arith.subf %mul3A_1213, %sub3A_1215 : vector<16xf32>
      %mul3A_1217 = arith.mulf %sub3A_1216, %min3A_1168 : vector<16xf32>
      %mul3A_1218 = arith.mulf %mul3A_1217, %min3A_1168 : vector<16xf32>
      %convert_element_type3A_1219 = arith.fptosi %get3A_1100 : vector<16xf32> to vector<16xi32>
      %convert_element_type3A_1220 = arith.sitofp %convert_element_type3A_1219 : vector<16xi32> to vector<16xf32>
      %sub3A_1221 = arith.subf %get3A_1100, %convert_element_type3A_1220 : vector<16xf32>
      %jit3A_1222 = arith.constant 0.000000e+00 : f32
      %jit3A_1223 = arith.constant 1.000000e+00 : f32
      %max3A_1224 = vector.broadcast %jit3A_1222 : f32 to vector<16xf32>
      %max3A_1225 = arith.maximumf %max3A_1224, %sub3A_1221 : vector<16xf32>
      %min3A_1226 = vector.broadcast %jit3A_1223 : f32 to vector<16xf32>
      %min3A_1227 = arith.minimumf %min3A_1226, %max3A_1225 : vector<16xf32>
      %sub3A_1228 = arith.constant 1 : i32
      %sub3A_1229 = vector.broadcast %sub3A_1228 : i32 to vector<16xi32>
      %sub3A_1230 = arith.subi %convert_element_type3A_1219, %sub3A_1229 : vector<16xi32>
      %jit3A_1231 = arith.constant 0 : i32
      %jit3A_1232 = arith.constant 60 : i32
      %max3A_1233 = vector.broadcast %jit3A_1231 : i32 to vector<16xi32>
      %max3A_1234 = arith.maxsi %max3A_1233, %sub3A_1230 : vector<16xi32>
      %min3A_1235 = vector.broadcast %jit3A_1232 : i32 to vector<16xi32>
      %min3A_1236 = arith.minsi %min3A_1235, %max3A_1234 : vector<16xi32>
      %mul3A_1237 = arith.constant -5.000000e-01 : f32
      %mul3A_1238 = vector.broadcast %mul3A_1237 : f32 to vector<16xf32>
      %mul3A_1239 = arith.mulf %mul3A_1238, %min3A_1227 : vector<16xf32>
      %add3A_1240 = arith.constant 1.000000e+00 : f32
      %add3A_1241 = vector.broadcast %add3A_1240 : f32 to vector<16xf32>
      %add3A_1242 = arith.addf %mul3A_1239, %add3A_1241 : vector<16xf32>
      %mul3A_1243 = arith.mulf %add3A_1242, %min3A_1227 : vector<16xf32>
      %sub3A_1244 = arith.constant 5.000000e-01 : f32
      %sub3A_1245 = vector.broadcast %sub3A_1244 : f32 to vector<16xf32>
      %sub3A_1246 = arith.subf %mul3A_1243, %sub3A_1245 : vector<16xf32>
      %mul3A_1247 = arith.mulf %sub3A_1246, %min3A_1227 : vector<16xf32>
      %mul3A_1248 = arith.constant 1.500000e+00 : f32
      %mul3A_1249 = vector.broadcast %mul3A_1248 : f32 to vector<16xf32>
      %mul3A_1250 = arith.mulf %mul3A_1249, %min3A_1227 : vector<16xf32>
      %sub3A_1251 = arith.constant 2.500000e+00 : f32
      %sub3A_1252 = vector.broadcast %sub3A_1251 : f32 to vector<16xf32>
      %sub3A_1253 = arith.subf %mul3A_1250, %sub3A_1252 : vector<16xf32>
      %mul3A_1254 = arith.mulf %sub3A_1253, %min3A_1227 : vector<16xf32>
      %mul3A_1255 = arith.mulf %mul3A_1254, %min3A_1227 : vector<16xf32>
      %add3A_1256 = arith.constant 1.000000e+00 : f32
      %add3A_1257 = vector.broadcast %add3A_1256 : f32 to vector<16xf32>
      %add3A_1258 = arith.addf %mul3A_1255, %add3A_1257 : vector<16xf32>
      %mul3A_1259 = arith.constant -1.500000e+00 : f32
      %mul3A_1260 = vector.broadcast %mul3A_1259 : f32 to vector<16xf32>
      %mul3A_1261 = arith.mulf %mul3A_1260, %min3A_1227 : vector<16xf32>
      %add3A_1262 = arith.constant 2.000000e+00 : f32
      %add3A_1263 = vector.broadcast %add3A_1262 : f32 to vector<16xf32>
      %add3A_1264 = arith.addf %mul3A_1261, %add3A_1263 : vector<16xf32>
      %mul3A_1265 = arith.mulf %add3A_1264, %min3A_1227 : vector<16xf32>
      %add3A_1266 = arith.constant 5.000000e-01 : f32
      %add3A_1267 = vector.broadcast %add3A_1266 : f32 to vector<16xf32>
      %add3A_1268 = arith.addf %mul3A_1265, %add3A_1267 : vector<16xf32>
      %mul3A_1269 = arith.mulf %add3A_1268, %min3A_1227 : vector<16xf32>
      %mul3A_1270 = arith.constant 5.000000e-01 : f32
      %mul3A_1271 = vector.broadcast %mul3A_1270 : f32 to vector<16xf32>
      %mul3A_1272 = arith.mulf %mul3A_1271, %min3A_1227 : vector<16xf32>
      %sub3A_1273 = arith.constant 5.000000e-01 : f32
      %sub3A_1274 = vector.broadcast %sub3A_1273 : f32 to vector<16xf32>
      %sub3A_1275 = arith.subf %mul3A_1272, %sub3A_1274 : vector<16xf32>
      %mul3A_1276 = arith.mulf %sub3A_1275, %min3A_1227 : vector<16xf32>
      %mul3A_1277 = arith.mulf %mul3A_1276, %min3A_1227 : vector<16xf32>
      %swap3A_1278 = arith.constant 0 : i32
      %swap3A_1279 = arith.index_cast %swap3A_1278 : i32 to index
      %swap3A_1280 = arith.constant 16 : index
      %swap3A_1281 = tpu.vector_load %arg15[%swap3A_1279, %swap3A_1280] {strides = array<i32>} : memref<12x32xf32, #tpu.memory_space<vmem>>, vector<16xf32>,
      tpu.vector_store %arg15[%swap3A_1279, %swap3A_1280], %mul3A_1129 {strides = array<i32>} : memref<12x32xf32, #tpu.memory_space<vmem>>, vector<16xf32>,
      %swap3A_1282 = arith.constant 4 : i32
      %swap3A_1283 = arith.index_cast %swap3A_1282 : i32 to index
      %swap3A_1284 = arith.constant 16 : index
      %swap3A_1285 = tpu.vector_load %arg15[%swap3A_1283, %swap3A_1284] {strides = array<i32>} : memref<12x32xf32, #tpu.memory_space<vmem>>, vector<16xf32>,
      tpu.vector_store %arg15[%swap3A_1283, %swap3A_1284], %mul3A_1188 {strides = array<i32>} : memref<12x32xf32, #tpu.memory_space<vmem>>, vector<16xf32>,
      %swap3A_1286 = arith.constant 8 : i32
      %swap3A_1287 = arith.index_cast %swap3A_1286 : i32 to index
      %swap3A_1288 = arith.constant 16 : index
      %swap3A_1289 = tpu.vector_load %arg15[%swap3A_1287, %swap3A_1288] {strides = array<i32>} : memref<12x32xf32, #tpu.memory_space<vmem>>, vector<16xf32>,
      tpu.vector_store %arg15[%swap3A_1287, %swap3A_1288], %mul3A_1247 {strides = array<i32>} : memref<12x32xf32, #tpu.memory_space<vmem>>, vector<16xf32>,
      %swap3A_1290 = arith.constant 1 : i32
      %swap3A_1291 = arith.index_cast %swap3A_1290 : i32 to index
      %swap3A_1292 = arith.constant 16 : index
      %swap3A_1293 = tpu.vector_load %arg15[%swap3A_1291, %swap3A_1292] {strides = array<i32>} : memref<12x32xf32, #tpu.memory_space<vmem>>, vector<16xf32>,
      tpu.vector_store %arg15[%swap3A_1291, %swap3A_1292], %add3A_1140 {strides = array<i32>} : memref<12x32xf32, #tpu.memory_space<vmem>>, vector<16xf32>,
      %swap3A_1294 = arith.constant 5 : i32
      %swap3A_1295 = arith.index_cast %swap3A_1294 : i32 to index
      %swap3A_1296 = arith.constant 16 : index
      %swap3A_1297 = tpu.vector_load %arg15[%swap3A_1295, %swap3A_1296] {strides = array<i32>} : memref<12x32xf32, #tpu.memory_space<vmem>>, vector<16xf32>,
      tpu.vector_store %arg15[%swap3A_1295, %swap3A_1296], %add3A_1199 {strides = array<i32>} : memref<12x32xf32, #tpu.memory_space<vmem>>, vector<16xf32>,
      %swap3A_1298 = arith.constant 9 : i32
      %swap3A_1299 = arith.index_cast %swap3A_1298 : i32 to index
      %swap3A_1300 = arith.constant 16 : index
      %swap3A_1301 = tpu.vector_load %arg15[%swap3A_1299, %swap3A_1300] {strides = array<i32>} : memref<12x32xf32, #tpu.memory_space<vmem>>, vector<16xf32>,
      tpu.vector_store %arg15[%swap3A_1299, %swap3A_1300], %add3A_1258 {strides = array<i32>} : memref<12x32xf32, #tpu.memory_space<vmem>>, vector<16xf32>,
      %swap3A_1302 = arith.constant 2 : i32
      %swap3A_1303 = arith.index_cast %swap3A_1302 : i32 to index
      %swap3A_1304 = arith.constant 16 : index
      %swap3A_1305 = tpu.vector_load %arg15[%swap3A_1303, %swap3A_1304] {strides = array<i32>} : memref<12x32xf32, #tpu.memory_space<vmem>>, vector<16xf32>,
      tpu.vector_store %arg15[%swap3A_1303, %swap3A_1304], %mul3A_1151 {strides = array<i32>} : memref<12x32xf32, #tpu.memory_space<vmem>>, vector<16xf32>,
      %swap3A_1306 = arith.constant 6 : i32
      %swap3A_1307 = arith.index_cast %swap3A_1306 : i32 to index
      %swap3A_1308 = arith.constant 16 : index
      %swap3A_1309 = tpu.vector_load %arg15[%swap3A_1307, %swap3A_1308] {strides = array<i32>} : memref<12x32xf32, #tpu.memory_space<vmem>>, vector<16xf32>,
      tpu.vector_store %arg15[%swap3A_1307, %swap3A_1308], %mul3A_1210 {strides = array<i32>} : memref<12x32xf32, #tpu.memory_space<vmem>>, vector<16xf32>,
      %swap3A_1310 = arith.constant 10 : i32
      %swap3A_1311 = arith.index_cast %swap3A_1310 : i32 to index
      %swap3A_1312 = arith.constant 16 : index
      %swap3A_1313 = tpu.vector_load %arg15[%swap3A_1311, %swap3A_1312] {strides = array<i32>} : memref<12x32xf32, #tpu.memory_space<vmem>>, vector<16xf32>,
      tpu.vector_store %arg15[%swap3A_1311, %swap3A_1312], %mul3A_1269 {strides = array<i32>} : memref<12x32xf32, #tpu.memory_space<vmem>>, vector<16xf32>,
      %swap3A_1314 = arith.constant 3 : i32
      %swap3A_1315 = arith.index_cast %swap3A_1314 : i32 to index
      %swap3A_1316 = arith.constant 16 : index
      %swap3A_1317 = tpu.vector_load %arg15[%swap3A_1315, %swap3A_1316] {strides = array<i32>} : memref<12x32xf32, #tpu.memory_space<vmem>>, vector<16xf32>,
      tpu.vector_store %arg15[%swap3A_1315, %swap3A_1316], %mul3A_1159 {strides = array<i32>} : memref<12x32xf32, #tpu.memory_space<vmem>>, vector<16xf32>,
      %swap3A_1318 = arith.constant 7 : i32
      %swap3A_1319 = arith.index_cast %swap3A_1318 : i32 to index
      %swap3A_1320 = arith.constant 16 : index
      %swap3A_1321 = tpu.vector_load %arg15[%swap3A_1319, %swap3A_1320] {strides = array<i32>} : memref<12x32xf32, #tpu.memory_space<vmem>>, vector<16xf32>,
      tpu.vector_store %arg15[%swap3A_1319, %swap3A_1320], %mul3A_1218 {strides = array<i32>} : memref<12x32xf32, #tpu.memory_space<vmem>>, vector<16xf32>,
      %swap3A_1322 = arith.constant 11 : i32
      %swap3A_1323 = arith.index_cast %swap3A_1322 : i32 to index
      %swap3A_1324 = arith.constant 16 : index
      %swap3A_1325 = tpu.vector_load %arg15[%swap3A_1323, %swap3A_1324] {strides = array<i32>} : memref<12x32xf32, #tpu.memory_space<vmem>>, vector<16xf32>,
      tpu.vector_store %arg15[%swap3A_1323, %swap3A_1324], %mul3A_1277 {strides = array<i32>} : memref<12x32xf32, #tpu.memory_space<vmem>>, vector<16xf32>,
      %swap3A_1326 = arith.constant 16 : index
      %swap3A_1327 = tpu.vector_load %arg17[%swap3A_1326] {strides = array<i32>} : memref<32xi32, #tpu.memory_space<vmem>>, vector<16xi32>,
      tpu.vector_store %arg17[%swap3A_1326], %min3A_1236 {strides = array<i32>} : memref<32xi32, #tpu.memory_space<vmem>>, vector<16xi32>,
      %and3A_1328 = arith.constant 1 : i32
      %and3A_1329 = vector.broadcast %and3A_1328 : i32 to vector<16xi32>
      %and3A_1330 = arith.andi %min3A_1177, %and3A_1329 : vector<16xi32>
      %shift_right_logical3A_1331 = arith.constant 1 : i32
      %shift_right_logical3A_1332 = vector.broadcast %shift_right_logical3A_1331 : i32 to vector<16xi32>
      %shift_right_logical3A_1333 = arith.shrui %min3A_1177, %shift_right_logical3A_1332 : vector<16xi32>
      %mul3A_1334 = arith.constant 2048 : i32
      %mul3A_1335 = vector.broadcast %mul3A_1334 : i32 to vector<16xi32>
      %mul3A_1336 = arith.muli %and3A_1330, %mul3A_1335 : vector<16xi32>
      %mul3A_1337 = arith.constant 32 : i32
      %mul3A_1338 = vector.broadcast %mul3A_1337 : i32 to vector<16xi32>
      %mul3A_1339 = arith.muli %min3A_1118, %mul3A_1338 : vector<16xi32>
      %add3A_1340 = arith.addi %mul3A_1336, %mul3A_1339 : vector<16xi32>
      %add3A_1341 = arith.addi %add3A_1340, %shift_right_logical3A_1333 : vector<16xi32>
      %add3A_1342 = arith.constant 0 : i32
      %add3A_1343 = vector.broadcast %add3A_1342 : i32 to vector<16xi32>
      %add3A_1344 = arith.addi %add3A_1341, %add3A_1343 : vector<16xi32>
      %swap3A_1345 = arith.constant 0 : i32
      %swap3A_1346 = arith.index_cast %swap3A_1345 : i32 to index
      %swap3A_1347 = arith.constant 16 : index
      %swap3A_1348 = tpu.vector_load %arg11[%swap3A_1346, %swap3A_1347] {strides = array<i32>} : memref<8x32xi32, #tpu.memory_space<vmem>>, vector<16xi32>,
      tpu.vector_store %arg11[%swap3A_1346, %swap3A_1347], %add3A_1344 {strides = array<i32>} : memref<8x32xi32, #tpu.memory_space<vmem>>, vector<16xi32>,
      %add3A_1349 = arith.constant 1 : i32
      %add3A_1350 = vector.broadcast %add3A_1349 : i32 to vector<16xi32>
      %add3A_1351 = arith.addi %add3A_1341, %add3A_1350 : vector<16xi32>
      %swap3A_1352 = arith.constant 1 : i32
      %swap3A_1353 = arith.index_cast %swap3A_1352 : i32 to index
      %swap3A_1354 = arith.constant 16 : index
      %swap3A_1355 = tpu.vector_load %arg11[%swap3A_1353, %swap3A_1354] {strides = array<i32>} : memref<8x32xi32, #tpu.memory_space<vmem>>, vector<16xi32>,
      tpu.vector_store %arg11[%swap3A_1353, %swap3A_1354], %add3A_1351 {strides = array<i32>} : memref<8x32xi32, #tpu.memory_space<vmem>>, vector<16xi32>,
      %add3A_1356 = arith.constant 32 : i32
      %add3A_1357 = vector.broadcast %add3A_1356 : i32 to vector<16xi32>
      %add3A_1358 = arith.addi %add3A_1341, %add3A_1357 : vector<16xi32>
      %swap3A_1359 = arith.constant 2 : i32
      %swap3A_1360 = arith.index_cast %swap3A_1359 : i32 to index
      %swap3A_1361 = arith.constant 16 : index
      %swap3A_1362 = tpu.vector_load %arg11[%swap3A_1360, %swap3A_1361] {strides = array<i32>} : memref<8x32xi32, #tpu.memory_space<vmem>>, vector<16xi32>,
      tpu.vector_store %arg11[%swap3A_1360, %swap3A_1361], %add3A_1358 {strides = array<i32>} : memref<8x32xi32, #tpu.memory_space<vmem>>, vector<16xi32>,
      %add3A_1363 = arith.constant 33 : i32
      %add3A_1364 = vector.broadcast %add3A_1363 : i32 to vector<16xi32>
      %add3A_1365 = arith.addi %add3A_1341, %add3A_1364 : vector<16xi32>
      %swap3A_1366 = arith.constant 3 : i32
      %swap3A_1367 = arith.index_cast %swap3A_1366 : i32 to index
      %swap3A_1368 = arith.constant 16 : index
      %swap3A_1369 = tpu.vector_load %arg11[%swap3A_1367, %swap3A_1368] {strides = array<i32>} : memref<8x32xi32, #tpu.memory_space<vmem>>, vector<16xi32>,
      tpu.vector_store %arg11[%swap3A_1367, %swap3A_1368], %add3A_1365 {strides = array<i32>} : memref<8x32xi32, #tpu.memory_space<vmem>>, vector<16xi32>,
      %add3A_1370 = arith.constant 64 : i32
      %add3A_1371 = vector.broadcast %add3A_1370 : i32 to vector<16xi32>
      %add3A_1372 = arith.addi %add3A_1341, %add3A_1371 : vector<16xi32>
      %swap3A_1373 = arith.constant 4 : i32
      %swap3A_1374 = arith.index_cast %swap3A_1373 : i32 to index
      %swap3A_1375 = arith.constant 16 : index
      %swap3A_1376 = tpu.vector_load %arg11[%swap3A_1374, %swap3A_1375] {strides = array<i32>} : memref<8x32xi32, #tpu.memory_space<vmem>>, vector<16xi32>,
      tpu.vector_store %arg11[%swap3A_1374, %swap3A_1375], %add3A_1372 {strides = array<i32>} : memref<8x32xi32, #tpu.memory_space<vmem>>, vector<16xi32>,
      %add3A_1377 = arith.constant 65 : i32
      %add3A_1378 = vector.broadcast %add3A_1377 : i32 to vector<16xi32>
      %add3A_1379 = arith.addi %add3A_1341, %add3A_1378 : vector<16xi32>
      %swap3A_1380 = arith.constant 5 : i32
      %swap3A_1381 = arith.index_cast %swap3A_1380 : i32 to index
      %swap3A_1382 = arith.constant 16 : index
      %swap3A_1383 = tpu.vector_load %arg11[%swap3A_1381, %swap3A_1382] {strides = array<i32>} : memref<8x32xi32, #tpu.memory_space<vmem>>, vector<16xi32>,
      tpu.vector_store %arg11[%swap3A_1381, %swap3A_1382], %add3A_1379 {strides = array<i32>} : memref<8x32xi32, #tpu.memory_space<vmem>>, vector<16xi32>,
      %add3A_1384 = arith.constant 96 : i32
      %add3A_1385 = vector.broadcast %add3A_1384 : i32 to vector<16xi32>
      %add3A_1386 = arith.addi %add3A_1341, %add3A_1385 : vector<16xi32>
      %swap3A_1387 = arith.constant 6 : i32
      %swap3A_1388 = arith.index_cast %swap3A_1387 : i32 to index
      %swap3A_1389 = arith.constant 16 : index
      %swap3A_1390 = tpu.vector_load %arg11[%swap3A_1388, %swap3A_1389] {strides = array<i32>} : memref<8x32xi32, #tpu.memory_space<vmem>>, vector<16xi32>,
      tpu.vector_store %arg11[%swap3A_1388, %swap3A_1389], %add3A_1386 {strides = array<i32>} : memref<8x32xi32, #tpu.memory_space<vmem>>, vector<16xi32>,
      %add3A_1391 = arith.constant 97 : i32
      %add3A_1392 = vector.broadcast %add3A_1391 : i32 to vector<16xi32>
      %add3A_1393 = arith.addi %add3A_1341, %add3A_1392 : vector<16xi32>
      %swap3A_1394 = arith.constant 7 : i32
      %swap3A_1395 = arith.index_cast %swap3A_1394 : i32 to index
      %swap3A_1396 = arith.constant 16 : index
      %swap3A_1397 = tpu.vector_load %arg11[%swap3A_1395, %swap3A_1396] {strides = array<i32>} : memref<8x32xi32, #tpu.memory_space<vmem>>, vector<16xi32>,
      tpu.vector_store %arg11[%swap3A_1395, %swap3A_1396], %add3A_1393 {strides = array<i32>} : memref<8x32xi32, #tpu.memory_space<vmem>>, vector<16xi32>,
      %dma_start3A_1398 = arith.constant 0 : i32
      %dma_start3A_1399 = arith.constant 0 : i32
      %dma_start3A_1400 = arith.constant 0 : i32
      %dma_start3A_1401 = tpu.memref_slice %arg13[%dma_start3A_1399, %dma_start3A_1400] : memref<256x128xf32, #tpu.memory_space<vmem>> -> memref<32x128xf32, #tpu.memory_space<vmem>>
      %dma_start3A_1402 = arith.constant 0 : i32
      %dma_start3A_1403 = tpu.memref_slice %arg11[%dma_start3A_1398, %dma_start3A_1402] : memref<8x32xi32, #tpu.memory_space<vmem>> -> memref<1x32xi32, #tpu.memory_space<vmem>>
      %dma_start3A_1404 = tpu.memref_squeeze %dma_start3A_1403 : memref<1x32xi32, #tpu.memory_space<vmem>> -> memref<32xi32, #tpu.memory_space<vmem>>
      %dma_start3A_1405 = arith.constant 0 : i32
      %dma_start3A_1406 = arith.constant 0 : i32
      %dma_start3A_1407 = tpu.memref_slice %arg2[%dma_start3A_1405, %dma_start3A_1406] : memref<4096x128xf32, #tpu.memory_space<hbm>> -> memref<4096x128xf32, #tpu.memory_space<hbm>>
      tpu.enqueue_indirect_dma source(%dma_start3A_1407 : memref<4096x128xf32, #tpu.memory_space<hbm>>) target(%dma_start3A_1401 : memref<32x128xf32, #tpu.memory_space<vmem>>) offsets(%dma_start3A_1404 : memref<32xi32, #tpu.memory_space<vmem>>) semaphore(%arg19 : memref<!tpu.dma_semaphore, #tpu.memory_space<semaphore_mem>>)
      %dma_start3A_1408 = arith.constant 1 : i32
      %dma_start3A_1409 = arith.constant 32 : i32
      %dma_start3A_1410 = arith.constant 0 : i32
      %dma_start3A_1411 = tpu.memref_slice %arg13[%dma_start3A_1409, %dma_start3A_1410] : memref<256x128xf32, #tpu.memory_space<vmem>> -> memref<32x128xf32, #tpu.memory_space<vmem>>
      %dma_start3A_1412 = arith.constant 0 : i32
      %dma_start3A_1413 = tpu.memref_slice %arg11[%dma_start3A_1408, %dma_start3A_1412] : memref<8x32xi32, #tpu.memory_space<vmem>> -> memref<1x32xi32, #tpu.memory_space<vmem>>
      %dma_start3A_1414 = tpu.memref_squeeze %dma_start3A_1413 : memref<1x32xi32, #tpu.memory_space<vmem>> -> memref<32xi32, #tpu.memory_space<vmem>>
      %dma_start3A_1415 = arith.constant 0 : i32
      %dma_start3A_1416 = arith.constant 0 : i32
      %dma_start3A_1417 = tpu.memref_slice %arg2[%dma_start3A_1415, %dma_start3A_1416] : memref<4096x128xf32, #tpu.memory_space<hbm>> -> memref<4096x128xf32, #tpu.memory_space<hbm>>
      tpu.enqueue_indirect_dma source(%dma_start3A_1417 : memref<4096x128xf32, #tpu.memory_space<hbm>>) target(%dma_start3A_1411 : memref<32x128xf32, #tpu.memory_space<vmem>>) offsets(%dma_start3A_1414 : memref<32xi32, #tpu.memory_space<vmem>>) semaphore(%arg19 : memref<!tpu.dma_semaphore, #tpu.memory_space<semaphore_mem>>)
      %dma_start3A_1418 = arith.constant 2 : i32
      %dma_start3A_1419 = arith.constant 64 : i32
      %dma_start3A_1420 = arith.constant 0 : i32
      %dma_start3A_1421 = tpu.memref_slice %arg13[%dma_start3A_1419, %dma_start3A_1420] : memref<256x128xf32, #tpu.memory_space<vmem>> -> memref<32x128xf32, #tpu.memory_space<vmem>>
      %dma_start3A_1422 = arith.constant 0 : i32
      %dma_start3A_1423 = tpu.memref_slice %arg11[%dma_start3A_1418, %dma_start3A_1422] : memref<8x32xi32, #tpu.memory_space<vmem>> -> memref<1x32xi32, #tpu.memory_space<vmem>>
      %dma_start3A_1424 = tpu.memref_squeeze %dma_start3A_1423 : memref<1x32xi32, #tpu.memory_space<vmem>> -> memref<32xi32, #tpu.memory_space<vmem>>
      %dma_start3A_1425 = arith.constant 0 : i32
      %dma_start3A_1426 = arith.constant 0 : i32
      %dma_start3A_1427 = tpu.memref_slice %arg2[%dma_start3A_1425, %dma_start3A_1426] : memref<4096x128xf32, #tpu.memory_space<hbm>> -> memref<4096x128xf32, #tpu.memory_space<hbm>>
      tpu.enqueue_indirect_dma source(%dma_start3A_1427 : memref<4096x128xf32, #tpu.memory_space<hbm>>) target(%dma_start3A_1421 : memref<32x128xf32, #tpu.memory_space<vmem>>) offsets(%dma_start3A_1424 : memref<32xi32, #tpu.memory_space<vmem>>) semaphore(%arg19 : memref<!tpu.dma_semaphore, #tpu.memory_space<semaphore_mem>>)
      %dma_start3A_1428 = arith.constant 3 : i32
      %dma_start3A_1429 = arith.constant 96 : i32
      %dma_start3A_1430 = arith.constant 0 : i32
      %dma_start3A_1431 = tpu.memref_slice %arg13[%dma_start3A_1429, %dma_start3A_1430] : memref<256x128xf32, #tpu.memory_space<vmem>> -> memref<32x128xf32, #tpu.memory_space<vmem>>
      %dma_start3A_1432 = arith.constant 0 : i32
      %dma_start3A_1433 = tpu.memref_slice %arg11[%dma_start3A_1428, %dma_start3A_1432] : memref<8x32xi32, #tpu.memory_space<vmem>> -> memref<1x32xi32, #tpu.memory_space<vmem>>
      %dma_start3A_1434 = tpu.memref_squeeze %dma_start3A_1433 : memref<1x32xi32, #tpu.memory_space<vmem>> -> memref<32xi32, #tpu.memory_space<vmem>>
      %dma_start3A_1435 = arith.constant 0 : i32
      %dma_start3A_1436 = arith.constant 0 : i32
      %dma_start3A_1437 = tpu.memref_slice %arg2[%dma_start3A_1435, %dma_start3A_1436] : memref<4096x128xf32, #tpu.memory_space<hbm>> -> memref<4096x128xf32, #tpu.memory_space<hbm>>
      tpu.enqueue_indirect_dma source(%dma_start3A_1437 : memref<4096x128xf32, #tpu.memory_space<hbm>>) target(%dma_start3A_1431 : memref<32x128xf32, #tpu.memory_space<vmem>>) offsets(%dma_start3A_1434 : memref<32xi32, #tpu.memory_space<vmem>>) semaphore(%arg19 : memref<!tpu.dma_semaphore, #tpu.memory_space<semaphore_mem>>)
      %dma_start3A_1438 = arith.constant 4 : i32
      %dma_start3A_1439 = arith.constant 128 : i32
      %dma_start3A_1440 = arith.constant 0 : i32
      %dma_start3A_1441 = tpu.memref_slice %arg13[%dma_start3A_1439, %dma_start3A_1440] : memref<256x128xf32, #tpu.memory_space<vmem>> -> memref<32x128xf32, #tpu.memory_space<vmem>>
      %dma_start3A_1442 = arith.constant 0 : i32
      %dma_start3A_1443 = tpu.memref_slice %arg11[%dma_start3A_1438, %dma_start3A_1442] : memref<8x32xi32, #tpu.memory_space<vmem>> -> memref<1x32xi32, #tpu.memory_space<vmem>>
      %dma_start3A_1444 = tpu.memref_squeeze %dma_start3A_1443 : memref<1x32xi32, #tpu.memory_space<vmem>> -> memref<32xi32, #tpu.memory_space<vmem>>
      %dma_start3A_1445 = arith.constant 0 : i32
      %dma_start3A_1446 = arith.constant 0 : i32
      %dma_start3A_1447 = tpu.memref_slice %arg2[%dma_start3A_1445, %dma_start3A_1446] : memref<4096x128xf32, #tpu.memory_space<hbm>> -> memref<4096x128xf32, #tpu.memory_space<hbm>>
      tpu.enqueue_indirect_dma source(%dma_start3A_1447 : memref<4096x128xf32, #tpu.memory_space<hbm>>) target(%dma_start3A_1441 : memref<32x128xf32, #tpu.memory_space<vmem>>) offsets(%dma_start3A_1444 : memref<32xi32, #tpu.memory_space<vmem>>) semaphore(%arg19 : memref<!tpu.dma_semaphore, #tpu.memory_space<semaphore_mem>>)
      %dma_start3A_1448 = arith.constant 5 : i32
      %dma_start3A_1449 = arith.constant 160 : i32
      %dma_start3A_1450 = arith.constant 0 : i32
      %dma_start3A_1451 = tpu.memref_slice %arg13[%dma_start3A_1449, %dma_start3A_1450] : memref<256x128xf32, #tpu.memory_space<vmem>> -> memref<32x128xf32, #tpu.memory_space<vmem>>
      %dma_start3A_1452 = arith.constant 0 : i32
      %dma_start3A_1453 = tpu.memref_slice %arg11[%dma_start3A_1448, %dma_start3A_1452] : memref<8x32xi32, #tpu.memory_space<vmem>> -> memref<1x32xi32, #tpu.memory_space<vmem>>
      %dma_start3A_1454 = tpu.memref_squeeze %dma_start3A_1453 : memref<1x32xi32, #tpu.memory_space<vmem>> -> memref<32xi32, #tpu.memory_space<vmem>>
      %dma_start3A_1455 = arith.constant 0 : i32
      %dma_start3A_1456 = arith.constant 0 : i32
      %dma_start3A_1457 = tpu.memref_slice %arg2[%dma_start3A_1455, %dma_start3A_1456] : memref<4096x128xf32, #tpu.memory_space<hbm>> -> memref<4096x128xf32, #tpu.memory_space<hbm>>
      tpu.enqueue_indirect_dma source(%dma_start3A_1457 : memref<4096x128xf32, #tpu.memory_space<hbm>>) target(%dma_start3A_1451 : memref<32x128xf32, #tpu.memory_space<vmem>>) offsets(%dma_start3A_1454 : memref<32xi32, #tpu.memory_space<vmem>>) semaphore(%arg19 : memref<!tpu.dma_semaphore, #tpu.memory_space<semaphore_mem>>)
      %dma_start3A_1458 = arith.constant 6 : i32
      %dma_start3A_1459 = arith.constant 192 : i32
      %dma_start3A_1460 = arith.constant 0 : i32
      %dma_start3A_1461 = tpu.memref_slice %arg13[%dma_start3A_1459, %dma_start3A_1460] : memref<256x128xf32, #tpu.memory_space<vmem>> -> memref<32x128xf32, #tpu.memory_space<vmem>>
      %dma_start3A_1462 = arith.constant 0 : i32
      %dma_start3A_1463 = tpu.memref_slice %arg11[%dma_start3A_1458, %dma_start3A_1462] : memref<8x32xi32, #tpu.memory_space<vmem>> -> memref<1x32xi32, #tpu.memory_space<vmem>>
      %dma_start3A_1464 = tpu.memref_squeeze %dma_start3A_1463 : memref<1x32xi32, #tpu.memory_space<vmem>> -> memref<32xi32, #tpu.memory_space<vmem>>
      %dma_start3A_1465 = arith.constant 0 : i32
      %dma_start3A_1466 = arith.constant 0 : i32
      %dma_start3A_1467 = tpu.memref_slice %arg2[%dma_start3A_1465, %dma_start3A_1466] : memref<4096x128xf32, #tpu.memory_space<hbm>> -> memref<4096x128xf32, #tpu.memory_space<hbm>>
      tpu.enqueue_indirect_dma source(%dma_start3A_1467 : memref<4096x128xf32, #tpu.memory_space<hbm>>) target(%dma_start3A_1461 : memref<32x128xf32, #tpu.memory_space<vmem>>) offsets(%dma_start3A_1464 : memref<32xi32, #tpu.memory_space<vmem>>) semaphore(%arg19 : memref<!tpu.dma_semaphore, #tpu.memory_space<semaphore_mem>>)
      %dma_start3A_1468 = arith.constant 7 : i32
      %dma_start3A_1469 = arith.constant 224 : i32
      %dma_start3A_1470 = arith.constant 0 : i32
      %dma_start3A_1471 = tpu.memref_slice %arg13[%dma_start3A_1469, %dma_start3A_1470] : memref<256x128xf32, #tpu.memory_space<vmem>> -> memref<32x128xf32, #tpu.memory_space<vmem>>
      %dma_start3A_1472 = arith.constant 0 : i32
      %dma_start3A_1473 = tpu.memref_slice %arg11[%dma_start3A_1468, %dma_start3A_1472] : memref<8x32xi32, #tpu.memory_space<vmem>> -> memref<1x32xi32, #tpu.memory_space<vmem>>
      %dma_start3A_1474 = tpu.memref_squeeze %dma_start3A_1473 : memref<1x32xi32, #tpu.memory_space<vmem>> -> memref<32xi32, #tpu.memory_space<vmem>>
      %dma_start3A_1475 = arith.constant 0 : i32
      %dma_start3A_1476 = arith.constant 0 : i32
      %dma_start3A_1477 = tpu.memref_slice %arg2[%dma_start3A_1475, %dma_start3A_1476] : memref<4096x128xf32, #tpu.memory_space<hbm>> -> memref<4096x128xf32, #tpu.memory_space<hbm>>
      tpu.enqueue_indirect_dma source(%dma_start3A_1477 : memref<4096x128xf32, #tpu.memory_space<hbm>>) target(%dma_start3A_1471 : memref<32x128xf32, #tpu.memory_space<vmem>>) offsets(%dma_start3A_1474 : memref<32xi32, #tpu.memory_space<vmem>>) semaphore(%arg19 : memref<!tpu.dma_semaphore, #tpu.memory_space<semaphore_mem>>)
      %dma_wait3A_1478 = arith.constant 0 : i32
      %dma_wait3A_1479 = arith.constant 0 : i32
      %dma_wait3A_1480 = tpu.memref_slice %arg12[%dma_wait3A_1478, %dma_wait3A_1479] : memref<256x128xf32, #tpu.memory_space<vmem>> -> memref<32x128xf32, #tpu.memory_space<vmem>>
      %dma_wait3A_1481 = arith.constant 0 : i32
      %dma_wait3A_1482 = arith.constant 0 : i32
      %dma_wait3A_1483 = tpu.memref_slice %arg2[%dma_wait3A_1481, %dma_wait3A_1482] : memref<4096x128xf32, #tpu.memory_space<hbm>> -> memref<32x128xf32, #tpu.memory_space<hbm>>
      %dma_wait3A_1484 = arith.constant 0 : i32
      %dma_wait3A_1485 = arith.constant 0 : i32
      %dma_wait3A_1486 = tpu.memref_slice %arg12[%dma_wait3A_1484, %dma_wait3A_1485] : memref<256x128xf32, #tpu.memory_space<vmem>> -> memref<32x128xf32, #tpu.memory_space<vmem>>
      %dma_wait3A_1487 = arith.constant 0 : i32
      %dma_wait3A_1488 = arith.constant 0 : i32
      %dma_wait3A_1489 = tpu.memref_slice %arg2[%dma_wait3A_1487, %dma_wait3A_1488] : memref<4096x128xf32, #tpu.memory_space<hbm>> -> memref<32x128xf32, #tpu.memory_space<hbm>>
      tpu.wait_dma2 semaphore(%arg19 : memref<!tpu.dma_semaphore, #tpu.memory_space<semaphore_mem>>) src(%dma_wait3A_1489 : memref<32x128xf32, #tpu.memory_space<hbm>>) dst(%dma_wait3A_1486 : memref<32x128xf32, #tpu.memory_space<vmem>>)
      %dma_wait3A_1490 = arith.constant 32 : i32
      %dma_wait3A_1491 = arith.constant 0 : i32
      %dma_wait3A_1492 = tpu.memref_slice %arg12[%dma_wait3A_1490, %dma_wait3A_1491] : memref<256x128xf32, #tpu.memory_space<vmem>> -> memref<32x128xf32, #tpu.memory_space<vmem>>
      %dma_wait3A_1493 = arith.constant 0 : i32
      %dma_wait3A_1494 = arith.constant 0 : i32
      %dma_wait3A_1495 = tpu.memref_slice %arg2[%dma_wait3A_1493, %dma_wait3A_1494] : memref<4096x128xf32, #tpu.memory_space<hbm>> -> memref<32x128xf32, #tpu.memory_space<hbm>>
      %dma_wait3A_1496 = arith.constant 32 : i32
      %dma_wait3A_1497 = arith.constant 0 : i32
      %dma_wait3A_1498 = tpu.memref_slice %arg12[%dma_wait3A_1496, %dma_wait3A_1497] : memref<256x128xf32, #tpu.memory_space<vmem>> -> memref<32x128xf32, #tpu.memory_space<vmem>>
      %dma_wait3A_1499 = arith.constant 0 : i32
      %dma_wait3A_1500 = arith.constant 0 : i32
      %dma_wait3A_1501 = tpu.memref_slice %arg2[%dma_wait3A_1499, %dma_wait3A_1500] : memref<4096x128xf32, #tpu.memory_space<hbm>> -> memref<32x128xf32, #tpu.memory_space<hbm>>
      tpu.wait_dma2 semaphore(%arg19 : memref<!tpu.dma_semaphore, #tpu.memory_space<semaphore_mem>>) src(%dma_wait3A_1501 : memref<32x128xf32, #tpu.memory_space<hbm>>) dst(%dma_wait3A_1498 : memref<32x128xf32, #tpu.memory_space<vmem>>)
      %dma_wait3A_1502 = arith.constant 64 : i32
      %dma_wait3A_1503 = arith.constant 0 : i32
      %dma_wait3A_1504 = tpu.memref_slice %arg12[%dma_wait3A_1502, %dma_wait3A_1503] : memref<256x128xf32, #tpu.memory_space<vmem>> -> memref<32x128xf32, #tpu.memory_space<vmem>>
      %dma_wait3A_1505 = arith.constant 0 : i32
      %dma_wait3A_1506 = arith.constant 0 : i32
      %dma_wait3A_1507 = tpu.memref_slice %arg2[%dma_wait3A_1505, %dma_wait3A_1506] : memref<4096x128xf32, #tpu.memory_space<hbm>> -> memref<32x128xf32, #tpu.memory_space<hbm>>
      %dma_wait3A_1508 = arith.constant 64 : i32
      %dma_wait3A_1509 = arith.constant 0 : i32
      %dma_wait3A_1510 = tpu.memref_slice %arg12[%dma_wait3A_1508, %dma_wait3A_1509] : memref<256x128xf32, #tpu.memory_space<vmem>> -> memref<32x128xf32, #tpu.memory_space<vmem>>
      %dma_wait3A_1511 = arith.constant 0 : i32
      %dma_wait3A_1512 = arith.constant 0 : i32
      %dma_wait3A_1513 = tpu.memref_slice %arg2[%dma_wait3A_1511, %dma_wait3A_1512] : memref<4096x128xf32, #tpu.memory_space<hbm>> -> memref<32x128xf32, #tpu.memory_space<hbm>>
      tpu.wait_dma2 semaphore(%arg19 : memref<!tpu.dma_semaphore, #tpu.memory_space<semaphore_mem>>) src(%dma_wait3A_1513 : memref<32x128xf32, #tpu.memory_space<hbm>>) dst(%dma_wait3A_1510 : memref<32x128xf32, #tpu.memory_space<vmem>>)
      %dma_wait3A_1514 = arith.constant 96 : i32
      %dma_wait3A_1515 = arith.constant 0 : i32
      %dma_wait3A_1516 = tpu.memref_slice %arg12[%dma_wait3A_1514, %dma_wait3A_1515] : memref<256x128xf32, #tpu.memory_space<vmem>> -> memref<32x128xf32, #tpu.memory_space<vmem>>
      %dma_wait3A_1517 = arith.constant 0 : i32
      %dma_wait3A_1518 = arith.constant 0 : i32
      %dma_wait3A_1519 = tpu.memref_slice %arg2[%dma_wait3A_1517, %dma_wait3A_1518] : memref<4096x128xf32, #tpu.memory_space<hbm>> -> memref<32x128xf32, #tpu.memory_space<hbm>>
      %dma_wait3A_1520 = arith.constant 96 : i32
      %dma_wait3A_1521 = arith.constant 0 : i32
      %dma_wait3A_1522 = tpu.memref_slice %arg12[%dma_wait3A_1520, %dma_wait3A_1521] : memref<256x128xf32, #tpu.memory_space<vmem>> -> memref<32x128xf32, #tpu.memory_space<vmem>>
      %dma_wait3A_1523 = arith.constant 0 : i32
      %dma_wait3A_1524 = arith.constant 0 : i32
      %dma_wait3A_1525 = tpu.memref_slice %arg2[%dma_wait3A_1523, %dma_wait3A_1524] : memref<4096x128xf32, #tpu.memory_space<hbm>> -> memref<32x128xf32, #tpu.memory_space<hbm>>
      tpu.wait_dma2 semaphore(%arg19 : memref<!tpu.dma_semaphore, #tpu.memory_space<semaphore_mem>>) src(%dma_wait3A_1525 : memref<32x128xf32, #tpu.memory_space<hbm>>) dst(%dma_wait3A_1522 : memref<32x128xf32, #tpu.memory_space<vmem>>)
      %dma_wait3A_1526 = arith.constant 128 : i32
      %dma_wait3A_1527 = arith.constant 0 : i32
      %dma_wait3A_1528 = tpu.memref_slice %arg12[%dma_wait3A_1526, %dma_wait3A_1527] : memref<256x128xf32, #tpu.memory_space<vmem>> -> memref<32x128xf32, #tpu.memory_space<vmem>>
      %dma_wait3A_1529 = arith.constant 0 : i32
      %dma_wait3A_1530 = arith.constant 0 : i32
      %dma_wait3A_1531 = tpu.memref_slice %arg2[%dma_wait3A_1529, %dma_wait3A_1530] : memref<4096x128xf32, #tpu.memory_space<hbm>> -> memref<32x128xf32, #tpu.memory_space<hbm>>
      %dma_wait3A_1532 = arith.constant 128 : i32
      %dma_wait3A_1533 = arith.constant 0 : i32
      %dma_wait3A_1534 = tpu.memref_slice %arg12[%dma_wait3A_1532, %dma_wait3A_1533] : memref<256x128xf32, #tpu.memory_space<vmem>> -> memref<32x128xf32, #tpu.memory_space<vmem>>
      %dma_wait3A_1535 = arith.constant 0 : i32
      %dma_wait3A_1536 = arith.constant 0 : i32
      %dma_wait3A_1537 = tpu.memref_slice %arg2[%dma_wait3A_1535, %dma_wait3A_1536] : memref<4096x128xf32, #tpu.memory_space<hbm>> -> memref<32x128xf32, #tpu.memory_space<hbm>>
      tpu.wait_dma2 semaphore(%arg19 : memref<!tpu.dma_semaphore, #tpu.memory_space<semaphore_mem>>) src(%dma_wait3A_1537 : memref<32x128xf32, #tpu.memory_space<hbm>>) dst(%dma_wait3A_1534 : memref<32x128xf32, #tpu.memory_space<vmem>>)
      %dma_wait3A_1538 = arith.constant 160 : i32
      %dma_wait3A_1539 = arith.constant 0 : i32
      %dma_wait3A_1540 = tpu.memref_slice %arg12[%dma_wait3A_1538, %dma_wait3A_1539] : memref<256x128xf32, #tpu.memory_space<vmem>> -> memref<32x128xf32, #tpu.memory_space<vmem>>
      %dma_wait3A_1541 = arith.constant 0 : i32
      %dma_wait3A_1542 = arith.constant 0 : i32
      %dma_wait3A_1543 = tpu.memref_slice %arg2[%dma_wait3A_1541, %dma_wait3A_1542] : memref<4096x128xf32, #tpu.memory_space<hbm>> -> memref<32x128xf32, #tpu.memory_space<hbm>>
      %dma_wait3A_1544 = arith.constant 160 : i32
      %dma_wait3A_1545 = arith.constant 0 : i32
      %dma_wait3A_1546 = tpu.memref_slice %arg12[%dma_wait3A_1544, %dma_wait3A_1545] : memref<256x128xf32, #tpu.memory_space<vmem>> -> memref<32x128xf32, #tpu.memory_space<vmem>>
      %dma_wait3A_1547 = arith.constant 0 : i32
      %dma_wait3A_1548 = arith.constant 0 : i32
      %dma_wait3A_1549 = tpu.memref_slice %arg2[%dma_wait3A_1547, %dma_wait3A_1548] : memref<4096x128xf32, #tpu.memory_space<hbm>> -> memref<32x128xf32, #tpu.memory_space<hbm>>
      tpu.wait_dma2 semaphore(%arg19 : memref<!tpu.dma_semaphore, #tpu.memory_space<semaphore_mem>>) src(%dma_wait3A_1549 : memref<32x128xf32, #tpu.memory_space<hbm>>) dst(%dma_wait3A_1546 : memref<32x128xf32, #tpu.memory_space<vmem>>)
      %dma_wait3A_1550 = arith.constant 192 : i32
      %dma_wait3A_1551 = arith.constant 0 : i32
      %dma_wait3A_1552 = tpu.memref_slice %arg12[%dma_wait3A_1550, %dma_wait3A_1551] : memref<256x128xf32, #tpu.memory_space<vmem>> -> memref<32x128xf32, #tpu.memory_space<vmem>>
      %dma_wait3A_1553 = arith.constant 0 : i32
      %dma_wait3A_1554 = arith.constant 0 : i32
      %dma_wait3A_1555 = tpu.memref_slice %arg2[%dma_wait3A_1553, %dma_wait3A_1554] : memref<4096x128xf32, #tpu.memory_space<hbm>> -> memref<32x128xf32, #tpu.memory_space<hbm>>
      %dma_wait3A_1556 = arith.constant 192 : i32
      %dma_wait3A_1557 = arith.constant 0 : i32
      %dma_wait3A_1558 = tpu.memref_slice %arg12[%dma_wait3A_1556, %dma_wait3A_1557] : memref<256x128xf32, #tpu.memory_space<vmem>> -> memref<32x128xf32, #tpu.memory_space<vmem>>
      %dma_wait3A_1559 = arith.constant 0 : i32
      %dma_wait3A_1560 = arith.constant 0 : i32
      %dma_wait3A_1561 = tpu.memref_slice %arg2[%dma_wait3A_1559, %dma_wait3A_1560] : memref<4096x128xf32, #tpu.memory_space<hbm>> -> memref<32x128xf32, #tpu.memory_space<hbm>>
      tpu.wait_dma2 semaphore(%arg19 : memref<!tpu.dma_semaphore, #tpu.memory_space<semaphore_mem>>) src(%dma_wait3A_1561 : memref<32x128xf32, #tpu.memory_space<hbm>>) dst(%dma_wait3A_1558 : memref<32x128xf32, #tpu.memory_space<vmem>>)
      %dma_wait3A_1562 = arith.constant 224 : i32
      %dma_wait3A_1563 = arith.constant 0 : i32
      %dma_wait3A_1564 = tpu.memref_slice %arg12[%dma_wait3A_1562, %dma_wait3A_1563] : memref<256x128xf32, #tpu.memory_space<vmem>> -> memref<32x128xf32, #tpu.memory_space<vmem>>
      %dma_wait3A_1565 = arith.constant 0 : i32
      %dma_wait3A_1566 = arith.constant 0 : i32
      %dma_wait3A_1567 = tpu.memref_slice %arg2[%dma_wait3A_1565, %dma_wait3A_1566] : memref<4096x128xf32, #tpu.memory_space<hbm>> -> memref<32x128xf32, #tpu.memory_space<hbm>>
      %dma_wait3A_1568 = arith.constant 224 : i32
      %dma_wait3A_1569 = arith.constant 0 : i32
      %dma_wait3A_1570 = tpu.memref_slice %arg12[%dma_wait3A_1568, %dma_wait3A_1569] : memref<256x128xf32, #tpu.memory_space<vmem>> -> memref<32x128xf32, #tpu.memory_space<vmem>>
      %dma_wait3A_1571 = arith.constant 0 : i32
      %dma_wait3A_1572 = arith.constant 0 : i32
      %dma_wait3A_1573 = tpu.memref_slice %arg2[%dma_wait3A_1571, %dma_wait3A_1572] : memref<4096x128xf32, #tpu.memory_space<hbm>> -> memref<32x128xf32, #tpu.memory_space<hbm>>
      tpu.wait_dma2 semaphore(%arg19 : memref<!tpu.dma_semaphore, #tpu.memory_space<semaphore_mem>>) src(%dma_wait3A_1573 : memref<32x128xf32, #tpu.memory_space<hbm>>) dst(%dma_wait3A_1570 : memref<32x128xf32, #tpu.memory_space<vmem>>)
      %add3A_1574 = arith.constant 0 : i32
      %add3A_1575 = vector.broadcast %add3A_1574 : i32 to vector<16xi32>
      %add3A_1576 = arith.addi %iota3A, %add3A_1575 : vector<16xi32>
      %get3A_1577 = arith.constant 0 : i32
      %get3A_1578 = arith.index_cast %get3A_1577 : i32 to index
      %get3A_1579 = arith.constant 0 : index
      %get3A_1580 = tpu.vector_load %arg14[%get3A_1578, %get3A_1579] {strides = array<i32>} : memref<12x32xf32, #tpu.memory_space<vmem>>, vector<16xf32>,
      %get3A_1581 = arith.constant 1 : i32
      %get3A_1582 = arith.index_cast %get3A_1581 : i32 to index
      %get3A_1583 = arith.constant 0 : index
      %get3A_1584 = tpu.vector_load %arg14[%get3A_1582, %get3A_1583] {strides = array<i32>} : memref<12x32xf32, #tpu.memory_space<vmem>>, vector<16xf32>,
      %get3A_1585 = arith.constant 2 : i32
      %get3A_1586 = arith.index_cast %get3A_1585 : i32 to index
      %get3A_1587 = arith.constant 0 : index
      %get3A_1588 = tpu.vector_load %arg14[%get3A_1586, %get3A_1587] {strides = array<i32>} : memref<12x32xf32, #tpu.memory_space<vmem>>, vector<16xf32>,
      %get3A_1589 = arith.constant 3 : i32
      %get3A_1590 = arith.index_cast %get3A_1589 : i32 to index
      %get3A_1591 = arith.constant 0 : index
      %get3A_1592 = tpu.vector_load %arg14[%get3A_1590, %get3A_1591] {strides = array<i32>} : memref<12x32xf32, #tpu.memory_space<vmem>>, vector<16xf32>,
      %get3A_1593 = arith.constant 4 : i32
      %get3A_1594 = arith.index_cast %get3A_1593 : i32 to index
      %get3A_1595 = arith.constant 0 : index
      %get3A_1596 = tpu.vector_load %arg14[%get3A_1594, %get3A_1595] {strides = array<i32>} : memref<12x32xf32, #tpu.memory_space<vmem>>, vector<16xf32>,
      %get3A_1597 = arith.constant 5 : i32
      %get3A_1598 = arith.index_cast %get3A_1597 : i32 to index
      %get3A_1599 = arith.constant 0 : index
      %get3A_1600 = tpu.vector_load %arg14[%get3A_1598, %get3A_1599] {strides = array<i32>} : memref<12x32xf32, #tpu.memory_space<vmem>>, vector<16xf32>,
      %get3A_1601 = arith.constant 6 : i32
      %get3A_1602 = arith.index_cast %get3A_1601 : i32 to index
      %get3A_1603 = arith.constant 0 : index
      %get3A_1604 = tpu.vector_load %arg14[%get3A_1602, %get3A_1603] {strides = array<i32>} : memref<12x32xf32, #tpu.memory_space<vmem>>, vector<16xf32>,
      %get3A_1605 = arith.constant 7 : i32
      %get3A_1606 = arith.index_cast %get3A_1605 : i32 to index
      %get3A_1607 = arith.constant 0 : index
      %get3A_1608 = tpu.vector_load %arg14[%get3A_1606, %get3A_1607] {strides = array<i32>} : memref<12x32xf32, #tpu.memory_space<vmem>>, vector<16xf32>,
      %get3A_1609 = arith.constant 8 : i32
      %get3A_1610 = arith.index_cast %get3A_1609 : i32 to index
      %get3A_1611 = arith.constant 0 : index
      %get3A_1612 = tpu.vector_load %arg14[%get3A_1610, %get3A_1611] {strides = array<i32>} : memref<12x32xf32, #tpu.memory_space<vmem>>, vector<16xf32>,
      %get3A_1613 = arith.constant 9 : i32
      %get3A_1614 = arith.index_cast %get3A_1613 : i32 to index
      %get3A_1615 = arith.constant 0 : index
      %get3A_1616 = tpu.vector_load %arg14[%get3A_1614, %get3A_1615] {strides = array<i32>} : memref<12x32xf32, #tpu.memory_space<vmem>>, vector<16xf32>,
      %get3A_1617 = arith.constant 10 : i32
      %get3A_1618 = arith.index_cast %get3A_1617 : i32 to index
      %get3A_1619 = arith.constant 0 : index
      %get3A_1620 = tpu.vector_load %arg14[%get3A_1618, %get3A_1619] {strides = array<i32>} : memref<12x32xf32, #tpu.memory_space<vmem>>, vector<16xf32>,
      %get3A_1621 = arith.constant 11 : i32
      %get3A_1622 = arith.index_cast %get3A_1621 : i32 to index
      %get3A_1623 = arith.constant 0 : index
      %get3A_1624 = tpu.vector_load %arg14[%get3A_1622, %get3A_1623] {strides = array<i32>} : memref<12x32xf32, #tpu.memory_space<vmem>>, vector<16xf32>,
      %get3A_1625 = arith.constant 0 : index
      %get3A_1626 = tpu.vector_load %arg16[%get3A_1625] {strides = array<i32>} : memref<32xi32, #tpu.memory_space<vmem>>, vector<16xi32>,
      %broadcast_in_dim3A = arith.constant 0.000000e+00 : f32
      %broadcast_in_dim3A_1627 = vector.broadcast %broadcast_in_dim3A : f32 to vector<16xf32>
      %add3A_1628 = arith.constant 0 : i32
      %add3A_1629 = vector.broadcast %add3A_1628 : i32 to vector<16xi32>
      %add3A_1630 = arith.addi %get3A_1626, %add3A_1629 : vector<16xi32>
      %add3A_1631 = arith.constant 0 : i32
      %add3A_1632 = vector.broadcast %add3A_1631 : i32 to vector<16xi32>
      %add3A_1633 = arith.addi %add3A_1576, %add3A_1632 : vector<16xi32>
      %gather3A = tpu.vector_load_idx %arg12[%add3A_1633, %add3A_1630] : memref<256x128xf32, #tpu.memory_space<vmem>>[vector<16xi32>, vector<16xi32>], vector<16xf32>,
      %mul3A_1634 = arith.mulf %gather3A, %get3A_1612 : vector<16xf32>
      %add3A_1635 = arith.constant 1 : i32
      %add3A_1636 = vector.broadcast %add3A_1635 : i32 to vector<16xi32>
      %add3A_1637 = arith.addi %add3A_1630, %add3A_1636 : vector<16xi32>
      %gather3A_1638 = tpu.vector_load_idx %arg12[%add3A_1633, %add3A_1637] : memref<256x128xf32, #tpu.memory_space<vmem>>[vector<16xi32>, vector<16xi32>], vector<16xf32>,
      %mul3A_1639 = arith.mulf %gather3A_1638, %get3A_1616 : vector<16xf32>
      %add3A_1640 = arith.addf %mul3A_1634, %mul3A_1639 : vector<16xf32>
      %add3A_1641 = arith.constant 2 : i32
      %add3A_1642 = vector.broadcast %add3A_1641 : i32 to vector<16xi32>
      %add3A_1643 = arith.addi %add3A_1630, %add3A_1642 : vector<16xi32>
      %gather3A_1644 = tpu.vector_load_idx %arg12[%add3A_1633, %add3A_1643] : memref<256x128xf32, #tpu.memory_space<vmem>>[vector<16xi32>, vector<16xi32>], vector<16xf32>,
      %mul3A_1645 = arith.mulf %gather3A_1644, %get3A_1620 : vector<16xf32>
      %add3A_1646 = arith.addf %add3A_1640, %mul3A_1645 : vector<16xf32>
      %add3A_1647 = arith.constant 3 : i32
      %add3A_1648 = vector.broadcast %add3A_1647 : i32 to vector<16xi32>
      %add3A_1649 = arith.addi %add3A_1630, %add3A_1648 : vector<16xi32>
      %gather3A_1650 = tpu.vector_load_idx %arg12[%add3A_1633, %add3A_1649] : memref<256x128xf32, #tpu.memory_space<vmem>>[vector<16xi32>, vector<16xi32>], vector<16xf32>,
      %mul3A_1651 = arith.mulf %gather3A_1650, %get3A_1624 : vector<16xf32>
      %add3A_1652 = arith.addf %add3A_1646, %mul3A_1651 : vector<16xf32>
      %mul3A_1653 = arith.mulf %get3A_1580, %get3A_1596 : vector<16xf32>
      %mul3A_1654 = arith.mulf %add3A_1652, %mul3A_1653 : vector<16xf32>
      %add3A_1655 = arith.addf %broadcast_in_dim3A_1627, %mul3A_1654 : vector<16xf32>
      %add3A_1656 = arith.constant 64 : i32
      %add3A_1657 = vector.broadcast %add3A_1656 : i32 to vector<16xi32>
      %add3A_1658 = arith.addi %add3A_1576, %add3A_1657 : vector<16xi32>
      %gather3A_1659 = tpu.vector_load_idx %arg12[%add3A_1658, %add3A_1630] : memref<256x128xf32, #tpu.memory_space<vmem>>[vector<16xi32>, vector<16xi32>], vector<16xf32>,
      %mul3A_1660 = arith.mulf %gather3A_1659, %get3A_1612 : vector<16xf32>
      %add3A_1661 = arith.constant 1 : i32
      %add3A_1662 = vector.broadcast %add3A_1661 : i32 to vector<16xi32>
      %add3A_1663 = arith.addi %add3A_1630, %add3A_1662 : vector<16xi32>
      %gather3A_1664 = tpu.vector_load_idx %arg12[%add3A_1658, %add3A_1663] : memref<256x128xf32, #tpu.memory_space<vmem>>[vector<16xi32>, vector<16xi32>], vector<16xf32>,
      %mul3A_1665 = arith.mulf %gather3A_1664, %get3A_1616 : vector<16xf32>
      %add3A_1666 = arith.addf %mul3A_1660, %mul3A_1665 : vector<16xf32>
      %add3A_1667 = arith.constant 2 : i32
      %add3A_1668 = vector.broadcast %add3A_1667 : i32 to vector<16xi32>
      %add3A_1669 = arith.addi %add3A_1630, %add3A_1668 : vector<16xi32>
      %gather3A_1670 = tpu.vector_load_idx %arg12[%add3A_1658, %add3A_1669] : memref<256x128xf32, #tpu.memory_space<vmem>>[vector<16xi32>, vector<16xi32>], vector<16xf32>,
      %mul3A_1671 = arith.mulf %gather3A_1670, %get3A_1620 : vector<16xf32>
      %add3A_1672 = arith.addf %add3A_1666, %mul3A_1671 : vector<16xf32>
      %add3A_1673 = arith.constant 3 : i32
      %add3A_1674 = vector.broadcast %add3A_1673 : i32 to vector<16xi32>
      %add3A_1675 = arith.addi %add3A_1630, %add3A_1674 : vector<16xi32>
      %gather3A_1676 = tpu.vector_load_idx %arg12[%add3A_1658, %add3A_1675] : memref<256x128xf32, #tpu.memory_space<vmem>>[vector<16xi32>, vector<16xi32>], vector<16xf32>,
      %mul3A_1677 = arith.mulf %gather3A_1676, %get3A_1624 : vector<16xf32>
      %add3A_1678 = arith.addf %add3A_1672, %mul3A_1677 : vector<16xf32>
      %mul3A_1679 = arith.mulf %get3A_1584, %get3A_1596 : vector<16xf32>
      %mul3A_1680 = arith.mulf %add3A_1678, %mul3A_1679 : vector<16xf32>
      %add3A_1681 = arith.addf %add3A_1655, %mul3A_1680 : vector<16xf32>
      %add3A_1682 = arith.constant 128 : i32
      %add3A_1683 = vector.broadcast %add3A_1682 : i32 to vector<16xi32>
      %add3A_1684 = arith.addi %add3A_1576, %add3A_1683 : vector<16xi32>
      %gather3A_1685 = tpu.vector_load_idx %arg12[%add3A_1684, %add3A_1630] : memref<256x128xf32, #tpu.memory_space<vmem>>[vector<16xi32>, vector<16xi32>], vector<16xf32>,
      %mul3A_1686 = arith.mulf %gather3A_1685, %get3A_1612 : vector<16xf32>
      %add3A_1687 = arith.constant 1 : i32
      %add3A_1688 = vector.broadcast %add3A_1687 : i32 to vector<16xi32>
      %add3A_1689 = arith.addi %add3A_1630, %add3A_1688 : vector<16xi32>
      %gather3A_1690 = tpu.vector_load_idx %arg12[%add3A_1684, %add3A_1689] : memref<256x128xf32, #tpu.memory_space<vmem>>[vector<16xi32>, vector<16xi32>], vector<16xf32>,
      %mul3A_1691 = arith.mulf %gather3A_1690, %get3A_1616 : vector<16xf32>
      %add3A_1692 = arith.addf %mul3A_1686, %mul3A_1691 : vector<16xf32>
      %add3A_1693 = arith.constant 2 : i32
      %add3A_1694 = vector.broadcast %add3A_1693 : i32 to vector<16xi32>
      %add3A_1695 = arith.addi %add3A_1630, %add3A_1694 : vector<16xi32>
      %gather3A_1696 = tpu.vector_load_idx %arg12[%add3A_1684, %add3A_1695] : memref<256x128xf32, #tpu.memory_space<vmem>>[vector<16xi32>, vector<16xi32>], vector<16xf32>,
      %mul3A_1697 = arith.mulf %gather3A_1696, %get3A_1620 : vector<16xf32>
      %add3A_1698 = arith.addf %add3A_1692, %mul3A_1697 : vector<16xf32>
      %add3A_1699 = arith.constant 3 : i32
      %add3A_1700 = vector.broadcast %add3A_1699 : i32 to vector<16xi32>
      %add3A_1701 = arith.addi %add3A_1630, %add3A_1700 : vector<16xi32>
      %gather3A_1702 = tpu.vector_load_idx %arg12[%add3A_1684, %add3A_1701] : memref<256x128xf32, #tpu.memory_space<vmem>>[vector<16xi32>, vector<16xi32>], vector<16xf32>,
      %mul3A_1703 = arith.mulf %gather3A_1702, %get3A_1624 : vector<16xf32>
      %add3A_1704 = arith.addf %add3A_1698, %mul3A_1703 : vector<16xf32>
      %mul3A_1705 = arith.mulf %get3A_1588, %get3A_1596 : vector<16xf32>
      %mul3A_1706 = arith.mulf %add3A_1704, %mul3A_1705 : vector<16xf32>
      %add3A_1707 = arith.addf %add3A_1681, %mul3A_1706 : vector<16xf32>
      %add3A_1708 = arith.constant 192 : i32
      %add3A_1709 = vector.broadcast %add3A_1708 : i32 to vector<16xi32>
      %add3A_1710 = arith.addi %add3A_1576, %add3A_1709 : vector<16xi32>
      %gather3A_1711 = tpu.vector_load_idx %arg12[%add3A_1710, %add3A_1630] : memref<256x128xf32, #tpu.memory_space<vmem>>[vector<16xi32>, vector<16xi32>], vector<16xf32>,
      %mul3A_1712 = arith.mulf %gather3A_1711, %get3A_1612 : vector<16xf32>
      %add3A_1713 = arith.constant 1 : i32
      %add3A_1714 = vector.broadcast %add3A_1713 : i32 to vector<16xi32>
      %add3A_1715 = arith.addi %add3A_1630, %add3A_1714 : vector<16xi32>
      %gather3A_1716 = tpu.vector_load_idx %arg12[%add3A_1710, %add3A_1715] : memref<256x128xf32, #tpu.memory_space<vmem>>[vector<16xi32>, vector<16xi32>], vector<16xf32>,
      %mul3A_1717 = arith.mulf %gather3A_1716, %get3A_1616 : vector<16xf32>
      %add3A_1718 = arith.addf %mul3A_1712, %mul3A_1717 : vector<16xf32>
      %add3A_1719 = arith.constant 2 : i32
      %add3A_1720 = vector.broadcast %add3A_1719 : i32 to vector<16xi32>
      %add3A_1721 = arith.addi %add3A_1630, %add3A_1720 : vector<16xi32>
      %gather3A_1722 = tpu.vector_load_idx %arg12[%add3A_1710, %add3A_1721] : memref<256x128xf32, #tpu.memory_space<vmem>>[vector<16xi32>, vector<16xi32>], vector<16xf32>,
      %mul3A_1723 = arith.mulf %gather3A_1722, %get3A_1620 : vector<16xf32>
      %add3A_1724 = arith.addf %add3A_1718, %mul3A_1723 : vector<16xf32>
      %add3A_1725 = arith.constant 3 : i32
      %add3A_1726 = vector.broadcast %add3A_1725 : i32 to vector<16xi32>
      %add3A_1727 = arith.addi %add3A_1630, %add3A_1726 : vector<16xi32>
      %gather3A_1728 = tpu.vector_load_idx %arg12[%add3A_1710, %add3A_1727] : memref<256x128xf32, #tpu.memory_space<vmem>>[vector<16xi32>, vector<16xi32>], vector<16xf32>,
      %mul3A_1729 = arith.mulf %gather3A_1728, %get3A_1624 : vector<16xf32>
      %add3A_1730 = arith.addf %add3A_1724, %mul3A_1729 : vector<16xf32>
      %mul3A_1731 = arith.mulf %get3A_1592, %get3A_1596 : vector<16xf32>
      %mul3A_1732 = arith.mulf %add3A_1730, %mul3A_1731 : vector<16xf32>
      %add3A_1733 = arith.addf %add3A_1707, %mul3A_1732 : vector<16xf32>
      %add3A_1734 = arith.constant 64 : i32
      %add3A_1735 = vector.broadcast %add3A_1734 : i32 to vector<16xi32>
      %add3A_1736 = arith.addi %get3A_1626, %add3A_1735 : vector<16xi32>
      %add3A_1737 = arith.constant 0 : i32
      %add3A_1738 = vector.broadcast %add3A_1737 : i32 to vector<16xi32>
      %add3A_1739 = arith.addi %add3A_1576, %add3A_1738 : vector<16xi32>
      %gather3A_1740 = tpu.vector_load_idx %arg12[%add3A_1739, %add3A_1736] : memref<256x128xf32, #tpu.memory_space<vmem>>[vector<16xi32>, vector<16xi32>], vector<16xf32>,
      %mul3A_1741 = arith.mulf %gather3A_1740, %get3A_1612 : vector<16xf32>
      %add3A_1742 = arith.constant 1 : i32
      %add3A_1743 = vector.broadcast %add3A_1742 : i32 to vector<16xi32>
      %add3A_1744 = arith.addi %add3A_1736, %add3A_1743 : vector<16xi32>
      %gather3A_1745 = tpu.vector_load_idx %arg12[%add3A_1739, %add3A_1744] : memref<256x128xf32, #tpu.memory_space<vmem>>[vector<16xi32>, vector<16xi32>], vector<16xf32>,
      %mul3A_1746 = arith.mulf %gather3A_1745, %get3A_1616 : vector<16xf32>
      %add3A_1747 = arith.addf %mul3A_1741, %mul3A_1746 : vector<16xf32>
      %add3A_1748 = arith.constant 2 : i32
      %add3A_1749 = vector.broadcast %add3A_1748 : i32 to vector<16xi32>
      %add3A_1750 = arith.addi %add3A_1736, %add3A_1749 : vector<16xi32>
      %gather3A_1751 = tpu.vector_load_idx %arg12[%add3A_1739, %add3A_1750] : memref<256x128xf32, #tpu.memory_space<vmem>>[vector<16xi32>, vector<16xi32>], vector<16xf32>,
      %mul3A_1752 = arith.mulf %gather3A_1751, %get3A_1620 : vector<16xf32>
      %add3A_1753 = arith.addf %add3A_1747, %mul3A_1752 : vector<16xf32>
      %add3A_1754 = arith.constant 3 : i32
      %add3A_1755 = vector.broadcast %add3A_1754 : i32 to vector<16xi32>
      %add3A_1756 = arith.addi %add3A_1736, %add3A_1755 : vector<16xi32>
      %gather3A_1757 = tpu.vector_load_idx %arg12[%add3A_1739, %add3A_1756] : memref<256x128xf32, #tpu.memory_space<vmem>>[vector<16xi32>, vector<16xi32>], vector<16xf32>,
      %mul3A_1758 = arith.mulf %gather3A_1757, %get3A_1624 : vector<16xf32>
      %add3A_1759 = arith.addf %add3A_1753, %mul3A_1758 : vector<16xf32>
      %mul3A_1760 = arith.mulf %get3A_1580, %get3A_1600 : vector<16xf32>
      %mul3A_1761 = arith.mulf %add3A_1759, %mul3A_1760 : vector<16xf32>
      %add3A_1762 = arith.addf %add3A_1733, %mul3A_1761 : vector<16xf32>
      %add3A_1763 = arith.constant 64 : i32
      %add3A_1764 = vector.broadcast %add3A_1763 : i32 to vector<16xi32>
      %add3A_1765 = arith.addi %add3A_1576, %add3A_1764 : vector<16xi32>
      %gather3A_1766 = tpu.vector_load_idx %arg12[%add3A_1765, %add3A_1736] : memref<256x128xf32, #tpu.memory_space<vmem>>[vector<16xi32>, vector<16xi32>], vector<16xf32>,
      %mul3A_1767 = arith.mulf %gather3A_1766, %get3A_1612 : vector<16xf32>
      %add3A_1768 = arith.constant 1 : i32
      %add3A_1769 = vector.broadcast %add3A_1768 : i32 to vector<16xi32>
      %add3A_1770 = arith.addi %add3A_1736, %add3A_1769 : vector<16xi32>
      %gather3A_1771 = tpu.vector_load_idx %arg12[%add3A_1765, %add3A_1770] : memref<256x128xf32, #tpu.memory_space<vmem>>[vector<16xi32>, vector<16xi32>], vector<16xf32>,
      %mul3A_1772 = arith.mulf %gather3A_1771, %get3A_1616 : vector<16xf32>
      %add3A_1773 = arith.addf %mul3A_1767, %mul3A_1772 : vector<16xf32>
      %add3A_1774 = arith.constant 2 : i32
      %add3A_1775 = vector.broadcast %add3A_1774 : i32 to vector<16xi32>
      %add3A_1776 = arith.addi %add3A_1736, %add3A_1775 : vector<16xi32>
      %gather3A_1777 = tpu.vector_load_idx %arg12[%add3A_1765, %add3A_1776] : memref<256x128xf32, #tpu.memory_space<vmem>>[vector<16xi32>, vector<16xi32>], vector<16xf32>,
      %mul3A_1778 = arith.mulf %gather3A_1777, %get3A_1620 : vector<16xf32>
      %add3A_1779 = arith.addf %add3A_1773, %mul3A_1778 : vector<16xf32>
      %add3A_1780 = arith.constant 3 : i32
      %add3A_1781 = vector.broadcast %add3A_1780 : i32 to vector<16xi32>
      %add3A_1782 = arith.addi %add3A_1736, %add3A_1781 : vector<16xi32>
      %gather3A_1783 = tpu.vector_load_idx %arg12[%add3A_1765, %add3A_1782] : memref<256x128xf32, #tpu.memory_space<vmem>>[vector<16xi32>, vector<16xi32>], vector<16xf32>,
      %mul3A_1784 = arith.mulf %gather3A_1783, %get3A_1624 : vector<16xf32>
      %add3A_1785 = arith.addf %add3A_1779, %mul3A_1784 : vector<16xf32>
      %mul3A_1786 = arith.mulf %get3A_1584, %get3A_1600 : vector<16xf32>
      %mul3A_1787 = arith.mulf %add3A_1785, %mul3A_1786 : vector<16xf32>
      %add3A_1788 = arith.addf %add3A_1762, %mul3A_1787 : vector<16xf32>
      %add3A_1789 = arith.constant 128 : i32
      %add3A_1790 = vector.broadcast %add3A_1789 : i32 to vector<16xi32>
      %add3A_1791 = arith.addi %add3A_1576, %add3A_1790 : vector<16xi32>
      %gather3A_1792 = tpu.vector_load_idx %arg12[%add3A_1791, %add3A_1736] : memref<256x128xf32, #tpu.memory_space<vmem>>[vector<16xi32>, vector<16xi32>], vector<16xf32>,
      %mul3A_1793 = arith.mulf %gather3A_1792, %get3A_1612 : vector<16xf32>
      %add3A_1794 = arith.constant 1 : i32
      %add3A_1795 = vector.broadcast %add3A_1794 : i32 to vector<16xi32>
      %add3A_1796 = arith.addi %add3A_1736, %add3A_1795 : vector<16xi32>
      %gather3A_1797 = tpu.vector_load_idx %arg12[%add3A_1791, %add3A_1796] : memref<256x128xf32, #tpu.memory_space<vmem>>[vector<16xi32>, vector<16xi32>], vector<16xf32>,
      %mul3A_1798 = arith.mulf %gather3A_1797, %get3A_1616 : vector<16xf32>
      %add3A_1799 = arith.addf %mul3A_1793, %mul3A_1798 : vector<16xf32>
      %add3A_1800 = arith.constant 2 : i32
      %add3A_1801 = vector.broadcast %add3A_1800 : i32 to vector<16xi32>
      %add3A_1802 = arith.addi %add3A_1736, %add3A_1801 : vector<16xi32>
      %gather3A_1803 = tpu.vector_load_idx %arg12[%add3A_1791, %add3A_1802] : memref<256x128xf32, #tpu.memory_space<vmem>>[vector<16xi32>, vector<16xi32>], vector<16xf32>,
      %mul3A_1804 = arith.mulf %gather3A_1803, %get3A_1620 : vector<16xf32>
      %add3A_1805 = arith.addf %add3A_1799, %mul3A_1804 : vector<16xf32>
      %add3A_1806 = arith.constant 3 : i32
      %add3A_1807 = vector.broadcast %add3A_1806 : i32 to vector<16xi32>
      %add3A_1808 = arith.addi %add3A_1736, %add3A_1807 : vector<16xi32>
      %gather3A_1809 = tpu.vector_load_idx %arg12[%add3A_1791, %add3A_1808] : memref<256x128xf32, #tpu.memory_space<vmem>>[vector<16xi32>, vector<16xi32>], vector<16xf32>,
      %mul3A_1810 = arith.mulf %gather3A_1809, %get3A_1624 : vector<16xf32>
      %add3A_1811 = arith.addf %add3A_1805, %mul3A_1810 : vector<16xf32>
      %mul3A_1812 = arith.mulf %get3A_1588, %get3A_1600 : vector<16xf32>
      %mul3A_1813 = arith.mulf %add3A_1811, %mul3A_1812 : vector<16xf32>
      %add3A_1814 = arith.addf %add3A_1788, %mul3A_1813 : vector<16xf32>
      %add3A_1815 = arith.constant 192 : i32
      %add3A_1816 = vector.broadcast %add3A_1815 : i32 to vector<16xi32>
      %add3A_1817 = arith.addi %add3A_1576, %add3A_1816 : vector<16xi32>
      %gather3A_1818 = tpu.vector_load_idx %arg12[%add3A_1817, %add3A_1736] : memref<256x128xf32, #tpu.memory_space<vmem>>[vector<16xi32>, vector<16xi32>], vector<16xf32>,
      %mul3A_1819 = arith.mulf %gather3A_1818, %get3A_1612 : vector<16xf32>
      %add3A_1820 = arith.constant 1 : i32
      %add3A_1821 = vector.broadcast %add3A_1820 : i32 to vector<16xi32>
      %add3A_1822 = arith.addi %add3A_1736, %add3A_1821 : vector<16xi32>
      %gather3A_1823 = tpu.vector_load_idx %arg12[%add3A_1817, %add3A_1822] : memref<256x128xf32, #tpu.memory_space<vmem>>[vector<16xi32>, vector<16xi32>], vector<16xf32>,
      %mul3A_1824 = arith.mulf %gather3A_1823, %get3A_1616 : vector<16xf32>
      %add3A_1825 = arith.addf %mul3A_1819, %mul3A_1824 : vector<16xf32>
      %add3A_1826 = arith.constant 2 : i32
      %add3A_1827 = vector.broadcast %add3A_1826 : i32 to vector<16xi32>
      %add3A_1828 = arith.addi %add3A_1736, %add3A_1827 : vector<16xi32>
      %gather3A_1829 = tpu.vector_load_idx %arg12[%add3A_1817, %add3A_1828] : memref<256x128xf32, #tpu.memory_space<vmem>>[vector<16xi32>, vector<16xi32>], vector<16xf32>,
      %mul3A_1830 = arith.mulf %gather3A_1829, %get3A_1620 : vector<16xf32>
      %add3A_1831 = arith.addf %add3A_1825, %mul3A_1830 : vector<16xf32>
      %add3A_1832 = arith.constant 3 : i32
      %add3A_1833 = vector.broadcast %add3A_1832 : i32 to vector<16xi32>
      %add3A_1834 = arith.addi %add3A_1736, %add3A_1833 : vector<16xi32>
      %gather3A_1835 = tpu.vector_load_idx %arg12[%add3A_1817, %add3A_1834] : memref<256x128xf32, #tpu.memory_space<vmem>>[vector<16xi32>, vector<16xi32>], vector<16xf32>,
      %mul3A_1836 = arith.mulf %gather3A_1835, %get3A_1624 : vector<16xf32>
      %add3A_1837 = arith.addf %add3A_1831, %mul3A_1836 : vector<16xf32>
      %mul3A_1838 = arith.mulf %get3A_1592, %get3A_1600 : vector<16xf32>
      %mul3A_1839 = arith.mulf %add3A_1837, %mul3A_1838 : vector<16xf32>
      %add3A_1840 = arith.addf %add3A_1814, %mul3A_1839 : vector<16xf32>
      %add3A_1841 = arith.constant 0 : i32
      %add3A_1842 = vector.broadcast %add3A_1841 : i32 to vector<16xi32>
      %add3A_1843 = arith.addi %get3A_1626, %add3A_1842 : vector<16xi32>
      %add3A_1844 = arith.constant 32 : i32
      %add3A_1845 = vector.broadcast %add3A_1844 : i32 to vector<16xi32>
      %add3A_1846 = arith.addi %add3A_1576, %add3A_1845 : vector<16xi32>
      %gather3A_1847 = tpu.vector_load_idx %arg12[%add3A_1846, %add3A_1843] : memref<256x128xf32, #tpu.memory_space<vmem>>[vector<16xi32>, vector<16xi32>], vector<16xf32>,
      %mul3A_1848 = arith.mulf %gather3A_1847, %get3A_1612 : vector<16xf32>
      %add3A_1849 = arith.constant 1 : i32
      %add3A_1850 = vector.broadcast %add3A_1849 : i32 to vector<16xi32>
      %add3A_1851 = arith.addi %add3A_1843, %add3A_1850 : vector<16xi32>
      %gather3A_1852 = tpu.vector_load_idx %arg12[%add3A_1846, %add3A_1851] : memref<256x128xf32, #tpu.memory_space<vmem>>[vector<16xi32>, vector<16xi32>], vector<16xf32>,
      %mul3A_1853 = arith.mulf %gather3A_1852, %get3A_1616 : vector<16xf32>
      %add3A_1854 = arith.addf %mul3A_1848, %mul3A_1853 : vector<16xf32>
      %add3A_1855 = arith.constant 2 : i32
      %add3A_1856 = vector.broadcast %add3A_1855 : i32 to vector<16xi32>
      %add3A_1857 = arith.addi %add3A_1843, %add3A_1856 : vector<16xi32>
      %gather3A_1858 = tpu.vector_load_idx %arg12[%add3A_1846, %add3A_1857] : memref<256x128xf32, #tpu.memory_space<vmem>>[vector<16xi32>, vector<16xi32>], vector<16xf32>,
      %mul3A_1859 = arith.mulf %gather3A_1858, %get3A_1620 : vector<16xf32>
      %add3A_1860 = arith.addf %add3A_1854, %mul3A_1859 : vector<16xf32>
      %add3A_1861 = arith.constant 3 : i32
      %add3A_1862 = vector.broadcast %add3A_1861 : i32 to vector<16xi32>
      %add3A_1863 = arith.addi %add3A_1843, %add3A_1862 : vector<16xi32>
      %gather3A_1864 = tpu.vector_load_idx %arg12[%add3A_1846, %add3A_1863] : memref<256x128xf32, #tpu.memory_space<vmem>>[vector<16xi32>, vector<16xi32>], vector<16xf32>,
      %mul3A_1865 = arith.mulf %gather3A_1864, %get3A_1624 : vector<16xf32>
      %add3A_1866 = arith.addf %add3A_1860, %mul3A_1865 : vector<16xf32>
      %mul3A_1867 = arith.mulf %get3A_1580, %get3A_1604 : vector<16xf32>
      %mul3A_1868 = arith.mulf %add3A_1866, %mul3A_1867 : vector<16xf32>
      %add3A_1869 = arith.addf %add3A_1840, %mul3A_1868 : vector<16xf32>
      %add3A_1870 = arith.constant 96 : i32
      %add3A_1871 = vector.broadcast %add3A_1870 : i32 to vector<16xi32>
      %add3A_1872 = arith.addi %add3A_1576, %add3A_1871 : vector<16xi32>
      %gather3A_1873 = tpu.vector_load_idx %arg12[%add3A_1872, %add3A_1843] : memref<256x128xf32, #tpu.memory_space<vmem>>[vector<16xi32>, vector<16xi32>], vector<16xf32>,
      %mul3A_1874 = arith.mulf %gather3A_1873, %get3A_1612 : vector<16xf32>
      %add3A_1875 = arith.constant 1 : i32
      %add3A_1876 = vector.broadcast %add3A_1875 : i32 to vector<16xi32>
      %add3A_1877 = arith.addi %add3A_1843, %add3A_1876 : vector<16xi32>
      %gather3A_1878 = tpu.vector_load_idx %arg12[%add3A_1872, %add3A_1877] : memref<256x128xf32, #tpu.memory_space<vmem>>[vector<16xi32>, vector<16xi32>], vector<16xf32>,
      %mul3A_1879 = arith.mulf %gather3A_1878, %get3A_1616 : vector<16xf32>
      %add3A_1880 = arith.addf %mul3A_1874, %mul3A_1879 : vector<16xf32>
      %add3A_1881 = arith.constant 2 : i32
      %add3A_1882 = vector.broadcast %add3A_1881 : i32 to vector<16xi32>
      %add3A_1883 = arith.addi %add3A_1843, %add3A_1882 : vector<16xi32>
      %gather3A_1884 = tpu.vector_load_idx %arg12[%add3A_1872, %add3A_1883] : memref<256x128xf32, #tpu.memory_space<vmem>>[vector<16xi32>, vector<16xi32>], vector<16xf32>,
      %mul3A_1885 = arith.mulf %gather3A_1884, %get3A_1620 : vector<16xf32>
      %add3A_1886 = arith.addf %add3A_1880, %mul3A_1885 : vector<16xf32>
      %add3A_1887 = arith.constant 3 : i32
      %add3A_1888 = vector.broadcast %add3A_1887 : i32 to vector<16xi32>
      %add3A_1889 = arith.addi %add3A_1843, %add3A_1888 : vector<16xi32>
      %gather3A_1890 = tpu.vector_load_idx %arg12[%add3A_1872, %add3A_1889] : memref<256x128xf32, #tpu.memory_space<vmem>>[vector<16xi32>, vector<16xi32>], vector<16xf32>,
      %mul3A_1891 = arith.mulf %gather3A_1890, %get3A_1624 : vector<16xf32>
      %add3A_1892 = arith.addf %add3A_1886, %mul3A_1891 : vector<16xf32>
      %mul3A_1893 = arith.mulf %get3A_1584, %get3A_1604 : vector<16xf32>
      %mul3A_1894 = arith.mulf %add3A_1892, %mul3A_1893 : vector<16xf32>
      %add3A_1895 = arith.addf %add3A_1869, %mul3A_1894 : vector<16xf32>
      %add3A_1896 = arith.constant 160 : i32
      %add3A_1897 = vector.broadcast %add3A_1896 : i32 to vector<16xi32>
      %add3A_1898 = arith.addi %add3A_1576, %add3A_1897 : vector<16xi32>
      %gather3A_1899 = tpu.vector_load_idx %arg12[%add3A_1898, %add3A_1843] : memref<256x128xf32, #tpu.memory_space<vmem>>[vector<16xi32>, vector<16xi32>], vector<16xf32>,
      %mul3A_1900 = arith.mulf %gather3A_1899, %get3A_1612 : vector<16xf32>
      %add3A_1901 = arith.constant 1 : i32
      %add3A_1902 = vector.broadcast %add3A_1901 : i32 to vector<16xi32>
      %add3A_1903 = arith.addi %add3A_1843, %add3A_1902 : vector<16xi32>
      %gather3A_1904 = tpu.vector_load_idx %arg12[%add3A_1898, %add3A_1903] : memref<256x128xf32, #tpu.memory_space<vmem>>[vector<16xi32>, vector<16xi32>], vector<16xf32>,
      %mul3A_1905 = arith.mulf %gather3A_1904, %get3A_1616 : vector<16xf32>
      %add3A_1906 = arith.addf %mul3A_1900, %mul3A_1905 : vector<16xf32>
      %add3A_1907 = arith.constant 2 : i32
      %add3A_1908 = vector.broadcast %add3A_1907 : i32 to vector<16xi32>
      %add3A_1909 = arith.addi %add3A_1843, %add3A_1908 : vector<16xi32>
      %gather3A_1910 = tpu.vector_load_idx %arg12[%add3A_1898, %add3A_1909] : memref<256x128xf32, #tpu.memory_space<vmem>>[vector<16xi32>, vector<16xi32>], vector<16xf32>,
      %mul3A_1911 = arith.mulf %gather3A_1910, %get3A_1620 : vector<16xf32>
      %add3A_1912 = arith.addf %add3A_1906, %mul3A_1911 : vector<16xf32>
      %add3A_1913 = arith.constant 3 : i32
      %add3A_1914 = vector.broadcast %add3A_1913 : i32 to vector<16xi32>
      %add3A_1915 = arith.addi %add3A_1843, %add3A_1914 : vector<16xi32>
      %gather3A_1916 = tpu.vector_load_idx %arg12[%add3A_1898, %add3A_1915] : memref<256x128xf32, #tpu.memory_space<vmem>>[vector<16xi32>, vector<16xi32>], vector<16xf32>,
      %mul3A_1917 = arith.mulf %gather3A_1916, %get3A_1624 : vector<16xf32>
      %add3A_1918 = arith.addf %add3A_1912, %mul3A_1917 : vector<16xf32>
      %mul3A_1919 = arith.mulf %get3A_1588, %get3A_1604 : vector<16xf32>
      %mul3A_1920 = arith.mulf %add3A_1918, %mul3A_1919 : vector<16xf32>
      %add3A_1921 = arith.addf %add3A_1895, %mul3A_1920 : vector<16xf32>
      %add3A_1922 = arith.constant 224 : i32
      %add3A_1923 = vector.broadcast %add3A_1922 : i32 to vector<16xi32>
      %add3A_1924 = arith.addi %add3A_1576, %add3A_1923 : vector<16xi32>
      %gather3A_1925 = tpu.vector_load_idx %arg12[%add3A_1924, %add3A_1843] : memref<256x128xf32, #tpu.memory_space<vmem>>[vector<16xi32>, vector<16xi32>], vector<16xf32>,
      %mul3A_1926 = arith.mulf %gather3A_1925, %get3A_1612 : vector<16xf32>
      %add3A_1927 = arith.constant 1 : i32
      %add3A_1928 = vector.broadcast %add3A_1927 : i32 to vector<16xi32>
      %add3A_1929 = arith.addi %add3A_1843, %add3A_1928 : vector<16xi32>
      %gather3A_1930 = tpu.vector_load_idx %arg12[%add3A_1924, %add3A_1929] : memref<256x128xf32, #tpu.memory_space<vmem>>[vector<16xi32>, vector<16xi32>], vector<16xf32>,
      %mul3A_1931 = arith.mulf %gather3A_1930, %get3A_1616 : vector<16xf32>
      %add3A_1932 = arith.addf %mul3A_1926, %mul3A_1931 : vector<16xf32>
      %add3A_1933 = arith.constant 2 : i32
      %add3A_1934 = vector.broadcast %add3A_1933 : i32 to vector<16xi32>
      %add3A_1935 = arith.addi %add3A_1843, %add3A_1934 : vector<16xi32>
      %gather3A_1936 = tpu.vector_load_idx %arg12[%add3A_1924, %add3A_1935] : memref<256x128xf32, #tpu.memory_space<vmem>>[vector<16xi32>, vector<16xi32>], vector<16xf32>,
      %mul3A_1937 = arith.mulf %gather3A_1936, %get3A_1620 : vector<16xf32>
      %add3A_1938 = arith.addf %add3A_1932, %mul3A_1937 : vector<16xf32>
      %add3A_1939 = arith.constant 3 : i32
      %add3A_1940 = vector.broadcast %add3A_1939 : i32 to vector<16xi32>
      %add3A_1941 = arith.addi %add3A_1843, %add3A_1940 : vector<16xi32>
      %gather3A_1942 = tpu.vector_load_idx %arg12[%add3A_1924, %add3A_1941] : memref<256x128xf32, #tpu.memory_space<vmem>>[vector<16xi32>, vector<16xi32>], vector<16xf32>,
      %mul3A_1943 = arith.mulf %gather3A_1942, %get3A_1624 : vector<16xf32>
      %add3A_1944 = arith.addf %add3A_1938, %mul3A_1943 : vector<16xf32>
      %mul3A_1945 = arith.mulf %get3A_1592, %get3A_1604 : vector<16xf32>
      %mul3A_1946 = arith.mulf %add3A_1944, %mul3A_1945 : vector<16xf32>
      %add3A_1947 = arith.addf %add3A_1921, %mul3A_1946 : vector<16xf32>
      %add3A_1948 = arith.constant 64 : i32
      %add3A_1949 = vector.broadcast %add3A_1948 : i32 to vector<16xi32>
      %add3A_1950 = arith.addi %get3A_1626, %add3A_1949 : vector<16xi32>
      %add3A_1951 = arith.constant 32 : i32
      %add3A_1952 = vector.broadcast %add3A_1951 : i32 to vector<16xi32>
      %add3A_1953 = arith.addi %add3A_1576, %add3A_1952 : vector<16xi32>
      %gather3A_1954 = tpu.vector_load_idx %arg12[%add3A_1953, %add3A_1950] : memref<256x128xf32, #tpu.memory_space<vmem>>[vector<16xi32>, vector<16xi32>], vector<16xf32>,
      %mul3A_1955 = arith.mulf %gather3A_1954, %get3A_1612 : vector<16xf32>
      %add3A_1956 = arith.constant 1 : i32
      %add3A_1957 = vector.broadcast %add3A_1956 : i32 to vector<16xi32>
      %add3A_1958 = arith.addi %add3A_1950, %add3A_1957 : vector<16xi32>
      %gather3A_1959 = tpu.vector_load_idx %arg12[%add3A_1953, %add3A_1958] : memref<256x128xf32, #tpu.memory_space<vmem>>[vector<16xi32>, vector<16xi32>], vector<16xf32>,
      %mul3A_1960 = arith.mulf %gather3A_1959, %get3A_1616 : vector<16xf32>
      %add3A_1961 = arith.addf %mul3A_1955, %mul3A_1960 : vector<16xf32>
      %add3A_1962 = arith.constant 2 : i32
      %add3A_1963 = vector.broadcast %add3A_1962 : i32 to vector<16xi32>
      %add3A_1964 = arith.addi %add3A_1950, %add3A_1963 : vector<16xi32>
      %gather3A_1965 = tpu.vector_load_idx %arg12[%add3A_1953, %add3A_1964] : memref<256x128xf32, #tpu.memory_space<vmem>>[vector<16xi32>, vector<16xi32>], vector<16xf32>,
      %mul3A_1966 = arith.mulf %gather3A_1965, %get3A_1620 : vector<16xf32>
      %add3A_1967 = arith.addf %add3A_1961, %mul3A_1966 : vector<16xf32>
      %add3A_1968 = arith.constant 3 : i32
      %add3A_1969 = vector.broadcast %add3A_1968 : i32 to vector<16xi32>
      %add3A_1970 = arith.addi %add3A_1950, %add3A_1969 : vector<16xi32>
      %gather3A_1971 = tpu.vector_load_idx %arg12[%add3A_1953, %add3A_1970] : memref<256x128xf32, #tpu.memory_space<vmem>>[vector<16xi32>, vector<16xi32>], vector<16xf32>,
      %mul3A_1972 = arith.mulf %gather3A_1971, %get3A_1624 : vector<16xf32>
      %add3A_1973 = arith.addf %add3A_1967, %mul3A_1972 : vector<16xf32>
      %mul3A_1974 = arith.mulf %get3A_1580, %get3A_1608 : vector<16xf32>
      %mul3A_1975 = arith.mulf %add3A_1973, %mul3A_1974 : vector<16xf32>
      %add3A_1976 = arith.addf %add3A_1947, %mul3A_1975 : vector<16xf32>
      %add3A_1977 = arith.constant 96 : i32
      %add3A_1978 = vector.broadcast %add3A_1977 : i32 to vector<16xi32>
      %add3A_1979 = arith.addi %add3A_1576, %add3A_1978 : vector<16xi32>
      %gather3A_1980 = tpu.vector_load_idx %arg12[%add3A_1979, %add3A_1950] : memref<256x128xf32, #tpu.memory_space<vmem>>[vector<16xi32>, vector<16xi32>], vector<16xf32>,
      %mul3A_1981 = arith.mulf %gather3A_1980, %get3A_1612 : vector<16xf32>
      %add3A_1982 = arith.constant 1 : i32
      %add3A_1983 = vector.broadcast %add3A_1982 : i32 to vector<16xi32>
      %add3A_1984 = arith.addi %add3A_1950, %add3A_1983 : vector<16xi32>
      %gather3A_1985 = tpu.vector_load_idx %arg12[%add3A_1979, %add3A_1984] : memref<256x128xf32, #tpu.memory_space<vmem>>[vector<16xi32>, vector<16xi32>], vector<16xf32>,
      %mul3A_1986 = arith.mulf %gather3A_1985, %get3A_1616 : vector<16xf32>
      %add3A_1987 = arith.addf %mul3A_1981, %mul3A_1986 : vector<16xf32>
      %add3A_1988 = arith.constant 2 : i32
      %add3A_1989 = vector.broadcast %add3A_1988 : i32 to vector<16xi32>
      %add3A_1990 = arith.addi %add3A_1950, %add3A_1989 : vector<16xi32>
      %gather3A_1991 = tpu.vector_load_idx %arg12[%add3A_1979, %add3A_1990] : memref<256x128xf32, #tpu.memory_space<vmem>>[vector<16xi32>, vector<16xi32>], vector<16xf32>,
      %mul3A_1992 = arith.mulf %gather3A_1991, %get3A_1620 : vector<16xf32>
      %add3A_1993 = arith.addf %add3A_1987, %mul3A_1992 : vector<16xf32>
      %add3A_1994 = arith.constant 3 : i32
      %add3A_1995 = vector.broadcast %add3A_1994 : i32 to vector<16xi32>
      %add3A_1996 = arith.addi %add3A_1950, %add3A_1995 : vector<16xi32>
      %gather3A_1997 = tpu.vector_load_idx %arg12[%add3A_1979, %add3A_1996] : memref<256x128xf32, #tpu.memory_space<vmem>>[vector<16xi32>, vector<16xi32>], vector<16xf32>,
      %mul3A_1998 = arith.mulf %gather3A_1997, %get3A_1624 : vector<16xf32>
      %add3A_1999 = arith.addf %add3A_1993, %mul3A_1998 : vector<16xf32>
      %mul3A_2000 = arith.mulf %get3A_1584, %get3A_1608 : vector<16xf32>
      %mul3A_2001 = arith.mulf %add3A_1999, %mul3A_2000 : vector<16xf32>
      %add3A_2002 = arith.addf %add3A_1976, %mul3A_2001 : vector<16xf32>
      %add3A_2003 = arith.constant 160 : i32
      %add3A_2004 = vector.broadcast %add3A_2003 : i32 to vector<16xi32>
      %add3A_2005 = arith.addi %add3A_1576, %add3A_2004 : vector<16xi32>
      %gather3A_2006 = tpu.vector_load_idx %arg12[%add3A_2005, %add3A_1950] : memref<256x128xf32, #tpu.memory_space<vmem>>[vector<16xi32>, vector<16xi32>], vector<16xf32>,
      %mul3A_2007 = arith.mulf %gather3A_2006, %get3A_1612 : vector<16xf32>
      %add3A_2008 = arith.constant 1 : i32
      %add3A_2009 = vector.broadcast %add3A_2008 : i32 to vector<16xi32>
      %add3A_2010 = arith.addi %add3A_1950, %add3A_2009 : vector<16xi32>
      %gather3A_2011 = tpu.vector_load_idx %arg12[%add3A_2005, %add3A_2010] : memref<256x128xf32, #tpu.memory_space<vmem>>[vector<16xi32>, vector<16xi32>], vector<16xf32>,
      %mul3A_2012 = arith.mulf %gather3A_2011, %get3A_1616 : vector<16xf32>
      %add3A_2013 = arith.addf %mul3A_2007, %mul3A_2012 : vector<16xf32>
      %add3A_2014 = arith.constant 2 : i32
      %add3A_2015 = vector.broadcast %add3A_2014 : i32 to vector<16xi32>
      %add3A_2016 = arith.addi %add3A_1950, %add3A_2015 : vector<16xi32>
      %gather3A_2017 = tpu.vector_load_idx %arg12[%add3A_2005, %add3A_2016] : memref<256x128xf32, #tpu.memory_space<vmem>>[vector<16xi32>, vector<16xi32>], vector<16xf32>,
      %mul3A_2018 = arith.mulf %gather3A_2017, %get3A_1620 : vector<16xf32>
      %add3A_2019 = arith.addf %add3A_2013, %mul3A_2018 : vector<16xf32>
      %add3A_2020 = arith.constant 3 : i32
      %add3A_2021 = vector.broadcast %add3A_2020 : i32 to vector<16xi32>
      %add3A_2022 = arith.addi %add3A_1950, %add3A_2021 : vector<16xi32>
      %gather3A_2023 = tpu.vector_load_idx %arg12[%add3A_2005, %add3A_2022] : memref<256x128xf32, #tpu.memory_space<vmem>>[vector<16xi32>, vector<16xi32>], vector<16xf32>,
      %mul3A_2024 = arith.mulf %gather3A_2023, %get3A_1624 : vector<16xf32>
      %add3A_2025 = arith.addf %add3A_2019, %mul3A_2024 : vector<16xf32>
      %mul3A_2026 = arith.mulf %get3A_1588, %get3A_1608 : vector<16xf32>
      %mul3A_2027 = arith.mulf %add3A_2025, %mul3A_2026 : vector<16xf32>
      %add3A_2028 = arith.addf %add3A_2002, %mul3A_2027 : vector<16xf32>
      %add3A_2029 = arith.constant 224 : i32
      %add3A_2030 = vector.broadcast %add3A_2029 : i32 to vector<16xi32>
      %add3A_2031 = arith.addi %add3A_1576, %add3A_2030 : vector<16xi32>
      %gather3A_2032 = tpu.vector_load_idx %arg12[%add3A_2031, %add3A_1950] : memref<256x128xf32, #tpu.memory_space<vmem>>[vector<16xi32>, vector<16xi32>], vector<16xf32>,
      %mul3A_2033 = arith.mulf %gather3A_2032, %get3A_1612 : vector<16xf32>
      %add3A_2034 = arith.constant 1 : i32
      %add3A_2035 = vector.broadcast %add3A_2034 : i32 to vector<16xi32>
      %add3A_2036 = arith.addi %add3A_1950, %add3A_2035 : vector<16xi32>
      %gather3A_2037 = tpu.vector_load_idx %arg12[%add3A_2031, %add3A_2036] : memref<256x128xf32, #tpu.memory_space<vmem>>[vector<16xi32>, vector<16xi32>], vector<16xf32>,
      %mul3A_2038 = arith.mulf %gather3A_2037, %get3A_1616 : vector<16xf32>
      %add3A_2039 = arith.addf %mul3A_2033, %mul3A_2038 : vector<16xf32>
      %add3A_2040 = arith.constant 2 : i32
      %add3A_2041 = vector.broadcast %add3A_2040 : i32 to vector<16xi32>
      %add3A_2042 = arith.addi %add3A_1950, %add3A_2041 : vector<16xi32>
      %gather3A_2043 = tpu.vector_load_idx %arg12[%add3A_2031, %add3A_2042] : memref<256x128xf32, #tpu.memory_space<vmem>>[vector<16xi32>, vector<16xi32>], vector<16xf32>,
      %mul3A_2044 = arith.mulf %gather3A_2043, %get3A_1620 : vector<16xf32>
      %add3A_2045 = arith.addf %add3A_2039, %mul3A_2044 : vector<16xf32>
      %add3A_2046 = arith.constant 3 : i32
      %add3A_2047 = vector.broadcast %add3A_2046 : i32 to vector<16xi32>
      %add3A_2048 = arith.addi %add3A_1950, %add3A_2047 : vector<16xi32>
      %gather3A_2049 = tpu.vector_load_idx %arg12[%add3A_2031, %add3A_2048] : memref<256x128xf32, #tpu.memory_space<vmem>>[vector<16xi32>, vector<16xi32>], vector<16xf32>,
      %mul3A_2050 = arith.mulf %gather3A_2049, %get3A_1624 : vector<16xf32>
      %add3A_2051 = arith.addf %add3A_2045, %mul3A_2050 : vector<16xf32>
      %mul3A_2052 = arith.mulf %get3A_1592, %get3A_1608 : vector<16xf32>
      %mul3A_2053 = arith.mulf %add3A_2051, %mul3A_2052 : vector<16xf32>
      %add3A_2054 = arith.addf %add3A_2028, %mul3A_2053 : vector<16xf32>
      %mul3A_2055 = arith.constant 32 : i32
      %mul3A_2056 = arith.muli %mul3A_781, %mul3A_2055 : i32
      %add3A_2057 = arith.constant 0 : i32
      %add3A_2058 = arith.addi %mul3A_2056, %add3A_2057 : i32
      %swap3A_2059 = arith.index_cast %add3A_2058 : i32 to index
      %swap3A_2060 = tpu.vector_load %arg18[%swap3A_2059] {strides = array<i32>} : memref<3136xf32, #tpu.memory_space<vmem>>, vector<16xf32>,
      tpu.vector_store %arg18[%swap3A_2059], %add3A_2054 {strides = array<i32>} : memref<3136xf32, #tpu.memory_space<vmem>>, vector<16xf32>,
      %add3A_2061 = arith.constant 16 : i32
      %add3A_2062 = vector.broadcast %add3A_2061 : i32 to vector<16xi32>
      %add3A_2063 = arith.addi %iota3A, %add3A_2062 : vector<16xi32>
      %get3A_2064 = arith.constant 0 : i32
      %get3A_2065 = arith.index_cast %get3A_2064 : i32 to index
      %get3A_2066 = arith.constant 16 : index
      %get3A_2067 = tpu.vector_load %arg14[%get3A_2065, %get3A_2066] {strides = array<i32>} : memref<12x32xf32, #tpu.memory_space<vmem>>, vector<16xf32>,
      %get3A_2068 = arith.constant 1 : i32
      %get3A_2069 = arith.index_cast %get3A_2068 : i32 to index
      %get3A_2070 = arith.constant 16 : index
      %get3A_2071 = tpu.vector_load %arg14[%get3A_2069, %get3A_2070] {strides = array<i32>} : memref<12x32xf32, #tpu.memory_space<vmem>>, vector<16xf32>,
      %get3A_2072 = arith.constant 2 : i32
      %get3A_2073 = arith.index_cast %get3A_2072 : i32 to index
      %get3A_2074 = arith.constant 16 : index
      %get3A_2075 = tpu.vector_load %arg14[%get3A_2073, %get3A_2074] {strides = array<i32>} : memref<12x32xf32, #tpu.memory_space<vmem>>, vector<16xf32>,
      %get3A_2076 = arith.constant 3 : i32
      %get3A_2077 = arith.index_cast %get3A_2076 : i32 to index
      %get3A_2078 = arith.constant 16 : index
      %get3A_2079 = tpu.vector_load %arg14[%get3A_2077, %get3A_2078] {strides = array<i32>} : memref<12x32xf32, #tpu.memory_space<vmem>>, vector<16xf32>,
      %get3A_2080 = arith.constant 4 : i32
      %get3A_2081 = arith.index_cast %get3A_2080 : i32 to index
      %get3A_2082 = arith.constant 16 : index
      %get3A_2083 = tpu.vector_load %arg14[%get3A_2081, %get3A_2082] {strides = array<i32>} : memref<12x32xf32, #tpu.memory_space<vmem>>, vector<16xf32>,
      %get3A_2084 = arith.constant 5 : i32
      %get3A_2085 = arith.index_cast %get3A_2084 : i32 to index
      %get3A_2086 = arith.constant 16 : index
      %get3A_2087 = tpu.vector_load %arg14[%get3A_2085, %get3A_2086] {strides = array<i32>} : memref<12x32xf32, #tpu.memory_space<vmem>>, vector<16xf32>,
      %get3A_2088 = arith.constant 6 : i32
      %get3A_2089 = arith.index_cast %get3A_2088 : i32 to index
      %get3A_2090 = arith.constant 16 : index
      %get3A_2091 = tpu.vector_load %arg14[%get3A_2089, %get3A_2090] {strides = array<i32>} : memref<12x32xf32, #tpu.memory_space<vmem>>, vector<16xf32>,
      %get3A_2092 = arith.constant 7 : i32
      %get3A_2093 = arith.index_cast %get3A_2092 : i32 to index
      %get3A_2094 = arith.constant 16 : index
      %get3A_2095 = tpu.vector_load %arg14[%get3A_2093, %get3A_2094] {strides = array<i32>} : memref<12x32xf32, #tpu.memory_space<vmem>>, vector<16xf32>,
      %get3A_2096 = arith.constant 8 : i32
      %get3A_2097 = arith.index_cast %get3A_2096 : i32 to index
      %get3A_2098 = arith.constant 16 : index
      %get3A_2099 = tpu.vector_load %arg14[%get3A_2097, %get3A_2098] {strides = array<i32>} : memref<12x32xf32, #tpu.memory_space<vmem>>, vector<16xf32>,
      %get3A_2100 = arith.constant 9 : i32
      %get3A_2101 = arith.index_cast %get3A_2100 : i32 to index
      %get3A_2102 = arith.constant 16 : index
      %get3A_2103 = tpu.vector_load %arg14[%get3A_2101, %get3A_2102] {strides = array<i32>} : memref<12x32xf32, #tpu.memory_space<vmem>>, vector<16xf32>,
      %get3A_2104 = arith.constant 10 : i32
      %get3A_2105 = arith.index_cast %get3A_2104 : i32 to index
      %get3A_2106 = arith.constant 16 : index
      %get3A_2107 = tpu.vector_load %arg14[%get3A_2105, %get3A_2106] {strides = array<i32>} : memref<12x32xf32, #tpu.memory_space<vmem>>, vector<16xf32>,
      %get3A_2108 = arith.constant 11 : i32
      %get3A_2109 = arith.index_cast %get3A_2108 : i32 to index
      %get3A_2110 = arith.constant 16 : index
      %get3A_2111 = tpu.vector_load %arg14[%get3A_2109, %get3A_2110] {strides = array<i32>} : memref<12x32xf32, #tpu.memory_space<vmem>>, vector<16xf32>,
      %get3A_2112 = arith.constant 16 : index
      %get3A_2113 = tpu.vector_load %arg16[%get3A_2112] {strides = array<i32>} : memref<32xi32, #tpu.memory_space<vmem>>, vector<16xi32>,
      %broadcast_in_dim3A_2114 = arith.constant 0.000000e+00 : f32
      %broadcast_in_dim3A_2115 = vector.broadcast %broadcast_in_dim3A_2114 : f32 to vector<16xf32>
      %add3A_2116 = arith.constant 0 : i32
      %add3A_2117 = vector.broadcast %add3A_2116 : i32 to vector<16xi32>
      %add3A_2118 = arith.addi %get3A_2113, %add3A_2117 : vector<16xi32>
      %add3A_2119 = arith.constant 0 : i32
      %add3A_2120 = vector.broadcast %add3A_2119 : i32 to vector<16xi32>
      %add3A_2121 = arith.addi %add3A_2063, %add3A_2120 : vector<16xi32>
      %gather3A_2122 = tpu.vector_load_idx %arg12[%add3A_2121, %add3A_2118] : memref<256x128xf32, #tpu.memory_space<vmem>>[vector<16xi32>, vector<16xi32>], vector<16xf32>,
      %mul3A_2123 = arith.mulf %gather3A_2122, %get3A_2099 : vector<16xf32>
      %add3A_2124 = arith.constant 1 : i32
      %add3A_2125 = vector.broadcast %add3A_2124 : i32 to vector<16xi32>
      %add3A_2126 = arith.addi %add3A_2118, %add3A_2125 : vector<16xi32>
      %gather3A_2127 = tpu.vector_load_idx %arg12[%add3A_2121, %add3A_2126] : memref<256x128xf32, #tpu.memory_space<vmem>>[vector<16xi32>, vector<16xi32>], vector<16xf32>,
      %mul3A_2128 = arith.mulf %gather3A_2127, %get3A_2103 : vector<16xf32>
      %add3A_2129 = arith.addf %mul3A_2123, %mul3A_2128 : vector<16xf32>
      %add3A_2130 = arith.constant 2 : i32
      %add3A_2131 = vector.broadcast %add3A_2130 : i32 to vector<16xi32>
      %add3A_2132 = arith.addi %add3A_2118, %add3A_2131 : vector<16xi32>
      %gather3A_2133 = tpu.vector_load_idx %arg12[%add3A_2121, %add3A_2132] : memref<256x128xf32, #tpu.memory_space<vmem>>[vector<16xi32>, vector<16xi32>], vector<16xf32>,
      %mul3A_2134 = arith.mulf %gather3A_2133, %get3A_2107 : vector<16xf32>
      %add3A_2135 = arith.addf %add3A_2129, %mul3A_2134 : vector<16xf32>
      %add3A_2136 = arith.constant 3 : i32
      %add3A_2137 = vector.broadcast %add3A_2136 : i32 to vector<16xi32>
      %add3A_2138 = arith.addi %add3A_2118, %add3A_2137 : vector<16xi32>
      %gather3A_2139 = tpu.vector_load_idx %arg12[%add3A_2121, %add3A_2138] : memref<256x128xf32, #tpu.memory_space<vmem>>[vector<16xi32>, vector<16xi32>], vector<16xf32>,
      %mul3A_2140 = arith.mulf %gather3A_2139, %get3A_2111 : vector<16xf32>
      %add3A_2141 = arith.addf %add3A_2135, %mul3A_2140 : vector<16xf32>
      %mul3A_2142 = arith.mulf %get3A_2067, %get3A_2083 : vector<16xf32>
      %mul3A_2143 = arith.mulf %add3A_2141, %mul3A_2142 : vector<16xf32>
      %add3A_2144 = arith.addf %broadcast_in_dim3A_2115, %mul3A_2143 : vector<16xf32>
      %add3A_2145 = arith.constant 64 : i32
      %add3A_2146 = vector.broadcast %add3A_2145 : i32 to vector<16xi32>
      %add3A_2147 = arith.addi %add3A_2063, %add3A_2146 : vector<16xi32>
      %gather3A_2148 = tpu.vector_load_idx %arg12[%add3A_2147, %add3A_2118] : memref<256x128xf32, #tpu.memory_space<vmem>>[vector<16xi32>, vector<16xi32>], vector<16xf32>,
      %mul3A_2149 = arith.mulf %gather3A_2148, %get3A_2099 : vector<16xf32>
      %add3A_2150 = arith.constant 1 : i32
      %add3A_2151 = vector.broadcast %add3A_2150 : i32 to vector<16xi32>
      %add3A_2152 = arith.addi %add3A_2118, %add3A_2151 : vector<16xi32>
      %gather3A_2153 = tpu.vector_load_idx %arg12[%add3A_2147, %add3A_2152] : memref<256x128xf32, #tpu.memory_space<vmem>>[vector<16xi32>, vector<16xi32>], vector<16xf32>,
      %mul3A_2154 = arith.mulf %gather3A_2153, %get3A_2103 : vector<16xf32>
      %add3A_2155 = arith.addf %mul3A_2149, %mul3A_2154 : vector<16xf32>
      %add3A_2156 = arith.constant 2 : i32
      %add3A_2157 = vector.broadcast %add3A_2156 : i32 to vector<16xi32>
      %add3A_2158 = arith.addi %add3A_2118, %add3A_2157 : vector<16xi32>
      %gather3A_2159 = tpu.vector_load_idx %arg12[%add3A_2147, %add3A_2158] : memref<256x128xf32, #tpu.memory_space<vmem>>[vector<16xi32>, vector<16xi32>], vector<16xf32>,
      %mul3A_2160 = arith.mulf %gather3A_2159, %get3A_2107 : vector<16xf32>
      %add3A_2161 = arith.addf %add3A_2155, %mul3A_2160 : vector<16xf32>
      %add3A_2162 = arith.constant 3 : i32
      %add3A_2163 = vector.broadcast %add3A_2162 : i32 to vector<16xi32>
      %add3A_2164 = arith.addi %add3A_2118, %add3A_2163 : vector<16xi32>
      %gather3A_2165 = tpu.vector_load_idx %arg12[%add3A_2147, %add3A_2164] : memref<256x128xf32, #tpu.memory_space<vmem>>[vector<16xi32>, vector<16xi32>], vector<16xf32>,
      %mul3A_2166 = arith.mulf %gather3A_2165, %get3A_2111 : vector<16xf32>
      %add3A_2167 = arith.addf %add3A_2161, %mul3A_2166 : vector<16xf32>
      %mul3A_2168 = arith.mulf %get3A_2071, %get3A_2083 : vector<16xf32>
      %mul3A_2169 = arith.mulf %add3A_2167, %mul3A_2168 : vector<16xf32>
      %add3A_2170 = arith.addf %add3A_2144, %mul3A_2169 : vector<16xf32>
      %add3A_2171 = arith.constant 128 : i32
      %add3A_2172 = vector.broadcast %add3A_2171 : i32 to vector<16xi32>
      %add3A_2173 = arith.addi %add3A_2063, %add3A_2172 : vector<16xi32>
      %gather3A_2174 = tpu.vector_load_idx %arg12[%add3A_2173, %add3A_2118] : memref<256x128xf32, #tpu.memory_space<vmem>>[vector<16xi32>, vector<16xi32>], vector<16xf32>,
      %mul3A_2175 = arith.mulf %gather3A_2174, %get3A_2099 : vector<16xf32>
      %add3A_2176 = arith.constant 1 : i32
      %add3A_2177 = vector.broadcast %add3A_2176 : i32 to vector<16xi32>
      %add3A_2178 = arith.addi %add3A_2118, %add3A_2177 : vector<16xi32>
      %gather3A_2179 = tpu.vector_load_idx %arg12[%add3A_2173, %add3A_2178] : memref<256x128xf32, #tpu.memory_space<vmem>>[vector<16xi32>, vector<16xi32>], vector<16xf32>,
      %mul3A_2180 = arith.mulf %gather3A_2179, %get3A_2103 : vector<16xf32>
      %add3A_2181 = arith.addf %mul3A_2175, %mul3A_2180 : vector<16xf32>
      %add3A_2182 = arith.constant 2 : i32
      %add3A_2183 = vector.broadcast %add3A_2182 : i32 to vector<16xi32>
      %add3A_2184 = arith.addi %add3A_2118, %add3A_2183 : vector<16xi32>
      %gather3A_2185 = tpu.vector_load_idx %arg12[%add3A_2173, %add3A_2184] : memref<256x128xf32, #tpu.memory_space<vmem>>[vector<16xi32>, vector<16xi32>], vector<16xf32>,
      %mul3A_2186 = arith.mulf %gather3A_2185, %get3A_2107 : vector<16xf32>
      %add3A_2187 = arith.addf %add3A_2181, %mul3A_2186 : vector<16xf32>
      %add3A_2188 = arith.constant 3 : i32
      %add3A_2189 = vector.broadcast %add3A_2188 : i32 to vector<16xi32>
      %add3A_2190 = arith.addi %add3A_2118, %add3A_2189 : vector<16xi32>
      %gather3A_2191 = tpu.vector_load_idx %arg12[%add3A_2173, %add3A_2190] : memref<256x128xf32, #tpu.memory_space<vmem>>[vector<16xi32>, vector<16xi32>], vector<16xf32>,
      %mul3A_2192 = arith.mulf %gather3A_2191, %get3A_2111 : vector<16xf32>
      %add3A_2193 = arith.addf %add3A_2187, %mul3A_2192 : vector<16xf32>
      %mul3A_2194 = arith.mulf %get3A_2075, %get3A_2083 : vector<16xf32>
      %mul3A_2195 = arith.mulf %add3A_2193, %mul3A_2194 : vector<16xf32>
      %add3A_2196 = arith.addf %add3A_2170, %mul3A_2195 : vector<16xf32>
      %add3A_2197 = arith.constant 192 : i32
      %add3A_2198 = vector.broadcast %add3A_2197 : i32 to vector<16xi32>
      %add3A_2199 = arith.addi %add3A_2063, %add3A_2198 : vector<16xi32>
      %gather3A_2200 = tpu.vector_load_idx %arg12[%add3A_2199, %add3A_2118] : memref<256x128xf32, #tpu.memory_space<vmem>>[vector<16xi32>, vector<16xi32>], vector<16xf32>,
      %mul3A_2201 = arith.mulf %gather3A_2200, %get3A_2099 : vector<16xf32>
      %add3A_2202 = arith.constant 1 : i32
      %add3A_2203 = vector.broadcast %add3A_2202 : i32 to vector<16xi32>
      %add3A_2204 = arith.addi %add3A_2118, %add3A_2203 : vector<16xi32>
      %gather3A_2205 = tpu.vector_load_idx %arg12[%add3A_2199, %add3A_2204] : memref<256x128xf32, #tpu.memory_space<vmem>>[vector<16xi32>, vector<16xi32>], vector<16xf32>,
      %mul3A_2206 = arith.mulf %gather3A_2205, %get3A_2103 : vector<16xf32>
      %add3A_2207 = arith.addf %mul3A_2201, %mul3A_2206 : vector<16xf32>
      %add3A_2208 = arith.constant 2 : i32
      %add3A_2209 = vector.broadcast %add3A_2208 : i32 to vector<16xi32>
      %add3A_2210 = arith.addi %add3A_2118, %add3A_2209 : vector<16xi32>
      %gather3A_2211 = tpu.vector_load_idx %arg12[%add3A_2199, %add3A_2210] : memref<256x128xf32, #tpu.memory_space<vmem>>[vector<16xi32>, vector<16xi32>], vector<16xf32>,
      %mul3A_2212 = arith.mulf %gather3A_2211, %get3A_2107 : vector<16xf32>
      %add3A_2213 = arith.addf %add3A_2207, %mul3A_2212 : vector<16xf32>
      %add3A_2214 = arith.constant 3 : i32
      %add3A_2215 = vector.broadcast %add3A_2214 : i32 to vector<16xi32>
      %add3A_2216 = arith.addi %add3A_2118, %add3A_2215 : vector<16xi32>
      %gather3A_2217 = tpu.vector_load_idx %arg12[%add3A_2199, %add3A_2216] : memref<256x128xf32, #tpu.memory_space<vmem>>[vector<16xi32>, vector<16xi32>], vector<16xf32>,
      %mul3A_2218 = arith.mulf %gather3A_2217, %get3A_2111 : vector<16xf32>
      %add3A_2219 = arith.addf %add3A_2213, %mul3A_2218 : vector<16xf32>
      %mul3A_2220 = arith.mulf %get3A_2079, %get3A_2083 : vector<16xf32>
      %mul3A_2221 = arith.mulf %add3A_2219, %mul3A_2220 : vector<16xf32>
      %add3A_2222 = arith.addf %add3A_2196, %mul3A_2221 : vector<16xf32>
      %add3A_2223 = arith.constant 64 : i32
      %add3A_2224 = vector.broadcast %add3A_2223 : i32 to vector<16xi32>
      %add3A_2225 = arith.addi %get3A_2113, %add3A_2224 : vector<16xi32>
      %add3A_2226 = arith.constant 0 : i32
      %add3A_2227 = vector.broadcast %add3A_2226 : i32 to vector<16xi32>
      %add3A_2228 = arith.addi %add3A_2063, %add3A_2227 : vector<16xi32>
      %gather3A_2229 = tpu.vector_load_idx %arg12[%add3A_2228, %add3A_2225] : memref<256x128xf32, #tpu.memory_space<vmem>>[vector<16xi32>, vector<16xi32>], vector<16xf32>,
      %mul3A_2230 = arith.mulf %gather3A_2229, %get3A_2099 : vector<16xf32>
      %add3A_2231 = arith.constant 1 : i32
      %add3A_2232 = vector.broadcast %add3A_2231 : i32 to vector<16xi32>
      %add3A_2233 = arith.addi %add3A_2225, %add3A_2232 : vector<16xi32>
      %gather3A_2234 = tpu.vector_load_idx %arg12[%add3A_2228, %add3A_2233] : memref<256x128xf32, #tpu.memory_space<vmem>>[vector<16xi32>, vector<16xi32>], vector<16xf32>,
      %mul3A_2235 = arith.mulf %gather3A_2234, %get3A_2103 : vector<16xf32>
      %add3A_2236 = arith.addf %mul3A_2230, %mul3A_2235 : vector<16xf32>
      %add3A_2237 = arith.constant 2 : i32
      %add3A_2238 = vector.broadcast %add3A_2237 : i32 to vector<16xi32>
      %add3A_2239 = arith.addi %add3A_2225, %add3A_2238 : vector<16xi32>
      %gather3A_2240 = tpu.vector_load_idx %arg12[%add3A_2228, %add3A_2239] : memref<256x128xf32, #tpu.memory_space<vmem>>[vector<16xi32>, vector<16xi32>], vector<16xf32>,
      %mul3A_2241 = arith.mulf %gather3A_2240, %get3A_2107 : vector<16xf32>
      %add3A_2242 = arith.addf %add3A_2236, %mul3A_2241 : vector<16xf32>
      %add3A_2243 = arith.constant 3 : i32
      %add3A_2244 = vector.broadcast %add3A_2243 : i32 to vector<16xi32>
      %add3A_2245 = arith.addi %add3A_2225, %add3A_2244 : vector<16xi32>
      %gather3A_2246 = tpu.vector_load_idx %arg12[%add3A_2228, %add3A_2245] : memref<256x128xf32, #tpu.memory_space<vmem>>[vector<16xi32>, vector<16xi32>], vector<16xf32>,
      %mul3A_2247 = arith.mulf %gather3A_2246, %get3A_2111 : vector<16xf32>
      %add3A_2248 = arith.addf %add3A_2242, %mul3A_2247 : vector<16xf32>
      %mul3A_2249 = arith.mulf %get3A_2067, %get3A_2087 : vector<16xf32>
      %mul3A_2250 = arith.mulf %add3A_2248, %mul3A_2249 : vector<16xf32>
      %add3A_2251 = arith.addf %add3A_2222, %mul3A_2250 : vector<16xf32>
      %add3A_2252 = arith.constant 64 : i32
      %add3A_2253 = vector.broadcast %add3A_2252 : i32 to vector<16xi32>
      %add3A_2254 = arith.addi %add3A_2063, %add3A_2253 : vector<16xi32>
      %gather3A_2255 = tpu.vector_load_idx %arg12[%add3A_2254, %add3A_2225] : memref<256x128xf32, #tpu.memory_space<vmem>>[vector<16xi32>, vector<16xi32>], vector<16xf32>,
      %mul3A_2256 = arith.mulf %gather3A_2255, %get3A_2099 : vector<16xf32>
      %add3A_2257 = arith.constant 1 : i32
      %add3A_2258 = vector.broadcast %add3A_2257 : i32 to vector<16xi32>
      %add3A_2259 = arith.addi %add3A_2225, %add3A_2258 : vector<16xi32>
      %gather3A_2260 = tpu.vector_load_idx %arg12[%add3A_2254, %add3A_2259] : memref<256x128xf32, #tpu.memory_space<vmem>>[vector<16xi32>, vector<16xi32>], vector<16xf32>,
      %mul3A_2261 = arith.mulf %gather3A_2260, %get3A_2103 : vector<16xf32>
      %add3A_2262 = arith.addf %mul3A_2256, %mul3A_2261 : vector<16xf32>
      %add3A_2263 = arith.constant 2 : i32
      %add3A_2264 = vector.broadcast %add3A_2263 : i32 to vector<16xi32>
      %add3A_2265 = arith.addi %add3A_2225, %add3A_2264 : vector<16xi32>
      %gather3A_2266 = tpu.vector_load_idx %arg12[%add3A_2254, %add3A_2265] : memref<256x128xf32, #tpu.memory_space<vmem>>[vector<16xi32>, vector<16xi32>], vector<16xf32>,
      %mul3A_2267 = arith.mulf %gather3A_2266, %get3A_2107 : vector<16xf32>
      %add3A_2268 = arith.addf %add3A_2262, %mul3A_2267 : vector<16xf32>
      %add3A_2269 = arith.constant 3 : i32
      %add3A_2270 = vector.broadcast %add3A_2269 : i32 to vector<16xi32>
      %add3A_2271 = arith.addi %add3A_2225, %add3A_2270 : vector<16xi32>
      %gather3A_2272 = tpu.vector_load_idx %arg12[%add3A_2254, %add3A_2271] : memref<256x128xf32, #tpu.memory_space<vmem>>[vector<16xi32>, vector<16xi32>], vector<16xf32>,
      %mul3A_2273 = arith.mulf %gather3A_2272, %get3A_2111 : vector<16xf32>
      %add3A_2274 = arith.addf %add3A_2268, %mul3A_2273 : vector<16xf32>
      %mul3A_2275 = arith.mulf %get3A_2071, %get3A_2087 : vector<16xf32>
      %mul3A_2276 = arith.mulf %add3A_2274, %mul3A_2275 : vector<16xf32>
      %add3A_2277 = arith.addf %add3A_2251, %mul3A_2276 : vector<16xf32>
      %add3A_2278 = arith.constant 128 : i32
      %add3A_2279 = vector.broadcast %add3A_2278 : i32 to vector<16xi32>
      %add3A_2280 = arith.addi %add3A_2063, %add3A_2279 : vector<16xi32>
      %gather3A_2281 = tpu.vector_load_idx %arg12[%add3A_2280, %add3A_2225] : memref<256x128xf32, #tpu.memory_space<vmem>>[vector<16xi32>, vector<16xi32>], vector<16xf32>,
      %mul3A_2282 = arith.mulf %gather3A_2281, %get3A_2099 : vector<16xf32>
      %add3A_2283 = arith.constant 1 : i32
      %add3A_2284 = vector.broadcast %add3A_2283 : i32 to vector<16xi32>
      %add3A_2285 = arith.addi %add3A_2225, %add3A_2284 : vector<16xi32>
      %gather3A_2286 = tpu.vector_load_idx %arg12[%add3A_2280, %add3A_2285] : memref<256x128xf32, #tpu.memory_space<vmem>>[vector<16xi32>, vector<16xi32>], vector<16xf32>,
      %mul3A_2287 = arith.mulf %gather3A_2286, %get3A_2103 : vector<16xf32>
      %add3A_2288 = arith.addf %mul3A_2282, %mul3A_2287 : vector<16xf32>
      %add3A_2289 = arith.constant 2 : i32
      %add3A_2290 = vector.broadcast %add3A_2289 : i32 to vector<16xi32>
      %add3A_2291 = arith.addi %add3A_2225, %add3A_2290 : vector<16xi32>
      %gather3A_2292 = tpu.vector_load_idx %arg12[%add3A_2280, %add3A_2291] : memref<256x128xf32, #tpu.memory_space<vmem>>[vector<16xi32>, vector<16xi32>], vector<16xf32>,
      %mul3A_2293 = arith.mulf %gather3A_2292, %get3A_2107 : vector<16xf32>
      %add3A_2294 = arith.addf %add3A_2288, %mul3A_2293 : vector<16xf32>
      %add3A_2295 = arith.constant 3 : i32
      %add3A_2296 = vector.broadcast %add3A_2295 : i32 to vector<16xi32>
      %add3A_2297 = arith.addi %add3A_2225, %add3A_2296 : vector<16xi32>
      %gather3A_2298 = tpu.vector_load_idx %arg12[%add3A_2280, %add3A_2297] : memref<256x128xf32, #tpu.memory_space<vmem>>[vector<16xi32>, vector<16xi32>], vector<16xf32>,
      %mul3A_2299 = arith.mulf %gather3A_2298, %get3A_2111 : vector<16xf32>
      %add3A_2300 = arith.addf %add3A_2294, %mul3A_2299 : vector<16xf32>
      %mul3A_2301 = arith.mulf %get3A_2075, %get3A_2087 : vector<16xf32>
      %mul3A_2302 = arith.mulf %add3A_2300, %mul3A_2301 : vector<16xf32>
      %add3A_2303 = arith.addf %add3A_2277, %mul3A_2302 : vector<16xf32>
      %add3A_2304 = arith.constant 192 : i32
      %add3A_2305 = vector.broadcast %add3A_2304 : i32 to vector<16xi32>
      %add3A_2306 = arith.addi %add3A_2063, %add3A_2305 : vector<16xi32>
      %gather3A_2307 = tpu.vector_load_idx %arg12[%add3A_2306, %add3A_2225] : memref<256x128xf32, #tpu.memory_space<vmem>>[vector<16xi32>, vector<16xi32>], vector<16xf32>,
      %mul3A_2308 = arith.mulf %gather3A_2307, %get3A_2099 : vector<16xf32>
      %add3A_2309 = arith.constant 1 : i32
      %add3A_2310 = vector.broadcast %add3A_2309 : i32 to vector<16xi32>
      %add3A_2311 = arith.addi %add3A_2225, %add3A_2310 : vector<16xi32>
      %gather3A_2312 = tpu.vector_load_idx %arg12[%add3A_2306, %add3A_2311] : memref<256x128xf32, #tpu.memory_space<vmem>>[vector<16xi32>, vector<16xi32>], vector<16xf32>,
      %mul3A_2313 = arith.mulf %gather3A_2312, %get3A_2103 : vector<16xf32>
      %add3A_2314 = arith.addf %mul3A_2308, %mul3A_2313 : vector<16xf32>
      %add3A_2315 = arith.constant 2 : i32
      %add3A_2316 = vector.broadcast %add3A_2315 : i32 to vector<16xi32>
      %add3A_2317 = arith.addi %add3A_2225, %add3A_2316 : vector<16xi32>
      %gather3A_2318 = tpu.vector_load_idx %arg12[%add3A_2306, %add3A_2317] : memref<256x128xf32, #tpu.memory_space<vmem>>[vector<16xi32>, vector<16xi32>], vector<16xf32>,
      %mul3A_2319 = arith.mulf %gather3A_2318, %get3A_2107 : vector<16xf32>
      %add3A_2320 = arith.addf %add3A_2314, %mul3A_2319 : vector<16xf32>
      %add3A_2321 = arith.constant 3 : i32
      %add3A_2322 = vector.broadcast %add3A_2321 : i32 to vector<16xi32>
      %add3A_2323 = arith.addi %add3A_2225, %add3A_2322 : vector<16xi32>
      %gather3A_2324 = tpu.vector_load_idx %arg12[%add3A_2306, %add3A_2323] : memref<256x128xf32, #tpu.memory_space<vmem>>[vector<16xi32>, vector<16xi32>], vector<16xf32>,
      %mul3A_2325 = arith.mulf %gather3A_2324, %get3A_2111 : vector<16xf32>
      %add3A_2326 = arith.addf %add3A_2320, %mul3A_2325 : vector<16xf32>
      %mul3A_2327 = arith.mulf %get3A_2079, %get3A_2087 : vector<16xf32>
      %mul3A_2328 = arith.mulf %add3A_2326, %mul3A_2327 : vector<16xf32>
      %add3A_2329 = arith.addf %add3A_2303, %mul3A_2328 : vector<16xf32>
      %add3A_2330 = arith.constant 0 : i32
      %add3A_2331 = vector.broadcast %add3A_2330 : i32 to vector<16xi32>
      %add3A_2332 = arith.addi %get3A_2113, %add3A_2331 : vector<16xi32>
      %add3A_2333 = arith.constant 32 : i32
      %add3A_2334 = vector.broadcast %add3A_2333 : i32 to vector<16xi32>
      %add3A_2335 = arith.addi %add3A_2063, %add3A_2334 : vector<16xi32>
      %gather3A_2336 = tpu.vector_load_idx %arg12[%add3A_2335, %add3A_2332] : memref<256x128xf32, #tpu.memory_space<vmem>>[vector<16xi32>, vector<16xi32>], vector<16xf32>,
      %mul3A_2337 = arith.mulf %gather3A_2336, %get3A_2099 : vector<16xf32>
      %add3A_2338 = arith.constant 1 : i32
      %add3A_2339 = vector.broadcast %add3A_2338 : i32 to vector<16xi32>
      %add3A_2340 = arith.addi %add3A_2332, %add3A_2339 : vector<16xi32>
      %gather3A_2341 = tpu.vector_load_idx %arg12[%add3A_2335, %add3A_2340] : memref<256x128xf32, #tpu.memory_space<vmem>>[vector<16xi32>, vector<16xi32>], vector<16xf32>,
      %mul3A_2342 = arith.mulf %gather3A_2341, %get3A_2103 : vector<16xf32>
      %add3A_2343 = arith.addf %mul3A_2337, %mul3A_2342 : vector<16xf32>
      %add3A_2344 = arith.constant 2 : i32
      %add3A_2345 = vector.broadcast %add3A_2344 : i32 to vector<16xi32>
      %add3A_2346 = arith.addi %add3A_2332, %add3A_2345 : vector<16xi32>
      %gather3A_2347 = tpu.vector_load_idx %arg12[%add3A_2335, %add3A_2346] : memref<256x128xf32, #tpu.memory_space<vmem>>[vector<16xi32>, vector<16xi32>], vector<16xf32>,
      %mul3A_2348 = arith.mulf %gather3A_2347, %get3A_2107 : vector<16xf32>
      %add3A_2349 = arith.addf %add3A_2343, %mul3A_2348 : vector<16xf32>
      %add3A_2350 = arith.constant 3 : i32
      %add3A_2351 = vector.broadcast %add3A_2350 : i32 to vector<16xi32>
      %add3A_2352 = arith.addi %add3A_2332, %add3A_2351 : vector<16xi32>
      %gather3A_2353 = tpu.vector_load_idx %arg12[%add3A_2335, %add3A_2352] : memref<256x128xf32, #tpu.memory_space<vmem>>[vector<16xi32>, vector<16xi32>], vector<16xf32>,
      %mul3A_2354 = arith.mulf %gather3A_2353, %get3A_2111 : vector<16xf32>
      %add3A_2355 = arith.addf %add3A_2349, %mul3A_2354 : vector<16xf32>
      %mul3A_2356 = arith.mulf %get3A_2067, %get3A_2091 : vector<16xf32>
      %mul3A_2357 = arith.mulf %add3A_2355, %mul3A_2356 : vector<16xf32>
      %add3A_2358 = arith.addf %add3A_2329, %mul3A_2357 : vector<16xf32>
      %add3A_2359 = arith.constant 96 : i32
      %add3A_2360 = vector.broadcast %add3A_2359 : i32 to vector<16xi32>
      %add3A_2361 = arith.addi %add3A_2063, %add3A_2360 : vector<16xi32>
      %gather3A_2362 = tpu.vector_load_idx %arg12[%add3A_2361, %add3A_2332] : memref<256x128xf32, #tpu.memory_space<vmem>>[vector<16xi32>, vector<16xi32>], vector<16xf32>,
      %mul3A_2363 = arith.mulf %gather3A_2362, %get3A_2099 : vector<16xf32>
      %add3A_2364 = arith.constant 1 : i32
      %add3A_2365 = vector.broadcast %add3A_2364 : i32 to vector<16xi32>
      %add3A_2366 = arith.addi %add3A_2332, %add3A_2365 : vector<16xi32>
      %gather3A_2367 = tpu.vector_load_idx %arg12[%add3A_2361, %add3A_2366] : memref<256x128xf32, #tpu.memory_space<vmem>>[vector<16xi32>, vector<16xi32>], vector<16xf32>,
      %mul3A_2368 = arith.mulf %gather3A_2367, %get3A_2103 : vector<16xf32>
      %add3A_2369 = arith.addf %mul3A_2363, %mul3A_2368 : vector<16xf32>
      %add3A_2370 = arith.constant 2 : i32
      %add3A_2371 = vector.broadcast %add3A_2370 : i32 to vector<16xi32>
      %add3A_2372 = arith.addi %add3A_2332, %add3A_2371 : vector<16xi32>
      %gather3A_2373 = tpu.vector_load_idx %arg12[%add3A_2361, %add3A_2372] : memref<256x128xf32, #tpu.memory_space<vmem>>[vector<16xi32>, vector<16xi32>], vector<16xf32>,
      %mul3A_2374 = arith.mulf %gather3A_2373, %get3A_2107 : vector<16xf32>
      %add3A_2375 = arith.addf %add3A_2369, %mul3A_2374 : vector<16xf32>
      %add3A_2376 = arith.constant 3 : i32
      %add3A_2377 = vector.broadcast %add3A_2376 : i32 to vector<16xi32>
      %add3A_2378 = arith.addi %add3A_2332, %add3A_2377 : vector<16xi32>
      %gather3A_2379 = tpu.vector_load_idx %arg12[%add3A_2361, %add3A_2378] : memref<256x128xf32, #tpu.memory_space<vmem>>[vector<16xi32>, vector<16xi32>], vector<16xf32>,
      %mul3A_2380 = arith.mulf %gather3A_2379, %get3A_2111 : vector<16xf32>
      %add3A_2381 = arith.addf %add3A_2375, %mul3A_2380 : vector<16xf32>
      %mul3A_2382 = arith.mulf %get3A_2071, %get3A_2091 : vector<16xf32>
      %mul3A_2383 = arith.mulf %add3A_2381, %mul3A_2382 : vector<16xf32>
      %add3A_2384 = arith.addf %add3A_2358, %mul3A_2383 : vector<16xf32>
      %add3A_2385 = arith.constant 160 : i32
      %add3A_2386 = vector.broadcast %add3A_2385 : i32 to vector<16xi32>
      %add3A_2387 = arith.addi %add3A_2063, %add3A_2386 : vector<16xi32>
      %gather3A_2388 = tpu.vector_load_idx %arg12[%add3A_2387, %add3A_2332] : memref<256x128xf32, #tpu.memory_space<vmem>>[vector<16xi32>, vector<16xi32>], vector<16xf32>,
      %mul3A_2389 = arith.mulf %gather3A_2388, %get3A_2099 : vector<16xf32>
      %add3A_2390 = arith.constant 1 : i32
      %add3A_2391 = vector.broadcast %add3A_2390 : i32 to vector<16xi32>
      %add3A_2392 = arith.addi %add3A_2332, %add3A_2391 : vector<16xi32>
      %gather3A_2393 = tpu.vector_load_idx %arg12[%add3A_2387, %add3A_2392] : memref<256x128xf32, #tpu.memory_space<vmem>>[vector<16xi32>, vector<16xi32>], vector<16xf32>,
      %mul3A_2394 = arith.mulf %gather3A_2393, %get3A_2103 : vector<16xf32>
      %add3A_2395 = arith.addf %mul3A_2389, %mul3A_2394 : vector<16xf32>
      %add3A_2396 = arith.constant 2 : i32
      %add3A_2397 = vector.broadcast %add3A_2396 : i32 to vector<16xi32>
      %add3A_2398 = arith.addi %add3A_2332, %add3A_2397 : vector<16xi32>
      %gather3A_2399 = tpu.vector_load_idx %arg12[%add3A_2387, %add3A_2398] : memref<256x128xf32, #tpu.memory_space<vmem>>[vector<16xi32>, vector<16xi32>], vector<16xf32>,
      %mul3A_2400 = arith.mulf %gather3A_2399, %get3A_2107 : vector<16xf32>
      %add3A_2401 = arith.addf %add3A_2395, %mul3A_2400 : vector<16xf32>
      %add3A_2402 = arith.constant 3 : i32
      %add3A_2403 = vector.broadcast %add3A_2402 : i32 to vector<16xi32>
      %add3A_2404 = arith.addi %add3A_2332, %add3A_2403 : vector<16xi32>
      %gather3A_2405 = tpu.vector_load_idx %arg12[%add3A_2387, %add3A_2404] : memref<256x128xf32, #tpu.memory_space<vmem>>[vector<16xi32>, vector<16xi32>], vector<16xf32>,
      %mul3A_2406 = arith.mulf %gather3A_2405, %get3A_2111 : vector<16xf32>
      %add3A_2407 = arith.addf %add3A_2401, %mul3A_2406 : vector<16xf32>
      %mul3A_2408 = arith.mulf %get3A_2075, %get3A_2091 : vector<16xf32>
      %mul3A_2409 = arith.mulf %add3A_2407, %mul3A_2408 : vector<16xf32>
      %add3A_2410 = arith.addf %add3A_2384, %mul3A_2409 : vector<16xf32>
      %add3A_2411 = arith.constant 224 : i32
      %add3A_2412 = vector.broadcast %add3A_2411 : i32 to vector<16xi32>
      %add3A_2413 = arith.addi %add3A_2063, %add3A_2412 : vector<16xi32>
      %gather3A_2414 = tpu.vector_load_idx %arg12[%add3A_2413, %add3A_2332] : memref<256x128xf32, #tpu.memory_space<vmem>>[vector<16xi32>, vector<16xi32>], vector<16xf32>,
      %mul3A_2415 = arith.mulf %gather3A_2414, %get3A_2099 : vector<16xf32>
      %add3A_2416 = arith.constant 1 : i32
      %add3A_2417 = vector.broadcast %add3A_2416 : i32 to vector<16xi32>
      %add3A_2418 = arith.addi %add3A_2332, %add3A_2417 : vector<16xi32>
      %gather3A_2419 = tpu.vector_load_idx %arg12[%add3A_2413, %add3A_2418] : memref<256x128xf32, #tpu.memory_space<vmem>>[vector<16xi32>, vector<16xi32>], vector<16xf32>,
      %mul3A_2420 = arith.mulf %gather3A_2419, %get3A_2103 : vector<16xf32>
      %add3A_2421 = arith.addf %mul3A_2415, %mul3A_2420 : vector<16xf32>
      %add3A_2422 = arith.constant 2 : i32
      %add3A_2423 = vector.broadcast %add3A_2422 : i32 to vector<16xi32>
      %add3A_2424 = arith.addi %add3A_2332, %add3A_2423 : vector<16xi32>
      %gather3A_2425 = tpu.vector_load_idx %arg12[%add3A_2413, %add3A_2424] : memref<256x128xf32, #tpu.memory_space<vmem>>[vector<16xi32>, vector<16xi32>], vector<16xf32>,
      %mul3A_2426 = arith.mulf %gather3A_2425, %get3A_2107 : vector<16xf32>
      %add3A_2427 = arith.addf %add3A_2421, %mul3A_2426 : vector<16xf32>
      %add3A_2428 = arith.constant 3 : i32
      %add3A_2429 = vector.broadcast %add3A_2428 : i32 to vector<16xi32>
      %add3A_2430 = arith.addi %add3A_2332, %add3A_2429 : vector<16xi32>
      %gather3A_2431 = tpu.vector_load_idx %arg12[%add3A_2413, %add3A_2430] : memref<256x128xf32, #tpu.memory_space<vmem>>[vector<16xi32>, vector<16xi32>], vector<16xf32>,
      %mul3A_2432 = arith.mulf %gather3A_2431, %get3A_2111 : vector<16xf32>
      %add3A_2433 = arith.addf %add3A_2427, %mul3A_2432 : vector<16xf32>
      %mul3A_2434 = arith.mulf %get3A_2079, %get3A_2091 : vector<16xf32>
      %mul3A_2435 = arith.mulf %add3A_2433, %mul3A_2434 : vector<16xf32>
      %add3A_2436 = arith.addf %add3A_2410, %mul3A_2435 : vector<16xf32>
      %add3A_2437 = arith.constant 64 : i32
      %add3A_2438 = vector.broadcast %add3A_2437 : i32 to vector<16xi32>
      %add3A_2439 = arith.addi %get3A_2113, %add3A_2438 : vector<16xi32>
      %add3A_2440 = arith.constant 32 : i32
      %add3A_2441 = vector.broadcast %add3A_2440 : i32 to vector<16xi32>
      %add3A_2442 = arith.addi %add3A_2063, %add3A_2441 : vector<16xi32>
      %gather3A_2443 = tpu.vector_load_idx %arg12[%add3A_2442, %add3A_2439] : memref<256x128xf32, #tpu.memory_space<vmem>>[vector<16xi32>, vector<16xi32>], vector<16xf32>,
      %mul3A_2444 = arith.mulf %gather3A_2443, %get3A_2099 : vector<16xf32>
      %add3A_2445 = arith.constant 1 : i32
      %add3A_2446 = vector.broadcast %add3A_2445 : i32 to vector<16xi32>
      %add3A_2447 = arith.addi %add3A_2439, %add3A_2446 : vector<16xi32>
      %gather3A_2448 = tpu.vector_load_idx %arg12[%add3A_2442, %add3A_2447] : memref<256x128xf32, #tpu.memory_space<vmem>>[vector<16xi32>, vector<16xi32>], vector<16xf32>,
      %mul3A_2449 = arith.mulf %gather3A_2448, %get3A_2103 : vector<16xf32>
      %add3A_2450 = arith.addf %mul3A_2444, %mul3A_2449 : vector<16xf32>
      %add3A_2451 = arith.constant 2 : i32
      %add3A_2452 = vector.broadcast %add3A_2451 : i32 to vector<16xi32>
      %add3A_2453 = arith.addi %add3A_2439, %add3A_2452 : vector<16xi32>
      %gather3A_2454 = tpu.vector_load_idx %arg12[%add3A_2442, %add3A_2453] : memref<256x128xf32, #tpu.memory_space<vmem>>[vector<16xi32>, vector<16xi32>], vector<16xf32>,
      %mul3A_2455 = arith.mulf %gather3A_2454, %get3A_2107 : vector<16xf32>
      %add3A_2456 = arith.addf %add3A_2450, %mul3A_2455 : vector<16xf32>
      %add3A_2457 = arith.constant 3 : i32
      %add3A_2458 = vector.broadcast %add3A_2457 : i32 to vector<16xi32>
      %add3A_2459 = arith.addi %add3A_2439, %add3A_2458 : vector<16xi32>
      %gather3A_2460 = tpu.vector_load_idx %arg12[%add3A_2442, %add3A_2459] : memref<256x128xf32, #tpu.memory_space<vmem>>[vector<16xi32>, vector<16xi32>], vector<16xf32>,
      %mul3A_2461 = arith.mulf %gather3A_2460, %get3A_2111 : vector<16xf32>
      %add3A_2462 = arith.addf %add3A_2456, %mul3A_2461 : vector<16xf32>
      %mul3A_2463 = arith.mulf %get3A_2067, %get3A_2095 : vector<16xf32>
      %mul3A_2464 = arith.mulf %add3A_2462, %mul3A_2463 : vector<16xf32>
      %add3A_2465 = arith.addf %add3A_2436, %mul3A_2464 : vector<16xf32>
      %add3A_2466 = arith.constant 96 : i32
      %add3A_2467 = vector.broadcast %add3A_2466 : i32 to vector<16xi32>
      %add3A_2468 = arith.addi %add3A_2063, %add3A_2467 : vector<16xi32>
      %gather3A_2469 = tpu.vector_load_idx %arg12[%add3A_2468, %add3A_2439] : memref<256x128xf32, #tpu.memory_space<vmem>>[vector<16xi32>, vector<16xi32>], vector<16xf32>,
      %mul3A_2470 = arith.mulf %gather3A_2469, %get3A_2099 : vector<16xf32>
      %add3A_2471 = arith.constant 1 : i32
      %add3A_2472 = vector.broadcast %add3A_2471 : i32 to vector<16xi32>
      %add3A_2473 = arith.addi %add3A_2439, %add3A_2472 : vector<16xi32>
      %gather3A_2474 = tpu.vector_load_idx %arg12[%add3A_2468, %add3A_2473] : memref<256x128xf32, #tpu.memory_space<vmem>>[vector<16xi32>, vector<16xi32>], vector<16xf32>,
      %mul3A_2475 = arith.mulf %gather3A_2474, %get3A_2103 : vector<16xf32>
      %add3A_2476 = arith.addf %mul3A_2470, %mul3A_2475 : vector<16xf32>
      %add3A_2477 = arith.constant 2 : i32
      %add3A_2478 = vector.broadcast %add3A_2477 : i32 to vector<16xi32>
      %add3A_2479 = arith.addi %add3A_2439, %add3A_2478 : vector<16xi32>
      %gather3A_2480 = tpu.vector_load_idx %arg12[%add3A_2468, %add3A_2479] : memref<256x128xf32, #tpu.memory_space<vmem>>[vector<16xi32>, vector<16xi32>], vector<16xf32>,
      %mul3A_2481 = arith.mulf %gather3A_2480, %get3A_2107 : vector<16xf32>
      %add3A_2482 = arith.addf %add3A_2476, %mul3A_2481 : vector<16xf32>
      %add3A_2483 = arith.constant 3 : i32
      %add3A_2484 = vector.broadcast %add3A_2483 : i32 to vector<16xi32>
      %add3A_2485 = arith.addi %add3A_2439, %add3A_2484 : vector<16xi32>
      %gather3A_2486 = tpu.vector_load_idx %arg12[%add3A_2468, %add3A_2485] : memref<256x128xf32, #tpu.memory_space<vmem>>[vector<16xi32>, vector<16xi32>], vector<16xf32>,
      %mul3A_2487 = arith.mulf %gather3A_2486, %get3A_2111 : vector<16xf32>
      %add3A_2488 = arith.addf %add3A_2482, %mul3A_2487 : vector<16xf32>
      %mul3A_2489 = arith.mulf %get3A_2071, %get3A_2095 : vector<16xf32>
      %mul3A_2490 = arith.mulf %add3A_2488, %mul3A_2489 : vector<16xf32>
      %add3A_2491 = arith.addf %add3A_2465, %mul3A_2490 : vector<16xf32>
      %add3A_2492 = arith.constant 160 : i32
      %add3A_2493 = vector.broadcast %add3A_2492 : i32 to vector<16xi32>
      %add3A_2494 = arith.addi %add3A_2063, %add3A_2493 : vector<16xi32>
      %gather3A_2495 = tpu.vector_load_idx %arg12[%add3A_2494, %add3A_2439] : memref<256x128xf32, #tpu.memory_space<vmem>>[vector<16xi32>, vector<16xi32>], vector<16xf32>,
      %mul3A_2496 = arith.mulf %gather3A_2495, %get3A_2099 : vector<16xf32>
      %add3A_2497 = arith.constant 1 : i32
      %add3A_2498 = vector.broadcast %add3A_2497 : i32 to vector<16xi32>
      %add3A_2499 = arith.addi %add3A_2439, %add3A_2498 : vector<16xi32>
      %gather3A_2500 = tpu.vector_load_idx %arg12[%add3A_2494, %add3A_2499] : memref<256x128xf32, #tpu.memory_space<vmem>>[vector<16xi32>, vector<16xi32>], vector<16xf32>,
      %mul3A_2501 = arith.mulf %gather3A_2500, %get3A_2103 : vector<16xf32>
      %add3A_2502 = arith.addf %mul3A_2496, %mul3A_2501 : vector<16xf32>
      %add3A_2503 = arith.constant 2 : i32
      %add3A_2504 = vector.broadcast %add3A_2503 : i32 to vector<16xi32>
      %add3A_2505 = arith.addi %add3A_2439, %add3A_2504 : vector<16xi32>
      %gather3A_2506 = tpu.vector_load_idx %arg12[%add3A_2494, %add3A_2505] : memref<256x128xf32, #tpu.memory_space<vmem>>[vector<16xi32>, vector<16xi32>], vector<16xf32>,
      %mul3A_2507 = arith.mulf %gather3A_2506, %get3A_2107 : vector<16xf32>
      %add3A_2508 = arith.addf %add3A_2502, %mul3A_2507 : vector<16xf32>
      %add3A_2509 = arith.constant 3 : i32
      %add3A_2510 = vector.broadcast %add3A_2509 : i32 to vector<16xi32>
      %add3A_2511 = arith.addi %add3A_2439, %add3A_2510 : vector<16xi32>
      %gather3A_2512 = tpu.vector_load_idx %arg12[%add3A_2494, %add3A_2511] : memref<256x128xf32, #tpu.memory_space<vmem>>[vector<16xi32>, vector<16xi32>], vector<16xf32>,
      %mul3A_2513 = arith.mulf %gather3A_2512, %get3A_2111 : vector<16xf32>
      %add3A_2514 = arith.addf %add3A_2508, %mul3A_2513 : vector<16xf32>
      %mul3A_2515 = arith.mulf %get3A_2075, %get3A_2095 : vector<16xf32>
      %mul3A_2516 = arith.mulf %add3A_2514, %mul3A_2515 : vector<16xf32>
      %add3A_2517 = arith.addf %add3A_2491, %mul3A_2516 : vector<16xf32>
      %add3A_2518 = arith.constant 224 : i32
      %add3A_2519 = vector.broadcast %add3A_2518 : i32 to vector<16xi32>
      %add3A_2520 = arith.addi %add3A_2063, %add3A_2519 : vector<16xi32>
      %gather3A_2521 = tpu.vector_load_idx %arg12[%add3A_2520, %add3A_2439] : memref<256x128xf32, #tpu.memory_space<vmem>>[vector<16xi32>, vector<16xi32>], vector<16xf32>,
      %mul3A_2522 = arith.mulf %gather3A_2521, %get3A_2099 : vector<16xf32>
      %add3A_2523 = arith.constant 1 : i32
      %add3A_2524 = vector.broadcast %add3A_2523 : i32 to vector<16xi32>
      %add3A_2525 = arith.addi %add3A_2439, %add3A_2524 : vector<16xi32>
      %gather3A_2526 = tpu.vector_load_idx %arg12[%add3A_2520, %add3A_2525] : memref<256x128xf32, #tpu.memory_space<vmem>>[vector<16xi32>, vector<16xi32>], vector<16xf32>,
      %mul3A_2527 = arith.mulf %gather3A_2526, %get3A_2103 : vector<16xf32>
      %add3A_2528 = arith.addf %mul3A_2522, %mul3A_2527 : vector<16xf32>
      %add3A_2529 = arith.constant 2 : i32
      %add3A_2530 = vector.broadcast %add3A_2529 : i32 to vector<16xi32>
      %add3A_2531 = arith.addi %add3A_2439, %add3A_2530 : vector<16xi32>
      %gather3A_2532 = tpu.vector_load_idx %arg12[%add3A_2520, %add3A_2531] : memref<256x128xf32, #tpu.memory_space<vmem>>[vector<16xi32>, vector<16xi32>], vector<16xf32>,
      %mul3A_2533 = arith.mulf %gather3A_2532, %get3A_2107 : vector<16xf32>
      %add3A_2534 = arith.addf %add3A_2528, %mul3A_2533 : vector<16xf32>
      %add3A_2535 = arith.constant 3 : i32
      %add3A_2536 = vector.broadcast %add3A_2535 : i32 to vector<16xi32>
      %add3A_2537 = arith.addi %add3A_2439, %add3A_2536 : vector<16xi32>
      %gather3A_2538 = tpu.vector_load_idx %arg12[%add3A_2520, %add3A_2537] : memref<256x128xf32, #tpu.memory_space<vmem>>[vector<16xi32>, vector<16xi32>], vector<16xf32>,
      %mul3A_2539 = arith.mulf %gather3A_2538, %get3A_2111 : vector<16xf32>
      %add3A_2540 = arith.addf %add3A_2534, %mul3A_2539 : vector<16xf32>
      %mul3A_2541 = arith.mulf %get3A_2079, %get3A_2095 : vector<16xf32>
      %mul3A_2542 = arith.mulf %add3A_2540, %mul3A_2541 : vector<16xf32>
      %add3A_2543 = arith.addf %add3A_2517, %mul3A_2542 : vector<16xf32>
      %mul3A_2544 = arith.constant 32 : i32
      %mul3A_2545 = arith.muli %mul3A_781, %mul3A_2544 : i32
      %add3A_2546 = arith.constant 16 : i32
      %add3A_2547 = arith.addi %mul3A_2545, %add3A_2546 : i32
      %swap3A_2548 = arith.index_cast %add3A_2547 : i32 to index
      %swap3A_2549 = tpu.vector_load %arg18[%swap3A_2548] {strides = array<i32>} : memref<3136xf32, #tpu.memory_space<vmem>>, vector<16xf32>,
      tpu.vector_store %arg18[%swap3A_2548], %add3A_2543 {strides = array<i32>} : memref<3136xf32, #tpu.memory_space<vmem>>, vector<16xf32>,
      %add3A_2550 = arith.constant 2 : i32
      %add3A_2551 = arith.addi %mul3A_781, %add3A_2550 : i32
      %mul3A_2552 = arith.constant 32 : i32
      %mul3A_2553 = arith.muli %add3A_2551, %mul3A_2552 : i32
      %add3A_2554 = arith.constant 0 : i32
      %add3A_2555 = arith.addi %mul3A_2553, %add3A_2554 : i32
      %get3A_2556 = arith.index_cast %add3A_2555 : i32 to index
      %get3A_2557 = tpu.vector_load %arg7[%get3A_2556] {strides = array<i32>} : memref<3168xf32, #tpu.memory_space<vmem>>, vector<16xf32>,
      %get3A_2558 = arith.index_cast %add3A_2555 : i32 to index
      %get3A_2559 = tpu.vector_load %arg8[%get3A_2558] {strides = array<i32>} : memref<3168xf32, #tpu.memory_space<vmem>>, vector<16xf32>,
      %get3A_2560 = arith.index_cast %add3A_2555 : i32 to index
      %get3A_2561 = tpu.vector_load %arg9[%get3A_2560] {strides = array<i32>} : memref<3168xf32, #tpu.memory_space<vmem>>, vector<16xf32>,
      %convert_element_type3A_2562 = arith.fptosi %get3A_2557 : vector<16xf32> to vector<16xi32>
      %convert_element_type3A_2563 = arith.sitofp %convert_element_type3A_2562 : vector<16xi32> to vector<16xf32>
      %sub3A_2564 = arith.subf %get3A_2557, %convert_element_type3A_2563 : vector<16xf32>
      %jit3A_2565 = arith.constant 0.000000e+00 : f32
      %jit3A_2566 = arith.constant 1.000000e+00 : f32
      %max3A_2567 = vector.broadcast %jit3A_2565 : f32 to vector<16xf32>
      %max3A_2568 = arith.maximumf %max3A_2567, %sub3A_2564 : vector<16xf32>
      %min3A_2569 = vector.broadcast %jit3A_2566 : f32 to vector<16xf32>
      %min3A_2570 = arith.minimumf %min3A_2569, %max3A_2568 : vector<16xf32>
      %sub3A_2571 = arith.constant 1 : i32
      %sub3A_2572 = vector.broadcast %sub3A_2571 : i32 to vector<16xi32>
      %sub3A_2573 = arith.subi %convert_element_type3A_2562, %sub3A_2572 : vector<16xi32>
      %jit3A_2574 = arith.constant 0 : i32
      %jit3A_2575 = arith.constant 60 : i32
      %max3A_2576 = vector.broadcast %jit3A_2574 : i32 to vector<16xi32>
      %max3A_2577 = arith.maxsi %max3A_2576, %sub3A_2573 : vector<16xi32>
      %min3A_2578 = vector.broadcast %jit3A_2575 : i32 to vector<16xi32>
      %min3A_2579 = arith.minsi %min3A_2578, %max3A_2577 : vector<16xi32>
      %mul3A_2580 = arith.constant -5.000000e-01 : f32
      %mul3A_2581 = vector.broadcast %mul3A_2580 : f32 to vector<16xf32>
      %mul3A_2582 = arith.mulf %mul3A_2581, %min3A_2570 : vector<16xf32>
      %add3A_2583 = arith.constant 1.000000e+00 : f32
      %add3A_2584 = vector.broadcast %add3A_2583 : f32 to vector<16xf32>
      %add3A_2585 = arith.addf %mul3A_2582, %add3A_2584 : vector<16xf32>
      %mul3A_2586 = arith.mulf %add3A_2585, %min3A_2570 : vector<16xf32>
      %sub3A_2587 = arith.constant 5.000000e-01 : f32
      %sub3A_2588 = vector.broadcast %sub3A_2587 : f32 to vector<16xf32>
      %sub3A_2589 = arith.subf %mul3A_2586, %sub3A_2588 : vector<16xf32>
      %mul3A_2590 = arith.mulf %sub3A_2589, %min3A_2570 : vector<16xf32>
      %mul3A_2591 = arith.constant 1.500000e+00 : f32
      %mul3A_2592 = vector.broadcast %mul3A_2591 : f32 to vector<16xf32>
      %mul3A_2593 = arith.mulf %mul3A_2592, %min3A_2570 : vector<16xf32>
      %sub3A_2594 = arith.constant 2.500000e+00 : f32
      %sub3A_2595 = vector.broadcast %sub3A_2594 : f32 to vector<16xf32>
      %sub3A_2596 = arith.subf %mul3A_2593, %sub3A_2595 : vector<16xf32>
      %mul3A_2597 = arith.mulf %sub3A_2596, %min3A_2570 : vector<16xf32>
      %mul3A_2598 = arith.mulf %mul3A_2597, %min3A_2570 : vector<16xf32>
      %add3A_2599 = arith.constant 1.000000e+00 : f32
      %add3A_2600 = vector.broadcast %add3A_2599 : f32 to vector<16xf32>
      %add3A_2601 = arith.addf %mul3A_2598, %add3A_2600 : vector<16xf32>
      %mul3A_2602 = arith.constant -1.500000e+00 : f32
      %mul3A_2603 = vector.broadcast %mul3A_2602 : f32 to vector<16xf32>
      %mul3A_2604 = arith.mulf %mul3A_2603, %min3A_2570 : vector<16xf32>
      %add3A_2605 = arith.constant 2.000000e+00 : f32
      %add3A_2606 = vector.broadcast %add3A_2605 : f32 to vector<16xf32>
      %add3A_2607 = arith.addf %mul3A_2604, %add3A_2606 : vector<16xf32>
      %mul3A_2608 = arith.mulf %add3A_2607, %min3A_2570 : vector<16xf32>
      %add3A_2609 = arith.constant 5.000000e-01 : f32
      %add3A_2610 = vector.broadcast %add3A_2609 : f32 to vector<16xf32>
      %add3A_2611 = arith.addf %mul3A_2608, %add3A_2610 : vector<16xf32>
      %mul3A_2612 = arith.mulf %add3A_2611, %min3A_2570 : vector<16xf32>
      %mul3A_2613 = arith.constant 5.000000e-01 : f32
      %mul3A_2614 = vector.broadcast %mul3A_2613 : f32 to vector<16xf32>
      %mul3A_2615 = arith.mulf %mul3A_2614, %min3A_2570 : vector<16xf32>
      %sub3A_2616 = arith.constant 5.000000e-01 : f32
      %sub3A_2617 = vector.broadcast %sub3A_2616 : f32 to vector<16xf32>
      %sub3A_2618 = arith.subf %mul3A_2615, %sub3A_2617 : vector<16xf32>
      %mul3A_2619 = arith.mulf %sub3A_2618, %min3A_2570 : vector<16xf32>
      %mul3A_2620 = arith.mulf %mul3A_2619, %min3A_2570 : vector<16xf32>
      %convert_element_type3A_2621 = arith.fptosi %get3A_2559 : vector<16xf32> to vector<16xi32>
      %convert_element_type3A_2622 = arith.sitofp %convert_element_type3A_2621 : vector<16xi32> to vector<16xf32>
      %sub3A_2623 = arith.subf %get3A_2559, %convert_element_type3A_2622 : vector<16xf32>
      %jit3A_2624 = arith.constant 0.000000e+00 : f32
      %jit3A_2625 = arith.constant 1.000000e+00 : f32
      %max3A_2626 = vector.broadcast %jit3A_2624 : f32 to vector<16xf32>
      %max3A_2627 = arith.maximumf %max3A_2626, %sub3A_2623 : vector<16xf32>
      %min3A_2628 = vector.broadcast %jit3A_2625 : f32 to vector<16xf32>
      %min3A_2629 = arith.minimumf %min3A_2628, %max3A_2627 : vector<16xf32>
      %sub3A_2630 = arith.constant 1 : i32
      %sub3A_2631 = vector.broadcast %sub3A_2630 : i32 to vector<16xi32>
      %sub3A_2632 = arith.subi %convert_element_type3A_2621, %sub3A_2631 : vector<16xi32>
      %jit3A_2633 = arith.constant 0 : i32
      %jit3A_2634 = arith.constant 60 : i32
      %max3A_2635 = vector.broadcast %jit3A_2633 : i32 to vector<16xi32>
      %max3A_2636 = arith.maxsi %max3A_2635, %sub3A_2632 : vector<16xi32>
      %min3A_2637 = vector.broadcast %jit3A_2634 : i32 to vector<16xi32>
      %min3A_2638 = arith.minsi %min3A_2637, %max3A_2636 : vector<16xi32>
      %mul3A_2639 = arith.constant -5.000000e-01 : f32
      %mul3A_2640 = vector.broadcast %mul3A_2639 : f32 to vector<16xf32>
      %mul3A_2641 = arith.mulf %mul3A_2640, %min3A_2629 : vector<16xf32>
      %add3A_2642 = arith.constant 1.000000e+00 : f32
      %add3A_2643 = vector.broadcast %add3A_2642 : f32 to vector<16xf32>
      %add3A_2644 = arith.addf %mul3A_2641, %add3A_2643 : vector<16xf32>
      %mul3A_2645 = arith.mulf %add3A_2644, %min3A_2629 : vector<16xf32>
      %sub3A_2646 = arith.constant 5.000000e-01 : f32
      %sub3A_2647 = vector.broadcast %sub3A_2646 : f32 to vector<16xf32>
      %sub3A_2648 = arith.subf %mul3A_2645, %sub3A_2647 : vector<16xf32>
      %mul3A_2649 = arith.mulf %sub3A_2648, %min3A_2629 : vector<16xf32>
      %mul3A_2650 = arith.constant 1.500000e+00 : f32
      %mul3A_2651 = vector.broadcast %mul3A_2650 : f32 to vector<16xf32>
      %mul3A_2652 = arith.mulf %mul3A_2651, %min3A_2629 : vector<16xf32>
      %sub3A_2653 = arith.constant 2.500000e+00 : f32
      %sub3A_2654 = vector.broadcast %sub3A_2653 : f32 to vector<16xf32>
      %sub3A_2655 = arith.subf %mul3A_2652, %sub3A_2654 : vector<16xf32>
      %mul3A_2656 = arith.mulf %sub3A_2655, %min3A_2629 : vector<16xf32>
      %mul3A_2657 = arith.mulf %mul3A_2656, %min3A_2629 : vector<16xf32>
      %add3A_2658 = arith.constant 1.000000e+00 : f32
      %add3A_2659 = vector.broadcast %add3A_2658 : f32 to vector<16xf32>
      %add3A_2660 = arith.addf %mul3A_2657, %add3A_2659 : vector<16xf32>
      %mul3A_2661 = arith.constant -1.500000e+00 : f32
      %mul3A_2662 = vector.broadcast %mul3A_2661 : f32 to vector<16xf32>
      %mul3A_2663 = arith.mulf %mul3A_2662, %min3A_2629 : vector<16xf32>
      %add3A_2664 = arith.constant 2.000000e+00 : f32
      %add3A_2665 = vector.broadcast %add3A_2664 : f32 to vector<16xf32>
      %add3A_2666 = arith.addf %mul3A_2663, %add3A_2665 : vector<16xf32>
      %mul3A_2667 = arith.mulf %add3A_2666, %min3A_2629 : vector<16xf32>
      %add3A_2668 = arith.constant 5.000000e-01 : f32
      %add3A_2669 = vector.broadcast %add3A_2668 : f32 to vector<16xf32>
      %add3A_2670 = arith.addf %mul3A_2667, %add3A_2669 : vector<16xf32>
      %mul3A_2671 = arith.mulf %add3A_2670, %min3A_2629 : vector<16xf32>
      %mul3A_2672 = arith.constant 5.000000e-01 : f32
      %mul3A_2673 = vector.broadcast %mul3A_2672 : f32 to vector<16xf32>
      %mul3A_2674 = arith.mulf %mul3A_2673, %min3A_2629 : vector<16xf32>
      %sub3A_2675 = arith.constant 5.000000e-01 : f32
      %sub3A_2676 = vector.broadcast %sub3A_2675 : f32 to vector<16xf32>
      %sub3A_2677 = arith.subf %mul3A_2674, %sub3A_2676 : vector<16xf32>
      %mul3A_2678 = arith.mulf %sub3A_2677, %min3A_2629 : vector<16xf32>
      %mul3A_2679 = arith.mulf %mul3A_2678, %min3A_2629 : vector<16xf32>
      %convert_element_type3A_2680 = arith.fptosi %get3A_2561 : vector<16xf32> to vector<16xi32>
      %convert_element_type3A_2681 = arith.sitofp %convert_element_type3A_2680 : vector<16xi32> to vector<16xf32>
      %sub3A_2682 = arith.subf %get3A_2561, %convert_element_type3A_2681 : vector<16xf32>
      %jit3A_2683 = arith.constant 0.000000e+00 : f32
      %jit3A_2684 = arith.constant 1.000000e+00 : f32
      %max3A_2685 = vector.broadcast %jit3A_2683 : f32 to vector<16xf32>
      %max3A_2686 = arith.maximumf %max3A_2685, %sub3A_2682 : vector<16xf32>
      %min3A_2687 = vector.broadcast %jit3A_2684 : f32 to vector<16xf32>
      %min3A_2688 = arith.minimumf %min3A_2687, %max3A_2686 : vector<16xf32>
      %sub3A_2689 = arith.constant 1 : i32
      %sub3A_2690 = vector.broadcast %sub3A_2689 : i32 to vector<16xi32>
      %sub3A_2691 = arith.subi %convert_element_type3A_2680, %sub3A_2690 : vector<16xi32>
      %jit3A_2692 = arith.constant 0 : i32
      %jit3A_2693 = arith.constant 60 : i32
      %max3A_2694 = vector.broadcast %jit3A_2692 : i32 to vector<16xi32>
      %max3A_2695 = arith.maxsi %max3A_2694, %sub3A_2691 : vector<16xi32>
      %min3A_2696 = vector.broadcast %jit3A_2693 : i32 to vector<16xi32>
      %min3A_2697 = arith.minsi %min3A_2696, %max3A_2695 : vector<16xi32>
      %mul3A_2698 = arith.constant -5.000000e-01 : f32
      %mul3A_2699 = vector.broadcast %mul3A_2698 : f32 to vector<16xf32>
      %mul3A_2700 = arith.mulf %mul3A_2699, %min3A_2688 : vector<16xf32>
      %add3A_2701 = arith.constant 1.000000e+00 : f32
      %add3A_2702 = vector.broadcast %add3A_2701 : f32 to vector<16xf32>
      %add3A_2703 = arith.addf %mul3A_2700, %add3A_2702 : vector<16xf32>
      %mul3A_2704 = arith.mulf %add3A_2703, %min3A_2688 : vector<16xf32>
      %sub3A_2705 = arith.constant 5.000000e-01 : f32
      %sub3A_2706 = vector.broadcast %sub3A_2705 : f32 to vector<16xf32>
      %sub3A_2707 = arith.subf %mul3A_2704, %sub3A_2706 : vector<16xf32>
      %mul3A_2708 = arith.mulf %sub3A_2707, %min3A_2688 : vector<16xf32>
      %mul3A_2709 = arith.constant 1.500000e+00 : f32
      %mul3A_2710 = vector.broadcast %mul3A_2709 : f32 to vector<16xf32>
      %mul3A_2711 = arith.mulf %mul3A_2710, %min3A_2688 : vector<16xf32>
      %sub3A_2712 = arith.constant 2.500000e+00 : f32
      %sub3A_2713 = vector.broadcast %sub3A_2712 : f32 to vector<16xf32>
      %sub3A_2714 = arith.subf %mul3A_2711, %sub3A_2713 : vector<16xf32>
      %mul3A_2715 = arith.mulf %sub3A_2714, %min3A_2688 : vector<16xf32>
      %mul3A_2716 = arith.mulf %mul3A_2715, %min3A_2688 : vector<16xf32>
      %add3A_2717 = arith.constant 1.000000e+00 : f32
      %add3A_2718 = vector.broadcast %add3A_2717 : f32 to vector<16xf32>
      %add3A_2719 = arith.addf %mul3A_2716, %add3A_2718 : vector<16xf32>
      %mul3A_2720 = arith.constant -1.500000e+00 : f32
      %mul3A_2721 = vector.broadcast %mul3A_2720 : f32 to vector<16xf32>
      %mul3A_2722 = arith.mulf %mul3A_2721, %min3A_2688 : vector<16xf32>
      %add3A_2723 = arith.constant 2.000000e+00 : f32
      %add3A_2724 = vector.broadcast %add3A_2723 : f32 to vector<16xf32>
      %add3A_2725 = arith.addf %mul3A_2722, %add3A_2724 : vector<16xf32>
      %mul3A_2726 = arith.mulf %add3A_2725, %min3A_2688 : vector<16xf32>
      %add3A_2727 = arith.constant 5.000000e-01 : f32
      %add3A_2728 = vector.broadcast %add3A_2727 : f32 to vector<16xf32>
      %add3A_2729 = arith.addf %mul3A_2726, %add3A_2728 : vector<16xf32>
      %mul3A_2730 = arith.mulf %add3A_2729, %min3A_2688 : vector<16xf32>
      %mul3A_2731 = arith.constant 5.000000e-01 : f32
      %mul3A_2732 = vector.broadcast %mul3A_2731 : f32 to vector<16xf32>
      %mul3A_2733 = arith.mulf %mul3A_2732, %min3A_2688 : vector<16xf32>
      %sub3A_2734 = arith.constant 5.000000e-01 : f32
      %sub3A_2735 = vector.broadcast %sub3A_2734 : f32 to vector<16xf32>
      %sub3A_2736 = arith.subf %mul3A_2733, %sub3A_2735 : vector<16xf32>
      %mul3A_2737 = arith.mulf %sub3A_2736, %min3A_2688 : vector<16xf32>
      %mul3A_2738 = arith.mulf %mul3A_2737, %min3A_2688 : vector<16xf32>
      %swap3A_2739 = arith.constant 0 : i32
      %swap3A_2740 = arith.index_cast %swap3A_2739 : i32 to index
      %swap3A_2741 = arith.constant 0 : index
      %swap3A_2742 = tpu.vector_load %arg14[%swap3A_2740, %swap3A_2741] {strides = array<i32>} : memref<12x32xf32, #tpu.memory_space<vmem>>, vector<16xf32>,
      tpu.vector_store %arg14[%swap3A_2740, %swap3A_2741], %mul3A_2590 {strides = array<i32>} : memref<12x32xf32, #tpu.memory_space<vmem>>, vector<16xf32>,
      %swap3A_2743 = arith.constant 4 : i32
      %swap3A_2744 = arith.index_cast %swap3A_2743 : i32 to index
      %swap3A_2745 = arith.constant 0 : index
      %swap3A_2746 = tpu.vector_load %arg14[%swap3A_2744, %swap3A_2745] {strides = array<i32>} : memref<12x32xf32, #tpu.memory_space<vmem>>, vector<16xf32>,
      tpu.vector_store %arg14[%swap3A_2744, %swap3A_2745], %mul3A_2649 {strides = array<i32>} : memref<12x32xf32, #tpu.memory_space<vmem>>, vector<16xf32>,
      %swap3A_2747 = arith.constant 8 : i32
      %swap3A_2748 = arith.index_cast %swap3A_2747 : i32 to index
      %swap3A_2749 = arith.constant 0 : index
      %swap3A_2750 = tpu.vector_load %arg14[%swap3A_2748, %swap3A_2749] {strides = array<i32>} : memref<12x32xf32, #tpu.memory_space<vmem>>, vector<16xf32>,
      tpu.vector_store %arg14[%swap3A_2748, %swap3A_2749], %mul3A_2708 {strides = array<i32>} : memref<12x32xf32, #tpu.memory_space<vmem>>, vector<16xf32>,
      %swap3A_2751 = arith.constant 1 : i32
      %swap3A_2752 = arith.index_cast %swap3A_2751 : i32 to index
      %swap3A_2753 = arith.constant 0 : index
      %swap3A_2754 = tpu.vector_load %arg14[%swap3A_2752, %swap3A_2753] {strides = array<i32>} : memref<12x32xf32, #tpu.memory_space<vmem>>, vector<16xf32>,
      tpu.vector_store %arg14[%swap3A_2752, %swap3A_2753], %add3A_2601 {strides = array<i32>} : memref<12x32xf32, #tpu.memory_space<vmem>>, vector<16xf32>,
      %swap3A_2755 = arith.constant 5 : i32
      %swap3A_2756 = arith.index_cast %swap3A_2755 : i32 to index
      %swap3A_2757 = arith.constant 0 : index
      %swap3A_2758 = tpu.vector_load %arg14[%swap3A_2756, %swap3A_2757] {strides = array<i32>} : memref<12x32xf32, #tpu.memory_space<vmem>>, vector<16xf32>,
      tpu.vector_store %arg14[%swap3A_2756, %swap3A_2757], %add3A_2660 {strides = array<i32>} : memref<12x32xf32, #tpu.memory_space<vmem>>, vector<16xf32>,
      %swap3A_2759 = arith.constant 9 : i32
      %swap3A_2760 = arith.index_cast %swap3A_2759 : i32 to index
      %swap3A_2761 = arith.constant 0 : index
      %swap3A_2762 = tpu.vector_load %arg14[%swap3A_2760, %swap3A_2761] {strides = array<i32>} : memref<12x32xf32, #tpu.memory_space<vmem>>, vector<16xf32>,
      tpu.vector_store %arg14[%swap3A_2760, %swap3A_2761], %add3A_2719 {strides = array<i32>} : memref<12x32xf32, #tpu.memory_space<vmem>>, vector<16xf32>,
      %swap3A_2763 = arith.constant 2 : i32
      %swap3A_2764 = arith.index_cast %swap3A_2763 : i32 to index
      %swap3A_2765 = arith.constant 0 : index
      %swap3A_2766 = tpu.vector_load %arg14[%swap3A_2764, %swap3A_2765] {strides = array<i32>} : memref<12x32xf32, #tpu.memory_space<vmem>>, vector<16xf32>,
      tpu.vector_store %arg14[%swap3A_2764, %swap3A_2765], %mul3A_2612 {strides = array<i32>} : memref<12x32xf32, #tpu.memory_space<vmem>>, vector<16xf32>,
      %swap3A_2767 = arith.constant 6 : i32
      %swap3A_2768 = arith.index_cast %swap3A_2767 : i32 to index
      %swap3A_2769 = arith.constant 0 : index
      %swap3A_2770 = tpu.vector_load %arg14[%swap3A_2768, %swap3A_2769] {strides = array<i32>} : memref<12x32xf32, #tpu.memory_space<vmem>>, vector<16xf32>,
      tpu.vector_store %arg14[%swap3A_2768, %swap3A_2769], %mul3A_2671 {strides = array<i32>} : memref<12x32xf32, #tpu.memory_space<vmem>>, vector<16xf32>,
      %swap3A_2771 = arith.constant 10 : i32
      %swap3A_2772 = arith.index_cast %swap3A_2771 : i32 to index
      %swap3A_2773 = arith.constant 0 : index
      %swap3A_2774 = tpu.vector_load %arg14[%swap3A_2772, %swap3A_2773] {strides = array<i32>} : memref<12x32xf32, #tpu.memory_space<vmem>>, vector<16xf32>,
      tpu.vector_store %arg14[%swap3A_2772, %swap3A_2773], %mul3A_2730 {strides = array<i32>} : memref<12x32xf32, #tpu.memory_space<vmem>>, vector<16xf32>,
      %swap3A_2775 = arith.constant 3 : i32
      %swap3A_2776 = arith.index_cast %swap3A_2775 : i32 to index
      %swap3A_2777 = arith.constant 0 : index
      %swap3A_2778 = tpu.vector_load %arg14[%swap3A_2776, %swap3A_2777] {strides = array<i32>} : memref<12x32xf32, #tpu.memory_space<vmem>>, vector<16xf32>,
      tpu.vector_store %arg14[%swap3A_2776, %swap3A_2777], %mul3A_2620 {strides = array<i32>} : memref<12x32xf32, #tpu.memory_space<vmem>>, vector<16xf32>,
      %swap3A_2779 = arith.constant 7 : i32
      %swap3A_2780 = arith.index_cast %swap3A_2779 : i32 to index
      %swap3A_2781 = arith.constant 0 : index
      %swap3A_2782 = tpu.vector_load %arg14[%swap3A_2780, %swap3A_2781] {strides = array<i32>} : memref<12x32xf32, #tpu.memory_space<vmem>>, vector<16xf32>,
      tpu.vector_store %arg14[%swap3A_2780, %swap3A_2781], %mul3A_2679 {strides = array<i32>} : memref<12x32xf32, #tpu.memory_space<vmem>>, vector<16xf32>,
      %swap3A_2783 = arith.constant 11 : i32
      %swap3A_2784 = arith.index_cast %swap3A_2783 : i32 to index
      %swap3A_2785 = arith.constant 0 : index
      %swap3A_2786 = tpu.vector_load %arg14[%swap3A_2784, %swap3A_2785] {strides = array<i32>} : memref<12x32xf32, #tpu.memory_space<vmem>>, vector<16xf32>,
      tpu.vector_store %arg14[%swap3A_2784, %swap3A_2785], %mul3A_2738 {strides = array<i32>} : memref<12x32xf32, #tpu.memory_space<vmem>>, vector<16xf32>,
      %swap3A_2787 = arith.constant 0 : index
      %swap3A_2788 = tpu.vector_load %arg16[%swap3A_2787] {strides = array<i32>} : memref<32xi32, #tpu.memory_space<vmem>>, vector<16xi32>,
      tpu.vector_store %arg16[%swap3A_2787], %min3A_2697 {strides = array<i32>} : memref<32xi32, #tpu.memory_space<vmem>>, vector<16xi32>,
      %and3A_2789 = arith.constant 1 : i32
      %and3A_2790 = vector.broadcast %and3A_2789 : i32 to vector<16xi32>
      %and3A_2791 = arith.andi %min3A_2638, %and3A_2790 : vector<16xi32>
      %shift_right_logical3A_2792 = arith.constant 1 : i32
      %shift_right_logical3A_2793 = vector.broadcast %shift_right_logical3A_2792 : i32 to vector<16xi32>
      %shift_right_logical3A_2794 = arith.shrui %min3A_2638, %shift_right_logical3A_2793 : vector<16xi32>
      %mul3A_2795 = arith.constant 2048 : i32
      %mul3A_2796 = vector.broadcast %mul3A_2795 : i32 to vector<16xi32>
      %mul3A_2797 = arith.muli %and3A_2791, %mul3A_2796 : vector<16xi32>
      %mul3A_2798 = arith.constant 32 : i32
      %mul3A_2799 = vector.broadcast %mul3A_2798 : i32 to vector<16xi32>
      %mul3A_2800 = arith.muli %min3A_2579, %mul3A_2799 : vector<16xi32>
      %add3A_2801 = arith.addi %mul3A_2797, %mul3A_2800 : vector<16xi32>
      %add3A_2802 = arith.addi %add3A_2801, %shift_right_logical3A_2794 : vector<16xi32>
      %add3A_2803 = arith.constant 0 : i32
      %add3A_2804 = vector.broadcast %add3A_2803 : i32 to vector<16xi32>
      %add3A_2805 = arith.addi %add3A_2802, %add3A_2804 : vector<16xi32>
      %swap3A_2806 = arith.constant 0 : i32
      %swap3A_2807 = arith.index_cast %swap3A_2806 : i32 to index
      %swap3A_2808 = arith.constant 0 : index
      %swap3A_2809 = tpu.vector_load %arg10[%swap3A_2807, %swap3A_2808] {strides = array<i32>} : memref<8x32xi32, #tpu.memory_space<vmem>>, vector<16xi32>,
      tpu.vector_store %arg10[%swap3A_2807, %swap3A_2808], %add3A_2805 {strides = array<i32>} : memref<8x32xi32, #tpu.memory_space<vmem>>, vector<16xi32>,
      %add3A_2810 = arith.constant 1 : i32
      %add3A_2811 = vector.broadcast %add3A_2810 : i32 to vector<16xi32>
      %add3A_2812 = arith.addi %add3A_2802, %add3A_2811 : vector<16xi32>
      %swap3A_2813 = arith.constant 1 : i32
      %swap3A_2814 = arith.index_cast %swap3A_2813 : i32 to index
      %swap3A_2815 = arith.constant 0 : index
      %swap3A_2816 = tpu.vector_load %arg10[%swap3A_2814, %swap3A_2815] {strides = array<i32>} : memref<8x32xi32, #tpu.memory_space<vmem>>, vector<16xi32>,
      tpu.vector_store %arg10[%swap3A_2814, %swap3A_2815], %add3A_2812 {strides = array<i32>} : memref<8x32xi32, #tpu.memory_space<vmem>>, vector<16xi32>,
      %add3A_2817 = arith.constant 32 : i32
      %add3A_2818 = vector.broadcast %add3A_2817 : i32 to vector<16xi32>
      %add3A_2819 = arith.addi %add3A_2802, %add3A_2818 : vector<16xi32>
      %swap3A_2820 = arith.constant 2 : i32
      %swap3A_2821 = arith.index_cast %swap3A_2820 : i32 to index
      %swap3A_2822 = arith.constant 0 : index
      %swap3A_2823 = tpu.vector_load %arg10[%swap3A_2821, %swap3A_2822] {strides = array<i32>} : memref<8x32xi32, #tpu.memory_space<vmem>>, vector<16xi32>,
      tpu.vector_store %arg10[%swap3A_2821, %swap3A_2822], %add3A_2819 {strides = array<i32>} : memref<8x32xi32, #tpu.memory_space<vmem>>, vector<16xi32>,
      %add3A_2824 = arith.constant 33 : i32
      %add3A_2825 = vector.broadcast %add3A_2824 : i32 to vector<16xi32>
      %add3A_2826 = arith.addi %add3A_2802, %add3A_2825 : vector<16xi32>
      %swap3A_2827 = arith.constant 3 : i32
      %swap3A_2828 = arith.index_cast %swap3A_2827 : i32 to index
      %swap3A_2829 = arith.constant 0 : index
      %swap3A_2830 = tpu.vector_load %arg10[%swap3A_2828, %swap3A_2829] {strides = array<i32>} : memref<8x32xi32, #tpu.memory_space<vmem>>, vector<16xi32>,
      tpu.vector_store %arg10[%swap3A_2828, %swap3A_2829], %add3A_2826 {strides = array<i32>} : memref<8x32xi32, #tpu.memory_space<vmem>>, vector<16xi32>,
      %add3A_2831 = arith.constant 64 : i32
      %add3A_2832 = vector.broadcast %add3A_2831 : i32 to vector<16xi32>
      %add3A_2833 = arith.addi %add3A_2802, %add3A_2832 : vector<16xi32>
      %swap3A_2834 = arith.constant 4 : i32
      %swap3A_2835 = arith.index_cast %swap3A_2834 : i32 to index
      %swap3A_2836 = arith.constant 0 : index
      %swap3A_2837 = tpu.vector_load %arg10[%swap3A_2835, %swap3A_2836] {strides = array<i32>} : memref<8x32xi32, #tpu.memory_space<vmem>>, vector<16xi32>,
      tpu.vector_store %arg10[%swap3A_2835, %swap3A_2836], %add3A_2833 {strides = array<i32>} : memref<8x32xi32, #tpu.memory_space<vmem>>, vector<16xi32>,
      %add3A_2838 = arith.constant 65 : i32
      %add3A_2839 = vector.broadcast %add3A_2838 : i32 to vector<16xi32>
      %add3A_2840 = arith.addi %add3A_2802, %add3A_2839 : vector<16xi32>
      %swap3A_2841 = arith.constant 5 : i32
      %swap3A_2842 = arith.index_cast %swap3A_2841 : i32 to index
      %swap3A_2843 = arith.constant 0 : index
      %swap3A_2844 = tpu.vector_load %arg10[%swap3A_2842, %swap3A_2843] {strides = array<i32>} : memref<8x32xi32, #tpu.memory_space<vmem>>, vector<16xi32>,
      tpu.vector_store %arg10[%swap3A_2842, %swap3A_2843], %add3A_2840 {strides = array<i32>} : memref<8x32xi32, #tpu.memory_space<vmem>>, vector<16xi32>,
      %add3A_2845 = arith.constant 96 : i32
      %add3A_2846 = vector.broadcast %add3A_2845 : i32 to vector<16xi32>
      %add3A_2847 = arith.addi %add3A_2802, %add3A_2846 : vector<16xi32>
      %swap3A_2848 = arith.constant 6 : i32
      %swap3A_2849 = arith.index_cast %swap3A_2848 : i32 to index
      %swap3A_2850 = arith.constant 0 : index
      %swap3A_2851 = tpu.vector_load %arg10[%swap3A_2849, %swap3A_2850] {strides = array<i32>} : memref<8x32xi32, #tpu.memory_space<vmem>>, vector<16xi32>,
      tpu.vector_store %arg10[%swap3A_2849, %swap3A_2850], %add3A_2847 {strides = array<i32>} : memref<8x32xi32, #tpu.memory_space<vmem>>, vector<16xi32>,
      %add3A_2852 = arith.constant 97 : i32
      %add3A_2853 = vector.broadcast %add3A_2852 : i32 to vector<16xi32>
      %add3A_2854 = arith.addi %add3A_2802, %add3A_2853 : vector<16xi32>
      %swap3A_2855 = arith.constant 7 : i32
      %swap3A_2856 = arith.index_cast %swap3A_2855 : i32 to index
      %swap3A_2857 = arith.constant 0 : index
      %swap3A_2858 = tpu.vector_load %arg10[%swap3A_2856, %swap3A_2857] {strides = array<i32>} : memref<8x32xi32, #tpu.memory_space<vmem>>, vector<16xi32>,
      tpu.vector_store %arg10[%swap3A_2856, %swap3A_2857], %add3A_2854 {strides = array<i32>} : memref<8x32xi32, #tpu.memory_space<vmem>>, vector<16xi32>,
      %mul3A_2859 = arith.constant 32 : i32
      %mul3A_2860 = arith.muli %add3A_2551, %mul3A_2859 : i32
      %add3A_2861 = arith.constant 16 : i32
      %add3A_2862 = arith.addi %mul3A_2860, %add3A_2861 : i32
      %get3A_2863 = arith.index_cast %add3A_2862 : i32 to index
      %get3A_2864 = tpu.vector_load %arg7[%get3A_2863] {strides = array<i32>} : memref<3168xf32, #tpu.memory_space<vmem>>, vector<16xf32>,
      %get3A_2865 = arith.index_cast %add3A_2862 : i32 to index
      %get3A_2866 = tpu.vector_load %arg8[%get3A_2865] {strides = array<i32>} : memref<3168xf32, #tpu.memory_space<vmem>>, vector<16xf32>,
      %get3A_2867 = arith.index_cast %add3A_2862 : i32 to index
      %get3A_2868 = tpu.vector_load %arg9[%get3A_2867] {strides = array<i32>} : memref<3168xf32, #tpu.memory_space<vmem>>, vector<16xf32>,
      %convert_element_type3A_2869 = arith.fptosi %get3A_2864 : vector<16xf32> to vector<16xi32>
      %convert_element_type3A_2870 = arith.sitofp %convert_element_type3A_2869 : vector<16xi32> to vector<16xf32>
      %sub3A_2871 = arith.subf %get3A_2864, %convert_element_type3A_2870 : vector<16xf32>
      %jit3A_2872 = arith.constant 0.000000e+00 : f32
      %jit3A_2873 = arith.constant 1.000000e+00 : f32
      %max3A_2874 = vector.broadcast %jit3A_2872 : f32 to vector<16xf32>
      %max3A_2875 = arith.maximumf %max3A_2874, %sub3A_2871 : vector<16xf32>
      %min3A_2876 = vector.broadcast %jit3A_2873 : f32 to vector<16xf32>
      %min3A_2877 = arith.minimumf %min3A_2876, %max3A_2875 : vector<16xf32>
      %sub3A_2878 = arith.constant 1 : i32
      %sub3A_2879 = vector.broadcast %sub3A_2878 : i32 to vector<16xi32>
      %sub3A_2880 = arith.subi %convert_element_type3A_2869, %sub3A_2879 : vector<16xi32>
      %jit3A_2881 = arith.constant 0 : i32
      %jit3A_2882 = arith.constant 60 : i32
      %max3A_2883 = vector.broadcast %jit3A_2881 : i32 to vector<16xi32>
      %max3A_2884 = arith.maxsi %max3A_2883, %sub3A_2880 : vector<16xi32>
      %min3A_2885 = vector.broadcast %jit3A_2882 : i32 to vector<16xi32>
      %min3A_2886 = arith.minsi %min3A_2885, %max3A_2884 : vector<16xi32>
      %mul3A_2887 = arith.constant -5.000000e-01 : f32
      %mul3A_2888 = vector.broadcast %mul3A_2887 : f32 to vector<16xf32>
      %mul3A_2889 = arith.mulf %mul3A_2888, %min3A_2877 : vector<16xf32>
      %add3A_2890 = arith.constant 1.000000e+00 : f32
      %add3A_2891 = vector.broadcast %add3A_2890 : f32 to vector<16xf32>
      %add3A_2892 = arith.addf %mul3A_2889, %add3A_2891 : vector<16xf32>
      %mul3A_2893 = arith.mulf %add3A_2892, %min3A_2877 : vector<16xf32>
      %sub3A_2894 = arith.constant 5.000000e-01 : f32
      %sub3A_2895 = vector.broadcast %sub3A_2894 : f32 to vector<16xf32>
      %sub3A_2896 = arith.subf %mul3A_2893, %sub3A_2895 : vector<16xf32>
      %mul3A_2897 = arith.mulf %sub3A_2896, %min3A_2877 : vector<16xf32>
      %mul3A_2898 = arith.constant 1.500000e+00 : f32
      %mul3A_2899 = vector.broadcast %mul3A_2898 : f32 to vector<16xf32>
      %mul3A_2900 = arith.mulf %mul3A_2899, %min3A_2877 : vector<16xf32>
      %sub3A_2901 = arith.constant 2.500000e+00 : f32
      %sub3A_2902 = vector.broadcast %sub3A_2901 : f32 to vector<16xf32>
      %sub3A_2903 = arith.subf %mul3A_2900, %sub3A_2902 : vector<16xf32>
      %mul3A_2904 = arith.mulf %sub3A_2903, %min3A_2877 : vector<16xf32>
      %mul3A_2905 = arith.mulf %mul3A_2904, %min3A_2877 : vector<16xf32>
      %add3A_2906 = arith.constant 1.000000e+00 : f32
      %add3A_2907 = vector.broadcast %add3A_2906 : f32 to vector<16xf32>
      %add3A_2908 = arith.addf %mul3A_2905, %add3A_2907 : vector<16xf32>
      %mul3A_2909 = arith.constant -1.500000e+00 : f32
      %mul3A_2910 = vector.broadcast %mul3A_2909 : f32 to vector<16xf32>
      %mul3A_2911 = arith.mulf %mul3A_2910, %min3A_2877 : vector<16xf32>
      %add3A_2912 = arith.constant 2.000000e+00 : f32
      %add3A_2913 = vector.broadcast %add3A_2912 : f32 to vector<16xf32>
      %add3A_2914 = arith.addf %mul3A_2911, %add3A_2913 : vector<16xf32>
      %mul3A_2915 = arith.mulf %add3A_2914, %min3A_2877 : vector<16xf32>
      %add3A_2916 = arith.constant 5.000000e-01 : f32
      %add3A_2917 = vector.broadcast %add3A_2916 : f32 to vector<16xf32>
      %add3A_2918 = arith.addf %mul3A_2915, %add3A_2917 : vector<16xf32>
      %mul3A_2919 = arith.mulf %add3A_2918, %min3A_2877 : vector<16xf32>
      %mul3A_2920 = arith.constant 5.000000e-01 : f32
      %mul3A_2921 = vector.broadcast %mul3A_2920 : f32 to vector<16xf32>
      %mul3A_2922 = arith.mulf %mul3A_2921, %min3A_2877 : vector<16xf32>
      %sub3A_2923 = arith.constant 5.000000e-01 : f32
      %sub3A_2924 = vector.broadcast %sub3A_2923 : f32 to vector<16xf32>
      %sub3A_2925 = arith.subf %mul3A_2922, %sub3A_2924 : vector<16xf32>
      %mul3A_2926 = arith.mulf %sub3A_2925, %min3A_2877 : vector<16xf32>
      %mul3A_2927 = arith.mulf %mul3A_2926, %min3A_2877 : vector<16xf32>
      %convert_element_type3A_2928 = arith.fptosi %get3A_2866 : vector<16xf32> to vector<16xi32>
      %convert_element_type3A_2929 = arith.sitofp %convert_element_type3A_2928 : vector<16xi32> to vector<16xf32>
      %sub3A_2930 = arith.subf %get3A_2866, %convert_element_type3A_2929 : vector<16xf32>
      %jit3A_2931 = arith.constant 0.000000e+00 : f32
      %jit3A_2932 = arith.constant 1.000000e+00 : f32
      %max3A_2933 = vector.broadcast %jit3A_2931 : f32 to vector<16xf32>
      %max3A_2934 = arith.maximumf %max3A_2933, %sub3A_2930 : vector<16xf32>
      %min3A_2935 = vector.broadcast %jit3A_2932 : f32 to vector<16xf32>
      %min3A_2936 = arith.minimumf %min3A_2935, %max3A_2934 : vector<16xf32>
      %sub3A_2937 = arith.constant 1 : i32
      %sub3A_2938 = vector.broadcast %sub3A_2937 : i32 to vector<16xi32>
      %sub3A_2939 = arith.subi %convert_element_type3A_2928, %sub3A_2938 : vector<16xi32>
      %jit3A_2940 = arith.constant 0 : i32
      %jit3A_2941 = arith.constant 60 : i32
      %max3A_2942 = vector.broadcast %jit3A_2940 : i32 to vector<16xi32>
      %max3A_2943 = arith.maxsi %max3A_2942, %sub3A_2939 : vector<16xi32>
      %min3A_2944 = vector.broadcast %jit3A_2941 : i32 to vector<16xi32>
      %min3A_2945 = arith.minsi %min3A_2944, %max3A_2943 : vector<16xi32>
      %mul3A_2946 = arith.constant -5.000000e-01 : f32
      %mul3A_2947 = vector.broadcast %mul3A_2946 : f32 to vector<16xf32>
      %mul3A_2948 = arith.mulf %mul3A_2947, %min3A_2936 : vector<16xf32>
      %add3A_2949 = arith.constant 1.000000e+00 : f32
      %add3A_2950 = vector.broadcast %add3A_2949 : f32 to vector<16xf32>
      %add3A_2951 = arith.addf %mul3A_2948, %add3A_2950 : vector<16xf32>
      %mul3A_2952 = arith.mulf %add3A_2951, %min3A_2936 : vector<16xf32>
      %sub3A_2953 = arith.constant 5.000000e-01 : f32
      %sub3A_2954 = vector.broadcast %sub3A_2953 : f32 to vector<16xf32>
      %sub3A_2955 = arith.subf %mul3A_2952, %sub3A_2954 : vector<16xf32>
      %mul3A_2956 = arith.mulf %sub3A_2955, %min3A_2936 : vector<16xf32>
      %mul3A_2957 = arith.constant 1.500000e+00 : f32
      %mul3A_2958 = vector.broadcast %mul3A_2957 : f32 to vector<16xf32>
      %mul3A_2959 = arith.mulf %mul3A_2958, %min3A_2936 : vector<16xf32>
      %sub3A_2960 = arith.constant 2.500000e+00 : f32
      %sub3A_2961 = vector.broadcast %sub3A_2960 : f32 to vector<16xf32>
      %sub3A_2962 = arith.subf %mul3A_2959, %sub3A_2961 : vector<16xf32>
      %mul3A_2963 = arith.mulf %sub3A_2962, %min3A_2936 : vector<16xf32>
      %mul3A_2964 = arith.mulf %mul3A_2963, %min3A_2936 : vector<16xf32>
      %add3A_2965 = arith.constant 1.000000e+00 : f32
      %add3A_2966 = vector.broadcast %add3A_2965 : f32 to vector<16xf32>
      %add3A_2967 = arith.addf %mul3A_2964, %add3A_2966 : vector<16xf32>
      %mul3A_2968 = arith.constant -1.500000e+00 : f32
      %mul3A_2969 = vector.broadcast %mul3A_2968 : f32 to vector<16xf32>
      %mul3A_2970 = arith.mulf %mul3A_2969, %min3A_2936 : vector<16xf32>
      %add3A_2971 = arith.constant 2.000000e+00 : f32
      %add3A_2972 = vector.broadcast %add3A_2971 : f32 to vector<16xf32>
      %add3A_2973 = arith.addf %mul3A_2970, %add3A_2972 : vector<16xf32>
      %mul3A_2974 = arith.mulf %add3A_2973, %min3A_2936 : vector<16xf32>
      %add3A_2975 = arith.constant 5.000000e-01 : f32
      %add3A_2976 = vector.broadcast %add3A_2975 : f32 to vector<16xf32>
      %add3A_2977 = arith.addf %mul3A_2974, %add3A_2976 : vector<16xf32>
      %mul3A_2978 = arith.mulf %add3A_2977, %min3A_2936 : vector<16xf32>
      %mul3A_2979 = arith.constant 5.000000e-01 : f32
      %mul3A_2980 = vector.broadcast %mul3A_2979 : f32 to vector<16xf32>
      %mul3A_2981 = arith.mulf %mul3A_2980, %min3A_2936 : vector<16xf32>
      %sub3A_2982 = arith.constant 5.000000e-01 : f32
      %sub3A_2983 = vector.broadcast %sub3A_2982 : f32 to vector<16xf32>
      %sub3A_2984 = arith.subf %mul3A_2981, %sub3A_2983 : vector<16xf32>
      %mul3A_2985 = arith.mulf %sub3A_2984, %min3A_2936 : vector<16xf32>
      %mul3A_2986 = arith.mulf %mul3A_2985, %min3A_2936 : vector<16xf32>
      %convert_element_type3A_2987 = arith.fptosi %get3A_2868 : vector<16xf32> to vector<16xi32>
      %convert_element_type3A_2988 = arith.sitofp %convert_element_type3A_2987 : vector<16xi32> to vector<16xf32>
      %sub3A_2989 = arith.subf %get3A_2868, %convert_element_type3A_2988 : vector<16xf32>
      %jit3A_2990 = arith.constant 0.000000e+00 : f32
      %jit3A_2991 = arith.constant 1.000000e+00 : f32
      %max3A_2992 = vector.broadcast %jit3A_2990 : f32 to vector<16xf32>
      %max3A_2993 = arith.maximumf %max3A_2992, %sub3A_2989 : vector<16xf32>
      %min3A_2994 = vector.broadcast %jit3A_2991 : f32 to vector<16xf32>
      %min3A_2995 = arith.minimumf %min3A_2994, %max3A_2993 : vector<16xf32>
      %sub3A_2996 = arith.constant 1 : i32
      %sub3A_2997 = vector.broadcast %sub3A_2996 : i32 to vector<16xi32>
      %sub3A_2998 = arith.subi %convert_element_type3A_2987, %sub3A_2997 : vector<16xi32>
      %jit3A_2999 = arith.constant 0 : i32
      %jit3A_3000 = arith.constant 60 : i32
      %max3A_3001 = vector.broadcast %jit3A_2999 : i32 to vector<16xi32>
      %max3A_3002 = arith.maxsi %max3A_3001, %sub3A_2998 : vector<16xi32>
      %min3A_3003 = vector.broadcast %jit3A_3000 : i32 to vector<16xi32>
      %min3A_3004 = arith.minsi %min3A_3003, %max3A_3002 : vector<16xi32>
      %mul3A_3005 = arith.constant -5.000000e-01 : f32
      %mul3A_3006 = vector.broadcast %mul3A_3005 : f32 to vector<16xf32>
      %mul3A_3007 = arith.mulf %mul3A_3006, %min3A_2995 : vector<16xf32>
      %add3A_3008 = arith.constant 1.000000e+00 : f32
      %add3A_3009 = vector.broadcast %add3A_3008 : f32 to vector<16xf32>
      %add3A_3010 = arith.addf %mul3A_3007, %add3A_3009 : vector<16xf32>
      %mul3A_3011 = arith.mulf %add3A_3010, %min3A_2995 : vector<16xf32>
      %sub3A_3012 = arith.constant 5.000000e-01 : f32
      %sub3A_3013 = vector.broadcast %sub3A_3012 : f32 to vector<16xf32>
      %sub3A_3014 = arith.subf %mul3A_3011, %sub3A_3013 : vector<16xf32>
      %mul3A_3015 = arith.mulf %sub3A_3014, %min3A_2995 : vector<16xf32>
      %mul3A_3016 = arith.constant 1.500000e+00 : f32
      %mul3A_3017 = vector.broadcast %mul3A_3016 : f32 to vector<16xf32>
      %mul3A_3018 = arith.mulf %mul3A_3017, %min3A_2995 : vector<16xf32>
      %sub3A_3019 = arith.constant 2.500000e+00 : f32
      %sub3A_3020 = vector.broadcast %sub3A_3019 : f32 to vector<16xf32>
      %sub3A_3021 = arith.subf %mul3A_3018, %sub3A_3020 : vector<16xf32>
      %mul3A_3022 = arith.mulf %sub3A_3021, %min3A_2995 : vector<16xf32>
      %mul3A_3023 = arith.mulf %mul3A_3022, %min3A_2995 : vector<16xf32>
      %add3A_3024 = arith.constant 1.000000e+00 : f32
      %add3A_3025 = vector.broadcast %add3A_3024 : f32 to vector<16xf32>
      %add3A_3026 = arith.addf %mul3A_3023, %add3A_3025 : vector<16xf32>
      %mul3A_3027 = arith.constant -1.500000e+00 : f32
      %mul3A_3028 = vector.broadcast %mul3A_3027 : f32 to vector<16xf32>
      %mul3A_3029 = arith.mulf %mul3A_3028, %min3A_2995 : vector<16xf32>
      %add3A_3030 = arith.constant 2.000000e+00 : f32
      %add3A_3031 = vector.broadcast %add3A_3030 : f32 to vector<16xf32>
      %add3A_3032 = arith.addf %mul3A_3029, %add3A_3031 : vector<16xf32>
      %mul3A_3033 = arith.mulf %add3A_3032, %min3A_2995 : vector<16xf32>
      %add3A_3034 = arith.constant 5.000000e-01 : f32
      %add3A_3035 = vector.broadcast %add3A_3034 : f32 to vector<16xf32>
      %add3A_3036 = arith.addf %mul3A_3033, %add3A_3035 : vector<16xf32>
      %mul3A_3037 = arith.mulf %add3A_3036, %min3A_2995 : vector<16xf32>
      %mul3A_3038 = arith.constant 5.000000e-01 : f32
      %mul3A_3039 = vector.broadcast %mul3A_3038 : f32 to vector<16xf32>
      %mul3A_3040 = arith.mulf %mul3A_3039, %min3A_2995 : vector<16xf32>
      %sub3A_3041 = arith.constant 5.000000e-01 : f32
      %sub3A_3042 = vector.broadcast %sub3A_3041 : f32 to vector<16xf32>
      %sub3A_3043 = arith.subf %mul3A_3040, %sub3A_3042 : vector<16xf32>
      %mul3A_3044 = arith.mulf %sub3A_3043, %min3A_2995 : vector<16xf32>
      %mul3A_3045 = arith.mulf %mul3A_3044, %min3A_2995 : vector<16xf32>
      %swap3A_3046 = arith.constant 0 : i32
      %swap3A_3047 = arith.index_cast %swap3A_3046 : i32 to index
      %swap3A_3048 = arith.constant 16 : index
      %swap3A_3049 = tpu.vector_load %arg14[%swap3A_3047, %swap3A_3048] {strides = array<i32>} : memref<12x32xf32, #tpu.memory_space<vmem>>, vector<16xf32>,
      tpu.vector_store %arg14[%swap3A_3047, %swap3A_3048], %mul3A_2897 {strides = array<i32>} : memref<12x32xf32, #tpu.memory_space<vmem>>, vector<16xf32>,
      %swap3A_3050 = arith.constant 4 : i32
      %swap3A_3051 = arith.index_cast %swap3A_3050 : i32 to index
      %swap3A_3052 = arith.constant 16 : index
      %swap3A_3053 = tpu.vector_load %arg14[%swap3A_3051, %swap3A_3052] {strides = array<i32>} : memref<12x32xf32, #tpu.memory_space<vmem>>, vector<16xf32>,
      tpu.vector_store %arg14[%swap3A_3051, %swap3A_3052], %mul3A_2956 {strides = array<i32>} : memref<12x32xf32, #tpu.memory_space<vmem>>, vector<16xf32>,
      %swap3A_3054 = arith.constant 8 : i32
      %swap3A_3055 = arith.index_cast %swap3A_3054 : i32 to index
      %swap3A_3056 = arith.constant 16 : index
      %swap3A_3057 = tpu.vector_load %arg14[%swap3A_3055, %swap3A_3056] {strides = array<i32>} : memref<12x32xf32, #tpu.memory_space<vmem>>, vector<16xf32>,
      tpu.vector_store %arg14[%swap3A_3055, %swap3A_3056], %mul3A_3015 {strides = array<i32>} : memref<12x32xf32, #tpu.memory_space<vmem>>, vector<16xf32>,
      %swap3A_3058 = arith.constant 1 : i32
      %swap3A_3059 = arith.index_cast %swap3A_3058 : i32 to index
      %swap3A_3060 = arith.constant 16 : index
      %swap3A_3061 = tpu.vector_load %arg14[%swap3A_3059, %swap3A_3060] {strides = array<i32>} : memref<12x32xf32, #tpu.memory_space<vmem>>, vector<16xf32>,
      tpu.vector_store %arg14[%swap3A_3059, %swap3A_3060], %add3A_2908 {strides = array<i32>} : memref<12x32xf32, #tpu.memory_space<vmem>>, vector<16xf32>,
      %swap3A_3062 = arith.constant 5 : i32
      %swap3A_3063 = arith.index_cast %swap3A_3062 : i32 to index
      %swap3A_3064 = arith.constant 16 : index
      %swap3A_3065 = tpu.vector_load %arg14[%swap3A_3063, %swap3A_3064] {strides = array<i32>} : memref<12x32xf32, #tpu.memory_space<vmem>>, vector<16xf32>,
      tpu.vector_store %arg14[%swap3A_3063, %swap3A_3064], %add3A_2967 {strides = array<i32>} : memref<12x32xf32, #tpu.memory_space<vmem>>, vector<16xf32>,
      %swap3A_3066 = arith.constant 9 : i32
      %swap3A_3067 = arith.index_cast %swap3A_3066 : i32 to index
      %swap3A_3068 = arith.constant 16 : index
      %swap3A_3069 = tpu.vector_load %arg14[%swap3A_3067, %swap3A_3068] {strides = array<i32>} : memref<12x32xf32, #tpu.memory_space<vmem>>, vector<16xf32>,
      tpu.vector_store %arg14[%swap3A_3067, %swap3A_3068], %add3A_3026 {strides = array<i32>} : memref<12x32xf32, #tpu.memory_space<vmem>>, vector<16xf32>,
      %swap3A_3070 = arith.constant 2 : i32
      %swap3A_3071 = arith.index_cast %swap3A_3070 : i32 to index
      %swap3A_3072 = arith.constant 16 : index
      %swap3A_3073 = tpu.vector_load %arg14[%swap3A_3071, %swap3A_3072] {strides = array<i32>} : memref<12x32xf32, #tpu.memory_space<vmem>>, vector<16xf32>,
      tpu.vector_store %arg14[%swap3A_3071, %swap3A_3072], %mul3A_2919 {strides = array<i32>} : memref<12x32xf32, #tpu.memory_space<vmem>>, vector<16xf32>,
      %swap3A_3074 = arith.constant 6 : i32
      %swap3A_3075 = arith.index_cast %swap3A_3074 : i32 to index
      %swap3A_3076 = arith.constant 16 : index
      %swap3A_3077 = tpu.vector_load %arg14[%swap3A_3075, %swap3A_3076] {strides = array<i32>} : memref<12x32xf32, #tpu.memory_space<vmem>>, vector<16xf32>,
      tpu.vector_store %arg14[%swap3A_3075, %swap3A_3076], %mul3A_2978 {strides = array<i32>} : memref<12x32xf32, #tpu.memory_space<vmem>>, vector<16xf32>,
      %swap3A_3078 = arith.constant 10 : i32
      %swap3A_3079 = arith.index_cast %swap3A_3078 : i32 to index
      %swap3A_3080 = arith.constant 16 : index
      %swap3A_3081 = tpu.vector_load %arg14[%swap3A_3079, %swap3A_3080] {strides = array<i32>} : memref<12x32xf32, #tpu.memory_space<vmem>>, vector<16xf32>,
      tpu.vector_store %arg14[%swap3A_3079, %swap3A_3080], %mul3A_3037 {strides = array<i32>} : memref<12x32xf32, #tpu.memory_space<vmem>>, vector<16xf32>,
      %swap3A_3082 = arith.constant 3 : i32
      %swap3A_3083 = arith.index_cast %swap3A_3082 : i32 to index
      %swap3A_3084 = arith.constant 16 : index
      %swap3A_3085 = tpu.vector_load %arg14[%swap3A_3083, %swap3A_3084] {strides = array<i32>} : memref<12x32xf32, #tpu.memory_space<vmem>>, vector<16xf32>,
      tpu.vector_store %arg14[%swap3A_3083, %swap3A_3084], %mul3A_2927 {strides = array<i32>} : memref<12x32xf32, #tpu.memory_space<vmem>>, vector<16xf32>,
      %swap3A_3086 = arith.constant 7 : i32
      %swap3A_3087 = arith.index_cast %swap3A_3086 : i32 to index
      %swap3A_3088 = arith.constant 16 : index
      %swap3A_3089 = tpu.vector_load %arg14[%swap3A_3087, %swap3A_3088] {strides = array<i32>} : memref<12x32xf32, #tpu.memory_space<vmem>>, vector<16xf32>,
      tpu.vector_store %arg14[%swap3A_3087, %swap3A_3088], %mul3A_2986 {strides = array<i32>} : memref<12x32xf32, #tpu.memory_space<vmem>>, vector<16xf32>,
      %swap3A_3090 = arith.constant 11 : i32
      %swap3A_3091 = arith.index_cast %swap3A_3090 : i32 to index
      %swap3A_3092 = arith.constant 16 : index
      %swap3A_3093 = tpu.vector_load %arg14[%swap3A_3091, %swap3A_3092] {strides = array<i32>} : memref<12x32xf32, #tpu.memory_space<vmem>>, vector<16xf32>,
      tpu.vector_store %arg14[%swap3A_3091, %swap3A_3092], %mul3A_3045 {strides = array<i32>} : memref<12x32xf32, #tpu.memory_space<vmem>>, vector<16xf32>,
      %swap3A_3094 = arith.constant 16 : index
      %swap3A_3095 = tpu.vector_load %arg16[%swap3A_3094] {strides = array<i32>} : memref<32xi32, #tpu.memory_space<vmem>>, vector<16xi32>,
      tpu.vector_store %arg16[%swap3A_3094], %min3A_3004 {strides = array<i32>} : memref<32xi32, #tpu.memory_space<vmem>>, vector<16xi32>,
      %and3A_3096 = arith.constant 1 : i32
      %and3A_3097 = vector.broadcast %and3A_3096 : i32 to vector<16xi32>
      %and3A_3098 = arith.andi %min3A_2945, %and3A_3097 : vector<16xi32>
      %shift_right_logical3A_3099 = arith.constant 1 : i32
      %shift_right_logical3A_3100 = vector.broadcast %shift_right_logical3A_3099 : i32 to vector<16xi32>
      %shift_right_logical3A_3101 = arith.shrui %min3A_2945, %shift_right_logical3A_3100 : vector<16xi32>
      %mul3A_3102 = arith.constant 2048 : i32
      %mul3A_3103 = vector.broadcast %mul3A_3102 : i32 to vector<16xi32>
      %mul3A_3104 = arith.muli %and3A_3098, %mul3A_3103 : vector<16xi32>
      %mul3A_3105 = arith.constant 32 : i32
      %mul3A_3106 = vector.broadcast %mul3A_3105 : i32 to vector<16xi32>
      %mul3A_3107 = arith.muli %min3A_2886, %mul3A_3106 : vector<16xi32>
      %add3A_3108 = arith.addi %mul3A_3104, %mul3A_3107 : vector<16xi32>
      %add3A_3109 = arith.addi %add3A_3108, %shift_right_logical3A_3101 : vector<16xi32>
      %add3A_3110 = arith.constant 0 : i32
      %add3A_3111 = vector.broadcast %add3A_3110 : i32 to vector<16xi32>
      %add3A_3112 = arith.addi %add3A_3109, %add3A_3111 : vector<16xi32>
      %swap3A_3113 = arith.constant 0 : i32
      %swap3A_3114 = arith.index_cast %swap3A_3113 : i32 to index
      %swap3A_3115 = arith.constant 16 : index
      %swap3A_3116 = tpu.vector_load %arg10[%swap3A_3114, %swap3A_3115] {strides = array<i32>} : memref<8x32xi32, #tpu.memory_space<vmem>>, vector<16xi32>,
      tpu.vector_store %arg10[%swap3A_3114, %swap3A_3115], %add3A_3112 {strides = array<i32>} : memref<8x32xi32, #tpu.memory_space<vmem>>, vector<16xi32>,
      %add3A_3117 = arith.constant 1 : i32
      %add3A_3118 = vector.broadcast %add3A_3117 : i32 to vector<16xi32>
      %add3A_3119 = arith.addi %add3A_3109, %add3A_3118 : vector<16xi32>
      %swap3A_3120 = arith.constant 1 : i32
      %swap3A_3121 = arith.index_cast %swap3A_3120 : i32 to index
      %swap3A_3122 = arith.constant 16 : index
      %swap3A_3123 = tpu.vector_load %arg10[%swap3A_3121, %swap3A_3122] {strides = array<i32>} : memref<8x32xi32, #tpu.memory_space<vmem>>, vector<16xi32>,
      tpu.vector_store %arg10[%swap3A_3121, %swap3A_3122], %add3A_3119 {strides = array<i32>} : memref<8x32xi32, #tpu.memory_space<vmem>>, vector<16xi32>,
      %add3A_3124 = arith.constant 32 : i32
      %add3A_3125 = vector.broadcast %add3A_3124 : i32 to vector<16xi32>
      %add3A_3126 = arith.addi %add3A_3109, %add3A_3125 : vector<16xi32>
      %swap3A_3127 = arith.constant 2 : i32
      %swap3A_3128 = arith.index_cast %swap3A_3127 : i32 to index
      %swap3A_3129 = arith.constant 16 : index
      %swap3A_3130 = tpu.vector_load %arg10[%swap3A_3128, %swap3A_3129] {strides = array<i32>} : memref<8x32xi32, #tpu.memory_space<vmem>>, vector<16xi32>,
      tpu.vector_store %arg10[%swap3A_3128, %swap3A_3129], %add3A_3126 {strides = array<i32>} : memref<8x32xi32, #tpu.memory_space<vmem>>, vector<16xi32>,
      %add3A_3131 = arith.constant 33 : i32
      %add3A_3132 = vector.broadcast %add3A_3131 : i32 to vector<16xi32>
      %add3A_3133 = arith.addi %add3A_3109, %add3A_3132 : vector<16xi32>
      %swap3A_3134 = arith.constant 3 : i32
      %swap3A_3135 = arith.index_cast %swap3A_3134 : i32 to index
      %swap3A_3136 = arith.constant 16 : index
      %swap3A_3137 = tpu.vector_load %arg10[%swap3A_3135, %swap3A_3136] {strides = array<i32>} : memref<8x32xi32, #tpu.memory_space<vmem>>, vector<16xi32>,
      tpu.vector_store %arg10[%swap3A_3135, %swap3A_3136], %add3A_3133 {strides = array<i32>} : memref<8x32xi32, #tpu.memory_space<vmem>>, vector<16xi32>,
      %add3A_3138 = arith.constant 64 : i32
      %add3A_3139 = vector.broadcast %add3A_3138 : i32 to vector<16xi32>
      %add3A_3140 = arith.addi %add3A_3109, %add3A_3139 : vector<16xi32>
      %swap3A_3141 = arith.constant 4 : i32
      %swap3A_3142 = arith.index_cast %swap3A_3141 : i32 to index
      %swap3A_3143 = arith.constant 16 : index
      %swap3A_3144 = tpu.vector_load %arg10[%swap3A_3142, %swap3A_3143] {strides = array<i32>} : memref<8x32xi32, #tpu.memory_space<vmem>>, vector<16xi32>,
      tpu.vector_store %arg10[%swap3A_3142, %swap3A_3143], %add3A_3140 {strides = array<i32>} : memref<8x32xi32, #tpu.memory_space<vmem>>, vector<16xi32>,
      %add3A_3145 = arith.constant 65 : i32
      %add3A_3146 = vector.broadcast %add3A_3145 : i32 to vector<16xi32>
      %add3A_3147 = arith.addi %add3A_3109, %add3A_3146 : vector<16xi32>
      %swap3A_3148 = arith.constant 5 : i32
      %swap3A_3149 = arith.index_cast %swap3A_3148 : i32 to index
      %swap3A_3150 = arith.constant 16 : index
      %swap3A_3151 = tpu.vector_load %arg10[%swap3A_3149, %swap3A_3150] {strides = array<i32>} : memref<8x32xi32, #tpu.memory_space<vmem>>, vector<16xi32>,
      tpu.vector_store %arg10[%swap3A_3149, %swap3A_3150], %add3A_3147 {strides = array<i32>} : memref<8x32xi32, #tpu.memory_space<vmem>>, vector<16xi32>,
      %add3A_3152 = arith.constant 96 : i32
      %add3A_3153 = vector.broadcast %add3A_3152 : i32 to vector<16xi32>
      %add3A_3154 = arith.addi %add3A_3109, %add3A_3153 : vector<16xi32>
      %swap3A_3155 = arith.constant 6 : i32
      %swap3A_3156 = arith.index_cast %swap3A_3155 : i32 to index
      %swap3A_3157 = arith.constant 16 : index
      %swap3A_3158 = tpu.vector_load %arg10[%swap3A_3156, %swap3A_3157] {strides = array<i32>} : memref<8x32xi32, #tpu.memory_space<vmem>>, vector<16xi32>,
      tpu.vector_store %arg10[%swap3A_3156, %swap3A_3157], %add3A_3154 {strides = array<i32>} : memref<8x32xi32, #tpu.memory_space<vmem>>, vector<16xi32>,
      %add3A_3159 = arith.constant 97 : i32
      %add3A_3160 = vector.broadcast %add3A_3159 : i32 to vector<16xi32>
      %add3A_3161 = arith.addi %add3A_3109, %add3A_3160 : vector<16xi32>
      %swap3A_3162 = arith.constant 7 : i32
      %swap3A_3163 = arith.index_cast %swap3A_3162 : i32 to index
      %swap3A_3164 = arith.constant 16 : index
      %swap3A_3165 = tpu.vector_load %arg10[%swap3A_3163, %swap3A_3164] {strides = array<i32>} : memref<8x32xi32, #tpu.memory_space<vmem>>, vector<16xi32>,
      tpu.vector_store %arg10[%swap3A_3163, %swap3A_3164], %add3A_3161 {strides = array<i32>} : memref<8x32xi32, #tpu.memory_space<vmem>>, vector<16xi32>,
      %dma_start3A_3166 = arith.constant 0 : i32
      %dma_start3A_3167 = arith.constant 0 : i32
      %dma_start3A_3168 = arith.constant 0 : i32
      %dma_start3A_3169 = tpu.memref_slice %arg12[%dma_start3A_3167, %dma_start3A_3168] : memref<256x128xf32, #tpu.memory_space<vmem>> -> memref<32x128xf32, #tpu.memory_space<vmem>>
      %dma_start3A_3170 = arith.constant 0 : i32
      %dma_start3A_3171 = tpu.memref_slice %arg10[%dma_start3A_3166, %dma_start3A_3170] : memref<8x32xi32, #tpu.memory_space<vmem>> -> memref<1x32xi32, #tpu.memory_space<vmem>>
      %dma_start3A_3172 = tpu.memref_squeeze %dma_start3A_3171 : memref<1x32xi32, #tpu.memory_space<vmem>> -> memref<32xi32, #tpu.memory_space<vmem>>
      %dma_start3A_3173 = arith.constant 0 : i32
      %dma_start3A_3174 = arith.constant 0 : i32
      %dma_start3A_3175 = tpu.memref_slice %arg2[%dma_start3A_3173, %dma_start3A_3174] : memref<4096x128xf32, #tpu.memory_space<hbm>> -> memref<4096x128xf32, #tpu.memory_space<hbm>>
      tpu.enqueue_indirect_dma source(%dma_start3A_3175 : memref<4096x128xf32, #tpu.memory_space<hbm>>) target(%dma_start3A_3169 : memref<32x128xf32, #tpu.memory_space<vmem>>) offsets(%dma_start3A_3172 : memref<32xi32, #tpu.memory_space<vmem>>) semaphore(%arg19 : memref<!tpu.dma_semaphore, #tpu.memory_space<semaphore_mem>>)
      %dma_start3A_3176 = arith.constant 1 : i32
      %dma_start3A_3177 = arith.constant 32 : i32
      %dma_start3A_3178 = arith.constant 0 : i32
      %dma_start3A_3179 = tpu.memref_slice %arg12[%dma_start3A_3177, %dma_start3A_3178] : memref<256x128xf32, #tpu.memory_space<vmem>> -> memref<32x128xf32, #tpu.memory_space<vmem>>
      %dma_start3A_3180 = arith.constant 0 : i32
      %dma_start3A_3181 = tpu.memref_slice %arg10[%dma_start3A_3176, %dma_start3A_3180] : memref<8x32xi32, #tpu.memory_space<vmem>> -> memref<1x32xi32, #tpu.memory_space<vmem>>
      %dma_start3A_3182 = tpu.memref_squeeze %dma_start3A_3181 : memref<1x32xi32, #tpu.memory_space<vmem>> -> memref<32xi32, #tpu.memory_space<vmem>>
      %dma_start3A_3183 = arith.constant 0 : i32
      %dma_start3A_3184 = arith.constant 0 : i32
      %dma_start3A_3185 = tpu.memref_slice %arg2[%dma_start3A_3183, %dma_start3A_3184] : memref<4096x128xf32, #tpu.memory_space<hbm>> -> memref<4096x128xf32, #tpu.memory_space<hbm>>
      tpu.enqueue_indirect_dma source(%dma_start3A_3185 : memref<4096x128xf32, #tpu.memory_space<hbm>>) target(%dma_start3A_3179 : memref<32x128xf32, #tpu.memory_space<vmem>>) offsets(%dma_start3A_3182 : memref<32xi32, #tpu.memory_space<vmem>>) semaphore(%arg19 : memref<!tpu.dma_semaphore, #tpu.memory_space<semaphore_mem>>)
      %dma_start3A_3186 = arith.constant 2 : i32
      %dma_start3A_3187 = arith.constant 64 : i32
      %dma_start3A_3188 = arith.constant 0 : i32
      %dma_start3A_3189 = tpu.memref_slice %arg12[%dma_start3A_3187, %dma_start3A_3188] : memref<256x128xf32, #tpu.memory_space<vmem>> -> memref<32x128xf32, #tpu.memory_space<vmem>>
      %dma_start3A_3190 = arith.constant 0 : i32
      %dma_start3A_3191 = tpu.memref_slice %arg10[%dma_start3A_3186, %dma_start3A_3190] : memref<8x32xi32, #tpu.memory_space<vmem>> -> memref<1x32xi32, #tpu.memory_space<vmem>>
      %dma_start3A_3192 = tpu.memref_squeeze %dma_start3A_3191 : memref<1x32xi32, #tpu.memory_space<vmem>> -> memref<32xi32, #tpu.memory_space<vmem>>
      %dma_start3A_3193 = arith.constant 0 : i32
      %dma_start3A_3194 = arith.constant 0 : i32
      %dma_start3A_3195 = tpu.memref_slice %arg2[%dma_start3A_3193, %dma_start3A_3194] : memref<4096x128xf32, #tpu.memory_space<hbm>> -> memref<4096x128xf32, #tpu.memory_space<hbm>>
      tpu.enqueue_indirect_dma source(%dma_start3A_3195 : memref<4096x128xf32, #tpu.memory_space<hbm>>) target(%dma_start3A_3189 : memref<32x128xf32, #tpu.memory_space<vmem>>) offsets(%dma_start3A_3192 : memref<32xi32, #tpu.memory_space<vmem>>) semaphore(%arg19 : memref<!tpu.dma_semaphore, #tpu.memory_space<semaphore_mem>>)
      %dma_start3A_3196 = arith.constant 3 : i32
      %dma_start3A_3197 = arith.constant 96 : i32
      %dma_start3A_3198 = arith.constant 0 : i32
      %dma_start3A_3199 = tpu.memref_slice %arg12[%dma_start3A_3197, %dma_start3A_3198] : memref<256x128xf32, #tpu.memory_space<vmem>> -> memref<32x128xf32, #tpu.memory_space<vmem>>
      %dma_start3A_3200 = arith.constant 0 : i32
      %dma_start3A_3201 = tpu.memref_slice %arg10[%dma_start3A_3196, %dma_start3A_3200] : memref<8x32xi32, #tpu.memory_space<vmem>> -> memref<1x32xi32, #tpu.memory_space<vmem>>
      %dma_start3A_3202 = tpu.memref_squeeze %dma_start3A_3201 : memref<1x32xi32, #tpu.memory_space<vmem>> -> memref<32xi32, #tpu.memory_space<vmem>>
      %dma_start3A_3203 = arith.constant 0 : i32
      %dma_start3A_3204 = arith.constant 0 : i32
      %dma_start3A_3205 = tpu.memref_slice %arg2[%dma_start3A_3203, %dma_start3A_3204] : memref<4096x128xf32, #tpu.memory_space<hbm>> -> memref<4096x128xf32, #tpu.memory_space<hbm>>
      tpu.enqueue_indirect_dma source(%dma_start3A_3205 : memref<4096x128xf32, #tpu.memory_space<hbm>>) target(%dma_start3A_3199 : memref<32x128xf32, #tpu.memory_space<vmem>>) offsets(%dma_start3A_3202 : memref<32xi32, #tpu.memory_space<vmem>>) semaphore(%arg19 : memref<!tpu.dma_semaphore, #tpu.memory_space<semaphore_mem>>)
      %dma_start3A_3206 = arith.constant 4 : i32
      %dma_start3A_3207 = arith.constant 128 : i32
      %dma_start3A_3208 = arith.constant 0 : i32
      %dma_start3A_3209 = tpu.memref_slice %arg12[%dma_start3A_3207, %dma_start3A_3208] : memref<256x128xf32, #tpu.memory_space<vmem>> -> memref<32x128xf32, #tpu.memory_space<vmem>>
      %dma_start3A_3210 = arith.constant 0 : i32
      %dma_start3A_3211 = tpu.memref_slice %arg10[%dma_start3A_3206, %dma_start3A_3210] : memref<8x32xi32, #tpu.memory_space<vmem>> -> memref<1x32xi32, #tpu.memory_space<vmem>>
      %dma_start3A_3212 = tpu.memref_squeeze %dma_start3A_3211 : memref<1x32xi32, #tpu.memory_space<vmem>> -> memref<32xi32, #tpu.memory_space<vmem>>
      %dma_start3A_3213 = arith.constant 0 : i32
      %dma_start3A_3214 = arith.constant 0 : i32
      %dma_start3A_3215 = tpu.memref_slice %arg2[%dma_start3A_3213, %dma_start3A_3214] : memref<4096x128xf32, #tpu.memory_space<hbm>> -> memref<4096x128xf32, #tpu.memory_space<hbm>>
      tpu.enqueue_indirect_dma source(%dma_start3A_3215 : memref<4096x128xf32, #tpu.memory_space<hbm>>) target(%dma_start3A_3209 : memref<32x128xf32, #tpu.memory_space<vmem>>) offsets(%dma_start3A_3212 : memref<32xi32, #tpu.memory_space<vmem>>) semaphore(%arg19 : memref<!tpu.dma_semaphore, #tpu.memory_space<semaphore_mem>>)
      %dma_start3A_3216 = arith.constant 5 : i32
      %dma_start3A_3217 = arith.constant 160 : i32
      %dma_start3A_3218 = arith.constant 0 : i32
      %dma_start3A_3219 = tpu.memref_slice %arg12[%dma_start3A_3217, %dma_start3A_3218] : memref<256x128xf32, #tpu.memory_space<vmem>> -> memref<32x128xf32, #tpu.memory_space<vmem>>
      %dma_start3A_3220 = arith.constant 0 : i32
      %dma_start3A_3221 = tpu.memref_slice %arg10[%dma_start3A_3216, %dma_start3A_3220] : memref<8x32xi32, #tpu.memory_space<vmem>> -> memref<1x32xi32, #tpu.memory_space<vmem>>
      %dma_start3A_3222 = tpu.memref_squeeze %dma_start3A_3221 : memref<1x32xi32, #tpu.memory_space<vmem>> -> memref<32xi32, #tpu.memory_space<vmem>>
      %dma_start3A_3223 = arith.constant 0 : i32
      %dma_start3A_3224 = arith.constant 0 : i32
      %dma_start3A_3225 = tpu.memref_slice %arg2[%dma_start3A_3223, %dma_start3A_3224] : memref<4096x128xf32, #tpu.memory_space<hbm>> -> memref<4096x128xf32, #tpu.memory_space<hbm>>
      tpu.enqueue_indirect_dma source(%dma_start3A_3225 : memref<4096x128xf32, #tpu.memory_space<hbm>>) target(%dma_start3A_3219 : memref<32x128xf32, #tpu.memory_space<vmem>>) offsets(%dma_start3A_3222 : memref<32xi32, #tpu.memory_space<vmem>>) semaphore(%arg19 : memref<!tpu.dma_semaphore, #tpu.memory_space<semaphore_mem>>)
      %dma_start3A_3226 = arith.constant 6 : i32
      %dma_start3A_3227 = arith.constant 192 : i32
      %dma_start3A_3228 = arith.constant 0 : i32
      %dma_start3A_3229 = tpu.memref_slice %arg12[%dma_start3A_3227, %dma_start3A_3228] : memref<256x128xf32, #tpu.memory_space<vmem>> -> memref<32x128xf32, #tpu.memory_space<vmem>>
      %dma_start3A_3230 = arith.constant 0 : i32
      %dma_start3A_3231 = tpu.memref_slice %arg10[%dma_start3A_3226, %dma_start3A_3230] : memref<8x32xi32, #tpu.memory_space<vmem>> -> memref<1x32xi32, #tpu.memory_space<vmem>>
      %dma_start3A_3232 = tpu.memref_squeeze %dma_start3A_3231 : memref<1x32xi32, #tpu.memory_space<vmem>> -> memref<32xi32, #tpu.memory_space<vmem>>
      %dma_start3A_3233 = arith.constant 0 : i32
      %dma_start3A_3234 = arith.constant 0 : i32
      %dma_start3A_3235 = tpu.memref_slice %arg2[%dma_start3A_3233, %dma_start3A_3234] : memref<4096x128xf32, #tpu.memory_space<hbm>> -> memref<4096x128xf32, #tpu.memory_space<hbm>>
      tpu.enqueue_indirect_dma source(%dma_start3A_3235 : memref<4096x128xf32, #tpu.memory_space<hbm>>) target(%dma_start3A_3229 : memref<32x128xf32, #tpu.memory_space<vmem>>) offsets(%dma_start3A_3232 : memref<32xi32, #tpu.memory_space<vmem>>) semaphore(%arg19 : memref<!tpu.dma_semaphore, #tpu.memory_space<semaphore_mem>>)
      %dma_start3A_3236 = arith.constant 7 : i32
      %dma_start3A_3237 = arith.constant 224 : i32
      %dma_start3A_3238 = arith.constant 0 : i32
      %dma_start3A_3239 = tpu.memref_slice %arg12[%dma_start3A_3237, %dma_start3A_3238] : memref<256x128xf32, #tpu.memory_space<vmem>> -> memref<32x128xf32, #tpu.memory_space<vmem>>
      %dma_start3A_3240 = arith.constant 0 : i32
      %dma_start3A_3241 = tpu.memref_slice %arg10[%dma_start3A_3236, %dma_start3A_3240] : memref<8x32xi32, #tpu.memory_space<vmem>> -> memref<1x32xi32, #tpu.memory_space<vmem>>
      %dma_start3A_3242 = tpu.memref_squeeze %dma_start3A_3241 : memref<1x32xi32, #tpu.memory_space<vmem>> -> memref<32xi32, #tpu.memory_space<vmem>>
      %dma_start3A_3243 = arith.constant 0 : i32
      %dma_start3A_3244 = arith.constant 0 : i32
      %dma_start3A_3245 = tpu.memref_slice %arg2[%dma_start3A_3243, %dma_start3A_3244] : memref<4096x128xf32, #tpu.memory_space<hbm>> -> memref<4096x128xf32, #tpu.memory_space<hbm>>
      tpu.enqueue_indirect_dma source(%dma_start3A_3245 : memref<4096x128xf32, #tpu.memory_space<hbm>>) target(%dma_start3A_3239 : memref<32x128xf32, #tpu.memory_space<vmem>>) offsets(%dma_start3A_3242 : memref<32xi32, #tpu.memory_space<vmem>>) semaphore(%arg19 : memref<!tpu.dma_semaphore, #tpu.memory_space<semaphore_mem>>)
      %dma_wait3A_3246 = arith.constant 0 : i32
      %dma_wait3A_3247 = arith.constant 0 : i32
      %dma_wait3A_3248 = tpu.memref_slice %arg13[%dma_wait3A_3246, %dma_wait3A_3247] : memref<256x128xf32, #tpu.memory_space<vmem>> -> memref<32x128xf32, #tpu.memory_space<vmem>>
      %dma_wait3A_3249 = arith.constant 0 : i32
      %dma_wait3A_3250 = arith.constant 0 : i32
      %dma_wait3A_3251 = tpu.memref_slice %arg2[%dma_wait3A_3249, %dma_wait3A_3250] : memref<4096x128xf32, #tpu.memory_space<hbm>> -> memref<32x128xf32, #tpu.memory_space<hbm>>
      %dma_wait3A_3252 = arith.constant 0 : i32
      %dma_wait3A_3253 = arith.constant 0 : i32
      %dma_wait3A_3254 = tpu.memref_slice %arg13[%dma_wait3A_3252, %dma_wait3A_3253] : memref<256x128xf32, #tpu.memory_space<vmem>> -> memref<32x128xf32, #tpu.memory_space<vmem>>
      %dma_wait3A_3255 = arith.constant 0 : i32
      %dma_wait3A_3256 = arith.constant 0 : i32
      %dma_wait3A_3257 = tpu.memref_slice %arg2[%dma_wait3A_3255, %dma_wait3A_3256] : memref<4096x128xf32, #tpu.memory_space<hbm>> -> memref<32x128xf32, #tpu.memory_space<hbm>>
      tpu.wait_dma2 semaphore(%arg19 : memref<!tpu.dma_semaphore, #tpu.memory_space<semaphore_mem>>) src(%dma_wait3A_3257 : memref<32x128xf32, #tpu.memory_space<hbm>>) dst(%dma_wait3A_3254 : memref<32x128xf32, #tpu.memory_space<vmem>>)
      %dma_wait3A_3258 = arith.constant 32 : i32
      %dma_wait3A_3259 = arith.constant 0 : i32
      %dma_wait3A_3260 = tpu.memref_slice %arg13[%dma_wait3A_3258, %dma_wait3A_3259] : memref<256x128xf32, #tpu.memory_space<vmem>> -> memref<32x128xf32, #tpu.memory_space<vmem>>
      %dma_wait3A_3261 = arith.constant 0 : i32
      %dma_wait3A_3262 = arith.constant 0 : i32
      %dma_wait3A_3263 = tpu.memref_slice %arg2[%dma_wait3A_3261, %dma_wait3A_3262] : memref<4096x128xf32, #tpu.memory_space<hbm>> -> memref<32x128xf32, #tpu.memory_space<hbm>>
      %dma_wait3A_3264 = arith.constant 32 : i32
      %dma_wait3A_3265 = arith.constant 0 : i32
      %dma_wait3A_3266 = tpu.memref_slice %arg13[%dma_wait3A_3264, %dma_wait3A_3265] : memref<256x128xf32, #tpu.memory_space<vmem>> -> memref<32x128xf32, #tpu.memory_space<vmem>>
      %dma_wait3A_3267 = arith.constant 0 : i32
      %dma_wait3A_3268 = arith.constant 0 : i32
      %dma_wait3A_3269 = tpu.memref_slice %arg2[%dma_wait3A_3267, %dma_wait3A_3268] : memref<4096x128xf32, #tpu.memory_space<hbm>> -> memref<32x128xf32, #tpu.memory_space<hbm>>
      tpu.wait_dma2 semaphore(%arg19 : memref<!tpu.dma_semaphore, #tpu.memory_space<semaphore_mem>>) src(%dma_wait3A_3269 : memref<32x128xf32, #tpu.memory_space<hbm>>) dst(%dma_wait3A_3266 : memref<32x128xf32, #tpu.memory_space<vmem>>)
      %dma_wait3A_3270 = arith.constant 64 : i32
      %dma_wait3A_3271 = arith.constant 0 : i32
      %dma_wait3A_3272 = tpu.memref_slice %arg13[%dma_wait3A_3270, %dma_wait3A_3271] : memref<256x128xf32, #tpu.memory_space<vmem>> -> memref<32x128xf32, #tpu.memory_space<vmem>>
      %dma_wait3A_3273 = arith.constant 0 : i32
      %dma_wait3A_3274 = arith.constant 0 : i32
      %dma_wait3A_3275 = tpu.memref_slice %arg2[%dma_wait3A_3273, %dma_wait3A_3274] : memref<4096x128xf32, #tpu.memory_space<hbm>> -> memref<32x128xf32, #tpu.memory_space<hbm>>
      %dma_wait3A_3276 = arith.constant 64 : i32
      %dma_wait3A_3277 = arith.constant 0 : i32
      %dma_wait3A_3278 = tpu.memref_slice %arg13[%dma_wait3A_3276, %dma_wait3A_3277] : memref<256x128xf32, #tpu.memory_space<vmem>> -> memref<32x128xf32, #tpu.memory_space<vmem>>
      %dma_wait3A_3279 = arith.constant 0 : i32
      %dma_wait3A_3280 = arith.constant 0 : i32
      %dma_wait3A_3281 = tpu.memref_slice %arg2[%dma_wait3A_3279, %dma_wait3A_3280] : memref<4096x128xf32, #tpu.memory_space<hbm>> -> memref<32x128xf32, #tpu.memory_space<hbm>>
      tpu.wait_dma2 semaphore(%arg19 : memref<!tpu.dma_semaphore, #tpu.memory_space<semaphore_mem>>) src(%dma_wait3A_3281 : memref<32x128xf32, #tpu.memory_space<hbm>>) dst(%dma_wait3A_3278 : memref<32x128xf32, #tpu.memory_space<vmem>>)
      %dma_wait3A_3282 = arith.constant 96 : i32
      %dma_wait3A_3283 = arith.constant 0 : i32
      %dma_wait3A_3284 = tpu.memref_slice %arg13[%dma_wait3A_3282, %dma_wait3A_3283] : memref<256x128xf32, #tpu.memory_space<vmem>> -> memref<32x128xf32, #tpu.memory_space<vmem>>
      %dma_wait3A_3285 = arith.constant 0 : i32
      %dma_wait3A_3286 = arith.constant 0 : i32
      %dma_wait3A_3287 = tpu.memref_slice %arg2[%dma_wait3A_3285, %dma_wait3A_3286] : memref<4096x128xf32, #tpu.memory_space<hbm>> -> memref<32x128xf32, #tpu.memory_space<hbm>>
      %dma_wait3A_3288 = arith.constant 96 : i32
      %dma_wait3A_3289 = arith.constant 0 : i32
      %dma_wait3A_3290 = tpu.memref_slice %arg13[%dma_wait3A_3288, %dma_wait3A_3289] : memref<256x128xf32, #tpu.memory_space<vmem>> -> memref<32x128xf32, #tpu.memory_space<vmem>>
      %dma_wait3A_3291 = arith.constant 0 : i32
      %dma_wait3A_3292 = arith.constant 0 : i32
      %dma_wait3A_3293 = tpu.memref_slice %arg2[%dma_wait3A_3291, %dma_wait3A_3292] : memref<4096x128xf32, #tpu.memory_space<hbm>> -> memref<32x128xf32, #tpu.memory_space<hbm>>
      tpu.wait_dma2 semaphore(%arg19 : memref<!tpu.dma_semaphore, #tpu.memory_space<semaphore_mem>>) src(%dma_wait3A_3293 : memref<32x128xf32, #tpu.memory_space<hbm>>) dst(%dma_wait3A_3290 : memref<32x128xf32, #tpu.memory_space<vmem>>)
      %dma_wait3A_3294 = arith.constant 128 : i32
      %dma_wait3A_3295 = arith.constant 0 : i32
      %dma_wait3A_3296 = tpu.memref_slice %arg13[%dma_wait3A_3294, %dma_wait3A_3295] : memref<256x128xf32, #tpu.memory_space<vmem>> -> memref<32x128xf32, #tpu.memory_space<vmem>>
      %dma_wait3A_3297 = arith.constant 0 : i32
      %dma_wait3A_3298 = arith.constant 0 : i32
      %dma_wait3A_3299 = tpu.memref_slice %arg2[%dma_wait3A_3297, %dma_wait3A_3298] : memref<4096x128xf32, #tpu.memory_space<hbm>> -> memref<32x128xf32, #tpu.memory_space<hbm>>
      %dma_wait3A_3300 = arith.constant 128 : i32
      %dma_wait3A_3301 = arith.constant 0 : i32
      %dma_wait3A_3302 = tpu.memref_slice %arg13[%dma_wait3A_3300, %dma_wait3A_3301] : memref<256x128xf32, #tpu.memory_space<vmem>> -> memref<32x128xf32, #tpu.memory_space<vmem>>
      %dma_wait3A_3303 = arith.constant 0 : i32
      %dma_wait3A_3304 = arith.constant 0 : i32
      %dma_wait3A_3305 = tpu.memref_slice %arg2[%dma_wait3A_3303, %dma_wait3A_3304] : memref<4096x128xf32, #tpu.memory_space<hbm>> -> memref<32x128xf32, #tpu.memory_space<hbm>>
      tpu.wait_dma2 semaphore(%arg19 : memref<!tpu.dma_semaphore, #tpu.memory_space<semaphore_mem>>) src(%dma_wait3A_3305 : memref<32x128xf32, #tpu.memory_space<hbm>>) dst(%dma_wait3A_3302 : memref<32x128xf32, #tpu.memory_space<vmem>>)
      %dma_wait3A_3306 = arith.constant 160 : i32
      %dma_wait3A_3307 = arith.constant 0 : i32
      %dma_wait3A_3308 = tpu.memref_slice %arg13[%dma_wait3A_3306, %dma_wait3A_3307] : memref<256x128xf32, #tpu.memory_space<vmem>> -> memref<32x128xf32, #tpu.memory_space<vmem>>
      %dma_wait3A_3309 = arith.constant 0 : i32
      %dma_wait3A_3310 = arith.constant 0 : i32
      %dma_wait3A_3311 = tpu.memref_slice %arg2[%dma_wait3A_3309, %dma_wait3A_3310] : memref<4096x128xf32, #tpu.memory_space<hbm>> -> memref<32x128xf32, #tpu.memory_space<hbm>>
      %dma_wait3A_3312 = arith.constant 160 : i32
      %dma_wait3A_3313 = arith.constant 0 : i32
      %dma_wait3A_3314 = tpu.memref_slice %arg13[%dma_wait3A_3312, %dma_wait3A_3313] : memref<256x128xf32, #tpu.memory_space<vmem>> -> memref<32x128xf32, #tpu.memory_space<vmem>>
      %dma_wait3A_3315 = arith.constant 0 : i32
      %dma_wait3A_3316 = arith.constant 0 : i32
      %dma_wait3A_3317 = tpu.memref_slice %arg2[%dma_wait3A_3315, %dma_wait3A_3316] : memref<4096x128xf32, #tpu.memory_space<hbm>> -> memref<32x128xf32, #tpu.memory_space<hbm>>
      tpu.wait_dma2 semaphore(%arg19 : memref<!tpu.dma_semaphore, #tpu.memory_space<semaphore_mem>>) src(%dma_wait3A_3317 : memref<32x128xf32, #tpu.memory_space<hbm>>) dst(%dma_wait3A_3314 : memref<32x128xf32, #tpu.memory_space<vmem>>)
      %dma_wait3A_3318 = arith.constant 192 : i32
      %dma_wait3A_3319 = arith.constant 0 : i32
      %dma_wait3A_3320 = tpu.memref_slice %arg13[%dma_wait3A_3318, %dma_wait3A_3319] : memref<256x128xf32, #tpu.memory_space<vmem>> -> memref<32x128xf32, #tpu.memory_space<vmem>>
      %dma_wait3A_3321 = arith.constant 0 : i32
      %dma_wait3A_3322 = arith.constant 0 : i32
      %dma_wait3A_3323 = tpu.memref_slice %arg2[%dma_wait3A_3321, %dma_wait3A_3322] : memref<4096x128xf32, #tpu.memory_space<hbm>> -> memref<32x128xf32, #tpu.memory_space<hbm>>
      %dma_wait3A_3324 = arith.constant 192 : i32
      %dma_wait3A_3325 = arith.constant 0 : i32
      %dma_wait3A_3326 = tpu.memref_slice %arg13[%dma_wait3A_3324, %dma_wait3A_3325] : memref<256x128xf32, #tpu.memory_space<vmem>> -> memref<32x128xf32, #tpu.memory_space<vmem>>
      %dma_wait3A_3327 = arith.constant 0 : i32
      %dma_wait3A_3328 = arith.constant 0 : i32
      %dma_wait3A_3329 = tpu.memref_slice %arg2[%dma_wait3A_3327, %dma_wait3A_3328] : memref<4096x128xf32, #tpu.memory_space<hbm>> -> memref<32x128xf32, #tpu.memory_space<hbm>>
      tpu.wait_dma2 semaphore(%arg19 : memref<!tpu.dma_semaphore, #tpu.memory_space<semaphore_mem>>) src(%dma_wait3A_3329 : memref<32x128xf32, #tpu.memory_space<hbm>>) dst(%dma_wait3A_3326 : memref<32x128xf32, #tpu.memory_space<vmem>>)
      %dma_wait3A_3330 = arith.constant 224 : i32
      %dma_wait3A_3331 = arith.constant 0 : i32
      %dma_wait3A_3332 = tpu.memref_slice %arg13[%dma_wait3A_3330, %dma_wait3A_3331] : memref<256x128xf32, #tpu.memory_space<vmem>> -> memref<32x128xf32, #tpu.memory_space<vmem>>
      %dma_wait3A_3333 = arith.constant 0 : i32
      %dma_wait3A_3334 = arith.constant 0 : i32
      %dma_wait3A_3335 = tpu.memref_slice %arg2[%dma_wait3A_3333, %dma_wait3A_3334] : memref<4096x128xf32, #tpu.memory_space<hbm>> -> memref<32x128xf32, #tpu.memory_space<hbm>>
      %dma_wait3A_3336 = arith.constant 224 : i32
      %dma_wait3A_3337 = arith.constant 0 : i32
      %dma_wait3A_3338 = tpu.memref_slice %arg13[%dma_wait3A_3336, %dma_wait3A_3337] : memref<256x128xf32, #tpu.memory_space<vmem>> -> memref<32x128xf32, #tpu.memory_space<vmem>>
      %dma_wait3A_3339 = arith.constant 0 : i32
      %dma_wait3A_3340 = arith.constant 0 : i32
      %dma_wait3A_3341 = tpu.memref_slice %arg2[%dma_wait3A_3339, %dma_wait3A_3340] : memref<4096x128xf32, #tpu.memory_space<hbm>> -> memref<32x128xf32, #tpu.memory_space<hbm>>
      tpu.wait_dma2 semaphore(%arg19 : memref<!tpu.dma_semaphore, #tpu.memory_space<semaphore_mem>>) src(%dma_wait3A_3341 : memref<32x128xf32, #tpu.memory_space<hbm>>) dst(%dma_wait3A_3338 : memref<32x128xf32, #tpu.memory_space<vmem>>)
      %add3A_3342 = arith.constant 1 : i32
      %add3A_3343 = arith.addi %mul3A_781, %add3A_3342 : i32
      %add3A_3344 = arith.constant 0 : i32
      %add3A_3345 = vector.broadcast %add3A_3344 : i32 to vector<16xi32>
      %add3A_3346 = arith.addi %iota3A, %add3A_3345 : vector<16xi32>
      %get3A_3347 = arith.constant 0 : i32
      %get3A_3348 = arith.index_cast %get3A_3347 : i32 to index
      %get3A_3349 = arith.constant 0 : index
      %get3A_3350 = tpu.vector_load %arg15[%get3A_3348, %get3A_3349] {strides = array<i32>} : memref<12x32xf32, #tpu.memory_space<vmem>>, vector<16xf32>,
      %get3A_3351 = arith.constant 1 : i32
      %get3A_3352 = arith.index_cast %get3A_3351 : i32 to index
      %get3A_3353 = arith.constant 0 : index
      %get3A_3354 = tpu.vector_load %arg15[%get3A_3352, %get3A_3353] {strides = array<i32>} : memref<12x32xf32, #tpu.memory_space<vmem>>, vector<16xf32>,
      %get3A_3355 = arith.constant 2 : i32
      %get3A_3356 = arith.index_cast %get3A_3355 : i32 to index
      %get3A_3357 = arith.constant 0 : index
      %get3A_3358 = tpu.vector_load %arg15[%get3A_3356, %get3A_3357] {strides = array<i32>} : memref<12x32xf32, #tpu.memory_space<vmem>>, vector<16xf32>,
      %get3A_3359 = arith.constant 3 : i32
      %get3A_3360 = arith.index_cast %get3A_3359 : i32 to index
      %get3A_3361 = arith.constant 0 : index
      %get3A_3362 = tpu.vector_load %arg15[%get3A_3360, %get3A_3361] {strides = array<i32>} : memref<12x32xf32, #tpu.memory_space<vmem>>, vector<16xf32>,
      %get3A_3363 = arith.constant 4 : i32
      %get3A_3364 = arith.index_cast %get3A_3363 : i32 to index
      %get3A_3365 = arith.constant 0 : index
      %get3A_3366 = tpu.vector_load %arg15[%get3A_3364, %get3A_3365] {strides = array<i32>} : memref<12x32xf32, #tpu.memory_space<vmem>>, vector<16xf32>,
      %get3A_3367 = arith.constant 5 : i32
      %get3A_3368 = arith.index_cast %get3A_3367 : i32 to index
      %get3A_3369 = arith.constant 0 : index
      %get3A_3370 = tpu.vector_load %arg15[%get3A_3368, %get3A_3369] {strides = array<i32>} : memref<12x32xf32, #tpu.memory_space<vmem>>, vector<16xf32>,
      %get3A_3371 = arith.constant 6 : i32
      %get3A_3372 = arith.index_cast %get3A_3371 : i32 to index
      %get3A_3373 = arith.constant 0 : index
      %get3A_3374 = tpu.vector_load %arg15[%get3A_3372, %get3A_3373] {strides = array<i32>} : memref<12x32xf32, #tpu.memory_space<vmem>>, vector<16xf32>,
      %get3A_3375 = arith.constant 7 : i32
      %get3A_3376 = arith.index_cast %get3A_3375 : i32 to index
      %get3A_3377 = arith.constant 0 : index
      %get3A_3378 = tpu.vector_load %arg15[%get3A_3376, %get3A_3377] {strides = array<i32>} : memref<12x32xf32, #tpu.memory_space<vmem>>, vector<16xf32>,
      %get3A_3379 = arith.constant 8 : i32
      %get3A_3380 = arith.index_cast %get3A_3379 : i32 to index
      %get3A_3381 = arith.constant 0 : index
      %get3A_3382 = tpu.vector_load %arg15[%get3A_3380, %get3A_3381] {strides = array<i32>} : memref<12x32xf32, #tpu.memory_space<vmem>>, vector<16xf32>,
      %get3A_3383 = arith.constant 9 : i32
      %get3A_3384 = arith.index_cast %get3A_3383 : i32 to index
      %get3A_3385 = arith.constant 0 : index
      %get3A_3386 = tpu.vector_load %arg15[%get3A_3384, %get3A_3385] {strides = array<i32>} : memref<12x32xf32, #tpu.memory_space<vmem>>, vector<16xf32>,
      %get3A_3387 = arith.constant 10 : i32
      %get3A_3388 = arith.index_cast %get3A_3387 : i32 to index
      %get3A_3389 = arith.constant 0 : index
      %get3A_3390 = tpu.vector_load %arg15[%get3A_3388, %get3A_3389] {strides = array<i32>} : memref<12x32xf32, #tpu.memory_space<vmem>>, vector<16xf32>,
      %get3A_3391 = arith.constant 11 : i32
      %get3A_3392 = arith.index_cast %get3A_3391 : i32 to index
      %get3A_3393 = arith.constant 0 : index
      %get3A_3394 = tpu.vector_load %arg15[%get3A_3392, %get3A_3393] {strides = array<i32>} : memref<12x32xf32, #tpu.memory_space<vmem>>, vector<16xf32>,
      %get3A_3395 = arith.constant 0 : index
      %get3A_3396 = tpu.vector_load %arg17[%get3A_3395] {strides = array<i32>} : memref<32xi32, #tpu.memory_space<vmem>>, vector<16xi32>,
      %broadcast_in_dim3A_3397 = arith.constant 0.000000e+00 : f32
      %broadcast_in_dim3A_3398 = vector.broadcast %broadcast_in_dim3A_3397 : f32 to vector<16xf32>
      %add3A_3399 = arith.constant 0 : i32
      %add3A_3400 = vector.broadcast %add3A_3399 : i32 to vector<16xi32>
      %add3A_3401 = arith.addi %get3A_3396, %add3A_3400 : vector<16xi32>
      %add3A_3402 = arith.constant 0 : i32
      %add3A_3403 = vector.broadcast %add3A_3402 : i32 to vector<16xi32>
      %add3A_3404 = arith.addi %add3A_3346, %add3A_3403 : vector<16xi32>
      %gather3A_3405 = tpu.vector_load_idx %arg13[%add3A_3404, %add3A_3401] : memref<256x128xf32, #tpu.memory_space<vmem>>[vector<16xi32>, vector<16xi32>], vector<16xf32>,
      %mul3A_3406 = arith.mulf %gather3A_3405, %get3A_3382 : vector<16xf32>
      %add3A_3407 = arith.constant 1 : i32
      %add3A_3408 = vector.broadcast %add3A_3407 : i32 to vector<16xi32>
      %add3A_3409 = arith.addi %add3A_3401, %add3A_3408 : vector<16xi32>
      %gather3A_3410 = tpu.vector_load_idx %arg13[%add3A_3404, %add3A_3409] : memref<256x128xf32, #tpu.memory_space<vmem>>[vector<16xi32>, vector<16xi32>], vector<16xf32>,
      %mul3A_3411 = arith.mulf %gather3A_3410, %get3A_3386 : vector<16xf32>
      %add3A_3412 = arith.addf %mul3A_3406, %mul3A_3411 : vector<16xf32>
      %add3A_3413 = arith.constant 2 : i32
      %add3A_3414 = vector.broadcast %add3A_3413 : i32 to vector<16xi32>
      %add3A_3415 = arith.addi %add3A_3401, %add3A_3414 : vector<16xi32>
      %gather3A_3416 = tpu.vector_load_idx %arg13[%add3A_3404, %add3A_3415] : memref<256x128xf32, #tpu.memory_space<vmem>>[vector<16xi32>, vector<16xi32>], vector<16xf32>,
      %mul3A_3417 = arith.mulf %gather3A_3416, %get3A_3390 : vector<16xf32>
      %add3A_3418 = arith.addf %add3A_3412, %mul3A_3417 : vector<16xf32>
      %add3A_3419 = arith.constant 3 : i32
      %add3A_3420 = vector.broadcast %add3A_3419 : i32 to vector<16xi32>
      %add3A_3421 = arith.addi %add3A_3401, %add3A_3420 : vector<16xi32>
      %gather3A_3422 = tpu.vector_load_idx %arg13[%add3A_3404, %add3A_3421] : memref<256x128xf32, #tpu.memory_space<vmem>>[vector<16xi32>, vector<16xi32>], vector<16xf32>,
      %mul3A_3423 = arith.mulf %gather3A_3422, %get3A_3394 : vector<16xf32>
      %add3A_3424 = arith.addf %add3A_3418, %mul3A_3423 : vector<16xf32>
      %mul3A_3425 = arith.mulf %get3A_3350, %get3A_3366 : vector<16xf32>
      %mul3A_3426 = arith.mulf %add3A_3424, %mul3A_3425 : vector<16xf32>
      %add3A_3427 = arith.addf %broadcast_in_dim3A_3398, %mul3A_3426 : vector<16xf32>
      %add3A_3428 = arith.constant 64 : i32
      %add3A_3429 = vector.broadcast %add3A_3428 : i32 to vector<16xi32>
      %add3A_3430 = arith.addi %add3A_3346, %add3A_3429 : vector<16xi32>
      %gather3A_3431 = tpu.vector_load_idx %arg13[%add3A_3430, %add3A_3401] : memref<256x128xf32, #tpu.memory_space<vmem>>[vector<16xi32>, vector<16xi32>], vector<16xf32>,
      %mul3A_3432 = arith.mulf %gather3A_3431, %get3A_3382 : vector<16xf32>
      %add3A_3433 = arith.constant 1 : i32
      %add3A_3434 = vector.broadcast %add3A_3433 : i32 to vector<16xi32>
      %add3A_3435 = arith.addi %add3A_3401, %add3A_3434 : vector<16xi32>
      %gather3A_3436 = tpu.vector_load_idx %arg13[%add3A_3430, %add3A_3435] : memref<256x128xf32, #tpu.memory_space<vmem>>[vector<16xi32>, vector<16xi32>], vector<16xf32>,
      %mul3A_3437 = arith.mulf %gather3A_3436, %get3A_3386 : vector<16xf32>
      %add3A_3438 = arith.addf %mul3A_3432, %mul3A_3437 : vector<16xf32>
      %add3A_3439 = arith.constant 2 : i32
      %add3A_3440 = vector.broadcast %add3A_3439 : i32 to vector<16xi32>
      %add3A_3441 = arith.addi %add3A_3401, %add3A_3440 : vector<16xi32>
      %gather3A_3442 = tpu.vector_load_idx %arg13[%add3A_3430, %add3A_3441] : memref<256x128xf32, #tpu.memory_space<vmem>>[vector<16xi32>, vector<16xi32>], vector<16xf32>,
      %mul3A_3443 = arith.mulf %gather3A_3442, %get3A_3390 : vector<16xf32>
      %add3A_3444 = arith.addf %add3A_3438, %mul3A_3443 : vector<16xf32>
      %add3A_3445 = arith.constant 3 : i32
      %add3A_3446 = vector.broadcast %add3A_3445 : i32 to vector<16xi32>
      %add3A_3447 = arith.addi %add3A_3401, %add3A_3446 : vector<16xi32>
      %gather3A_3448 = tpu.vector_load_idx %arg13[%add3A_3430, %add3A_3447] : memref<256x128xf32, #tpu.memory_space<vmem>>[vector<16xi32>, vector<16xi32>], vector<16xf32>,
      %mul3A_3449 = arith.mulf %gather3A_3448, %get3A_3394 : vector<16xf32>
      %add3A_3450 = arith.addf %add3A_3444, %mul3A_3449 : vector<16xf32>
      %mul3A_3451 = arith.mulf %get3A_3354, %get3A_3366 : vector<16xf32>
      %mul3A_3452 = arith.mulf %add3A_3450, %mul3A_3451 : vector<16xf32>
      %add3A_3453 = arith.addf %add3A_3427, %mul3A_3452 : vector<16xf32>
      %add3A_3454 = arith.constant 128 : i32
      %add3A_3455 = vector.broadcast %add3A_3454 : i32 to vector<16xi32>
      %add3A_3456 = arith.addi %add3A_3346, %add3A_3455 : vector<16xi32>
      %gather3A_3457 = tpu.vector_load_idx %arg13[%add3A_3456, %add3A_3401] : memref<256x128xf32, #tpu.memory_space<vmem>>[vector<16xi32>, vector<16xi32>], vector<16xf32>,
      %mul3A_3458 = arith.mulf %gather3A_3457, %get3A_3382 : vector<16xf32>
      %add3A_3459 = arith.constant 1 : i32
      %add3A_3460 = vector.broadcast %add3A_3459 : i32 to vector<16xi32>
      %add3A_3461 = arith.addi %add3A_3401, %add3A_3460 : vector<16xi32>
      %gather3A_3462 = tpu.vector_load_idx %arg13[%add3A_3456, %add3A_3461] : memref<256x128xf32, #tpu.memory_space<vmem>>[vector<16xi32>, vector<16xi32>], vector<16xf32>,
      %mul3A_3463 = arith.mulf %gather3A_3462, %get3A_3386 : vector<16xf32>
      %add3A_3464 = arith.addf %mul3A_3458, %mul3A_3463 : vector<16xf32>
      %add3A_3465 = arith.constant 2 : i32
      %add3A_3466 = vector.broadcast %add3A_3465 : i32 to vector<16xi32>
      %add3A_3467 = arith.addi %add3A_3401, %add3A_3466 : vector<16xi32>
      %gather3A_3468 = tpu.vector_load_idx %arg13[%add3A_3456, %add3A_3467] : memref<256x128xf32, #tpu.memory_space<vmem>>[vector<16xi32>, vector<16xi32>], vector<16xf32>,
      %mul3A_3469 = arith.mulf %gather3A_3468, %get3A_3390 : vector<16xf32>
      %add3A_3470 = arith.addf %add3A_3464, %mul3A_3469 : vector<16xf32>
      %add3A_3471 = arith.constant 3 : i32
      %add3A_3472 = vector.broadcast %add3A_3471 : i32 to vector<16xi32>
      %add3A_3473 = arith.addi %add3A_3401, %add3A_3472 : vector<16xi32>
      %gather3A_3474 = tpu.vector_load_idx %arg13[%add3A_3456, %add3A_3473] : memref<256x128xf32, #tpu.memory_space<vmem>>[vector<16xi32>, vector<16xi32>], vector<16xf32>,
      %mul3A_3475 = arith.mulf %gather3A_3474, %get3A_3394 : vector<16xf32>
      %add3A_3476 = arith.addf %add3A_3470, %mul3A_3475 : vector<16xf32>
      %mul3A_3477 = arith.mulf %get3A_3358, %get3A_3366 : vector<16xf32>
      %mul3A_3478 = arith.mulf %add3A_3476, %mul3A_3477 : vector<16xf32>
      %add3A_3479 = arith.addf %add3A_3453, %mul3A_3478 : vector<16xf32>
      %add3A_3480 = arith.constant 192 : i32
      %add3A_3481 = vector.broadcast %add3A_3480 : i32 to vector<16xi32>
      %add3A_3482 = arith.addi %add3A_3346, %add3A_3481 : vector<16xi32>
      %gather3A_3483 = tpu.vector_load_idx %arg13[%add3A_3482, %add3A_3401] : memref<256x128xf32, #tpu.memory_space<vmem>>[vector<16xi32>, vector<16xi32>], vector<16xf32>,
      %mul3A_3484 = arith.mulf %gather3A_3483, %get3A_3382 : vector<16xf32>
      %add3A_3485 = arith.constant 1 : i32
      %add3A_3486 = vector.broadcast %add3A_3485 : i32 to vector<16xi32>
      %add3A_3487 = arith.addi %add3A_3401, %add3A_3486 : vector<16xi32>
      %gather3A_3488 = tpu.vector_load_idx %arg13[%add3A_3482, %add3A_3487] : memref<256x128xf32, #tpu.memory_space<vmem>>[vector<16xi32>, vector<16xi32>], vector<16xf32>,
      %mul3A_3489 = arith.mulf %gather3A_3488, %get3A_3386 : vector<16xf32>
      %add3A_3490 = arith.addf %mul3A_3484, %mul3A_3489 : vector<16xf32>
      %add3A_3491 = arith.constant 2 : i32
      %add3A_3492 = vector.broadcast %add3A_3491 : i32 to vector<16xi32>
      %add3A_3493 = arith.addi %add3A_3401, %add3A_3492 : vector<16xi32>
      %gather3A_3494 = tpu.vector_load_idx %arg13[%add3A_3482, %add3A_3493] : memref<256x128xf32, #tpu.memory_space<vmem>>[vector<16xi32>, vector<16xi32>], vector<16xf32>,
      %mul3A_3495 = arith.mulf %gather3A_3494, %get3A_3390 : vector<16xf32>
      %add3A_3496 = arith.addf %add3A_3490, %mul3A_3495 : vector<16xf32>
      %add3A_3497 = arith.constant 3 : i32
      %add3A_3498 = vector.broadcast %add3A_3497 : i32 to vector<16xi32>
      %add3A_3499 = arith.addi %add3A_3401, %add3A_3498 : vector<16xi32>
      %gather3A_3500 = tpu.vector_load_idx %arg13[%add3A_3482, %add3A_3499] : memref<256x128xf32, #tpu.memory_space<vmem>>[vector<16xi32>, vector<16xi32>], vector<16xf32>,
      %mul3A_3501 = arith.mulf %gather3A_3500, %get3A_3394 : vector<16xf32>
      %add3A_3502 = arith.addf %add3A_3496, %mul3A_3501 : vector<16xf32>
      %mul3A_3503 = arith.mulf %get3A_3362, %get3A_3366 : vector<16xf32>
      %mul3A_3504 = arith.mulf %add3A_3502, %mul3A_3503 : vector<16xf32>
      %add3A_3505 = arith.addf %add3A_3479, %mul3A_3504 : vector<16xf32>
      %add3A_3506 = arith.constant 64 : i32
      %add3A_3507 = vector.broadcast %add3A_3506 : i32 to vector<16xi32>
      %add3A_3508 = arith.addi %get3A_3396, %add3A_3507 : vector<16xi32>
      %add3A_3509 = arith.constant 0 : i32
      %add3A_3510 = vector.broadcast %add3A_3509 : i32 to vector<16xi32>
      %add3A_3511 = arith.addi %add3A_3346, %add3A_3510 : vector<16xi32>
      %gather3A_3512 = tpu.vector_load_idx %arg13[%add3A_3511, %add3A_3508] : memref<256x128xf32, #tpu.memory_space<vmem>>[vector<16xi32>, vector<16xi32>], vector<16xf32>,
      %mul3A_3513 = arith.mulf %gather3A_3512, %get3A_3382 : vector<16xf32>
      %add3A_3514 = arith.constant 1 : i32
      %add3A_3515 = vector.broadcast %add3A_3514 : i32 to vector<16xi32>
      %add3A_3516 = arith.addi %add3A_3508, %add3A_3515 : vector<16xi32>
      %gather3A_3517 = tpu.vector_load_idx %arg13[%add3A_3511, %add3A_3516] : memref<256x128xf32, #tpu.memory_space<vmem>>[vector<16xi32>, vector<16xi32>], vector<16xf32>,
      %mul3A_3518 = arith.mulf %gather3A_3517, %get3A_3386 : vector<16xf32>
      %add3A_3519 = arith.addf %mul3A_3513, %mul3A_3518 : vector<16xf32>
      %add3A_3520 = arith.constant 2 : i32
      %add3A_3521 = vector.broadcast %add3A_3520 : i32 to vector<16xi32>
      %add3A_3522 = arith.addi %add3A_3508, %add3A_3521 : vector<16xi32>
      %gather3A_3523 = tpu.vector_load_idx %arg13[%add3A_3511, %add3A_3522] : memref<256x128xf32, #tpu.memory_space<vmem>>[vector<16xi32>, vector<16xi32>], vector<16xf32>,
      %mul3A_3524 = arith.mulf %gather3A_3523, %get3A_3390 : vector<16xf32>
      %add3A_3525 = arith.addf %add3A_3519, %mul3A_3524 : vector<16xf32>
      %add3A_3526 = arith.constant 3 : i32
      %add3A_3527 = vector.broadcast %add3A_3526 : i32 to vector<16xi32>
      %add3A_3528 = arith.addi %add3A_3508, %add3A_3527 : vector<16xi32>
      %gather3A_3529 = tpu.vector_load_idx %arg13[%add3A_3511, %add3A_3528] : memref<256x128xf32, #tpu.memory_space<vmem>>[vector<16xi32>, vector<16xi32>], vector<16xf32>,
      %mul3A_3530 = arith.mulf %gather3A_3529, %get3A_3394 : vector<16xf32>
      %add3A_3531 = arith.addf %add3A_3525, %mul3A_3530 : vector<16xf32>
      %mul3A_3532 = arith.mulf %get3A_3350, %get3A_3370 : vector<16xf32>
      %mul3A_3533 = arith.mulf %add3A_3531, %mul3A_3532 : vector<16xf32>
      %add3A_3534 = arith.addf %add3A_3505, %mul3A_3533 : vector<16xf32>
      %add3A_3535 = arith.constant 64 : i32
      %add3A_3536 = vector.broadcast %add3A_3535 : i32 to vector<16xi32>
      %add3A_3537 = arith.addi %add3A_3346, %add3A_3536 : vector<16xi32>
      %gather3A_3538 = tpu.vector_load_idx %arg13[%add3A_3537, %add3A_3508] : memref<256x128xf32, #tpu.memory_space<vmem>>[vector<16xi32>, vector<16xi32>], vector<16xf32>,
      %mul3A_3539 = arith.mulf %gather3A_3538, %get3A_3382 : vector<16xf32>
      %add3A_3540 = arith.constant 1 : i32
      %add3A_3541 = vector.broadcast %add3A_3540 : i32 to vector<16xi32>
      %add3A_3542 = arith.addi %add3A_3508, %add3A_3541 : vector<16xi32>
      %gather3A_3543 = tpu.vector_load_idx %arg13[%add3A_3537, %add3A_3542] : memref<256x128xf32, #tpu.memory_space<vmem>>[vector<16xi32>, vector<16xi32>], vector<16xf32>,
      %mul3A_3544 = arith.mulf %gather3A_3543, %get3A_3386 : vector<16xf32>
      %add3A_3545 = arith.addf %mul3A_3539, %mul3A_3544 : vector<16xf32>
      %add3A_3546 = arith.constant 2 : i32
      %add3A_3547 = vector.broadcast %add3A_3546 : i32 to vector<16xi32>
      %add3A_3548 = arith.addi %add3A_3508, %add3A_3547 : vector<16xi32>
      %gather3A_3549 = tpu.vector_load_idx %arg13[%add3A_3537, %add3A_3548] : memref<256x128xf32, #tpu.memory_space<vmem>>[vector<16xi32>, vector<16xi32>], vector<16xf32>,
      %mul3A_3550 = arith.mulf %gather3A_3549, %get3A_3390 : vector<16xf32>
      %add3A_3551 = arith.addf %add3A_3545, %mul3A_3550 : vector<16xf32>
      %add3A_3552 = arith.constant 3 : i32
      %add3A_3553 = vector.broadcast %add3A_3552 : i32 to vector<16xi32>
      %add3A_3554 = arith.addi %add3A_3508, %add3A_3553 : vector<16xi32>
      %gather3A_3555 = tpu.vector_load_idx %arg13[%add3A_3537, %add3A_3554] : memref<256x128xf32, #tpu.memory_space<vmem>>[vector<16xi32>, vector<16xi32>], vector<16xf32>,
      %mul3A_3556 = arith.mulf %gather3A_3555, %get3A_3394 : vector<16xf32>
      %add3A_3557 = arith.addf %add3A_3551, %mul3A_3556 : vector<16xf32>
      %mul3A_3558 = arith.mulf %get3A_3354, %get3A_3370 : vector<16xf32>
      %mul3A_3559 = arith.mulf %add3A_3557, %mul3A_3558 : vector<16xf32>
      %add3A_3560 = arith.addf %add3A_3534, %mul3A_3559 : vector<16xf32>
      %add3A_3561 = arith.constant 128 : i32
      %add3A_3562 = vector.broadcast %add3A_3561 : i32 to vector<16xi32>
      %add3A_3563 = arith.addi %add3A_3346, %add3A_3562 : vector<16xi32>
      %gather3A_3564 = tpu.vector_load_idx %arg13[%add3A_3563, %add3A_3508] : memref<256x128xf32, #tpu.memory_space<vmem>>[vector<16xi32>, vector<16xi32>], vector<16xf32>,
      %mul3A_3565 = arith.mulf %gather3A_3564, %get3A_3382 : vector<16xf32>
      %add3A_3566 = arith.constant 1 : i32
      %add3A_3567 = vector.broadcast %add3A_3566 : i32 to vector<16xi32>
      %add3A_3568 = arith.addi %add3A_3508, %add3A_3567 : vector<16xi32>
      %gather3A_3569 = tpu.vector_load_idx %arg13[%add3A_3563, %add3A_3568] : memref<256x128xf32, #tpu.memory_space<vmem>>[vector<16xi32>, vector<16xi32>], vector<16xf32>,
      %mul3A_3570 = arith.mulf %gather3A_3569, %get3A_3386 : vector<16xf32>
      %add3A_3571 = arith.addf %mul3A_3565, %mul3A_3570 : vector<16xf32>
      %add3A_3572 = arith.constant 2 : i32
      %add3A_3573 = vector.broadcast %add3A_3572 : i32 to vector<16xi32>
      %add3A_3574 = arith.addi %add3A_3508, %add3A_3573 : vector<16xi32>
      %gather3A_3575 = tpu.vector_load_idx %arg13[%add3A_3563, %add3A_3574] : memref<256x128xf32, #tpu.memory_space<vmem>>[vector<16xi32>, vector<16xi32>], vector<16xf32>,
      %mul3A_3576 = arith.mulf %gather3A_3575, %get3A_3390 : vector<16xf32>
      %add3A_3577 = arith.addf %add3A_3571, %mul3A_3576 : vector<16xf32>
      %add3A_3578 = arith.constant 3 : i32
      %add3A_3579 = vector.broadcast %add3A_3578 : i32 to vector<16xi32>
      %add3A_3580 = arith.addi %add3A_3508, %add3A_3579 : vector<16xi32>
      %gather3A_3581 = tpu.vector_load_idx %arg13[%add3A_3563, %add3A_3580] : memref<256x128xf32, #tpu.memory_space<vmem>>[vector<16xi32>, vector<16xi32>], vector<16xf32>,
      %mul3A_3582 = arith.mulf %gather3A_3581, %get3A_3394 : vector<16xf32>
      %add3A_3583 = arith.addf %add3A_3577, %mul3A_3582 : vector<16xf32>
      %mul3A_3584 = arith.mulf %get3A_3358, %get3A_3370 : vector<16xf32>
      %mul3A_3585 = arith.mulf %add3A_3583, %mul3A_3584 : vector<16xf32>
      %add3A_3586 = arith.addf %add3A_3560, %mul3A_3585 : vector<16xf32>
      %add3A_3587 = arith.constant 192 : i32
      %add3A_3588 = vector.broadcast %add3A_3587 : i32 to vector<16xi32>
      %add3A_3589 = arith.addi %add3A_3346, %add3A_3588 : vector<16xi32>
      %gather3A_3590 = tpu.vector_load_idx %arg13[%add3A_3589, %add3A_3508] : memref<256x128xf32, #tpu.memory_space<vmem>>[vector<16xi32>, vector<16xi32>], vector<16xf32>,
      %mul3A_3591 = arith.mulf %gather3A_3590, %get3A_3382 : vector<16xf32>
      %add3A_3592 = arith.constant 1 : i32
      %add3A_3593 = vector.broadcast %add3A_3592 : i32 to vector<16xi32>
      %add3A_3594 = arith.addi %add3A_3508, %add3A_3593 : vector<16xi32>
      %gather3A_3595 = tpu.vector_load_idx %arg13[%add3A_3589, %add3A_3594] : memref<256x128xf32, #tpu.memory_space<vmem>>[vector<16xi32>, vector<16xi32>], vector<16xf32>,
      %mul3A_3596 = arith.mulf %gather3A_3595, %get3A_3386 : vector<16xf32>
      %add3A_3597 = arith.addf %mul3A_3591, %mul3A_3596 : vector<16xf32>
      %add3A_3598 = arith.constant 2 : i32
      %add3A_3599 = vector.broadcast %add3A_3598 : i32 to vector<16xi32>
      %add3A_3600 = arith.addi %add3A_3508, %add3A_3599 : vector<16xi32>
      %gather3A_3601 = tpu.vector_load_idx %arg13[%add3A_3589, %add3A_3600] : memref<256x128xf32, #tpu.memory_space<vmem>>[vector<16xi32>, vector<16xi32>], vector<16xf32>,
      %mul3A_3602 = arith.mulf %gather3A_3601, %get3A_3390 : vector<16xf32>
      %add3A_3603 = arith.addf %add3A_3597, %mul3A_3602 : vector<16xf32>
      %add3A_3604 = arith.constant 3 : i32
      %add3A_3605 = vector.broadcast %add3A_3604 : i32 to vector<16xi32>
      %add3A_3606 = arith.addi %add3A_3508, %add3A_3605 : vector<16xi32>
      %gather3A_3607 = tpu.vector_load_idx %arg13[%add3A_3589, %add3A_3606] : memref<256x128xf32, #tpu.memory_space<vmem>>[vector<16xi32>, vector<16xi32>], vector<16xf32>,
      %mul3A_3608 = arith.mulf %gather3A_3607, %get3A_3394 : vector<16xf32>
      %add3A_3609 = arith.addf %add3A_3603, %mul3A_3608 : vector<16xf32>
      %mul3A_3610 = arith.mulf %get3A_3362, %get3A_3370 : vector<16xf32>
      %mul3A_3611 = arith.mulf %add3A_3609, %mul3A_3610 : vector<16xf32>
      %add3A_3612 = arith.addf %add3A_3586, %mul3A_3611 : vector<16xf32>
      %add3A_3613 = arith.constant 0 : i32
      %add3A_3614 = vector.broadcast %add3A_3613 : i32 to vector<16xi32>
      %add3A_3615 = arith.addi %get3A_3396, %add3A_3614 : vector<16xi32>
      %add3A_3616 = arith.constant 32 : i32
      %add3A_3617 = vector.broadcast %add3A_3616 : i32 to vector<16xi32>
      %add3A_3618 = arith.addi %add3A_3346, %add3A_3617 : vector<16xi32>
      %gather3A_3619 = tpu.vector_load_idx %arg13[%add3A_3618, %add3A_3615] : memref<256x128xf32, #tpu.memory_space<vmem>>[vector<16xi32>, vector<16xi32>], vector<16xf32>,
      %mul3A_3620 = arith.mulf %gather3A_3619, %get3A_3382 : vector<16xf32>
      %add3A_3621 = arith.constant 1 : i32
      %add3A_3622 = vector.broadcast %add3A_3621 : i32 to vector<16xi32>
      %add3A_3623 = arith.addi %add3A_3615, %add3A_3622 : vector<16xi32>
      %gather3A_3624 = tpu.vector_load_idx %arg13[%add3A_3618, %add3A_3623] : memref<256x128xf32, #tpu.memory_space<vmem>>[vector<16xi32>, vector<16xi32>], vector<16xf32>,
      %mul3A_3625 = arith.mulf %gather3A_3624, %get3A_3386 : vector<16xf32>
      %add3A_3626 = arith.addf %mul3A_3620, %mul3A_3625 : vector<16xf32>
      %add3A_3627 = arith.constant 2 : i32
      %add3A_3628 = vector.broadcast %add3A_3627 : i32 to vector<16xi32>
      %add3A_3629 = arith.addi %add3A_3615, %add3A_3628 : vector<16xi32>
      %gather3A_3630 = tpu.vector_load_idx %arg13[%add3A_3618, %add3A_3629] : memref<256x128xf32, #tpu.memory_space<vmem>>[vector<16xi32>, vector<16xi32>], vector<16xf32>,
      %mul3A_3631 = arith.mulf %gather3A_3630, %get3A_3390 : vector<16xf32>
      %add3A_3632 = arith.addf %add3A_3626, %mul3A_3631 : vector<16xf32>
      %add3A_3633 = arith.constant 3 : i32
      %add3A_3634 = vector.broadcast %add3A_3633 : i32 to vector<16xi32>
      %add3A_3635 = arith.addi %add3A_3615, %add3A_3634 : vector<16xi32>
      %gather3A_3636 = tpu.vector_load_idx %arg13[%add3A_3618, %add3A_3635] : memref<256x128xf32, #tpu.memory_space<vmem>>[vector<16xi32>, vector<16xi32>], vector<16xf32>,
      %mul3A_3637 = arith.mulf %gather3A_3636, %get3A_3394 : vector<16xf32>
      %add3A_3638 = arith.addf %add3A_3632, %mul3A_3637 : vector<16xf32>
      %mul3A_3639 = arith.mulf %get3A_3350, %get3A_3374 : vector<16xf32>
      %mul3A_3640 = arith.mulf %add3A_3638, %mul3A_3639 : vector<16xf32>
      %add3A_3641 = arith.addf %add3A_3612, %mul3A_3640 : vector<16xf32>
      %add3A_3642 = arith.constant 96 : i32
      %add3A_3643 = vector.broadcast %add3A_3642 : i32 to vector<16xi32>
      %add3A_3644 = arith.addi %add3A_3346, %add3A_3643 : vector<16xi32>
      %gather3A_3645 = tpu.vector_load_idx %arg13[%add3A_3644, %add3A_3615] : memref<256x128xf32, #tpu.memory_space<vmem>>[vector<16xi32>, vector<16xi32>], vector<16xf32>,
      %mul3A_3646 = arith.mulf %gather3A_3645, %get3A_3382 : vector<16xf32>
      %add3A_3647 = arith.constant 1 : i32
      %add3A_3648 = vector.broadcast %add3A_3647 : i32 to vector<16xi32>
      %add3A_3649 = arith.addi %add3A_3615, %add3A_3648 : vector<16xi32>
      %gather3A_3650 = tpu.vector_load_idx %arg13[%add3A_3644, %add3A_3649] : memref<256x128xf32, #tpu.memory_space<vmem>>[vector<16xi32>, vector<16xi32>], vector<16xf32>,
      %mul3A_3651 = arith.mulf %gather3A_3650, %get3A_3386 : vector<16xf32>
      %add3A_3652 = arith.addf %mul3A_3646, %mul3A_3651 : vector<16xf32>
      %add3A_3653 = arith.constant 2 : i32
      %add3A_3654 = vector.broadcast %add3A_3653 : i32 to vector<16xi32>
      %add3A_3655 = arith.addi %add3A_3615, %add3A_3654 : vector<16xi32>
      %gather3A_3656 = tpu.vector_load_idx %arg13[%add3A_3644, %add3A_3655] : memref<256x128xf32, #tpu.memory_space<vmem>>[vector<16xi32>, vector<16xi32>], vector<16xf32>,
      %mul3A_3657 = arith.mulf %gather3A_3656, %get3A_3390 : vector<16xf32>
      %add3A_3658 = arith.addf %add3A_3652, %mul3A_3657 : vector<16xf32>
      %add3A_3659 = arith.constant 3 : i32
      %add3A_3660 = vector.broadcast %add3A_3659 : i32 to vector<16xi32>
      %add3A_3661 = arith.addi %add3A_3615, %add3A_3660 : vector<16xi32>
      %gather3A_3662 = tpu.vector_load_idx %arg13[%add3A_3644, %add3A_3661] : memref<256x128xf32, #tpu.memory_space<vmem>>[vector<16xi32>, vector<16xi32>], vector<16xf32>,
      %mul3A_3663 = arith.mulf %gather3A_3662, %get3A_3394 : vector<16xf32>
      %add3A_3664 = arith.addf %add3A_3658, %mul3A_3663 : vector<16xf32>
      %mul3A_3665 = arith.mulf %get3A_3354, %get3A_3374 : vector<16xf32>
      %mul3A_3666 = arith.mulf %add3A_3664, %mul3A_3665 : vector<16xf32>
      %add3A_3667 = arith.addf %add3A_3641, %mul3A_3666 : vector<16xf32>
      %add3A_3668 = arith.constant 160 : i32
      %add3A_3669 = vector.broadcast %add3A_3668 : i32 to vector<16xi32>
      %add3A_3670 = arith.addi %add3A_3346, %add3A_3669 : vector<16xi32>
      %gather3A_3671 = tpu.vector_load_idx %arg13[%add3A_3670, %add3A_3615] : memref<256x128xf32, #tpu.memory_space<vmem>>[vector<16xi32>, vector<16xi32>], vector<16xf32>,
      %mul3A_3672 = arith.mulf %gather3A_3671, %get3A_3382 : vector<16xf32>
      %add3A_3673 = arith.constant 1 : i32
      %add3A_3674 = vector.broadcast %add3A_3673 : i32 to vector<16xi32>
      %add3A_3675 = arith.addi %add3A_3615, %add3A_3674 : vector<16xi32>
      %gather3A_3676 = tpu.vector_load_idx %arg13[%add3A_3670, %add3A_3675] : memref<256x128xf32, #tpu.memory_space<vmem>>[vector<16xi32>, vector<16xi32>], vector<16xf32>,
      %mul3A_3677 = arith.mulf %gather3A_3676, %get3A_3386 : vector<16xf32>
      %add3A_3678 = arith.addf %mul3A_3672, %mul3A_3677 : vector<16xf32>
      %add3A_3679 = arith.constant 2 : i32
      %add3A_3680 = vector.broadcast %add3A_3679 : i32 to vector<16xi32>
      %add3A_3681 = arith.addi %add3A_3615, %add3A_3680 : vector<16xi32>
      %gather3A_3682 = tpu.vector_load_idx %arg13[%add3A_3670, %add3A_3681] : memref<256x128xf32, #tpu.memory_space<vmem>>[vector<16xi32>, vector<16xi32>], vector<16xf32>,
      %mul3A_3683 = arith.mulf %gather3A_3682, %get3A_3390 : vector<16xf32>
      %add3A_3684 = arith.addf %add3A_3678, %mul3A_3683 : vector<16xf32>
      %add3A_3685 = arith.constant 3 : i32
      %add3A_3686 = vector.broadcast %add3A_3685 : i32 to vector<16xi32>
      %add3A_3687 = arith.addi %add3A_3615, %add3A_3686 : vector<16xi32>
      %gather3A_3688 = tpu.vector_load_idx %arg13[%add3A_3670, %add3A_3687] : memref<256x128xf32, #tpu.memory_space<vmem>>[vector<16xi32>, vector<16xi32>], vector<16xf32>,
      %mul3A_3689 = arith.mulf %gather3A_3688, %get3A_3394 : vector<16xf32>
      %add3A_3690 = arith.addf %add3A_3684, %mul3A_3689 : vector<16xf32>
      %mul3A_3691 = arith.mulf %get3A_3358, %get3A_3374 : vector<16xf32>
      %mul3A_3692 = arith.mulf %add3A_3690, %mul3A_3691 : vector<16xf32>
      %add3A_3693 = arith.addf %add3A_3667, %mul3A_3692 : vector<16xf32>
      %add3A_3694 = arith.constant 224 : i32
      %add3A_3695 = vector.broadcast %add3A_3694 : i32 to vector<16xi32>
      %add3A_3696 = arith.addi %add3A_3346, %add3A_3695 : vector<16xi32>
      %gather3A_3697 = tpu.vector_load_idx %arg13[%add3A_3696, %add3A_3615] : memref<256x128xf32, #tpu.memory_space<vmem>>[vector<16xi32>, vector<16xi32>], vector<16xf32>,
      %mul3A_3698 = arith.mulf %gather3A_3697, %get3A_3382 : vector<16xf32>
      %add3A_3699 = arith.constant 1 : i32
      %add3A_3700 = vector.broadcast %add3A_3699 : i32 to vector<16xi32>
      %add3A_3701 = arith.addi %add3A_3615, %add3A_3700 : vector<16xi32>
      %gather3A_3702 = tpu.vector_load_idx %arg13[%add3A_3696, %add3A_3701] : memref<256x128xf32, #tpu.memory_space<vmem>>[vector<16xi32>, vector<16xi32>], vector<16xf32>,
      %mul3A_3703 = arith.mulf %gather3A_3702, %get3A_3386 : vector<16xf32>
      %add3A_3704 = arith.addf %mul3A_3698, %mul3A_3703 : vector<16xf32>
      %add3A_3705 = arith.constant 2 : i32
      %add3A_3706 = vector.broadcast %add3A_3705 : i32 to vector<16xi32>
      %add3A_3707 = arith.addi %add3A_3615, %add3A_3706 : vector<16xi32>
      %gather3A_3708 = tpu.vector_load_idx %arg13[%add3A_3696, %add3A_3707] : memref<256x128xf32, #tpu.memory_space<vmem>>[vector<16xi32>, vector<16xi32>], vector<16xf32>,
      %mul3A_3709 = arith.mulf %gather3A_3708, %get3A_3390 : vector<16xf32>
      %add3A_3710 = arith.addf %add3A_3704, %mul3A_3709 : vector<16xf32>
      %add3A_3711 = arith.constant 3 : i32
      %add3A_3712 = vector.broadcast %add3A_3711 : i32 to vector<16xi32>
      %add3A_3713 = arith.addi %add3A_3615, %add3A_3712 : vector<16xi32>
      %gather3A_3714 = tpu.vector_load_idx %arg13[%add3A_3696, %add3A_3713] : memref<256x128xf32, #tpu.memory_space<vmem>>[vector<16xi32>, vector<16xi32>], vector<16xf32>,
      %mul3A_3715 = arith.mulf %gather3A_3714, %get3A_3394 : vector<16xf32>
      %add3A_3716 = arith.addf %add3A_3710, %mul3A_3715 : vector<16xf32>
      %mul3A_3717 = arith.mulf %get3A_3362, %get3A_3374 : vector<16xf32>
      %mul3A_3718 = arith.mulf %add3A_3716, %mul3A_3717 : vector<16xf32>
      %add3A_3719 = arith.addf %add3A_3693, %mul3A_3718 : vector<16xf32>
      %add3A_3720 = arith.constant 64 : i32
      %add3A_3721 = vector.broadcast %add3A_3720 : i32 to vector<16xi32>
      %add3A_3722 = arith.addi %get3A_3396, %add3A_3721 : vector<16xi32>
      %add3A_3723 = arith.constant 32 : i32
      %add3A_3724 = vector.broadcast %add3A_3723 : i32 to vector<16xi32>
      %add3A_3725 = arith.addi %add3A_3346, %add3A_3724 : vector<16xi32>
      %gather3A_3726 = tpu.vector_load_idx %arg13[%add3A_3725, %add3A_3722] : memref<256x128xf32, #tpu.memory_space<vmem>>[vector<16xi32>, vector<16xi32>], vector<16xf32>,
      %mul3A_3727 = arith.mulf %gather3A_3726, %get3A_3382 : vector<16xf32>
      %add3A_3728 = arith.constant 1 : i32
      %add3A_3729 = vector.broadcast %add3A_3728 : i32 to vector<16xi32>
      %add3A_3730 = arith.addi %add3A_3722, %add3A_3729 : vector<16xi32>
      %gather3A_3731 = tpu.vector_load_idx %arg13[%add3A_3725, %add3A_3730] : memref<256x128xf32, #tpu.memory_space<vmem>>[vector<16xi32>, vector<16xi32>], vector<16xf32>,
      %mul3A_3732 = arith.mulf %gather3A_3731, %get3A_3386 : vector<16xf32>
      %add3A_3733 = arith.addf %mul3A_3727, %mul3A_3732 : vector<16xf32>
      %add3A_3734 = arith.constant 2 : i32
      %add3A_3735 = vector.broadcast %add3A_3734 : i32 to vector<16xi32>
      %add3A_3736 = arith.addi %add3A_3722, %add3A_3735 : vector<16xi32>
      %gather3A_3737 = tpu.vector_load_idx %arg13[%add3A_3725, %add3A_3736] : memref<256x128xf32, #tpu.memory_space<vmem>>[vector<16xi32>, vector<16xi32>], vector<16xf32>,
      %mul3A_3738 = arith.mulf %gather3A_3737, %get3A_3390 : vector<16xf32>
      %add3A_3739 = arith.addf %add3A_3733, %mul3A_3738 : vector<16xf32>
      %add3A_3740 = arith.constant 3 : i32
      %add3A_3741 = vector.broadcast %add3A_3740 : i32 to vector<16xi32>
      %add3A_3742 = arith.addi %add3A_3722, %add3A_3741 : vector<16xi32>
      %gather3A_3743 = tpu.vector_load_idx %arg13[%add3A_3725, %add3A_3742] : memref<256x128xf32, #tpu.memory_space<vmem>>[vector<16xi32>, vector<16xi32>], vector<16xf32>,
      %mul3A_3744 = arith.mulf %gather3A_3743, %get3A_3394 : vector<16xf32>
      %add3A_3745 = arith.addf %add3A_3739, %mul3A_3744 : vector<16xf32>
      %mul3A_3746 = arith.mulf %get3A_3350, %get3A_3378 : vector<16xf32>
      %mul3A_3747 = arith.mulf %add3A_3745, %mul3A_3746 : vector<16xf32>
      %add3A_3748 = arith.addf %add3A_3719, %mul3A_3747 : vector<16xf32>
      %add3A_3749 = arith.constant 96 : i32
      %add3A_3750 = vector.broadcast %add3A_3749 : i32 to vector<16xi32>
      %add3A_3751 = arith.addi %add3A_3346, %add3A_3750 : vector<16xi32>
      %gather3A_3752 = tpu.vector_load_idx %arg13[%add3A_3751, %add3A_3722] : memref<256x128xf32, #tpu.memory_space<vmem>>[vector<16xi32>, vector<16xi32>], vector<16xf32>,
      %mul3A_3753 = arith.mulf %gather3A_3752, %get3A_3382 : vector<16xf32>
      %add3A_3754 = arith.constant 1 : i32
      %add3A_3755 = vector.broadcast %add3A_3754 : i32 to vector<16xi32>
      %add3A_3756 = arith.addi %add3A_3722, %add3A_3755 : vector<16xi32>
      %gather3A_3757 = tpu.vector_load_idx %arg13[%add3A_3751, %add3A_3756] : memref<256x128xf32, #tpu.memory_space<vmem>>[vector<16xi32>, vector<16xi32>], vector<16xf32>,
      %mul3A_3758 = arith.mulf %gather3A_3757, %get3A_3386 : vector<16xf32>
      %add3A_3759 = arith.addf %mul3A_3753, %mul3A_3758 : vector<16xf32>
      %add3A_3760 = arith.constant 2 : i32
      %add3A_3761 = vector.broadcast %add3A_3760 : i32 to vector<16xi32>
      %add3A_3762 = arith.addi %add3A_3722, %add3A_3761 : vector<16xi32>
      %gather3A_3763 = tpu.vector_load_idx %arg13[%add3A_3751, %add3A_3762] : memref<256x128xf32, #tpu.memory_space<vmem>>[vector<16xi32>, vector<16xi32>], vector<16xf32>,
      %mul3A_3764 = arith.mulf %gather3A_3763, %get3A_3390 : vector<16xf32>
      %add3A_3765 = arith.addf %add3A_3759, %mul3A_3764 : vector<16xf32>
      %add3A_3766 = arith.constant 3 : i32
      %add3A_3767 = vector.broadcast %add3A_3766 : i32 to vector<16xi32>
      %add3A_3768 = arith.addi %add3A_3722, %add3A_3767 : vector<16xi32>
      %gather3A_3769 = tpu.vector_load_idx %arg13[%add3A_3751, %add3A_3768] : memref<256x128xf32, #tpu.memory_space<vmem>>[vector<16xi32>, vector<16xi32>], vector<16xf32>,
      %mul3A_3770 = arith.mulf %gather3A_3769, %get3A_3394 : vector<16xf32>
      %add3A_3771 = arith.addf %add3A_3765, %mul3A_3770 : vector<16xf32>
      %mul3A_3772 = arith.mulf %get3A_3354, %get3A_3378 : vector<16xf32>
      %mul3A_3773 = arith.mulf %add3A_3771, %mul3A_3772 : vector<16xf32>
      %add3A_3774 = arith.addf %add3A_3748, %mul3A_3773 : vector<16xf32>
      %add3A_3775 = arith.constant 160 : i32
      %add3A_3776 = vector.broadcast %add3A_3775 : i32 to vector<16xi32>
      %add3A_3777 = arith.addi %add3A_3346, %add3A_3776 : vector<16xi32>
      %gather3A_3778 = tpu.vector_load_idx %arg13[%add3A_3777, %add3A_3722] : memref<256x128xf32, #tpu.memory_space<vmem>>[vector<16xi32>, vector<16xi32>], vector<16xf32>,
      %mul3A_3779 = arith.mulf %gather3A_3778, %get3A_3382 : vector<16xf32>
      %add3A_3780 = arith.constant 1 : i32
      %add3A_3781 = vector.broadcast %add3A_3780 : i32 to vector<16xi32>
      %add3A_3782 = arith.addi %add3A_3722, %add3A_3781 : vector<16xi32>
      %gather3A_3783 = tpu.vector_load_idx %arg13[%add3A_3777, %add3A_3782] : memref<256x128xf32, #tpu.memory_space<vmem>>[vector<16xi32>, vector<16xi32>], vector<16xf32>,
      %mul3A_3784 = arith.mulf %gather3A_3783, %get3A_3386 : vector<16xf32>
      %add3A_3785 = arith.addf %mul3A_3779, %mul3A_3784 : vector<16xf32>
      %add3A_3786 = arith.constant 2 : i32
      %add3A_3787 = vector.broadcast %add3A_3786 : i32 to vector<16xi32>
      %add3A_3788 = arith.addi %add3A_3722, %add3A_3787 : vector<16xi32>
      %gather3A_3789 = tpu.vector_load_idx %arg13[%add3A_3777, %add3A_3788] : memref<256x128xf32, #tpu.memory_space<vmem>>[vector<16xi32>, vector<16xi32>], vector<16xf32>,
      %mul3A_3790 = arith.mulf %gather3A_3789, %get3A_3390 : vector<16xf32>
      %add3A_3791 = arith.addf %add3A_3785, %mul3A_3790 : vector<16xf32>
      %add3A_3792 = arith.constant 3 : i32
      %add3A_3793 = vector.broadcast %add3A_3792 : i32 to vector<16xi32>
      %add3A_3794 = arith.addi %add3A_3722, %add3A_3793 : vector<16xi32>
      %gather3A_3795 = tpu.vector_load_idx %arg13[%add3A_3777, %add3A_3794] : memref<256x128xf32, #tpu.memory_space<vmem>>[vector<16xi32>, vector<16xi32>], vector<16xf32>,
      %mul3A_3796 = arith.mulf %gather3A_3795, %get3A_3394 : vector<16xf32>
      %add3A_3797 = arith.addf %add3A_3791, %mul3A_3796 : vector<16xf32>
      %mul3A_3798 = arith.mulf %get3A_3358, %get3A_3378 : vector<16xf32>
      %mul3A_3799 = arith.mulf %add3A_3797, %mul3A_3798 : vector<16xf32>
      %add3A_3800 = arith.addf %add3A_3774, %mul3A_3799 : vector<16xf32>
      %add3A_3801 = arith.constant 224 : i32
      %add3A_3802 = vector.broadcast %add3A_3801 : i32 to vector<16xi32>
      %add3A_3803 = arith.addi %add3A_3346, %add3A_3802 : vector<16xi32>
      %gather3A_3804 = tpu.vector_load_idx %arg13[%add3A_3803, %add3A_3722] : memref<256x128xf32, #tpu.memory_space<vmem>>[vector<16xi32>, vector<16xi32>], vector<16xf32>,
      %mul3A_3805 = arith.mulf %gather3A_3804, %get3A_3382 : vector<16xf32>
      %add3A_3806 = arith.constant 1 : i32
      %add3A_3807 = vector.broadcast %add3A_3806 : i32 to vector<16xi32>
      %add3A_3808 = arith.addi %add3A_3722, %add3A_3807 : vector<16xi32>
      %gather3A_3809 = tpu.vector_load_idx %arg13[%add3A_3803, %add3A_3808] : memref<256x128xf32, #tpu.memory_space<vmem>>[vector<16xi32>, vector<16xi32>], vector<16xf32>,
      %mul3A_3810 = arith.mulf %gather3A_3809, %get3A_3386 : vector<16xf32>
      %add3A_3811 = arith.addf %mul3A_3805, %mul3A_3810 : vector<16xf32>
      %add3A_3812 = arith.constant 2 : i32
      %add3A_3813 = vector.broadcast %add3A_3812 : i32 to vector<16xi32>
      %add3A_3814 = arith.addi %add3A_3722, %add3A_3813 : vector<16xi32>
      %gather3A_3815 = tpu.vector_load_idx %arg13[%add3A_3803, %add3A_3814] : memref<256x128xf32, #tpu.memory_space<vmem>>[vector<16xi32>, vector<16xi32>], vector<16xf32>,
      %mul3A_3816 = arith.mulf %gather3A_3815, %get3A_3390 : vector<16xf32>
      %add3A_3817 = arith.addf %add3A_3811, %mul3A_3816 : vector<16xf32>
      %add3A_3818 = arith.constant 3 : i32
      %add3A_3819 = vector.broadcast %add3A_3818 : i32 to vector<16xi32>
      %add3A_3820 = arith.addi %add3A_3722, %add3A_3819 : vector<16xi32>
      %gather3A_3821 = tpu.vector_load_idx %arg13[%add3A_3803, %add3A_3820] : memref<256x128xf32, #tpu.memory_space<vmem>>[vector<16xi32>, vector<16xi32>], vector<16xf32>,
      %mul3A_3822 = arith.mulf %gather3A_3821, %get3A_3394 : vector<16xf32>
      %add3A_3823 = arith.addf %add3A_3817, %mul3A_3822 : vector<16xf32>
      %mul3A_3824 = arith.mulf %get3A_3362, %get3A_3378 : vector<16xf32>
      %mul3A_3825 = arith.mulf %add3A_3823, %mul3A_3824 : vector<16xf32>
      %add3A_3826 = arith.addf %add3A_3800, %mul3A_3825 : vector<16xf32>
      %mul3A_3827 = arith.constant 32 : i32
      %mul3A_3828 = arith.muli %add3A_3343, %mul3A_3827 : i32
      %add3A_3829 = arith.constant 0 : i32
      %add3A_3830 = arith.addi %mul3A_3828, %add3A_3829 : i32
      %swap3A_3831 = arith.index_cast %add3A_3830 : i32 to index
      %swap3A_3832 = tpu.vector_load %arg18[%swap3A_3831] {strides = array<i32>} : memref<3136xf32, #tpu.memory_space<vmem>>, vector<16xf32>,
      tpu.vector_store %arg18[%swap3A_3831], %add3A_3826 {strides = array<i32>} : memref<3136xf32, #tpu.memory_space<vmem>>, vector<16xf32>,
      %add3A_3833 = arith.constant 16 : i32
      %add3A_3834 = vector.broadcast %add3A_3833 : i32 to vector<16xi32>
      %add3A_3835 = arith.addi %iota3A, %add3A_3834 : vector<16xi32>
      %get3A_3836 = arith.constant 0 : i32
      %get3A_3837 = arith.index_cast %get3A_3836 : i32 to index
      %get3A_3838 = arith.constant 16 : index
      %get3A_3839 = tpu.vector_load %arg15[%get3A_3837, %get3A_3838] {strides = array<i32>} : memref<12x32xf32, #tpu.memory_space<vmem>>, vector<16xf32>,
      %get3A_3840 = arith.constant 1 : i32
      %get3A_3841 = arith.index_cast %get3A_3840 : i32 to index
      %get3A_3842 = arith.constant 16 : index
      %get3A_3843 = tpu.vector_load %arg15[%get3A_3841, %get3A_3842] {strides = array<i32>} : memref<12x32xf32, #tpu.memory_space<vmem>>, vector<16xf32>,
      %get3A_3844 = arith.constant 2 : i32
      %get3A_3845 = arith.index_cast %get3A_3844 : i32 to index
      %get3A_3846 = arith.constant 16 : index
      %get3A_3847 = tpu.vector_load %arg15[%get3A_3845, %get3A_3846] {strides = array<i32>} : memref<12x32xf32, #tpu.memory_space<vmem>>, vector<16xf32>,
      %get3A_3848 = arith.constant 3 : i32
      %get3A_3849 = arith.index_cast %get3A_3848 : i32 to index
      %get3A_3850 = arith.constant 16 : index
      %get3A_3851 = tpu.vector_load %arg15[%get3A_3849, %get3A_3850] {strides = array<i32>} : memref<12x32xf32, #tpu.memory_space<vmem>>, vector<16xf32>,
      %get3A_3852 = arith.constant 4 : i32
      %get3A_3853 = arith.index_cast %get3A_3852 : i32 to index
      %get3A_3854 = arith.constant 16 : index
      %get3A_3855 = tpu.vector_load %arg15[%get3A_3853, %get3A_3854] {strides = array<i32>} : memref<12x32xf32, #tpu.memory_space<vmem>>, vector<16xf32>,
      %get3A_3856 = arith.constant 5 : i32
      %get3A_3857 = arith.index_cast %get3A_3856 : i32 to index
      %get3A_3858 = arith.constant 16 : index
      %get3A_3859 = tpu.vector_load %arg15[%get3A_3857, %get3A_3858] {strides = array<i32>} : memref<12x32xf32, #tpu.memory_space<vmem>>, vector<16xf32>,
      %get3A_3860 = arith.constant 6 : i32
      %get3A_3861 = arith.index_cast %get3A_3860 : i32 to index
      %get3A_3862 = arith.constant 16 : index
      %get3A_3863 = tpu.vector_load %arg15[%get3A_3861, %get3A_3862] {strides = array<i32>} : memref<12x32xf32, #tpu.memory_space<vmem>>, vector<16xf32>,
      %get3A_3864 = arith.constant 7 : i32
      %get3A_3865 = arith.index_cast %get3A_3864 : i32 to index
      %get3A_3866 = arith.constant 16 : index
      %get3A_3867 = tpu.vector_load %arg15[%get3A_3865, %get3A_3866] {strides = array<i32>} : memref<12x32xf32, #tpu.memory_space<vmem>>, vector<16xf32>,
      %get3A_3868 = arith.constant 8 : i32
      %get3A_3869 = arith.index_cast %get3A_3868 : i32 to index
      %get3A_3870 = arith.constant 16 : index
      %get3A_3871 = tpu.vector_load %arg15[%get3A_3869, %get3A_3870] {strides = array<i32>} : memref<12x32xf32, #tpu.memory_space<vmem>>, vector<16xf32>,
      %get3A_3872 = arith.constant 9 : i32
      %get3A_3873 = arith.index_cast %get3A_3872 : i32 to index
      %get3A_3874 = arith.constant 16 : index
      %get3A_3875 = tpu.vector_load %arg15[%get3A_3873, %get3A_3874] {strides = array<i32>} : memref<12x32xf32, #tpu.memory_space<vmem>>, vector<16xf32>,
      %get3A_3876 = arith.constant 10 : i32
      %get3A_3877 = arith.index_cast %get3A_3876 : i32 to index
      %get3A_3878 = arith.constant 16 : index
      %get3A_3879 = tpu.vector_load %arg15[%get3A_3877, %get3A_3878] {strides = array<i32>} : memref<12x32xf32, #tpu.memory_space<vmem>>, vector<16xf32>,
      %get3A_3880 = arith.constant 11 : i32
      %get3A_3881 = arith.index_cast %get3A_3880 : i32 to index
      %get3A_3882 = arith.constant 16 : index
      %get3A_3883 = tpu.vector_load %arg15[%get3A_3881, %get3A_3882] {strides = array<i32>} : memref<12x32xf32, #tpu.memory_space<vmem>>, vector<16xf32>,
      %get3A_3884 = arith.constant 16 : index
      %get3A_3885 = tpu.vector_load %arg17[%get3A_3884] {strides = array<i32>} : memref<32xi32, #tpu.memory_space<vmem>>, vector<16xi32>,
      %broadcast_in_dim3A_3886 = arith.constant 0.000000e+00 : f32
      %broadcast_in_dim3A_3887 = vector.broadcast %broadcast_in_dim3A_3886 : f32 to vector<16xf32>
      %add3A_3888 = arith.constant 0 : i32
      %add3A_3889 = vector.broadcast %add3A_3888 : i32 to vector<16xi32>
      %add3A_3890 = arith.addi %get3A_3885, %add3A_3889 : vector<16xi32>
      %add3A_3891 = arith.constant 0 : i32
      %add3A_3892 = vector.broadcast %add3A_3891 : i32 to vector<16xi32>
      %add3A_3893 = arith.addi %add3A_3835, %add3A_3892 : vector<16xi32>
      %gather3A_3894 = tpu.vector_load_idx %arg13[%add3A_3893, %add3A_3890] : memref<256x128xf32, #tpu.memory_space<vmem>>[vector<16xi32>, vector<16xi32>], vector<16xf32>,
      %mul3A_3895 = arith.mulf %gather3A_3894, %get3A_3871 : vector<16xf32>
      %add3A_3896 = arith.constant 1 : i32
      %add3A_3897 = vector.broadcast %add3A_3896 : i32 to vector<16xi32>
      %add3A_3898 = arith.addi %add3A_3890, %add3A_3897 : vector<16xi32>
      %gather3A_3899 = tpu.vector_load_idx %arg13[%add3A_3893, %add3A_3898] : memref<256x128xf32, #tpu.memory_space<vmem>>[vector<16xi32>, vector<16xi32>], vector<16xf32>,
      %mul3A_3900 = arith.mulf %gather3A_3899, %get3A_3875 : vector<16xf32>
      %add3A_3901 = arith.addf %mul3A_3895, %mul3A_3900 : vector<16xf32>
      %add3A_3902 = arith.constant 2 : i32
      %add3A_3903 = vector.broadcast %add3A_3902 : i32 to vector<16xi32>
      %add3A_3904 = arith.addi %add3A_3890, %add3A_3903 : vector<16xi32>
      %gather3A_3905 = tpu.vector_load_idx %arg13[%add3A_3893, %add3A_3904] : memref<256x128xf32, #tpu.memory_space<vmem>>[vector<16xi32>, vector<16xi32>], vector<16xf32>,
      %mul3A_3906 = arith.mulf %gather3A_3905, %get3A_3879 : vector<16xf32>
      %add3A_3907 = arith.addf %add3A_3901, %mul3A_3906 : vector<16xf32>
      %add3A_3908 = arith.constant 3 : i32
      %add3A_3909 = vector.broadcast %add3A_3908 : i32 to vector<16xi32>
      %add3A_3910 = arith.addi %add3A_3890, %add3A_3909 : vector<16xi32>
      %gather3A_3911 = tpu.vector_load_idx %arg13[%add3A_3893, %add3A_3910] : memref<256x128xf32, #tpu.memory_space<vmem>>[vector<16xi32>, vector<16xi32>], vector<16xf32>,
      %mul3A_3912 = arith.mulf %gather3A_3911, %get3A_3883 : vector<16xf32>
      %add3A_3913 = arith.addf %add3A_3907, %mul3A_3912 : vector<16xf32>
      %mul3A_3914 = arith.mulf %get3A_3839, %get3A_3855 : vector<16xf32>
      %mul3A_3915 = arith.mulf %add3A_3913, %mul3A_3914 : vector<16xf32>
      %add3A_3916 = arith.addf %broadcast_in_dim3A_3887, %mul3A_3915 : vector<16xf32>
      %add3A_3917 = arith.constant 64 : i32
      %add3A_3918 = vector.broadcast %add3A_3917 : i32 to vector<16xi32>
      %add3A_3919 = arith.addi %add3A_3835, %add3A_3918 : vector<16xi32>
      %gather3A_3920 = tpu.vector_load_idx %arg13[%add3A_3919, %add3A_3890] : memref<256x128xf32, #tpu.memory_space<vmem>>[vector<16xi32>, vector<16xi32>], vector<16xf32>,
      %mul3A_3921 = arith.mulf %gather3A_3920, %get3A_3871 : vector<16xf32>
      %add3A_3922 = arith.constant 1 : i32
      %add3A_3923 = vector.broadcast %add3A_3922 : i32 to vector<16xi32>
      %add3A_3924 = arith.addi %add3A_3890, %add3A_3923 : vector<16xi32>
      %gather3A_3925 = tpu.vector_load_idx %arg13[%add3A_3919, %add3A_3924] : memref<256x128xf32, #tpu.memory_space<vmem>>[vector<16xi32>, vector<16xi32>], vector<16xf32>,
      %mul3A_3926 = arith.mulf %gather3A_3925, %get3A_3875 : vector<16xf32>
      %add3A_3927 = arith.addf %mul3A_3921, %mul3A_3926 : vector<16xf32>
      %add3A_3928 = arith.constant 2 : i32
      %add3A_3929 = vector.broadcast %add3A_3928 : i32 to vector<16xi32>
      %add3A_3930 = arith.addi %add3A_3890, %add3A_3929 : vector<16xi32>
      %gather3A_3931 = tpu.vector_load_idx %arg13[%add3A_3919, %add3A_3930] : memref<256x128xf32, #tpu.memory_space<vmem>>[vector<16xi32>, vector<16xi32>], vector<16xf32>,
      %mul3A_3932 = arith.mulf %gather3A_3931, %get3A_3879 : vector<16xf32>
      %add3A_3933 = arith.addf %add3A_3927, %mul3A_3932 : vector<16xf32>
      %add3A_3934 = arith.constant 3 : i32
      %add3A_3935 = vector.broadcast %add3A_3934 : i32 to vector<16xi32>
      %add3A_3936 = arith.addi %add3A_3890, %add3A_3935 : vector<16xi32>
      %gather3A_3937 = tpu.vector_load_idx %arg13[%add3A_3919, %add3A_3936] : memref<256x128xf32, #tpu.memory_space<vmem>>[vector<16xi32>, vector<16xi32>], vector<16xf32>,
      %mul3A_3938 = arith.mulf %gather3A_3937, %get3A_3883 : vector<16xf32>
      %add3A_3939 = arith.addf %add3A_3933, %mul3A_3938 : vector<16xf32>
      %mul3A_3940 = arith.mulf %get3A_3843, %get3A_3855 : vector<16xf32>
      %mul3A_3941 = arith.mulf %add3A_3939, %mul3A_3940 : vector<16xf32>
      %add3A_3942 = arith.addf %add3A_3916, %mul3A_3941 : vector<16xf32>
      %add3A_3943 = arith.constant 128 : i32
      %add3A_3944 = vector.broadcast %add3A_3943 : i32 to vector<16xi32>
      %add3A_3945 = arith.addi %add3A_3835, %add3A_3944 : vector<16xi32>
      %gather3A_3946 = tpu.vector_load_idx %arg13[%add3A_3945, %add3A_3890] : memref<256x128xf32, #tpu.memory_space<vmem>>[vector<16xi32>, vector<16xi32>], vector<16xf32>,
      %mul3A_3947 = arith.mulf %gather3A_3946, %get3A_3871 : vector<16xf32>
      %add3A_3948 = arith.constant 1 : i32
      %add3A_3949 = vector.broadcast %add3A_3948 : i32 to vector<16xi32>
      %add3A_3950 = arith.addi %add3A_3890, %add3A_3949 : vector<16xi32>
      %gather3A_3951 = tpu.vector_load_idx %arg13[%add3A_3945, %add3A_3950] : memref<256x128xf32, #tpu.memory_space<vmem>>[vector<16xi32>, vector<16xi32>], vector<16xf32>,
      %mul3A_3952 = arith.mulf %gather3A_3951, %get3A_3875 : vector<16xf32>
      %add3A_3953 = arith.addf %mul3A_3947, %mul3A_3952 : vector<16xf32>
      %add3A_3954 = arith.constant 2 : i32
      %add3A_3955 = vector.broadcast %add3A_3954 : i32 to vector<16xi32>
      %add3A_3956 = arith.addi %add3A_3890, %add3A_3955 : vector<16xi32>
      %gather3A_3957 = tpu.vector_load_idx %arg13[%add3A_3945, %add3A_3956] : memref<256x128xf32, #tpu.memory_space<vmem>>[vector<16xi32>, vector<16xi32>], vector<16xf32>,
      %mul3A_3958 = arith.mulf %gather3A_3957, %get3A_3879 : vector<16xf32>
      %add3A_3959 = arith.addf %add3A_3953, %mul3A_3958 : vector<16xf32>
      %add3A_3960 = arith.constant 3 : i32
      %add3A_3961 = vector.broadcast %add3A_3960 : i32 to vector<16xi32>
      %add3A_3962 = arith.addi %add3A_3890, %add3A_3961 : vector<16xi32>
      %gather3A_3963 = tpu.vector_load_idx %arg13[%add3A_3945, %add3A_3962] : memref<256x128xf32, #tpu.memory_space<vmem>>[vector<16xi32>, vector<16xi32>], vector<16xf32>,
      %mul3A_3964 = arith.mulf %gather3A_3963, %get3A_3883 : vector<16xf32>
      %add3A_3965 = arith.addf %add3A_3959, %mul3A_3964 : vector<16xf32>
      %mul3A_3966 = arith.mulf %get3A_3847, %get3A_3855 : vector<16xf32>
      %mul3A_3967 = arith.mulf %add3A_3965, %mul3A_3966 : vector<16xf32>
      %add3A_3968 = arith.addf %add3A_3942, %mul3A_3967 : vector<16xf32>
      %add3A_3969 = arith.constant 192 : i32
      %add3A_3970 = vector.broadcast %add3A_3969 : i32 to vector<16xi32>
      %add3A_3971 = arith.addi %add3A_3835, %add3A_3970 : vector<16xi32>
      %gather3A_3972 = tpu.vector_load_idx %arg13[%add3A_3971, %add3A_3890] : memref<256x128xf32, #tpu.memory_space<vmem>>[vector<16xi32>, vector<16xi32>], vector<16xf32>,
      %mul3A_3973 = arith.mulf %gather3A_3972, %get3A_3871 : vector<16xf32>
      %add3A_3974 = arith.constant 1 : i32
      %add3A_3975 = vector.broadcast %add3A_3974 : i32 to vector<16xi32>
      %add3A_3976 = arith.addi %add3A_3890, %add3A_3975 : vector<16xi32>
      %gather3A_3977 = tpu.vector_load_idx %arg13[%add3A_3971, %add3A_3976] : memref<256x128xf32, #tpu.memory_space<vmem>>[vector<16xi32>, vector<16xi32>], vector<16xf32>,
      %mul3A_3978 = arith.mulf %gather3A_3977, %get3A_3875 : vector<16xf32>
      %add3A_3979 = arith.addf %mul3A_3973, %mul3A_3978 : vector<16xf32>
      %add3A_3980 = arith.constant 2 : i32
      %add3A_3981 = vector.broadcast %add3A_3980 : i32 to vector<16xi32>
      %add3A_3982 = arith.addi %add3A_3890, %add3A_3981 : vector<16xi32>
      %gather3A_3983 = tpu.vector_load_idx %arg13[%add3A_3971, %add3A_3982] : memref<256x128xf32, #tpu.memory_space<vmem>>[vector<16xi32>, vector<16xi32>], vector<16xf32>,
      %mul3A_3984 = arith.mulf %gather3A_3983, %get3A_3879 : vector<16xf32>
      %add3A_3985 = arith.addf %add3A_3979, %mul3A_3984 : vector<16xf32>
      %add3A_3986 = arith.constant 3 : i32
      %add3A_3987 = vector.broadcast %add3A_3986 : i32 to vector<16xi32>
      %add3A_3988 = arith.addi %add3A_3890, %add3A_3987 : vector<16xi32>
      %gather3A_3989 = tpu.vector_load_idx %arg13[%add3A_3971, %add3A_3988] : memref<256x128xf32, #tpu.memory_space<vmem>>[vector<16xi32>, vector<16xi32>], vector<16xf32>,
      %mul3A_3990 = arith.mulf %gather3A_3989, %get3A_3883 : vector<16xf32>
      %add3A_3991 = arith.addf %add3A_3985, %mul3A_3990 : vector<16xf32>
      %mul3A_3992 = arith.mulf %get3A_3851, %get3A_3855 : vector<16xf32>
      %mul3A_3993 = arith.mulf %add3A_3991, %mul3A_3992 : vector<16xf32>
      %add3A_3994 = arith.addf %add3A_3968, %mul3A_3993 : vector<16xf32>
      %add3A_3995 = arith.constant 64 : i32
      %add3A_3996 = vector.broadcast %add3A_3995 : i32 to vector<16xi32>
      %add3A_3997 = arith.addi %get3A_3885, %add3A_3996 : vector<16xi32>
      %add3A_3998 = arith.constant 0 : i32
      %add3A_3999 = vector.broadcast %add3A_3998 : i32 to vector<16xi32>
      %add3A_4000 = arith.addi %add3A_3835, %add3A_3999 : vector<16xi32>
      %gather3A_4001 = tpu.vector_load_idx %arg13[%add3A_4000, %add3A_3997] : memref<256x128xf32, #tpu.memory_space<vmem>>[vector<16xi32>, vector<16xi32>], vector<16xf32>,
      %mul3A_4002 = arith.mulf %gather3A_4001, %get3A_3871 : vector<16xf32>
      %add3A_4003 = arith.constant 1 : i32
      %add3A_4004 = vector.broadcast %add3A_4003 : i32 to vector<16xi32>
      %add3A_4005 = arith.addi %add3A_3997, %add3A_4004 : vector<16xi32>
      %gather3A_4006 = tpu.vector_load_idx %arg13[%add3A_4000, %add3A_4005] : memref<256x128xf32, #tpu.memory_space<vmem>>[vector<16xi32>, vector<16xi32>], vector<16xf32>,
      %mul3A_4007 = arith.mulf %gather3A_4006, %get3A_3875 : vector<16xf32>
      %add3A_4008 = arith.addf %mul3A_4002, %mul3A_4007 : vector<16xf32>
      %add3A_4009 = arith.constant 2 : i32
      %add3A_4010 = vector.broadcast %add3A_4009 : i32 to vector<16xi32>
      %add3A_4011 = arith.addi %add3A_3997, %add3A_4010 : vector<16xi32>
      %gather3A_4012 = tpu.vector_load_idx %arg13[%add3A_4000, %add3A_4011] : memref<256x128xf32, #tpu.memory_space<vmem>>[vector<16xi32>, vector<16xi32>], vector<16xf32>,
      %mul3A_4013 = arith.mulf %gather3A_4012, %get3A_3879 : vector<16xf32>
      %add3A_4014 = arith.addf %add3A_4008, %mul3A_4013 : vector<16xf32>
      %add3A_4015 = arith.constant 3 : i32
      %add3A_4016 = vector.broadcast %add3A_4015 : i32 to vector<16xi32>
      %add3A_4017 = arith.addi %add3A_3997, %add3A_4016 : vector<16xi32>
      %gather3A_4018 = tpu.vector_load_idx %arg13[%add3A_4000, %add3A_4017] : memref<256x128xf32, #tpu.memory_space<vmem>>[vector<16xi32>, vector<16xi32>], vector<16xf32>,
      %mul3A_4019 = arith.mulf %gather3A_4018, %get3A_3883 : vector<16xf32>
      %add3A_4020 = arith.addf %add3A_4014, %mul3A_4019 : vector<16xf32>
      %mul3A_4021 = arith.mulf %get3A_3839, %get3A_3859 : vector<16xf32>
      %mul3A_4022 = arith.mulf %add3A_4020, %mul3A_4021 : vector<16xf32>
      %add3A_4023 = arith.addf %add3A_3994, %mul3A_4022 : vector<16xf32>
      %add3A_4024 = arith.constant 64 : i32
      %add3A_4025 = vector.broadcast %add3A_4024 : i32 to vector<16xi32>
      %add3A_4026 = arith.addi %add3A_3835, %add3A_4025 : vector<16xi32>
      %gather3A_4027 = tpu.vector_load_idx %arg13[%add3A_4026, %add3A_3997] : memref<256x128xf32, #tpu.memory_space<vmem>>[vector<16xi32>, vector<16xi32>], vector<16xf32>,
      %mul3A_4028 = arith.mulf %gather3A_4027, %get3A_3871 : vector<16xf32>
      %add3A_4029 = arith.constant 1 : i32
      %add3A_4030 = vector.broadcast %add3A_4029 : i32 to vector<16xi32>
      %add3A_4031 = arith.addi %add3A_3997, %add3A_4030 : vector<16xi32>
      %gather3A_4032 = tpu.vector_load_idx %arg13[%add3A_4026, %add3A_4031] : memref<256x128xf32, #tpu.memory_space<vmem>>[vector<16xi32>, vector<16xi32>], vector<16xf32>,
      %mul3A_4033 = arith.mulf %gather3A_4032, %get3A_3875 : vector<16xf32>
      %add3A_4034 = arith.addf %mul3A_4028, %mul3A_4033 : vector<16xf32>
      %add3A_4035 = arith.constant 2 : i32
      %add3A_4036 = vector.broadcast %add3A_4035 : i32 to vector<16xi32>
      %add3A_4037 = arith.addi %add3A_3997, %add3A_4036 : vector<16xi32>
      %gather3A_4038 = tpu.vector_load_idx %arg13[%add3A_4026, %add3A_4037] : memref<256x128xf32, #tpu.memory_space<vmem>>[vector<16xi32>, vector<16xi32>], vector<16xf32>,
      %mul3A_4039 = arith.mulf %gather3A_4038, %get3A_3879 : vector<16xf32>
      %add3A_4040 = arith.addf %add3A_4034, %mul3A_4039 : vector<16xf32>
      %add3A_4041 = arith.constant 3 : i32
      %add3A_4042 = vector.broadcast %add3A_4041 : i32 to vector<16xi32>
      %add3A_4043 = arith.addi %add3A_3997, %add3A_4042 : vector<16xi32>
      %gather3A_4044 = tpu.vector_load_idx %arg13[%add3A_4026, %add3A_4043] : memref<256x128xf32, #tpu.memory_space<vmem>>[vector<16xi32>, vector<16xi32>], vector<16xf32>,
      %mul3A_4045 = arith.mulf %gather3A_4044, %get3A_3883 : vector<16xf32>
      %add3A_4046 = arith.addf %add3A_4040, %mul3A_4045 : vector<16xf32>
      %mul3A_4047 = arith.mulf %get3A_3843, %get3A_3859 : vector<16xf32>
      %mul3A_4048 = arith.mulf %add3A_4046, %mul3A_4047 : vector<16xf32>
      %add3A_4049 = arith.addf %add3A_4023, %mul3A_4048 : vector<16xf32>
      %add3A_4050 = arith.constant 128 : i32
      %add3A_4051 = vector.broadcast %add3A_4050 : i32 to vector<16xi32>
      %add3A_4052 = arith.addi %add3A_3835, %add3A_4051 : vector<16xi32>
      %gather3A_4053 = tpu.vector_load_idx %arg13[%add3A_4052, %add3A_3997] : memref<256x128xf32, #tpu.memory_space<vmem>>[vector<16xi32>, vector<16xi32>], vector<16xf32>,
      %mul3A_4054 = arith.mulf %gather3A_4053, %get3A_3871 : vector<16xf32>
      %add3A_4055 = arith.constant 1 : i32
      %add3A_4056 = vector.broadcast %add3A_4055 : i32 to vector<16xi32>
      %add3A_4057 = arith.addi %add3A_3997, %add3A_4056 : vector<16xi32>
      %gather3A_4058 = tpu.vector_load_idx %arg13[%add3A_4052, %add3A_4057] : memref<256x128xf32, #tpu.memory_space<vmem>>[vector<16xi32>, vector<16xi32>], vector<16xf32>,
      %mul3A_4059 = arith.mulf %gather3A_4058, %get3A_3875 : vector<16xf32>
      %add3A_4060 = arith.addf %mul3A_4054, %mul3A_4059 : vector<16xf32>
      %add3A_4061 = arith.constant 2 : i32
      %add3A_4062 = vector.broadcast %add3A_4061 : i32 to vector<16xi32>
      %add3A_4063 = arith.addi %add3A_3997, %add3A_4062 : vector<16xi32>
      %gather3A_4064 = tpu.vector_load_idx %arg13[%add3A_4052, %add3A_4063] : memref<256x128xf32, #tpu.memory_space<vmem>>[vector<16xi32>, vector<16xi32>], vector<16xf32>,
      %mul3A_4065 = arith.mulf %gather3A_4064, %get3A_3879 : vector<16xf32>
      %add3A_4066 = arith.addf %add3A_4060, %mul3A_4065 : vector<16xf32>
      %add3A_4067 = arith.constant 3 : i32
      %add3A_4068 = vector.broadcast %add3A_4067 : i32 to vector<16xi32>
      %add3A_4069 = arith.addi %add3A_3997, %add3A_4068 : vector<16xi32>
      %gather3A_4070 = tpu.vector_load_idx %arg13[%add3A_4052, %add3A_4069] : memref<256x128xf32, #tpu.memory_space<vmem>>[vector<16xi32>, vector<16xi32>], vector<16xf32>,
      %mul3A_4071 = arith.mulf %gather3A_4070, %get3A_3883 : vector<16xf32>
      %add3A_4072 = arith.addf %add3A_4066, %mul3A_4071 : vector<16xf32>
      %mul3A_4073 = arith.mulf %get3A_3847, %get3A_3859 : vector<16xf32>
      %mul3A_4074 = arith.mulf %add3A_4072, %mul3A_4073 : vector<16xf32>
      %add3A_4075 = arith.addf %add3A_4049, %mul3A_4074 : vector<16xf32>
      %add3A_4076 = arith.constant 192 : i32
      %add3A_4077 = vector.broadcast %add3A_4076 : i32 to vector<16xi32>
      %add3A_4078 = arith.addi %add3A_3835, %add3A_4077 : vector<16xi32>
      %gather3A_4079 = tpu.vector_load_idx %arg13[%add3A_4078, %add3A_3997] : memref<256x128xf32, #tpu.memory_space<vmem>>[vector<16xi32>, vector<16xi32>], vector<16xf32>,
      %mul3A_4080 = arith.mulf %gather3A_4079, %get3A_3871 : vector<16xf32>
      %add3A_4081 = arith.constant 1 : i32
      %add3A_4082 = vector.broadcast %add3A_4081 : i32 to vector<16xi32>
      %add3A_4083 = arith.addi %add3A_3997, %add3A_4082 : vector<16xi32>
      %gather3A_4084 = tpu.vector_load_idx %arg13[%add3A_4078, %add3A_4083] : memref<256x128xf32, #tpu.memory_space<vmem>>[vector<16xi32>, vector<16xi32>], vector<16xf32>,
      %mul3A_4085 = arith.mulf %gather3A_4084, %get3A_3875 : vector<16xf32>
      %add3A_4086 = arith.addf %mul3A_4080, %mul3A_4085 : vector<16xf32>
      %add3A_4087 = arith.constant 2 : i32
      %add3A_4088 = vector.broadcast %add3A_4087 : i32 to vector<16xi32>
      %add3A_4089 = arith.addi %add3A_3997, %add3A_4088 : vector<16xi32>
      %gather3A_4090 = tpu.vector_load_idx %arg13[%add3A_4078, %add3A_4089] : memref<256x128xf32, #tpu.memory_space<vmem>>[vector<16xi32>, vector<16xi32>], vector<16xf32>,
      %mul3A_4091 = arith.mulf %gather3A_4090, %get3A_3879 : vector<16xf32>
      %add3A_4092 = arith.addf %add3A_4086, %mul3A_4091 : vector<16xf32>
      %add3A_4093 = arith.constant 3 : i32
      %add3A_4094 = vector.broadcast %add3A_4093 : i32 to vector<16xi32>
      %add3A_4095 = arith.addi %add3A_3997, %add3A_4094 : vector<16xi32>
      %gather3A_4096 = tpu.vector_load_idx %arg13[%add3A_4078, %add3A_4095] : memref<256x128xf32, #tpu.memory_space<vmem>>[vector<16xi32>, vector<16xi32>], vector<16xf32>,
      %mul3A_4097 = arith.mulf %gather3A_4096, %get3A_3883 : vector<16xf32>
      %add3A_4098 = arith.addf %add3A_4092, %mul3A_4097 : vector<16xf32>
      %mul3A_4099 = arith.mulf %get3A_3851, %get3A_3859 : vector<16xf32>
      %mul3A_4100 = arith.mulf %add3A_4098, %mul3A_4099 : vector<16xf32>
      %add3A_4101 = arith.addf %add3A_4075, %mul3A_4100 : vector<16xf32>
      %add3A_4102 = arith.constant 0 : i32
      %add3A_4103 = vector.broadcast %add3A_4102 : i32 to vector<16xi32>
      %add3A_4104 = arith.addi %get3A_3885, %add3A_4103 : vector<16xi32>
      %add3A_4105 = arith.constant 32 : i32
      %add3A_4106 = vector.broadcast %add3A_4105 : i32 to vector<16xi32>
      %add3A_4107 = arith.addi %add3A_3835, %add3A_4106 : vector<16xi32>
      %gather3A_4108 = tpu.vector_load_idx %arg13[%add3A_4107, %add3A_4104] : memref<256x128xf32, #tpu.memory_space<vmem>>[vector<16xi32>, vector<16xi32>], vector<16xf32>,
      %mul3A_4109 = arith.mulf %gather3A_4108, %get3A_3871 : vector<16xf32>
      %add3A_4110 = arith.constant 1 : i32
      %add3A_4111 = vector.broadcast %add3A_4110 : i32 to vector<16xi32>
      %add3A_4112 = arith.addi %add3A_4104, %add3A_4111 : vector<16xi32>
      %gather3A_4113 = tpu.vector_load_idx %arg13[%add3A_4107, %add3A_4112] : memref<256x128xf32, #tpu.memory_space<vmem>>[vector<16xi32>, vector<16xi32>], vector<16xf32>,
      %mul3A_4114 = arith.mulf %gather3A_4113, %get3A_3875 : vector<16xf32>
      %add3A_4115 = arith.addf %mul3A_4109, %mul3A_4114 : vector<16xf32>
      %add3A_4116 = arith.constant 2 : i32
      %add3A_4117 = vector.broadcast %add3A_4116 : i32 to vector<16xi32>
      %add3A_4118 = arith.addi %add3A_4104, %add3A_4117 : vector<16xi32>
      %gather3A_4119 = tpu.vector_load_idx %arg13[%add3A_4107, %add3A_4118] : memref<256x128xf32, #tpu.memory_space<vmem>>[vector<16xi32>, vector<16xi32>], vector<16xf32>,
      %mul3A_4120 = arith.mulf %gather3A_4119, %get3A_3879 : vector<16xf32>
      %add3A_4121 = arith.addf %add3A_4115, %mul3A_4120 : vector<16xf32>
      %add3A_4122 = arith.constant 3 : i32
      %add3A_4123 = vector.broadcast %add3A_4122 : i32 to vector<16xi32>
      %add3A_4124 = arith.addi %add3A_4104, %add3A_4123 : vector<16xi32>
      %gather3A_4125 = tpu.vector_load_idx %arg13[%add3A_4107, %add3A_4124] : memref<256x128xf32, #tpu.memory_space<vmem>>[vector<16xi32>, vector<16xi32>], vector<16xf32>,
      %mul3A_4126 = arith.mulf %gather3A_4125, %get3A_3883 : vector<16xf32>
      %add3A_4127 = arith.addf %add3A_4121, %mul3A_4126 : vector<16xf32>
      %mul3A_4128 = arith.mulf %get3A_3839, %get3A_3863 : vector<16xf32>
      %mul3A_4129 = arith.mulf %add3A_4127, %mul3A_4128 : vector<16xf32>
      %add3A_4130 = arith.addf %add3A_4101, %mul3A_4129 : vector<16xf32>
      %add3A_4131 = arith.constant 96 : i32
      %add3A_4132 = vector.broadcast %add3A_4131 : i32 to vector<16xi32>
      %add3A_4133 = arith.addi %add3A_3835, %add3A_4132 : vector<16xi32>
      %gather3A_4134 = tpu.vector_load_idx %arg13[%add3A_4133, %add3A_4104] : memref<256x128xf32, #tpu.memory_space<vmem>>[vector<16xi32>, vector<16xi32>], vector<16xf32>,
      %mul3A_4135 = arith.mulf %gather3A_4134, %get3A_3871 : vector<16xf32>
      %add3A_4136 = arith.constant 1 : i32
      %add3A_4137 = vector.broadcast %add3A_4136 : i32 to vector<16xi32>
      %add3A_4138 = arith.addi %add3A_4104, %add3A_4137 : vector<16xi32>
      %gather3A_4139 = tpu.vector_load_idx %arg13[%add3A_4133, %add3A_4138] : memref<256x128xf32, #tpu.memory_space<vmem>>[vector<16xi32>, vector<16xi32>], vector<16xf32>,
      %mul3A_4140 = arith.mulf %gather3A_4139, %get3A_3875 : vector<16xf32>
      %add3A_4141 = arith.addf %mul3A_4135, %mul3A_4140 : vector<16xf32>
      %add3A_4142 = arith.constant 2 : i32
      %add3A_4143 = vector.broadcast %add3A_4142 : i32 to vector<16xi32>
      %add3A_4144 = arith.addi %add3A_4104, %add3A_4143 : vector<16xi32>
      %gather3A_4145 = tpu.vector_load_idx %arg13[%add3A_4133, %add3A_4144] : memref<256x128xf32, #tpu.memory_space<vmem>>[vector<16xi32>, vector<16xi32>], vector<16xf32>,
      %mul3A_4146 = arith.mulf %gather3A_4145, %get3A_3879 : vector<16xf32>
      %add3A_4147 = arith.addf %add3A_4141, %mul3A_4146 : vector<16xf32>
      %add3A_4148 = arith.constant 3 : i32
      %add3A_4149 = vector.broadcast %add3A_4148 : i32 to vector<16xi32>
      %add3A_4150 = arith.addi %add3A_4104, %add3A_4149 : vector<16xi32>
      %gather3A_4151 = tpu.vector_load_idx %arg13[%add3A_4133, %add3A_4150] : memref<256x128xf32, #tpu.memory_space<vmem>>[vector<16xi32>, vector<16xi32>], vector<16xf32>,
      %mul3A_4152 = arith.mulf %gather3A_4151, %get3A_3883 : vector<16xf32>
      %add3A_4153 = arith.addf %add3A_4147, %mul3A_4152 : vector<16xf32>
      %mul3A_4154 = arith.mulf %get3A_3843, %get3A_3863 : vector<16xf32>
      %mul3A_4155 = arith.mulf %add3A_4153, %mul3A_4154 : vector<16xf32>
      %add3A_4156 = arith.addf %add3A_4130, %mul3A_4155 : vector<16xf32>
      %add3A_4157 = arith.constant 160 : i32
      %add3A_4158 = vector.broadcast %add3A_4157 : i32 to vector<16xi32>
      %add3A_4159 = arith.addi %add3A_3835, %add3A_4158 : vector<16xi32>
      %gather3A_4160 = tpu.vector_load_idx %arg13[%add3A_4159, %add3A_4104] : memref<256x128xf32, #tpu.memory_space<vmem>>[vector<16xi32>, vector<16xi32>], vector<16xf32>,
      %mul3A_4161 = arith.mulf %gather3A_4160, %get3A_3871 : vector<16xf32>
      %add3A_4162 = arith.constant 1 : i32
      %add3A_4163 = vector.broadcast %add3A_4162 : i32 to vector<16xi32>
      %add3A_4164 = arith.addi %add3A_4104, %add3A_4163 : vector<16xi32>
      %gather3A_4165 = tpu.vector_load_idx %arg13[%add3A_4159, %add3A_4164] : memref<256x128xf32, #tpu.memory_space<vmem>>[vector<16xi32>, vector<16xi32>], vector<16xf32>,
      %mul3A_4166 = arith.mulf %gather3A_4165, %get3A_3875 : vector<16xf32>
      %add3A_4167 = arith.addf %mul3A_4161, %mul3A_4166 : vector<16xf32>
      %add3A_4168 = arith.constant 2 : i32
      %add3A_4169 = vector.broadcast %add3A_4168 : i32 to vector<16xi32>
      %add3A_4170 = arith.addi %add3A_4104, %add3A_4169 : vector<16xi32>
      %gather3A_4171 = tpu.vector_load_idx %arg13[%add3A_4159, %add3A_4170] : memref<256x128xf32, #tpu.memory_space<vmem>>[vector<16xi32>, vector<16xi32>], vector<16xf32>,
      %mul3A_4172 = arith.mulf %gather3A_4171, %get3A_3879 : vector<16xf32>
      %add3A_4173 = arith.addf %add3A_4167, %mul3A_4172 : vector<16xf32>
      %add3A_4174 = arith.constant 3 : i32
      %add3A_4175 = vector.broadcast %add3A_4174 : i32 to vector<16xi32>
      %add3A_4176 = arith.addi %add3A_4104, %add3A_4175 : vector<16xi32>
      %gather3A_4177 = tpu.vector_load_idx %arg13[%add3A_4159, %add3A_4176] : memref<256x128xf32, #tpu.memory_space<vmem>>[vector<16xi32>, vector<16xi32>], vector<16xf32>,
      %mul3A_4178 = arith.mulf %gather3A_4177, %get3A_3883 : vector<16xf32>
      %add3A_4179 = arith.addf %add3A_4173, %mul3A_4178 : vector<16xf32>
      %mul3A_4180 = arith.mulf %get3A_3847, %get3A_3863 : vector<16xf32>
      %mul3A_4181 = arith.mulf %add3A_4179, %mul3A_4180 : vector<16xf32>
      %add3A_4182 = arith.addf %add3A_4156, %mul3A_4181 : vector<16xf32>
      %add3A_4183 = arith.constant 224 : i32
      %add3A_4184 = vector.broadcast %add3A_4183 : i32 to vector<16xi32>
      %add3A_4185 = arith.addi %add3A_3835, %add3A_4184 : vector<16xi32>
      %gather3A_4186 = tpu.vector_load_idx %arg13[%add3A_4185, %add3A_4104] : memref<256x128xf32, #tpu.memory_space<vmem>>[vector<16xi32>, vector<16xi32>], vector<16xf32>,
      %mul3A_4187 = arith.mulf %gather3A_4186, %get3A_3871 : vector<16xf32>
      %add3A_4188 = arith.constant 1 : i32
      %add3A_4189 = vector.broadcast %add3A_4188 : i32 to vector<16xi32>
      %add3A_4190 = arith.addi %add3A_4104, %add3A_4189 : vector<16xi32>
      %gather3A_4191 = tpu.vector_load_idx %arg13[%add3A_4185, %add3A_4190] : memref<256x128xf32, #tpu.memory_space<vmem>>[vector<16xi32>, vector<16xi32>], vector<16xf32>,
      %mul3A_4192 = arith.mulf %gather3A_4191, %get3A_3875 : vector<16xf32>
      %add3A_4193 = arith.addf %mul3A_4187, %mul3A_4192 : vector<16xf32>
      %add3A_4194 = arith.constant 2 : i32
      %add3A_4195 = vector.broadcast %add3A_4194 : i32 to vector<16xi32>
      %add3A_4196 = arith.addi %add3A_4104, %add3A_4195 : vector<16xi32>
      %gather3A_4197 = tpu.vector_load_idx %arg13[%add3A_4185, %add3A_4196] : memref<256x128xf32, #tpu.memory_space<vmem>>[vector<16xi32>, vector<16xi32>], vector<16xf32>,
      %mul3A_4198 = arith.mulf %gather3A_4197, %get3A_3879 : vector<16xf32>
      %add3A_4199 = arith.addf %add3A_4193, %mul3A_4198 : vector<16xf32>
      %add3A_4200 = arith.constant 3 : i32
      %add3A_4201 = vector.broadcast %add3A_4200 : i32 to vector<16xi32>
      %add3A_4202 = arith.addi %add3A_4104, %add3A_4201 : vector<16xi32>
      %gather3A_4203 = tpu.vector_load_idx %arg13[%add3A_4185, %add3A_4202] : memref<256x128xf32, #tpu.memory_space<vmem>>[vector<16xi32>, vector<16xi32>], vector<16xf32>,
      %mul3A_4204 = arith.mulf %gather3A_4203, %get3A_3883 : vector<16xf32>
      %add3A_4205 = arith.addf %add3A_4199, %mul3A_4204 : vector<16xf32>
      %mul3A_4206 = arith.mulf %get3A_3851, %get3A_3863 : vector<16xf32>
      %mul3A_4207 = arith.mulf %add3A_4205, %mul3A_4206 : vector<16xf32>
      %add3A_4208 = arith.addf %add3A_4182, %mul3A_4207 : vector<16xf32>
      %add3A_4209 = arith.constant 64 : i32
      %add3A_4210 = vector.broadcast %add3A_4209 : i32 to vector<16xi32>
      %add3A_4211 = arith.addi %get3A_3885, %add3A_4210 : vector<16xi32>
      %add3A_4212 = arith.constant 32 : i32
      %add3A_4213 = vector.broadcast %add3A_4212 : i32 to vector<16xi32>
      %add3A_4214 = arith.addi %add3A_3835, %add3A_4213 : vector<16xi32>
      %gather3A_4215 = tpu.vector_load_idx %arg13[%add3A_4214, %add3A_4211] : memref<256x128xf32, #tpu.memory_space<vmem>>[vector<16xi32>, vector<16xi32>], vector<16xf32>,
      %mul3A_4216 = arith.mulf %gather3A_4215, %get3A_3871 : vector<16xf32>
      %add3A_4217 = arith.constant 1 : i32
      %add3A_4218 = vector.broadcast %add3A_4217 : i32 to vector<16xi32>
      %add3A_4219 = arith.addi %add3A_4211, %add3A_4218 : vector<16xi32>
      %gather3A_4220 = tpu.vector_load_idx %arg13[%add3A_4214, %add3A_4219] : memref<256x128xf32, #tpu.memory_space<vmem>>[vector<16xi32>, vector<16xi32>], vector<16xf32>,
      %mul3A_4221 = arith.mulf %gather3A_4220, %get3A_3875 : vector<16xf32>
      %add3A_4222 = arith.addf %mul3A_4216, %mul3A_4221 : vector<16xf32>
      %add3A_4223 = arith.constant 2 : i32
      %add3A_4224 = vector.broadcast %add3A_4223 : i32 to vector<16xi32>
      %add3A_4225 = arith.addi %add3A_4211, %add3A_4224 : vector<16xi32>
      %gather3A_4226 = tpu.vector_load_idx %arg13[%add3A_4214, %add3A_4225] : memref<256x128xf32, #tpu.memory_space<vmem>>[vector<16xi32>, vector<16xi32>], vector<16xf32>,
      %mul3A_4227 = arith.mulf %gather3A_4226, %get3A_3879 : vector<16xf32>
      %add3A_4228 = arith.addf %add3A_4222, %mul3A_4227 : vector<16xf32>
      %add3A_4229 = arith.constant 3 : i32
      %add3A_4230 = vector.broadcast %add3A_4229 : i32 to vector<16xi32>
      %add3A_4231 = arith.addi %add3A_4211, %add3A_4230 : vector<16xi32>
      %gather3A_4232 = tpu.vector_load_idx %arg13[%add3A_4214, %add3A_4231] : memref<256x128xf32, #tpu.memory_space<vmem>>[vector<16xi32>, vector<16xi32>], vector<16xf32>,
      %mul3A_4233 = arith.mulf %gather3A_4232, %get3A_3883 : vector<16xf32>
      %add3A_4234 = arith.addf %add3A_4228, %mul3A_4233 : vector<16xf32>
      %mul3A_4235 = arith.mulf %get3A_3839, %get3A_3867 : vector<16xf32>
      %mul3A_4236 = arith.mulf %add3A_4234, %mul3A_4235 : vector<16xf32>
      %add3A_4237 = arith.addf %add3A_4208, %mul3A_4236 : vector<16xf32>
      %add3A_4238 = arith.constant 96 : i32
      %add3A_4239 = vector.broadcast %add3A_4238 : i32 to vector<16xi32>
      %add3A_4240 = arith.addi %add3A_3835, %add3A_4239 : vector<16xi32>
      %gather3A_4241 = tpu.vector_load_idx %arg13[%add3A_4240, %add3A_4211] : memref<256x128xf32, #tpu.memory_space<vmem>>[vector<16xi32>, vector<16xi32>], vector<16xf32>,
      %mul3A_4242 = arith.mulf %gather3A_4241, %get3A_3871 : vector<16xf32>
      %add3A_4243 = arith.constant 1 : i32
      %add3A_4244 = vector.broadcast %add3A_4243 : i32 to vector<16xi32>
      %add3A_4245 = arith.addi %add3A_4211, %add3A_4244 : vector<16xi32>
      %gather3A_4246 = tpu.vector_load_idx %arg13[%add3A_4240, %add3A_4245] : memref<256x128xf32, #tpu.memory_space<vmem>>[vector<16xi32>, vector<16xi32>], vector<16xf32>,
      %mul3A_4247 = arith.mulf %gather3A_4246, %get3A_3875 : vector<16xf32>
      %add3A_4248 = arith.addf %mul3A_4242, %mul3A_4247 : vector<16xf32>
      %add3A_4249 = arith.constant 2 : i32
      %add3A_4250 = vector.broadcast %add3A_4249 : i32 to vector<16xi32>
      %add3A_4251 = arith.addi %add3A_4211, %add3A_4250 : vector<16xi32>
      %gather3A_4252 = tpu.vector_load_idx %arg13[%add3A_4240, %add3A_4251] : memref<256x128xf32, #tpu.memory_space<vmem>>[vector<16xi32>, vector<16xi32>], vector<16xf32>,
      %mul3A_4253 = arith.mulf %gather3A_4252, %get3A_3879 : vector<16xf32>
      %add3A_4254 = arith.addf %add3A_4248, %mul3A_4253 : vector<16xf32>
      %add3A_4255 = arith.constant 3 : i32
      %add3A_4256 = vector.broadcast %add3A_4255 : i32 to vector<16xi32>
      %add3A_4257 = arith.addi %add3A_4211, %add3A_4256 : vector<16xi32>
      %gather3A_4258 = tpu.vector_load_idx %arg13[%add3A_4240, %add3A_4257] : memref<256x128xf32, #tpu.memory_space<vmem>>[vector<16xi32>, vector<16xi32>], vector<16xf32>,
      %mul3A_4259 = arith.mulf %gather3A_4258, %get3A_3883 : vector<16xf32>
      %add3A_4260 = arith.addf %add3A_4254, %mul3A_4259 : vector<16xf32>
      %mul3A_4261 = arith.mulf %get3A_3843, %get3A_3867 : vector<16xf32>
      %mul3A_4262 = arith.mulf %add3A_4260, %mul3A_4261 : vector<16xf32>
      %add3A_4263 = arith.addf %add3A_4237, %mul3A_4262 : vector<16xf32>
      %add3A_4264 = arith.constant 160 : i32
      %add3A_4265 = vector.broadcast %add3A_4264 : i32 to vector<16xi32>
      %add3A_4266 = arith.addi %add3A_3835, %add3A_4265 : vector<16xi32>
      %gather3A_4267 = tpu.vector_load_idx %arg13[%add3A_4266, %add3A_4211] : memref<256x128xf32, #tpu.memory_space<vmem>>[vector<16xi32>, vector<16xi32>], vector<16xf32>,
      %mul3A_4268 = arith.mulf %gather3A_4267, %get3A_3871 : vector<16xf32>
      %add3A_4269 = arith.constant 1 : i32
      %add3A_4270 = vector.broadcast %add3A_4269 : i32 to vector<16xi32>
      %add3A_4271 = arith.addi %add3A_4211, %add3A_4270 : vector<16xi32>
      %gather3A_4272 = tpu.vector_load_idx %arg13[%add3A_4266, %add3A_4271] : memref<256x128xf32, #tpu.memory_space<vmem>>[vector<16xi32>, vector<16xi32>], vector<16xf32>,
      %mul3A_4273 = arith.mulf %gather3A_4272, %get3A_3875 : vector<16xf32>
      %add3A_4274 = arith.addf %mul3A_4268, %mul3A_4273 : vector<16xf32>
      %add3A_4275 = arith.constant 2 : i32
      %add3A_4276 = vector.broadcast %add3A_4275 : i32 to vector<16xi32>
      %add3A_4277 = arith.addi %add3A_4211, %add3A_4276 : vector<16xi32>
      %gather3A_4278 = tpu.vector_load_idx %arg13[%add3A_4266, %add3A_4277] : memref<256x128xf32, #tpu.memory_space<vmem>>[vector<16xi32>, vector<16xi32>], vector<16xf32>,
      %mul3A_4279 = arith.mulf %gather3A_4278, %get3A_3879 : vector<16xf32>
      %add3A_4280 = arith.addf %add3A_4274, %mul3A_4279 : vector<16xf32>
      %add3A_4281 = arith.constant 3 : i32
      %add3A_4282 = vector.broadcast %add3A_4281 : i32 to vector<16xi32>
      %add3A_4283 = arith.addi %add3A_4211, %add3A_4282 : vector<16xi32>
      %gather3A_4284 = tpu.vector_load_idx %arg13[%add3A_4266, %add3A_4283] : memref<256x128xf32, #tpu.memory_space<vmem>>[vector<16xi32>, vector<16xi32>], vector<16xf32>,
      %mul3A_4285 = arith.mulf %gather3A_4284, %get3A_3883 : vector<16xf32>
      %add3A_4286 = arith.addf %add3A_4280, %mul3A_4285 : vector<16xf32>
      %mul3A_4287 = arith.mulf %get3A_3847, %get3A_3867 : vector<16xf32>
      %mul3A_4288 = arith.mulf %add3A_4286, %mul3A_4287 : vector<16xf32>
      %add3A_4289 = arith.addf %add3A_4263, %mul3A_4288 : vector<16xf32>
      %add3A_4290 = arith.constant 224 : i32
      %add3A_4291 = vector.broadcast %add3A_4290 : i32 to vector<16xi32>
      %add3A_4292 = arith.addi %add3A_3835, %add3A_4291 : vector<16xi32>
      %gather3A_4293 = tpu.vector_load_idx %arg13[%add3A_4292, %add3A_4211] : memref<256x128xf32, #tpu.memory_space<vmem>>[vector<16xi32>, vector<16xi32>], vector<16xf32>,
      %mul3A_4294 = arith.mulf %gather3A_4293, %get3A_3871 : vector<16xf32>
      %add3A_4295 = arith.constant 1 : i32
      %add3A_4296 = vector.broadcast %add3A_4295 : i32 to vector<16xi32>
      %add3A_4297 = arith.addi %add3A_4211, %add3A_4296 : vector<16xi32>
      %gather3A_4298 = tpu.vector_load_idx %arg13[%add3A_4292, %add3A_4297] : memref<256x128xf32, #tpu.memory_space<vmem>>[vector<16xi32>, vector<16xi32>], vector<16xf32>,
      %mul3A_4299 = arith.mulf %gather3A_4298, %get3A_3875 : vector<16xf32>
      %add3A_4300 = arith.addf %mul3A_4294, %mul3A_4299 : vector<16xf32>
      %add3A_4301 = arith.constant 2 : i32
      %add3A_4302 = vector.broadcast %add3A_4301 : i32 to vector<16xi32>
      %add3A_4303 = arith.addi %add3A_4211, %add3A_4302 : vector<16xi32>
      %gather3A_4304 = tpu.vector_load_idx %arg13[%add3A_4292, %add3A_4303] : memref<256x128xf32, #tpu.memory_space<vmem>>[vector<16xi32>, vector<16xi32>], vector<16xf32>,
      %mul3A_4305 = arith.mulf %gather3A_4304, %get3A_3879 : vector<16xf32>
      %add3A_4306 = arith.addf %add3A_4300, %mul3A_4305 : vector<16xf32>
      %add3A_4307 = arith.constant 3 : i32
      %add3A_4308 = vector.broadcast %add3A_4307 : i32 to vector<16xi32>
      %add3A_4309 = arith.addi %add3A_4211, %add3A_4308 : vector<16xi32>
      %gather3A_4310 = tpu.vector_load_idx %arg13[%add3A_4292, %add3A_4309] : memref<256x128xf32, #tpu.memory_space<vmem>>[vector<16xi32>, vector<16xi32>], vector<16xf32>,
      %mul3A_4311 = arith.mulf %gather3A_4310, %get3A_3883 : vector<16xf32>
      %add3A_4312 = arith.addf %add3A_4306, %mul3A_4311 : vector<16xf32>
      %mul3A_4313 = arith.mulf %get3A_3851, %get3A_3867 : vector<16xf32>
      %mul3A_4314 = arith.mulf %add3A_4312, %mul3A_4313 : vector<16xf32>
      %add3A_4315 = arith.addf %add3A_4289, %mul3A_4314 : vector<16xf32>
      %mul3A_4316 = arith.constant 32 : i32
      %mul3A_4317 = arith.muli %add3A_3343, %mul3A_4316 : i32
      %add3A_4318 = arith.constant 16 : i32
      %add3A_4319 = arith.addi %mul3A_4317, %add3A_4318 : i32
      %swap3A_4320 = arith.index_cast %add3A_4319 : i32 to index
      %swap3A_4321 = tpu.vector_load %arg18[%swap3A_4320] {strides = array<i32>} : memref<3136xf32, #tpu.memory_space<vmem>>, vector<16xf32>,
      tpu.vector_store %arg18[%swap3A_4320], %add3A_4315 {strides = array<i32>} : memref<3136xf32, #tpu.memory_space<vmem>>, vector<16xf32>,
    }
    %scan3A_683 = arith.constant 49 : i32
    %dma_wait3A = arith.constant 0 : i32
    %dma_wait3A_684 = arith.constant 0 : i32
    %dma_wait3A_685 = tpu.memref_slice %arg12[%dma_wait3A, %dma_wait3A_684] : memref<256x128xf32, #tpu.memory_space<vmem>> -> memref<32x128xf32, #tpu.memory_space<vmem>>
    %dma_wait3A_686 = arith.constant 0 : i32
    %dma_wait3A_687 = arith.constant 0 : i32
    %dma_wait3A_688 = tpu.memref_slice %arg2[%dma_wait3A_686, %dma_wait3A_687] : memref<4096x128xf32, #tpu.memory_space<hbm>> -> memref<32x128xf32, #tpu.memory_space<hbm>>
    %dma_wait3A_689 = arith.constant 0 : i32
    %dma_wait3A_690 = arith.constant 0 : i32
    %dma_wait3A_691 = tpu.memref_slice %arg12[%dma_wait3A_689, %dma_wait3A_690] : memref<256x128xf32, #tpu.memory_space<vmem>> -> memref<32x128xf32, #tpu.memory_space<vmem>>
    %dma_wait3A_692 = arith.constant 0 : i32
    %dma_wait3A_693 = arith.constant 0 : i32
    %dma_wait3A_694 = tpu.memref_slice %arg2[%dma_wait3A_692, %dma_wait3A_693] : memref<4096x128xf32, #tpu.memory_space<hbm>> -> memref<32x128xf32, #tpu.memory_space<hbm>>
    tpu.wait_dma2 semaphore(%arg19 : memref<!tpu.dma_semaphore, #tpu.memory_space<semaphore_mem>>) src(%dma_wait3A_694 : memref<32x128xf32, #tpu.memory_space<hbm>>) dst(%dma_wait3A_691 : memref<32x128xf32, #tpu.memory_space<vmem>>)
    %dma_wait3A_695 = arith.constant 32 : i32
    %dma_wait3A_696 = arith.constant 0 : i32
    %dma_wait3A_697 = tpu.memref_slice %arg12[%dma_wait3A_695, %dma_wait3A_696] : memref<256x128xf32, #tpu.memory_space<vmem>> -> memref<32x128xf32, #tpu.memory_space<vmem>>
    %dma_wait3A_698 = arith.constant 0 : i32
    %dma_wait3A_699 = arith.constant 0 : i32
    %dma_wait3A_700 = tpu.memref_slice %arg2[%dma_wait3A_698, %dma_wait3A_699] : memref<4096x128xf32, #tpu.memory_space<hbm>> -> memref<32x128xf32, #tpu.memory_space<hbm>>
    %dma_wait3A_701 = arith.constant 32 : i32
    %dma_wait3A_702 = arith.constant 0 : i32
    %dma_wait3A_703 = tpu.memref_slice %arg12[%dma_wait3A_701, %dma_wait3A_702] : memref<256x128xf32, #tpu.memory_space<vmem>> -> memref<32x128xf32, #tpu.memory_space<vmem>>
    %dma_wait3A_704 = arith.constant 0 : i32
    %dma_wait3A_705 = arith.constant 0 : i32
    %dma_wait3A_706 = tpu.memref_slice %arg2[%dma_wait3A_704, %dma_wait3A_705] : memref<4096x128xf32, #tpu.memory_space<hbm>> -> memref<32x128xf32, #tpu.memory_space<hbm>>
    tpu.wait_dma2 semaphore(%arg19 : memref<!tpu.dma_semaphore, #tpu.memory_space<semaphore_mem>>) src(%dma_wait3A_706 : memref<32x128xf32, #tpu.memory_space<hbm>>) dst(%dma_wait3A_703 : memref<32x128xf32, #tpu.memory_space<vmem>>)
    %dma_wait3A_707 = arith.constant 64 : i32
    %dma_wait3A_708 = arith.constant 0 : i32
    %dma_wait3A_709 = tpu.memref_slice %arg12[%dma_wait3A_707, %dma_wait3A_708] : memref<256x128xf32, #tpu.memory_space<vmem>> -> memref<32x128xf32, #tpu.memory_space<vmem>>
    %dma_wait3A_710 = arith.constant 0 : i32
    %dma_wait3A_711 = arith.constant 0 : i32
    %dma_wait3A_712 = tpu.memref_slice %arg2[%dma_wait3A_710, %dma_wait3A_711] : memref<4096x128xf32, #tpu.memory_space<hbm>> -> memref<32x128xf32, #tpu.memory_space<hbm>>
    %dma_wait3A_713 = arith.constant 64 : i32
    %dma_wait3A_714 = arith.constant 0 : i32
    %dma_wait3A_715 = tpu.memref_slice %arg12[%dma_wait3A_713, %dma_wait3A_714] : memref<256x128xf32, #tpu.memory_space<vmem>> -> memref<32x128xf32, #tpu.memory_space<vmem>>
    %dma_wait3A_716 = arith.constant 0 : i32
    %dma_wait3A_717 = arith.constant 0 : i32
    %dma_wait3A_718 = tpu.memref_slice %arg2[%dma_wait3A_716, %dma_wait3A_717] : memref<4096x128xf32, #tpu.memory_space<hbm>> -> memref<32x128xf32, #tpu.memory_space<hbm>>
    tpu.wait_dma2 semaphore(%arg19 : memref<!tpu.dma_semaphore, #tpu.memory_space<semaphore_mem>>) src(%dma_wait3A_718 : memref<32x128xf32, #tpu.memory_space<hbm>>) dst(%dma_wait3A_715 : memref<32x128xf32, #tpu.memory_space<vmem>>)
    %dma_wait3A_719 = arith.constant 96 : i32
    %dma_wait3A_720 = arith.constant 0 : i32
    %dma_wait3A_721 = tpu.memref_slice %arg12[%dma_wait3A_719, %dma_wait3A_720] : memref<256x128xf32, #tpu.memory_space<vmem>> -> memref<32x128xf32, #tpu.memory_space<vmem>>
    %dma_wait3A_722 = arith.constant 0 : i32
    %dma_wait3A_723 = arith.constant 0 : i32
    %dma_wait3A_724 = tpu.memref_slice %arg2[%dma_wait3A_722, %dma_wait3A_723] : memref<4096x128xf32, #tpu.memory_space<hbm>> -> memref<32x128xf32, #tpu.memory_space<hbm>>
    %dma_wait3A_725 = arith.constant 96 : i32
    %dma_wait3A_726 = arith.constant 0 : i32
    %dma_wait3A_727 = tpu.memref_slice %arg12[%dma_wait3A_725, %dma_wait3A_726] : memref<256x128xf32, #tpu.memory_space<vmem>> -> memref<32x128xf32, #tpu.memory_space<vmem>>
    %dma_wait3A_728 = arith.constant 0 : i32
    %dma_wait3A_729 = arith.constant 0 : i32
    %dma_wait3A_730 = tpu.memref_slice %arg2[%dma_wait3A_728, %dma_wait3A_729] : memref<4096x128xf32, #tpu.memory_space<hbm>> -> memref<32x128xf32, #tpu.memory_space<hbm>>
    tpu.wait_dma2 semaphore(%arg19 : memref<!tpu.dma_semaphore, #tpu.memory_space<semaphore_mem>>) src(%dma_wait3A_730 : memref<32x128xf32, #tpu.memory_space<hbm>>) dst(%dma_wait3A_727 : memref<32x128xf32, #tpu.memory_space<vmem>>)
    %dma_wait3A_731 = arith.constant 128 : i32
    %dma_wait3A_732 = arith.constant 0 : i32
    %dma_wait3A_733 = tpu.memref_slice %arg12[%dma_wait3A_731, %dma_wait3A_732] : memref<256x128xf32, #tpu.memory_space<vmem>> -> memref<32x128xf32, #tpu.memory_space<vmem>>
    %dma_wait3A_734 = arith.constant 0 : i32
    %dma_wait3A_735 = arith.constant 0 : i32
    %dma_wait3A_736 = tpu.memref_slice %arg2[%dma_wait3A_734, %dma_wait3A_735] : memref<4096x128xf32, #tpu.memory_space<hbm>> -> memref<32x128xf32, #tpu.memory_space<hbm>>
    %dma_wait3A_737 = arith.constant 128 : i32
    %dma_wait3A_738 = arith.constant 0 : i32
    %dma_wait3A_739 = tpu.memref_slice %arg12[%dma_wait3A_737, %dma_wait3A_738] : memref<256x128xf32, #tpu.memory_space<vmem>> -> memref<32x128xf32, #tpu.memory_space<vmem>>
    %dma_wait3A_740 = arith.constant 0 : i32
    %dma_wait3A_741 = arith.constant 0 : i32
    %dma_wait3A_742 = tpu.memref_slice %arg2[%dma_wait3A_740, %dma_wait3A_741] : memref<4096x128xf32, #tpu.memory_space<hbm>> -> memref<32x128xf32, #tpu.memory_space<hbm>>
    tpu.wait_dma2 semaphore(%arg19 : memref<!tpu.dma_semaphore, #tpu.memory_space<semaphore_mem>>) src(%dma_wait3A_742 : memref<32x128xf32, #tpu.memory_space<hbm>>) dst(%dma_wait3A_739 : memref<32x128xf32, #tpu.memory_space<vmem>>)
    %dma_wait3A_743 = arith.constant 160 : i32
    %dma_wait3A_744 = arith.constant 0 : i32
    %dma_wait3A_745 = tpu.memref_slice %arg12[%dma_wait3A_743, %dma_wait3A_744] : memref<256x128xf32, #tpu.memory_space<vmem>> -> memref<32x128xf32, #tpu.memory_space<vmem>>
    %dma_wait3A_746 = arith.constant 0 : i32
    %dma_wait3A_747 = arith.constant 0 : i32
    %dma_wait3A_748 = tpu.memref_slice %arg2[%dma_wait3A_746, %dma_wait3A_747] : memref<4096x128xf32, #tpu.memory_space<hbm>> -> memref<32x128xf32, #tpu.memory_space<hbm>>
    %dma_wait3A_749 = arith.constant 160 : i32
    %dma_wait3A_750 = arith.constant 0 : i32
    %dma_wait3A_751 = tpu.memref_slice %arg12[%dma_wait3A_749, %dma_wait3A_750] : memref<256x128xf32, #tpu.memory_space<vmem>> -> memref<32x128xf32, #tpu.memory_space<vmem>>
    %dma_wait3A_752 = arith.constant 0 : i32
    %dma_wait3A_753 = arith.constant 0 : i32
    %dma_wait3A_754 = tpu.memref_slice %arg2[%dma_wait3A_752, %dma_wait3A_753] : memref<4096x128xf32, #tpu.memory_space<hbm>> -> memref<32x128xf32, #tpu.memory_space<hbm>>
    tpu.wait_dma2 semaphore(%arg19 : memref<!tpu.dma_semaphore, #tpu.memory_space<semaphore_mem>>) src(%dma_wait3A_754 : memref<32x128xf32, #tpu.memory_space<hbm>>) dst(%dma_wait3A_751 : memref<32x128xf32, #tpu.memory_space<vmem>>)
    %dma_wait3A_755 = arith.constant 192 : i32
    %dma_wait3A_756 = arith.constant 0 : i32
    %dma_wait3A_757 = tpu.memref_slice %arg12[%dma_wait3A_755, %dma_wait3A_756] : memref<256x128xf32, #tpu.memory_space<vmem>> -> memref<32x128xf32, #tpu.memory_space<vmem>>
    %dma_wait3A_758 = arith.constant 0 : i32
    %dma_wait3A_759 = arith.constant 0 : i32
    %dma_wait3A_760 = tpu.memref_slice %arg2[%dma_wait3A_758, %dma_wait3A_759] : memref<4096x128xf32, #tpu.memory_space<hbm>> -> memref<32x128xf32, #tpu.memory_space<hbm>>
    %dma_wait3A_761 = arith.constant 192 : i32
    %dma_wait3A_762 = arith.constant 0 : i32
    %dma_wait3A_763 = tpu.memref_slice %arg12[%dma_wait3A_761, %dma_wait3A_762] : memref<256x128xf32, #tpu.memory_space<vmem>> -> memref<32x128xf32, #tpu.memory_space<vmem>>
    %dma_wait3A_764 = arith.constant 0 : i32
    %dma_wait3A_765 = arith.constant 0 : i32
    %dma_wait3A_766 = tpu.memref_slice %arg2[%dma_wait3A_764, %dma_wait3A_765] : memref<4096x128xf32, #tpu.memory_space<hbm>> -> memref<32x128xf32, #tpu.memory_space<hbm>>
    tpu.wait_dma2 semaphore(%arg19 : memref<!tpu.dma_semaphore, #tpu.memory_space<semaphore_mem>>) src(%dma_wait3A_766 : memref<32x128xf32, #tpu.memory_space<hbm>>) dst(%dma_wait3A_763 : memref<32x128xf32, #tpu.memory_space<vmem>>)
    %dma_wait3A_767 = arith.constant 224 : i32
    %dma_wait3A_768 = arith.constant 0 : i32
    %dma_wait3A_769 = tpu.memref_slice %arg12[%dma_wait3A_767, %dma_wait3A_768] : memref<256x128xf32, #tpu.memory_space<vmem>> -> memref<32x128xf32, #tpu.memory_space<vmem>>
    %dma_wait3A_770 = arith.constant 0 : i32
    %dma_wait3A_771 = arith.constant 0 : i32
    %dma_wait3A_772 = tpu.memref_slice %arg2[%dma_wait3A_770, %dma_wait3A_771] : memref<4096x128xf32, #tpu.memory_space<hbm>> -> memref<32x128xf32, #tpu.memory_space<hbm>>
    %dma_wait3A_773 = arith.constant 224 : i32
    %dma_wait3A_774 = arith.constant 0 : i32
    %dma_wait3A_775 = tpu.memref_slice %arg12[%dma_wait3A_773, %dma_wait3A_774] : memref<256x128xf32, #tpu.memory_space<vmem>> -> memref<32x128xf32, #tpu.memory_space<vmem>>
    %dma_wait3A_776 = arith.constant 0 : i32
    %dma_wait3A_777 = arith.constant 0 : i32
    %dma_wait3A_778 = tpu.memref_slice %arg2[%dma_wait3A_776, %dma_wait3A_777] : memref<4096x128xf32, #tpu.memory_space<hbm>> -> memref<32x128xf32, #tpu.memory_space<hbm>>
    tpu.wait_dma2 semaphore(%arg19 : memref<!tpu.dma_semaphore, #tpu.memory_space<semaphore_mem>>) src(%dma_wait3A_778 : memref<32x128xf32, #tpu.memory_space<hbm>>) dst(%dma_wait3A_775 : memref<32x128xf32, #tpu.memory_space<vmem>>)
    "tpu.region"() ({
      %run_scoped3A = tpu.sem_alloc : memref<!tpu.dma_semaphore, #tpu.memory_space<semaphore_mem>>
      %dma_start3A_779 = tpu.memref_slice %arg6[%mul3A_2] : memref<100352xf32, #tpu.memory_space<hbm>> -> memref<3136xf32, #tpu.memory_space<hbm>>
      %dma_start3A_780 = tpu.memref_slice %arg6[%mul3A_2] : memref<100352xf32, #tpu.memory_space<hbm>> -> memref<3136xf32, #tpu.memory_space<hbm>>
      tpu.enqueue_dma source(%arg18 : memref<3136xf32, #tpu.memory_space<vmem>>) target(%dma_start3A_780 : memref<3136xf32, #tpu.memory_space<hbm>>) target_semaphore(%run_scoped3A : memref<!tpu.dma_semaphore, #tpu.memory_space<semaphore_mem>>)
      %dma_wait3A_781 = tpu.memref_slice %arg6[%mul3A_2] : memref<100352xf32, #tpu.memory_space<hbm>> -> memref<3136xf32, #tpu.memory_space<hbm>>
      %dma_wait3A_782 = tpu.memref_slice %arg6[%mul3A_2] : memref<100352xf32, #tpu.memory_space<hbm>> -> memref<3136xf32, #tpu.memory_space<hbm>>
      tpu.wait_dma2 semaphore(%run_scoped3A : memref<!tpu.dma_semaphore, #tpu.memory_space<semaphore_mem>>) src(%arg18 : memref<3136xf32, #tpu.memory_space<vmem>>) dst(%dma_wait3A_782 : memref<3136xf32, #tpu.memory_space<hbm>>)
      tpu.yield
    }) : () -> ()
    return
  }
}

module attributes {stable_mosaic.version = 14 : i64} {
  func.func @_collapse_body(%arg0: i32, %arg1: memref<4xi32, #tpu.memory_space<smem>>, %arg2: memref<4xf32, #tpu.memory_space<smem>>, %arg3: memref<1x64x64x64xf32, #tpu.memory_space<vmem>>, %arg4: memref<2x64x64x64xf32, #tpu.memory_space<vmem>>) attributes {dimension_semantics = [#tpu.dimension_semantics<arbitrary>], iteration_bounds = array<i64: 4>, scalar_prefetch = 1 : i64, scratch_operands = 0 : i64, tpu.core_type = #tpu.core_type<tc>, window_params = [{transform_indices = @transform_0, window_bounds = array<i64: 4>}, {transform_indices = @transform_1, window_bounds = array<i64: 1, 64, 64, 64>}, {pipeline_mode = #tpu.pipeline_mode<synchronous>, transform_indices = @transform_2, window_bounds = array<i64: 2, 64, 64, 64>}]} {
    %get3A = arith.index_cast %arg0 : i32 to index
    %get3A_0 = memref.load %arg2[%get3A] : memref<4xf32, #tpu.memory_space<smem>>
    %get3A_1 = arith.constant 0 : index
    %get3A_2 = arith.constant 0 : index
    %get3A_3 = arith.constant 0 : index
    %get3A_4 = arith.constant 0 : index
    %get3A_5 = vector.load %arg3[%get3A_1, %get3A_2, %get3A_3, %get3A_4] : memref<1x64x64x64xf32, #tpu.memory_space<vmem>>, vector<1x64x64x64xf32>
    %get3A_6 = vector.shape_cast %get3A_5 : vector<1x64x64x64xf32> to vector<64x64x64xf32>
    %eq3A = arith.constant 0 : i32
    %eq3A_7 = arith.cmpi eq, %arg0, %eq3A : i32
    %convert_element_type3A = arith.extui %eq3A_7 : i1 to i32
    %cond3A = arith.constant 0 : i32
    %cond3A_8 = arith.cmpi ne, %convert_element_type3A, %cond3A : i32
    scf.if %cond3A_8 {
      %broadcast_in_dim3A = arith.constant 0.000000e+00 : f32
      %broadcast_in_dim3A_39 = vector.broadcast %broadcast_in_dim3A : f32 to vector<2x64x64x64xf32>
      %swap3A_40 = arith.constant 0 : index
      %swap3A_41 = arith.constant 0 : index
      %swap3A_42 = arith.constant 0 : index
      %swap3A_43 = arith.constant 0 : index
      %swap3A_44 = vector.load %arg4[%swap3A_40, %swap3A_41, %swap3A_42, %swap3A_43] : memref<2x64x64x64xf32, #tpu.memory_space<vmem>>, vector<2x64x64x64xf32>
      tpu.vector_store %arg4[%swap3A_40, %swap3A_41, %swap3A_42, %swap3A_43], %broadcast_in_dim3A_39 {strides = array<i32>} : memref<2x64x64x64xf32, #tpu.memory_space<vmem>>, vector<2x64x64x64xf32>,
    } else {
    }
    %get3A_9 = arith.constant 0 : index
    %get3A_10 = arith.constant 0 : index
    %get3A_11 = arith.constant 0 : index
    %get3A_12 = arith.constant 0 : index
    %get3A_13 = vector.load %arg4[%get3A_9, %get3A_10, %get3A_11, %get3A_12] : memref<2x64x64x64xf32, #tpu.memory_space<vmem>>, vector<1x64x64x64xf32>
    %get3A_14 = vector.shape_cast %get3A_13 : vector<1x64x64x64xf32> to vector<64x64x64xf32>
    %mul3A = vector.broadcast %get3A_0 : f32 to vector<64x64x64xf32>
    %mul3A_15 = arith.mulf %mul3A, %get3A_6 : vector<64x64x64xf32>
    %add3A = arith.addf %get3A_14, %mul3A_15 : vector<64x64x64xf32>
    %swap3A = arith.constant 0 : index
    %swap3A_16 = arith.constant 0 : index
    %swap3A_17 = arith.constant 0 : index
    %swap3A_18 = arith.constant 0 : index
    %swap3A_19 = vector.load %arg4[%swap3A, %swap3A_16, %swap3A_17, %swap3A_18] : memref<2x64x64x64xf32, #tpu.memory_space<vmem>>, vector<1x64x64x64xf32>
    %swap3A_20 = vector.shape_cast %swap3A_19 : vector<1x64x64x64xf32> to vector<64x64x64xf32>
    %swap3A_21 = vector.shape_cast %add3A : vector<64x64x64xf32> to vector<1x64x64x64xf32>
    tpu.vector_store %arg4[%swap3A, %swap3A_16, %swap3A_17, %swap3A_18], %swap3A_21 {strides = array<i32>} : memref<2x64x64x64xf32, #tpu.memory_space<vmem>>, vector<1x64x64x64xf32>,
    %slice3A = vector.extract_strided_slice %get3A_6 {offsets = [0, 1, 0], sizes = [64, 63, 64], strides = [1, 1, 1]} : vector<64x64x64xf32> to vector<64x63x64xf32>
    %slice3A_22 = vector.extract_strided_slice %get3A_6 {offsets = [0, 0, 0], sizes = [64, 1, 64], strides = [1, 1, 1]} : vector<64x64x64xf32> to vector<64x1x64xf32>
    %concatenate3A = tpu.concatenate %slice3A, %slice3A_22 in 1 : vector<64x63x64xf32>, vector<64x1x64xf32> -> vector<64x64x64xf32>
    %get3A_23 = arith.constant 1 : index
    %get3A_24 = arith.constant 0 : index
    %get3A_25 = arith.constant 0 : index
    %get3A_26 = arith.constant 0 : index
    %get3A_27 = vector.load %arg4[%get3A_23, %get3A_24, %get3A_25, %get3A_26] : memref<2x64x64x64xf32, #tpu.memory_space<vmem>>, vector<1x64x64x64xf32>
    %get3A_28 = vector.shape_cast %get3A_27 : vector<1x64x64x64xf32> to vector<64x64x64xf32>
    %mul3A_29 = vector.broadcast %get3A_0 : f32 to vector<64x64x64xf32>
    %mul3A_30 = arith.mulf %mul3A_29, %concatenate3A : vector<64x64x64xf32>
    %add3A_31 = arith.addf %get3A_28, %mul3A_30 : vector<64x64x64xf32>
    %swap3A_32 = arith.constant 1 : index
    %swap3A_33 = arith.constant 0 : index
    %swap3A_34 = arith.constant 0 : index
    %swap3A_35 = arith.constant 0 : index
    %swap3A_36 = vector.load %arg4[%swap3A_32, %swap3A_33, %swap3A_34, %swap3A_35] : memref<2x64x64x64xf32, #tpu.memory_space<vmem>>, vector<1x64x64x64xf32>
    %swap3A_37 = vector.shape_cast %swap3A_36 : vector<1x64x64x64xf32> to vector<64x64x64xf32>
    %swap3A_38 = vector.shape_cast %add3A_31 : vector<64x64x64xf32> to vector<1x64x64x64xf32>
    tpu.vector_store %arg4[%swap3A_32, %swap3A_33, %swap3A_34, %swap3A_35], %swap3A_38 {strides = array<i32>} : memref<2x64x64x64xf32, #tpu.memory_space<vmem>>, vector<1x64x64x64xf32>,
    return
  }
  func.func @transform_0(%arg0: i32, %arg1: memref<4xi32, #tpu.memory_space<smem>>) -> i32 {
    %c0_i32 = arith.constant 0 : i32
    %c0_i32_0 = arith.constant 0 : i32
    return %c0_i32 : i32
  }
  func.func @transform_1(%arg0: i32, %arg1: memref<4xi32, #tpu.memory_space<smem>>) -> (i32, i32, i32, i32) {
    %get3A = arith.index_cast %arg0 : i32 to index
    %get3A_0 = memref.load %arg1[%get3A] : memref<4xi32, #tpu.memory_space<smem>>
    %c0_i32 = arith.constant 0 : i32
    %c0_i32_1 = arith.constant 0 : i32
    %c0_i32_2 = arith.constant 0 : i32
    %c0_i32_3 = arith.constant 0 : i32
    return %get3A_0, %c0_i32, %c0_i32_1, %c0_i32_2 : i32, i32, i32, i32
  }
  func.func @transform_2(%arg0: i32, %arg1: memref<4xi32, #tpu.memory_space<smem>>) -> (i32, i32, i32, i32) {
    %c0_i32 = arith.constant 0 : i32
    %c0_i32_0 = arith.constant 0 : i32
    %c0_i32_1 = arith.constant 0 : i32
    %c0_i32_2 = arith.constant 0 : i32
    %c0_i32_3 = arith.constant 0 : i32
    return %c0_i32, %c0_i32_0, %c0_i32_1, %c0_i32_2 : i32, i32, i32, i32
  }
}

</mosaic_0001>

<sc_bundles>
// kernel: kernel.4.cloned.1.call-start
scs
__scs_entry_jumppad:
0x0: {  	(pc) =	sbr.rel $0x88, $3  }
0x1: {  	(tag) =	ssettag $0x0;
	lr =	simm.s32 $0x1  }
0x2: {  	[smem:$0x3F9E] =	sst lr;
	_ =	strace $0xD0000000  }
0x3: {  	_ = 	snop  }
0x4: {  	_ = 	snop  }
0x5: {  	_ = 	snop  }
0x6: {  	_ = 	snop  }
0x7: {  	_ = 	snop  }
__scs_overlays_trampoline_lowered:
0x8: {  	[smem:$0x3FAD] =	sst s0  }
0x9: {  	[smem:$0x3FAE] =	sst s1  }
0xa: {  	[smem:$0x3FAF] =	sst s2  }
0xb: {  	[smem:$0x3FB0] =	sst s3  }
0xc: {  	[smem:$0x3FB1] =	sst s4  }
0xd: {  	[smem:$0x3FB2] =	sst s5  }
0xe: {  	[smem:$0x3FB3] =	sst s6  }
0xf: {  	[smem:$0x3FB4] =	sst s7  }
0x10: {  	[smem:$0x3FB5] =	sst s8  }
0x11: {  	[smem:$0x3FB6] =	sst s9;
	s0 =	simm.s32 @!p0 $0x0  }
0x12: {  	s1 =	sld [smem:$0x3F9C];
	s0 =	simm.s32 @p0 $0x1  }
0x13: {  	[smem:$0x3FB7] =	sst s0;
	s0 =	simm.s32 @!p1 $0x0  }
0x14: {  	s2 =	sld [smem:$0x3F9B];
	s0 =	simm.s32 @p1 $0x1  }
0x15: {  	[smem:$0x3FB8] =	sst s0;
	s0 =	simm.s32 @!p2 $0x0  }
0x16: {  	s3 =	sld [smem:$0x3FDB];
	s0 =	simm.s32 @p2 $0x1  }
0x17: {  	s4 =	simm.s32 $0x1BF5;
	[smem:$0x3FBA] =	sst s0  }
0x18: {  	s0 =	sld [smem:$0x3F9D];
	_ =	swait.ge [sflag:s4], $0x0  }
0x19: {  	s7 =	sld [smem:$0x3F9E]  }
0x1a: {  	s8 =	sadd.s32 $0xFFFFE003, lr  }
0x1b: {  	s9 =	sadd.s32 $0xFFFFFEF7, lr;
	s5 =	simm.s32 $0xFFFFFFFF;
	p2 =	slt.u32 s8, $0xFFFFF086  }
0x1c: {  	p1 =	slt.u32 s9, $0xF7A;
	s5 =	simm.s32 @!p2 $0x0  }
0x1d: {  	s5 =	simm.s32 @p1 $0x1;
	p0 =	seq.s32 s7, s2  }
0x1e: {  	s7 =	smul.u32 @!p0 $0xF7A, s2;
	p2 =	seq.s32 @!p0 s5, $0x0  }
0x1f: {  	s9 =	smul.u32 $0xF7A, s1;
	s8 =	simm.s32 @!p0 $0x1BF5;
	p2 =	por !p2, p0  }
0x20: {  	[sflag:s8] =	ssyncset.s32 @!p0 $0xFFFFF086;
	s6 =	sadd.s32 @!p0 s3, s7;
	s7 =	simm.s32 @!p0 $0x108  }
0x21: {  	s3 =	sadd.s32 s3, s9;
	s6 =	sadd.s32 @!p0 $0x88, s6;
	s7 =	simm.s32 @p2 $0x1082  }
0x22: {  	[simem:s7], [sflag:s8] =	dma.local @!p0 [hbm:s6], $0xF7A  }
0x23: {  	s9 =	sor.u32 $0xD0000000, s2;
	s6 =	simm.s32 $0x108;
	_ =	swait.ge @!p0 [sflag:s8], $0x0  }
0x24: {  	s3 =	sadd.s32 $0x88, s3;
	s6 =	simm.s32 @!p1 $0x1082;
	[sflag:s4] =	ssyncset.s32 $0xFFFFF086  }
0x25: {  	[simem:s6], [sflag:s4] =	dma.local [hbm:s3], $0xF7A  }
0x26: {  	[smem:$0x3F9E] =	sst s1;
	(tag) =	ssettag s2;
	_ =	strace s9  }
0x27: {  	s1 =	sld [smem:$0x3FAE]  }
0x28: {  	s2 =	sld [smem:$0x3FAF]  }
0x29: {  	s4 =	sld [smem:$0x3FB1]  }
0x2a: {  	p0 =	seq.s32 s5, $0x0;
	s5 =	sld [smem:$0x3FB2]  }
0x2b: {  	s6 =	sld [smem:$0x3FB3]  }
0x2c: {  	s7 =	sld [smem:$0x3FB4]  }
0x2d: {  	s3 =	simm.s32 $0x108;
	s8 =	sld [smem:$0x3FB5]  }
0x2e: {  	s3 =	simm.s32 @!p0 $0x1082;
	s9 =	sld [smem:$0x3FB6]  }
0x2f: {  	lr =	sadd.s32 s0, s3;
	s0 =	sld [smem:$0x3FAD]  }
0x30: {  	s3 =	sld [smem:$0x3FB0]  }
0x31: {  	[smem:$0x3FB9] =	sst s10  }
0x32: {  	s10 =	sld [smem:$0x3FB7];
	_ =	sdelay $0x3  }
0x33: {  	p0 =	seq.s32 s10, $0x1;
	s10 =	sld [smem:$0x3FB9];
	_ =	sdelay $0x3  }
0x34: {  	[smem:$0x3FB9] =	sst s10  }
0x35: {  	s10 =	sld [smem:$0x3FB8];
	_ =	sdelay $0x3  }
0x36: {  	p1 =	seq.s32 s10, $0x1;
	s10 =	sld [smem:$0x3FB9];
	_ =	sdelay $0x3  }
0x37: {  	[smem:$0x3FB9] =	sst s10  }
0x38: {  	s10 =	sld [smem:$0x3FBA]  }
0x39: {  	_ = 	snop;
	(pc) =	sbr.ind lr, $3  }
0x3a: {  	_ = 	snop  }
0x3b: {  	_ = 	snop  }
0x3c: {  	p2 =	seq.s32 s10, $0x1;
	s10 =	sld [smem:$0x3FB9]  }
0x3d: {  	_ =	shalt  }
0x3e: {  	_ =	shalt  }
0x3f: {  	_ =	shalt  }
0x40: {  	_ =	shalt  }
0x41: {  	_ =	shalt  }
0x42: {  	_ =	shalt  }
0x43: {  	_ =	shalt  }
0x44: {  	_ =	shalt  }
0x45: {  	_ =	shalt  }
0x46: {  	_ =	shalt  }
0x47: {  	_ =	shalt  }
0x48: {  	_ =	shalt  }
0x49: {  	_ =	shalt  }
0x4a: {  	_ =	shalt  }
0x4b: {  	_ =	shalt  }
0x4c: {  	_ =	shalt  }
0x4d: {  	_ =	shalt  }
0x4e: {  	_ =	shalt  }
0x4f: {  	_ =	shalt  }
0x50: {  	_ =	shalt  }
0x51: {  	_ =	shalt  }
0x52: {  	_ =	shalt  }
0x53: {  	_ =	shalt  }
0x54: {  	_ =	shalt  }
0x55: {  	_ =	shalt  }
0x56: {  	_ =	shalt  }
0x57: {  	_ =	shalt  }
0x58: {  	_ =	shalt  }
0x59: {  	_ =	shalt  }
0x5a: {  	_ =	shalt  }
0x5b: {  	_ =	shalt  }
0x5c: {  	_ =	shalt  }
0x5d: {  	_ =	shalt  }
0x5e: {  	_ =	shalt  }
0x5f: {  	_ =	shalt  }
0x60: {  	_ =	shalt  }
0x61: {  	_ =	shalt  }
0x62: {  	_ =	shalt  }
0x63: {  	_ =	shalt  }
0x64: {  	_ =	shalt  }
0x65: {  	_ =	shalt  }
0x66: {  	_ =	shalt  }
0x67: {  	_ =	shalt  }
0x68: {  	_ =	shalt  }
0x69: {  	_ =	shalt  }
0x6a: {  	_ =	shalt  }
0x6b: {  	_ =	shalt  }
0x6c: {  	_ =	shalt  }
0x6d: {  	_ =	shalt  }
0x6e: {  	_ =	shalt  }
0x6f: {  	_ =	shalt  }
0x70: {  	_ =	shalt  }
0x71: {  	_ =	shalt  }
0x72: {  	_ =	shalt  }
0x73: {  	_ =	shalt  }
0x74: {  	_ =	shalt  }
0x75: {  	_ =	shalt  }
0x76: {  	_ =	shalt  }
0x77: {  	_ =	shalt  }
0x78: {  	_ =	shalt  }
0x79: {  	_ =	shalt  }
0x7a: {  	_ =	shalt  }
0x7b: {  	_ =	shalt  }
0x7c: {  	_ =	shalt  }
0x7d: {  	_ =	shalt  }
0x7e: {  	_ =	shalt  }
0x7f: {  	_ =	shalt  }
0x80: {  	_ =	shalt  }
0x81: {  	_ =	shalt  }
0x82: {  	_ =	shalt  }
0x83: {  	_ =	shalt  }
0x84: {  	_ =	shalt  }
0x85: {  	_ =	shalt  }
0x86: {  	_ =	shalt  }
0x87: {  	_ =	shalt  }
.Lfunc_end0:
.L_simem_size_0:
called_computation_lowered:
.L_overlay_start_0:
0x88: {  	s2 =	sld [smem:$0x3FD9]  }
0x89: {  	s3 =	sld [smem:$0x3FFE];
	_ =	sdelay $0x1  }
0x8a: {  	s1 =	srdreg.scid  }
0x8b: {  	s0 =	sand.u32 $0x1, s1  }
0x8c: {  	s16 =	sshll.u32 s0, $0xA;
	s2 =	sadd.s32 s3, s2  }
0x8d: {  	s2 =	sadd.s32 s2, s16  }
0x8e: {  	[smem:$0x3FC5] =	sst s2  }
0x8f: {  	_ = 	snop  }
0x90: {  	(tm) =	ssettm $0x1  }
0x91: {  	s17 =	sld [smem:$0x3FFB];
	_ =	sdelay $0x3  }
0x92: {  	_ =	strace s17  }
0x93: {  	s2 =	sld [smem:$0x3FFC];
	_ =	sdelay $0x3  }
0x94: {  	_ =	strace s2  }
0x95: {  	s2 =	sld [smem:$0x3FFD];
	_ =	sdelay $0x3  }
0x96: {  	_ =	strace s2  }
0x97: {  	_ =	strace $0x8FFFFFFF  }
0x98: {  	s18 =	sld [smem:$0x3FDB];
	_ =	sdelay $0x1  }
0x99: {  	s19 =	simm.s32 $_scs_section_size  }
0x9a: {  	s4 =	simm.s32 $_size__tile_overlayer_lowered;
	s5 =	simm.s32 $_tile_overlayer_lowered  }
0x9b: {  	s22 =	simm.s32 $0x1BFF;
	s21 =	sshll.u32 s5, $0x1;
	s2 =	sadd.s32 s19, s18  }
0x9c: {  	s6 =	simm.s32 $0x0;
	s20 =	sshll.u32 s4, $0x1;
	s4 =	sadd.s32 s21, s2  }
0x9d: {  	[timem:s6], [sflag:s22] =	dma.local [hbm:s4], s20  }
0x9e: {  	_ =	swait.ge [sflag:s22], s20  }
0x9f: {  	s3 =	ssub.s32 $0x0, s20;
	[sflag:s22] =	ssyncset.done $0x0  }
0xa0: {  	[sflag:s22] =	ssyncadd.s32 s3;
	_ =	sdelay $0x1  }
0xa1: {  	s23 =	simm.s32 $0x1B8B  }
0xa2: {  	_ =	swait.ge [sflag:s23], $0x1  }
0xa3: {  	[sflag:s23] =	ssyncset.done $0x0  }
0xa4: {  	s25 =	simm.s32 $0x1B8E;
	s24 =	sld [smem:$0x3FFE];
	[sflag:s23] =	ssyncadd.s32 $0xFFFFFFFF  }
0xa5: {  	s26 =	simm.s32 $execute0_lowered;
	[smem:$0x3FD2] =	sst s25  }
0xa6: {  	s4 =	sshll.u32 s26, $0x1;
	_ =	strace $0x80000046;
	[dreg:$0x1] =	wrdreg $0xFFFFFFFF  }
0xa7: {  	s28 =	simm.s32 $_size_execute0_lowered;
	s2 =	sadd.s32 s2, s4;
	[dreg:$0x0] =	wrdreg $0x0  }
0xa8: {  	s4 =	sshll.u32 s28, $0x1;
	[dreg:$0x2] =	wrdreg s2  }
0xa9: {  	[dreg:$0x3] =	wrdreg s4  }
0xaa: {  	[dreg:$0x4] =	wrdreg $0xC0  }
0xab: {  	_ =	task [dreg:s6], $0x5FFFF  }
0xac: {  	[dreg:$0x1] =	wrdreg $0xFFFFFFFF  }
0xad: {  	[dreg:$0x0] =	wrdreg $0x60  }
0xae: {  	[dreg:$0x2] =	wrdreg s24  }
0xaf: {  	[dreg:$0x3] =	wrdreg $0x9  }
0xb0: {  	_ =	task.clear_ibuf [dreg:s6], $0x4FFFF;
	_ =	strace $0x90000046  }
0xb1: {  	s29 =	simm.s32 $0x9;
	_ =	strace $0x80000048  }
0xb2: {  	_ =	swait.ge [sflag:s29], $0x1  }
0xb3: {  	[sflag:s29] =	ssyncadd.s32 $0xFFFFFFFF  }
0xb4: {  	_ =	strace $0x90000048  }
0xb5: {  	_ =	sfence  }
0xb6: {  	s30 =	sld [smem:$0x0];
	_ =	sdelay $0x2  }
0xb7: {  	s31 =	sshll.u32 s1, $0xD;
	s1 =	sshrl.u32 s1, $0x2  }
0xb8: {  	s3 =	sand.u32 $0x4000, s31;
	s1 =	sadd.s32 s1, s30  }
0xb9: {  	s0 =	sor.u32 s3, s0;
	s1 =	sshll.u32 s1, $0x11  }
0xba: {  	s0 =	sor.u32 s1, s0  }
0xbb: {  	s0 =	sadd.s32 $0x8F2B, s0  }
0xbc: {  	[sflag:s0] =	ssyncadd.remote.s32 $0x1  }
0xbd: {  	_ =	sfence.sel $0xFFFF  }
0xbe: {  	[dreg:$0x0] =	wrdreg $0xFFFFFFFF;
	(pc) =	sbr.abs _section_cstart, $3  }
0xbf: {  	[dreg:$0x1] =	wrdreg $0xFFFFFFFF  }
0xc0: {  	_ =	task.clear_ibuf [dreg:s6], $0x2FFFF;
	_ =	strace $0x9FFFFFFF  }
0xc1: {  	(tm) =	ssettm $0x7FFFFFFF  }
tec
execute0_lowered:
.L_overlay_start_1:
0x0: {  	(tag) =	ssettag $0x1  }
0x1: {  	v0 =	vlaneseq.u32  }
0x2: {  	s0 =	srdreg.scid;
	v0 =	vmul.u32 $0x80, v0  }
0x3: {  	s1 =	stileid.u32;
	s2 =	rddreg [dreg:$0x0];
	s8 =	simm.s32 $0x0  }
0x4: {  	s12 =	simm.s32 $0x20;
	s13 =	simm.s32 $0x2580;
	[smem:$0x7FF] =	sst s8;
	v4 =	vor.u32 $0x4000, v0  }
0x5: {  	s14 =	simm.s32 $0x2D80;
	s15 =	simm.s32 $0x2600;
	_ =	strace $0x80000047;
	v5 =	vor.u32 $0x6000, v0;
	[tilespmem:$0x1FED0] =	vst v4  }
0x6: {  	s16 =	simm.s32 $0x3D80;
	s17 =	simm.s32 $0x2680;
	s21 =	simm.s32 $0x2980;
	v6 =	vor.u32 $0x40, v0;
	[tilespmem:$0x1FEE0] =	vst v5  }
0x7: {  	s22 =	simm.s32 $0x2A00;
	s23 =	simm.s32 $0xBD80;
	s24 =	simm.s32 $0x2A80;
	v7 =	vor.u32 $0x41, v0;
	[tilespmem:$0x1FEF0] =	vst v6  }
0x8: {  	s25 =	simm.s32 $0xCD80;
	s26 =	simm.s32 $0x2B00;
	s31 =	simm.s32 $0xDD80;
	v8 =	vor.u32 $0x42, v0;
	[tilespmem:$0x1FF00] =	vst v7  }
0x9: {  	s28 =	simm.s32 $0x2900;
	s29 =	simm.s32 $0x9D80;
	s30 =	simm.s32 $0xAD80;
	v9 =	vor.u32 $0x43, v0;
	[tilespmem:$0x1FF10] =	vst v8  }
0xa: {  	s10 =	simm.s32 $0xFD80;
	s11 =	simm.s32 $0x2C80;
	s4 =	simm.s32 $0x10D80;
	v10 =	vor.u32 $0x2040, v0;
	[tilespmem:$0x1FF20] =	vst v9  }
0xb: {  	s5 =	simm.s32 $0x2D00;
	s6 =	simm.s32 $0x11D80;
	[dreg:$0x2] =	wrdreg s21;
	v11 =	vor.u32 $0x2041, v0;
	[tilespmem:$0x1FF30] =	vst v10  }
0xc: {  	s0 =	sand.u32 $0x1, s0;
	s1 =	sshll.u32 s1, $0x1;
	[dreg:$0x3] =	wrdreg s22;
	v12 =	vor.u32 $0x2042, v0;
	[tilespmem:$0x1FF40] =	vst v11  }
0xd: {  	s7 =	simm.s32 $0x1;
	s1 =	sor.u32 s0, s1;
	[dreg:$0x4] =	wrdreg s23;
	v13 =	vor.u32 $0x2043, v0;
	[tilespmem:$0x1FF50] =	vst v12  }
0xe: {  	s0 =	ssub.s32 $0x2, s0;
	s21 =	simm.s32 $0x2780;
	[dreg:$0x5] =	wrdreg s24;
	v14 =	vor.u32 $0x4040, v0;
	[tilespmem:$0x1FF60] =	vst v13  }
0xf: {  	[dreg:$0x6] =	wrdreg s25;
	s1 =	smul.u32 $0x188, s1;
	s3 =	sshrl.u32 s0, $0x1;
	v15 =	vor.u32 $0x4041, v0;
	[tilespmem:$0x1FF70] =	vst v14  }
0x10: {  	s22 =	simm.s32 $0x6D80;
	[dreg:$0x7] =	wrdreg s26;
	v16 =	vor.u32 $0x4042, v0;
	s0 =	ssub.s32 s0, s3;
	[tilespmem:$0x1FF80] =	vst v15  }
0x11: {  	[dreg:$0x8] =	wrdreg s31;
	v17 =	vor.u32 $0x4043, v0;
	[tilespmem:$0x1FF90] =	vst v16;
	s1 =	sadd.s32 s1, s2;
	s0 =	smax.u32 s0, $0x1  }
0x12: {  	s23 =	simm.s32 $0x2800;
	v18 =	vor.u32 $0x6040, v0;
	[tilespmem:$0x1FFA0] =	vst v17;
	s18 =	sadd.s32 $0x10000, s1;
	[dreg:$0xd] =	wrdreg s0  }
0x13: {  	s24 =	simm.s32 $0x7D80;
	v19 =	vor.u32 $0x6041, v0;
	[tilespmem:$0x1FFB0] =	vst v18;
	s19 =	sadd.s32 $0x13200, s1;
	[dreg:$0x9] =	wrdreg s18  }
0x14: {  	s25 =	simm.s32 $0x2880;
	v20 =	vor.u32 $0x6042, v0;
	[tilespmem:$0x1FFC0] =	vst v19;
	s20 =	sadd.s32 $0x16400, s1;
	[dreg:$0xa] =	wrdreg s19  }
0x15: {  	s26 =	simm.s32 $0x8D80;
	v49 =	vor.u32 $0x6043, v0;
	[tilespmem:$0x1FFD0] =	vst v20;
	s1 =	sadd.s32 $0x19600, s1;
	[dreg:$0xb] =	wrdreg s20  }
0x16: {  	v21 =	vor.u32 $0x1, v0;
	v50 =	vor.u32 $0x1000, v0;
	s3 =	simm.s32 $0x0;
	[tilespmem:$0x1FFE0] =	vst v49;
	[dreg:$0xc] =	wrdreg s1;
	s1 =	simm.s32 $0x2  }
0x17: {  	v22 =	vor.u32 $0x2, v0;
	v23 =	vor.u32 $0x3, v0;
	v63 =	vor.u32 $0x2000, v0;
	[tilespmem:$0x1FFF0] =	vst v50;
	s18 =	simm.s32 $0x4D80;
	s19 =	simm.s32 $0x2700;
	s20 =	simm.s32 $0x5D80  }
.LBB2_1:
0x18: {  	[dreg:$0xe] =	wrdreg s3  }
0x19: {  	s0 =	rddreg [dreg:$0x9]  }
0x1a: {  	[tilespmem:s8], [sflag:$0x2] =	stream.linear.gather [hbm4b:s0+s8], $0xC60, $0x38;
	[tilespmem:$0x14B00] =	vst v63  }
0x1b: {  	_ =	swait.ge [sflag:s1], $0xC60  }
0x1c: {  	[sflag:s1] =	ssyncset.done $0x0  }
0x1d: {  	s31 =	simm.s32 $0xC80;
	s9 =	rddreg [dreg:$0xa];
	[sflag:s1] =	ssyncadd.s32 $0xFFFFF3A0  }
0x1e: {  	[tilespmem:s31], [sflag:$0x2] =	stream.linear.gather [hbm4b:s9+s8], $0xC60, $0x38;
	[tilespmem:$0x14B00] =	vst v63  }
0x1f: {  	_ =	swait.ge [sflag:s1], $0xC60  }
0x20: {  	[sflag:s1] =	ssyncset.done $0x0  }
0x21: {  	s31 =	simm.s32 $0x1900;
	s9 =	rddreg [dreg:$0xb];
	[sflag:s1] =	ssyncadd.s32 $0xFFFFF3A0  }
0x22: {  	[tilespmem:s31], [sflag:$0x2] =	stream.linear.gather [hbm4b:s9+s8], $0xC60, $0x38;
	[tilespmem:$0x14B00] =	vst v63  }
0x23: {  	_ =	swait.ge [sflag:s1], $0xC60  }
0x24: {  	[sflag:s1] =	ssyncset.done $0x0  }
0x25: {  	[sflag:s1] =	ssyncadd.s32 $0xFFFFF3A0  }
0x26: {  	v1 =	vld [tilespmem:$0x0]  }
0x27: {  	v24 =	vld [tilespmem:$0xC80]  }
0x28: {  	v28 =	vld [tilespmem:$0x1900]  }
0x29: {  	v38 =	vld [tilespmem:$0x10]  }
0x2a: {  	v53 =	vld [tilespmem:$0xC90]  }
0x2b: {  	v40 =	vld [tilespmem:$0x1910];
	_ =	sdelay $0x1  }
0x2c: {  	v2 =	vtrunc.f32 v1;
	v25 =	vtrunc.f32 v24  }
0x2d: {  	v45 =	vtrunc.f32 v28;
	v41 =	vtrunc.f32 v38  }
0x2e: {  	v60 =	vtrunc.f32 v53;
	v2 =	vcvt.f32.s32 v2  }
0x2f: {  	v61 =	vtrunc.f32 v40;
	v25 =	vcvt.f32.s32 v25  }
0x30: {  	v55 =	vcvt.f32.s32 v41;
	v3 =	vcvt.s32.f32 v2  }
0x31: {  	v2 =	vadd.s32 $0xFFFFFFFF, v2;
	v30 =	vcvt.s32.f32 v25;
	v25 =	vadd.s32 $0xFFFFFFFF, v25  }
0x32: {  	v57 =	vcvt.s32.f32 v55;
	vm0 =	vgt.s32 v2, $0x0;
	vm11 =	vgt.s32 v25, $0x0  }
0x33: {  	v1 =	vsub.f32 v1, v3;
	v24 =	vsub.f32 v24, v30;
	v2 =	vnsel vm0, $0x0, v2  }
0x34: {  	v30 =	vcvt.f32.s32 v45;
	v25 =	vnsel vm11, $0x0, v25;
	v2 =	vmin.u32 v2, $0x3C  }
0x35: {  	v25 =	vmin.u32 v25, $0x3C;
	v1 =	vmax.f32 v1, $0.0e+00;
	v24 =	vmax.f32 v24, $0.0e+00  }
0x36: {  	v34 =	vcvt.s32.f32 v30;
	v30 =	vadd.s32 $0xFFFFFFFF, v30;
	v39 =	vshll.u32 v25, $0xB  }
0x37: {  	v2 =	vshll.u32 v2, $0x5;
	v25 =	vshrl.u32 v25, $0x1;
	v1 =	vmin.f32 v1, $1.000000000e+00  }
0x38: {  	v24 =	vmin.f32 v24, $1.000000000e+00;
	vm12 =	vgt.s32 v30, $0x0;
	v3 =	vmul.f32 $5.000000000e-01, v1  }
0x39: {  	v54 =	vand.u32 $0x800, v39;
	v27 =	vmul.f32 $1.500000000e+00, v1;
	v31 =	vmul.f32 $5.000000000e-01, v24  }
0x3a: {  	v32 =	vmul.f32 $1.500000000e+00, v24;
	v28 =	vsub.f32 v28, v34;
	v30 =	vnsel vm12, $0x0, v30  }
0x3b: {  	v2 =	vor.u32 v2, v54;
	v30 =	vmin.u32 v30, $0x3C;
	v26 =	vsub.f32 $1.000000000e+00, v3  }
0x3c: {  	v2 =	vor.u32 v25, v2;
	v29 =	vadd.f32 $-2.500000000e+00, v27;
	v27 =	vsub.f32 $2.000000000e+00, v27  }
0x3d: {  	v25 =	vcvt.f32.s32 v60;
	v3 =	vadd.f32 $-5.000000000e-01, v3;
	v33 =	vsub.f32 $1.000000000e+00, v31  }
0x3e: {  	v35 =	vadd.f32 $-2.500000000e+00, v32;
	v28 =	vmax.f32 v28, $0.0e+00;
	v32 =	vsub.f32 $2.000000000e+00, v32  }
0x3f: {  	v31 =	vadd.f32 $-5.000000000e-01, v31;
	v58 =	vadd.s32 $0x1, v2;
	v59 =	vadd.s32 $0x20, v2  }
0x40: {  	v62 =	vadd.s32 $0x21, v2;
	v26 =	vmul.f32 v26, v1;
	v29 =	vmul.f32 v29, v1  }
0x41: {  	v28 =	vmin.f32 v28, $1.000000000e+00;
	v27 =	vmul.f32 v27, v1;
	v3 =	vmul.f32 v3, v1  }
0x42: {  	v44 =	vadd.s32 $0x40, v2;
	v33 =	vmul.f32 v33, v24;
	v46 =	vmul.f32 $5.000000000e-01, v28  }
0x43: {  	v45 =	vadd.s32 $0x41, v2;
	v47 =	vmul.f32 $1.500000000e+00, v28;
	v32 =	vmul.f32 v32, v24  }
0x44: {  	v31 =	vmul.f32 v31, v24;
	v26 =	vadd.f32 $-5.000000000e-01, v26;
	v27 =	vadd.f32 $5.000000000e-01, v27  }
0x45: {  	v29 =	vmul.f32 v29, v1;
	v33 =	vadd.f32 $-5.000000000e-01, v33;
	v36 =	vsub.f32 $1.000000000e+00, v46  }
0x46: {  	v48 =	vadd.f32 $-5.000000000e-01, v46;
	v46 =	vcvt.s32.f32 v25;
	v26 =	vmul.f32 v26, v1  }
0x47: {  	v37 =	vadd.f32 $-2.500000000e+00, v47;
	v27 =	vmul.f32 v27, v1;
	v1 =	vmul.f32 v3, v1  }
0x48: {  	v32 =	vadd.f32 $5.000000000e-01, v32;
	v3 =	vmul.f32 v35, v24;
	v33 =	vmul.f32 v33, v24  }
0x49: {  	[tilespmem:$0x13D80] =	vst v30;
	v36 =	vmul.f32 v36, v28;
	v37 =	vmul.f32 v37, v28;
	v35 =	vsub.f32 $2.000000000e+00, v47  }
0x4a: {  	[tilespmem:$0x2580] =	vst v2;
	v29 =	vadd.f32 $1.000000000e+00, v29;
	v32 =	vmul.f32 v32, v24;
	v3 =	vmul.f32 v3, v24  }
0x4b: {  	[tilespmem:$0x2600] =	vst v58;
	v36 =	vadd.f32 $-5.000000000e-01, v36;
	v37 =	vmul.f32 v37, v28;
	v35 =	vmul.f32 v35, v28  }
0x4c: {  	[tilespmem:$0x2680] =	vst v59;
	v47 =	vadd.s32 $0x60, v2;
	v24 =	vmul.f32 v31, v24;
	v31 =	vmul.f32 v48, v28  }
0x4d: {  	[tilespmem:$0x12F00] =	vst v1;
	v1 =	vadd.s32 $0xFFFFFFFF, v55;
	v3 =	vadd.f32 $1.000000000e+00, v3;
	v51 =	vmul.f32 v36, v28  }
0x4e: {  	[tilespmem:$0x2700] =	vst v62;
	v56 =	vmul.f32 v31, v28;
	v31 =	vcvt.f32.s32 v61;
	v36 =	vsub.f32 v53, v46  }
0x4f: {  	vm13 =	vgt.s32 v1, $0x0;
	v35 =	vadd.f32 $5.000000000e-01, v35;
	[tilespmem:$0x13000] =	vst v3;
	v3 =	vsub.f32 v38, v57  }
0x50: {  	[tilespmem:$0x2780] =	vst v44;
	v52 =	vadd.f32 $1.000000000e+00, v37;
	v48 =	vcvt.s32.f32 v31;
	v36 =	vmax.f32 v36, $0.0e+00  }
0x51: {  	v35 =	vmul.f32 v35, v28;
	[tilespmem:$0x13180] =	vst v51;
	v36 =	vmin.f32 v36, $1.000000000e+00;
	v3 =	vmax.f32 v3, $0.0e+00  }
0x52: {  	[tilespmem:$0x13300] =	vst v56;
	v38 =	vsub.f32 v40, v48;
	v56 =	vmul.f32 $5.000000000e-01, v36;
	v3 =	vmin.f32 v3, $1.000000000e+00  }
0x53: {  	[tilespmem:$0x13200] =	vst v52;
	v51 =	vadd.s32 $0x61, v2;
	v58 =	vmul.f32 $1.500000000e+00, v36;
	v52 =	vmul.f32 $1.500000000e+00, v3  }
0x54: {  	[tilespmem:$0x2800] =	vst v45;
	v53 =	vmul.f32 $5.000000000e-01, v3;
	v38 =	vmax.f32 v38, $0.0e+00;
	v57 =	vsub.f32 $1.000000000e+00, v56  }
0x55: {  	[tilespmem:$0x12E00] =	vst v29;
	v62 =	vadd.f32 $-2.500000000e+00, v58;
	v29 =	vsub.f32 $2.000000000e+00, v58;
	v38 =	vmin.f32 v38, $1.000000000e+00  }
0x56: {  	[tilespmem:$0x12D80] =	vst v26;
	v30 =	vadd.f32 $-5.000000000e-01, v56;
	v54 =	vadd.f32 $-2.500000000e+00, v52;
	v26 =	vmul.f32 $5.000000000e-01, v38  }
0x57: {  	[tilespmem:$0x2880] =	vst v47;
	v55 =	vsub.f32 $1.000000000e+00, v53;
	v28 =	vmul.f32 v57, v36;
	v60 =	vmul.f32 $1.500000000e+00, v38  }
0x58: {  	[tilespmem:$0x12F80] =	vst v33;
	v61 =	vsub.f32 $2.000000000e+00, v52;
	v47 =	vmul.f32 v62, v36;
	v29 =	vmul.f32 v29, v36  }
0x59: {  	[tilespmem:$0x12E80] =	vst v27;
	v53 =	vadd.f32 $-5.000000000e-01, v53;
	v57 =	vmul.f32 v30, v36;
	v2 =	vmul.f32 v55, v3  }
0x5a: {  	[tilespmem:$0x13100] =	vst v24;
	v24 =	vmul.f32 v54, v3;
	v59 =	vsub.f32 $1.000000000e+00, v26;
	v44 =	vadd.f32 $-5.000000000e-01, v28  }
0x5b: {  	[tilespmem:$0x13080] =	vst v32;
	v45 =	vadd.f32 $-2.500000000e+00, v60;
	v46 =	vmul.f32 v61, v3;
	v2 =	vadd.f32 $-5.000000000e-01, v2  }
0x5c: {  	[tilespmem:$0x2900] =	vst v51;
	v33 =	vsub.f32 $2.000000000e+00, v60;
	v29 =	vadd.f32 $5.000000000e-01, v29;
	v60 =	vmul.f32 v57, v36  }
0x5d: {  	[tilespmem:$0x13280] =	vst v35;
	v54 =	vmul.f32 v53, v3;
	v26 =	vadd.f32 $-5.000000000e-01, v26;
	v2 =	vmul.f32 v2, v3  }
0x5e: {  	v61 =	vadd.s32 $0xFFFFFFFF, v31;
	v24 =	vmul.f32 v24, v3;
	v27 =	vmul.f32 v44, v36;
	[tilespmem:$0x13110] =	vst v60  }
0x5f: {  	vm15 =	vgt.s32 v61, $0x0;
	v56 =	vmul.f32 v29, v36;
	[tilespmem:$0x12D90] =	vst v2;
	v2 =	vmul.f32 v47, v36  }
0x60: {  	v40 =	vmul.f32 v59, v38;
	v59 =	vmul.f32 v26, v38;
	v26 =	vnsel vm15, $0x0, v61;
	[tilespmem:$0x12F90] =	vst v27  }
0x61: {  	v52 =	vadd.f32 $5.000000000e-01, v46;
	v62 =	vmin.u32 v26, $0x3C;
	[tilespmem:$0x13090] =	vst v56;
	v2 =	vadd.f32 $1.000000000e+00, v2  }
0x62: {  	v28 =	vmul.f32 v45, v38;
	v33 =	vmul.f32 v33, v38;
	v24 =	vadd.f32 $1.000000000e+00, v24;
	[tilespmem:$0x13D90] =	vst v62  }
0x63: {  	v48 =	vadd.f32 $-5.000000000e-01, v40;
	v27 =	vmul.f32 v52, v3;
	[tilespmem:$0x13010] =	vst v2;
	v2 =	vadd.s32 $0xFFFFFFFF, v25  }
0x64: {  	v28 =	vmul.f32 v28, v38;
	v3 =	vmul.f32 v54, v3;
	[tilespmem:$0x12E10] =	vst v24;
	vm14 =	vgt.s32 v2, $0x0  }
0x65: {  	v55 =	vadd.f32 $5.000000000e-01, v33;
	v51 =	vmul.f32 v48, v38;
	[tilespmem:$0x12E90] =	vst v27;
	v2 =	vnsel vm14, $0x0, v2  }
0x66: {  	v1 =	vnsel vm13, $0x0, v1;
	v28 =	vadd.f32 $1.000000000e+00, v28;
	[tilespmem:$0x12F10] =	vst v3;
	v2 =	vmin.u32 v2, $0x3C  }
0x67: {  	v1 =	vmin.u32 v1, $0x3C;
	v58 =	vmul.f32 v55, v38;
	[tilespmem:$0x13190] =	vst v51;
	v3 =	vshll.u32 v2, $0xB  }
0x68: {  	v1 =	vshll.u32 v1, $0x5;
	v24 =	vmul.f32 v59, v38;
	[tilespmem:$0x13210] =	vst v28;
	v3 =	vand.u32 $0x800, v3  }
0x69: {  	[tilespmem:$0x13290] =	vst v58;
	v2 =	vshrl.u32 v2, $0x1;
	v1 =	vor.u32 v1, v3  }
0x6a: {  	[tilespmem:$0x13310] =	vst v24;
	v1 =	vor.u32 v2, v1  }
0x6b: {  	[tilespmem:$0x2590] =	vst v1;
	v2 =	vadd.s32 $0x1, v1  }
0x6c: {  	[tilespmem:$0x2610] =	vst v2;
	v2 =	vadd.s32 $0x20, v1  }
0x6d: {  	[tilespmem:$0x2690] =	vst v2;
	v2 =	vadd.s32 $0x21, v1  }
0x6e: {  	[tilespmem:$0x2710] =	vst v2;
	v2 =	vadd.s32 $0x40, v1  }
0x6f: {  	[tilespmem:$0x2790] =	vst v2;
	v2 =	vadd.s32 $0x41, v1  }
0x70: {  	[tilespmem:$0x2810] =	vst v2;
	v2 =	vadd.s32 $0x60, v1  }
0x71: {  	v1 =	vadd.s32 $0x61, v1;
	[tilespmem:$0x2890] =	vst v2  }
0x72: {  	[tilespmem:$0x2910] =	vst v1  }
0x73: {  	[tilespmem:s14], [sflag:$0x1] =	stream.indirect.gather [hbm4b:s2+s12], $0x80, s13, s12, $0xb8;
	[tilespmem:$0x14B00] =	vst v63  }
0x74: {  	_ = 	snop  }
0x75: {  	[tilespmem:s16], [sflag:$0x1] =	stream.indirect.gather [hbm4b:s2+s12], $0x80, s15, s12, $0xb8;
	[tilespmem:$0x14B00] =	vst v63  }
0x76: {  	_ = 	snop  }
0x77: {  	[tilespmem:s18], [sflag:$0x1] =	stream.indirect.gather [hbm4b:s2+s12], $0x80, s17, s12, $0xb8;
	[tilespmem:$0x14B00] =	vst v63  }
0x78: {  	_ = 	snop  }
0x79: {  	[tilespmem:s20], [sflag:$0x1] =	stream.indirect.gather [hbm4b:s2+s12], $0x80, s19, s12, $0xb8;
	[tilespmem:$0x14B00] =	vst v63  }
0x7a: {  	_ = 	snop  }
0x7b: {  	[tilespmem:s22], [sflag:$0x1] =	stream.indirect.gather [hbm4b:s2+s12], $0x80, s21, s12, $0xb8;
	[tilespmem:$0x14B00] =	vst v63  }
0x7c: {  	_ = 	snop  }
0x7d: {  	[tilespmem:s24], [sflag:$0x1] =	stream.indirect.gather [hbm4b:s2+s12], $0x80, s23, s12, $0xb8;
	[tilespmem:$0x14B00] =	vst v63  }
0x7e: {  	_ = 	snop  }
0x7f: {  	[tilespmem:s26], [sflag:$0x1] =	stream.indirect.gather [hbm4b:s2+s12], $0x80, s25, s12, $0xb8;
	[tilespmem:$0x14B00] =	vst v63  }
0x80: {  	s3 =	simm.s32 $0x0  }
0x81: {  	[tilespmem:s29], [sflag:$0x1] =	stream.indirect.gather [hbm4b:s2+s12], $0x80, s28, s12, $0xb8;
	[tilespmem:$0x14B00] =	vst v63  }
.LBB2_2:
0x82: {  	s9 =	sshra.s32 s3, $0x2  }
0x83: {  	v1 =	vld [tilespmem:s9+$0x20]  }
0x84: {  	v2 =	vld [tilespmem:s9+$0xCA0]  }
0x85: {  	v3 =	vld [tilespmem:s9+$0x1920];
	_ =	sdelay $0x3  }
0x86: {  	v24 =	vtrunc.f32 v1  }
0x87: {  	v26 =	vtrunc.f32 v2;
	v56 =	vtrunc.f32 v3  }
0x88: {  	v24 =	vcvt.f32.s32 v24;
	v55 =	vcvt.f32.s32 v26  }
0x89: {  	v26 =	vcvt.f32.s32 v56  }
0x8a: {  	v25 =	vcvt.s32.f32 v24;
	v27 =	vcvt.s32.f32 v55  }
0x8b: {  	v28 =	vcvt.s32.f32 v26  }
0x8c: {  	v1 =	vsub.f32 v1, v25;
	v2 =	vsub.f32 v2, v27  }
0x8d: {  	v24 =	vadd.s32 $0xFFFFFFFF, v24;
	v26 =	vadd.s32 $0xFFFFFFFF, v26;
	v3 =	vsub.f32 v3, v28  }
0x8e: {  	vm0 =	vgt.s32 v24, $0x0;
	v1 =	vmax.f32 v1, $0.0e+00;
	v2 =	vmax.f32 v2, $0.0e+00  }
0x8f: {  	v3 =	vmax.f32 v3, $0.0e+00;
	v1 =	vmin.f32 v1, $1.000000000e+00;
	v2 =	vmin.f32 v2, $1.000000000e+00  }
0x90: {  	v3 =	vmin.f32 v3, $1.000000000e+00;
	v29 =	vmul.f32 $1.500000000e+00, v1;
	v57 =	vmul.f32 $5.000000000e-01, v1  }
0x91: {  	vm6 =	vgt.s32 v26, $0x0;
	v31 =	vmul.f32 $5.000000000e-01, v2;
	v32 =	vmul.f32 $5.000000000e-01, v3  }
0x92: {  	v34 =	vmul.f32 $1.500000000e+00, v2;
	v58 =	vadd.f32 $-2.500000000e+00, v29;
	v30 =	vsub.f32 $1.000000000e+00, v57  }
0x93: {  	v36 =	vmul.f32 $1.500000000e+00, v3;
	v33 =	vsub.f32 $1.000000000e+00, v31;
	v35 =	vsub.f32 $1.000000000e+00, v32  }
0x94: {  	v29 =	vsub.f32 $2.000000000e+00, v29;
	v37 =	vadd.f32 $-2.500000000e+00, v34;
	v30 =	vmul.f32 v30, v1  }
0x95: {  	v38 =	vadd.f32 $-2.500000000e+00, v36;
	v34 =	vsub.f32 $2.000000000e+00, v34;
	v33 =	vmul.f32 v33, v2  }
0x96: {  	v28 =	vmul.f32 v58, v1;
	v35 =	vmul.f32 v35, v3;
	v30 =	vadd.f32 $-5.000000000e-01, v30  }
0x97: {  	v29 =	vmul.f32 v29, v1;
	v37 =	vmul.f32 v37, v2;
	v33 =	vadd.f32 $-5.000000000e-01, v33  }
0x98: {  	v38 =	vmul.f32 v38, v3;
	v35 =	vadd.f32 $-5.000000000e-01, v35;
	v30 =	vmul.f32 v30, v1  }
0x99: {  	v36 =	vsub.f32 $2.000000000e+00, v36;
	v28 =	vmul.f32 v28, v1;
	v33 =	vmul.f32 v33, v2  }
0x9a: {  	v27 =	vadd.f32 $-5.000000000e-01, v57;
	v37 =	vmul.f32 v37, v2;
	v35 =	vmul.f32 v35, v3;
	[tilespmem:$0x13580] =	vst v30  }
0x9b: {  	v59 =	vmul.f32 v34, v2;
	v60 =	vmul.f32 v38, v3;
	v28 =	vadd.f32 $1.000000000e+00, v28;
	[tilespmem:$0x13780] =	vst v33  }
0x9c: {  	v36 =	vmul.f32 v36, v3;
	v29 =	vadd.f32 $5.000000000e-01, v29;
	v61 =	vadd.f32 $1.000000000e+00, v37;
	[tilespmem:$0x13980] =	vst v35  }
0x9d: {  	v25 =	vadd.s32 $0xFFFFFFFF, v55;
	v34 =	vadd.f32 $1.000000000e+00, v60;
	v30 =	vadd.f32 $5.000000000e-01, v59;
	[tilespmem:$0x13600] =	vst v28  }
0x9e: {  	v62 =	vadd.f32 $-5.000000000e-01, v31;
	v29 =	vmul.f32 v29, v1;
	v37 =	vadd.f32 $5.000000000e-01, v36;
	[tilespmem:$0x13800] =	vst v61  }
0x9f: {  	v32 =	vadd.f32 $-5.000000000e-01, v32;
	v27 =	vmul.f32 v27, v1;
	[tilespmem:$0x13A00] =	vst v34;
	v30 =	vmul.f32 v30, v2  }
0xa0: {  	vm5 =	vgt.s32 v25, $0x0;
	v28 =	vmul.f32 v62, v2;
	v31 =	vmul.f32 v37, v3;
	[tilespmem:$0x13680] =	vst v29  }
0xa1: {  	v25 =	vnsel vm5, $0x0, v25;
	v38 =	vmul.f32 v32, v3;
	v1 =	vmul.f32 v27, v1;
	[tilespmem:$0x13880] =	vst v30  }
0xa2: {  	v24 =	vnsel vm0, $0x0, v24;
	v25 =	vmin.u32 v25, $0x3C;
	v2 =	vmul.f32 v28, v2;
	[tilespmem:$0x13A80] =	vst v31  }
0xa3: {  	v24 =	vmin.u32 v24, $0x3C;
	v3 =	vmul.f32 v38, v3;
	[tilespmem:$0x13700] =	vst v1;
	v1 =	vshll.u32 v25, $0xB  }
0xa4: {  	v26 =	vnsel vm6, $0x0, v26;
	[tilespmem:$0x13900] =	vst v2;
	v2 =	vshll.u32 v24, $0x5;
	v1 =	vand.u32 $0x800, v1  }
0xa5: {  	v39 =	vmin.u32 v26, $0x3C;
	[tilespmem:$0x13B00] =	vst v3;
	v3 =	vshrl.u32 v25, $0x1;
	v1 =	vor.u32 v2, v1  }
0xa6: {  	[tilespmem:$0x13E00] =	vst v39;
	v1 =	vor.u32 v3, v1  }
0xa7: {  	[tilespmem:$0x2980] =	vst v1;
	v2 =	vadd.s32 $0x1, v1  }
0xa8: {  	[tilespmem:$0x2A00] =	vst v2;
	v2 =	vadd.s32 $0x20, v1  }
0xa9: {  	[tilespmem:$0x2A80] =	vst v2;
	v2 =	vadd.s32 $0x21, v1  }
0xaa: {  	[tilespmem:$0x2B00] =	vst v2;
	v2 =	vadd.s32 $0x40, v1  }
0xab: {  	[tilespmem:$0x2B80] =	vst v2;
	v2 =	vadd.s32 $0x41, v1  }
0xac: {  	[tilespmem:$0x2C00] =	vst v2;
	v2 =	vadd.s32 $0x60, v1  }
0xad: {  	v1 =	vadd.s32 $0x61, v1;
	[tilespmem:$0x2C80] =	vst v2  }
0xae: {  	[tilespmem:$0x2D00] =	vst v1  }
0xaf: {  	v1 =	vld [tilespmem:s9+$0x30]  }
0xb0: {  	v2 =	vld [tilespmem:s9+$0xCB0]  }
0xb1: {  	v3 =	vld [tilespmem:s9+$0x1930];
	_ =	sdelay $0x3  }
0xb2: {  	v40 =	vtrunc.f32 v1;
	v42 =	vtrunc.f32 v2  }
0xb3: {  	v44 =	vtrunc.f32 v3;
	v24 =	vcvt.f32.s32 v40  }
0xb4: {  	v43 =	vcvt.f32.s32 v42;
	v26 =	vcvt.f32.s32 v44  }
0xb5: {  	v41 =	vcvt.s32.f32 v24  }
0xb6: {  	v45 =	vcvt.s32.f32 v43;
	v46 =	vcvt.s32.f32 v26;
	v24 =	vadd.s32 $0xFFFFFFFF, v24  }
0xb7: {  	v25 =	vadd.s32 $0xFFFFFFFF, v43;
	v26 =	vadd.s32 $0xFFFFFFFF, v26;
	v1 =	vsub.f32 v1, v41  }
0xb8: {  	vm7 =	vgt.s32 v24, $0x0;
	vm8 =	vgt.s32 v25, $0x0;
	v2 =	vsub.f32 v2, v45  }
0xb9: {  	vm9 =	vgt.s32 v26, $0x0;
	v3 =	vsub.f32 v3, v46;
	v1 =	vmax.f32 v1, $0.0e+00  }
0xba: {  	v26 =	vnsel vm9, $0x0, v26;
	v2 =	vmax.f32 v2, $0.0e+00;
	v1 =	vmin.f32 v1, $1.000000000e+00  }
0xbb: {  	v3 =	vmax.f32 v3, $0.0e+00;
	v2 =	vmin.f32 v2, $1.000000000e+00;
	v47 =	vmul.f32 $1.500000000e+00, v1  }
0xbc: {  	v3 =	vmin.f32 v3, $1.000000000e+00;
	v48 =	vmul.f32 $5.000000000e-01, v1;
	v53 =	vmul.f32 $5.000000000e-01, v2  }
0xbd: {  	v54 =	vmul.f32 $5.000000000e-01, v3;
	v56 =	vmul.f32 $1.500000000e+00, v2;
	v51 =	vadd.f32 $-2.500000000e+00, v47  }
0xbe: {  	v58 =	vmul.f32 $1.500000000e+00, v3;
	v52 =	vsub.f32 $1.000000000e+00, v48;
	v55 =	vsub.f32 $1.000000000e+00, v53  }
0xbf: {  	v44 =	vmin.u32 v26, $0x3C;
	v57 =	vsub.f32 $1.000000000e+00, v54;
	v29 =	vsub.f32 $2.000000000e+00, v47  }
0xc0: {  	v59 =	vadd.f32 $-2.500000000e+00, v56;
	v60 =	vadd.f32 $-2.500000000e+00, v58;
	v30 =	vmul.f32 v52, v1  }
0xc1: {  	v34 =	vsub.f32 $2.000000000e+00, v56;
	v36 =	vsub.f32 $2.000000000e+00, v58;
	v33 =	vmul.f32 v55, v2  }
0xc2: {  	v28 =	vmul.f32 v51, v1;
	v35 =	vmul.f32 v57, v3;
	v30 =	vadd.f32 $-5.000000000e-01, v30  }
0xc3: {  	v29 =	vmul.f32 v29, v1;
	v37 =	vmul.f32 v59, v2;
	v33 =	vadd.f32 $-5.000000000e-01, v33  }
0xc4: {  	v38 =	vmul.f32 v60, v3;
	v35 =	vadd.f32 $-5.000000000e-01, v35;
	v30 =	vmul.f32 v30, v1  }
0xc5: {  	[tilespmem:$0x13E10] =	vst v44;
	v27 =	vadd.f32 $-5.000000000e-01, v48;
	v28 =	vmul.f32 v28, v1;
	v33 =	vmul.f32 v33, v2  }
0xc6: {  	v41 =	vadd.f32 $-5.000000000e-01, v53;
	v37 =	vmul.f32 v37, v2;
	v35 =	vmul.f32 v35, v3;
	[tilespmem:$0x13590] =	vst v30  }
0xc7: {  	v36 =	vmul.f32 v36, v3;
	v62 =	vmul.f32 v38, v3;
	v28 =	vadd.f32 $1.000000000e+00, v28;
	[tilespmem:$0x13790] =	vst v33  }
0xc8: {  	v24 =	vnsel vm7, $0x0, v24;
	v29 =	vadd.f32 $5.000000000e-01, v29;
	v40 =	vadd.f32 $1.000000000e+00, v37;
	[tilespmem:$0x13990] =	vst v35  }
0xc9: {  	v61 =	vmul.f32 v34, v2;
	v42 =	vadd.f32 $5.000000000e-01, v36;
	v34 =	vadd.f32 $1.000000000e+00, v62;
	[tilespmem:$0x13610] =	vst v28  }
0xca: {  	v32 =	vadd.f32 $-5.000000000e-01, v54;
	v27 =	vmul.f32 v27, v1;
	v29 =	vmul.f32 v29, v1;
	[tilespmem:$0x13810] =	vst v40  }
0xcb: {  	v31 =	vmul.f32 v42, v3;
	v30 =	vadd.f32 $5.000000000e-01, v61;
	[tilespmem:$0x13A10] =	vst v34;
	v28 =	vmul.f32 v41, v2  }
0xcc: {  	v25 =	vnsel vm8, $0x0, v25;
	v43 =	vmul.f32 v32, v3;
	v1 =	vmul.f32 v27, v1;
	[tilespmem:$0x13690] =	vst v29  }
0xcd: {  	v25 =	vmin.u32 v25, $0x3C;
	[tilespmem:$0x13A90] =	vst v31;
	v30 =	vmul.f32 v30, v2;
	v2 =	vmul.f32 v28, v2  }
0xce: {  	v24 =	vmin.u32 v24, $0x3C;
	v3 =	vmul.f32 v43, v3;
	[tilespmem:$0x13710] =	vst v1;
	v1 =	vshll.u32 v25, $0xB  }
0xcf: {  	v1 =	vand.u32 $0x800, v1;
	[tilespmem:$0x13910] =	vst v2;
	v2 =	vshll.u32 v24, $0x5  }
0xd0: {  	[tilespmem:$0x13B10] =	vst v3;
	v3 =	vshrl.u32 v25, $0x1;
	v1 =	vor.u32 v2, v1  }
0xd1: {  	[tilespmem:$0x13890] =	vst v30;
	v1 =	vor.u32 v3, v1  }
0xd2: {  	[tilespmem:$0x2990] =	vst v1;
	v2 =	vadd.s32 $0x1, v1  }
0xd3: {  	[tilespmem:$0x2A10] =	vst v2;
	v2 =	vadd.s32 $0x20, v1  }
0xd4: {  	[tilespmem:$0x2A90] =	vst v2;
	v2 =	vadd.s32 $0x21, v1  }
0xd5: {  	[tilespmem:$0x2B10] =	vst v2;
	v2 =	vadd.s32 $0x40, v1  }
0xd6: {  	s8 =	rddreg [dreg:$0x2];
	[tilespmem:$0x2B90] =	vst v2;
	v2 =	vadd.s32 $0x41, v1  }
0xd7: {  	s31 =	rddreg [dreg:$0x3];
	[tilespmem:$0x2C10] =	vst v2;
	v2 =	vadd.s32 $0x60, v1  }
0xd8: {  	s1 =	rddreg [dreg:$0x4];
	v1 =	vadd.s32 $0x61, v1;
	[tilespmem:$0x2C90] =	vst v2  }
0xd9: {  	s0 =	rddreg [dreg:$0x8];
	[tilespmem:$0x2D10] =	vst v1  }
0xda: {  	[tilespmem:s30], [sflag:$0x1] =	stream.indirect.gather [hbm4b:s2+s12], $0x80, s8, s12, $0xb8;
	[tilespmem:$0x14B00] =	vst v63  }
0xdb: {  	s8 =	rddreg [dreg:$0x6]  }
0xdc: {  	[tilespmem:s1], [sflag:$0x1] =	stream.indirect.gather [hbm4b:s2+s12], $0x80, s31, s12, $0xb8;
	[tilespmem:$0x14B00] =	vst v63  }
0xdd: {  	s1 =	rddreg [dreg:$0x5]  }
0xde: {  	[tilespmem:s8], [sflag:$0x1] =	stream.indirect.gather [hbm4b:s2+s12], $0x80, s1, s12, $0xb8;
	[tilespmem:$0x14B00] =	vst v63  }
0xdf: {  	s31 =	rddreg [dreg:$0x7]  }
0xe0: {  	[tilespmem:s0], [sflag:$0x1] =	stream.indirect.gather [hbm4b:s2+s12], $0x80, s31, s12, $0xb8;
	[tilespmem:$0x14B00] =	vst v63  }
0xe1: {  	s0 =	simm.s32 $0xED80;
	s31 =	simm.s32 $0x2B80  }
0xe2: {  	[tilespmem:s0], [sflag:$0x1] =	stream.indirect.gather [hbm4b:s2+s12], $0x80, s31, s12, $0xb8;
	[tilespmem:$0x14B00] =	vst v63  }
0xe3: {  	s8 =	simm.s32 $0x2C00  }
0xe4: {  	[tilespmem:s10], [sflag:$0x1] =	stream.indirect.gather [hbm4b:s2+s12], $0x80, s8, s12, $0xb8;
	[tilespmem:$0x14B00] =	vst v63  }
0xe5: {  	_ = 	snop  }
0xe6: {  	[tilespmem:s4], [sflag:$0x1] =	stream.indirect.gather [hbm4b:s2+s12], $0x80, s11, s12, $0xb8;
	[tilespmem:$0x14B00] =	vst v63  }
0xe7: {  	_ = 	snop  }
0xe8: {  	[tilespmem:s6], [sflag:$0x1] =	stream.indirect.gather [hbm4b:s2+s12], $0x80, s5, s12, $0xb8;
	[tilespmem:$0x14B00] =	vst v63  }
0xe9: {  	_ =	swait.ge [sflag:s7], $0x1000  }
0xea: {  	[sflag:s7] =	ssyncset.done $0x0  }
0xeb: {  	[sflag:s7] =	ssyncadd.s32 $0xFFFFF000  }
0xec: {  	_ =	swait.ge [sflag:s7], $0x1000  }
0xed: {  	[sflag:s7] =	ssyncset.done $0x0  }
0xee: {  	[sflag:s7] =	ssyncadd.s32 $0xFFFFF000  }
0xef: {  	_ =	swait.ge [sflag:s7], $0x1000  }
0xf0: {  	[sflag:s7] =	ssyncset.done $0x0  }
0xf1: {  	[sflag:s7] =	ssyncadd.s32 $0xFFFFF000  }
0xf2: {  	_ =	swait.ge [sflag:s7], $0x1000  }
0xf3: {  	[sflag:s7] =	ssyncset.done $0x0  }
0xf4: {  	[sflag:s7] =	ssyncadd.s32 $0xFFFFF000  }
0xf5: {  	_ =	swait.ge [sflag:s7], $0x1000  }
0xf6: {  	[sflag:s7] =	ssyncset.done $0x0  }
0xf7: {  	[sflag:s7] =	ssyncadd.s32 $0xFFFFF000  }
0xf8: {  	_ =	swait.ge [sflag:s7], $0x1000  }
0xf9: {  	[sflag:s7] =	ssyncset.done $0x0  }
0xfa: {  	[sflag:s7] =	ssyncadd.s32 $0xFFFFF000  }
0xfb: {  	_ =	swait.ge [sflag:s7], $0x1000  }
0xfc: {  	[sflag:s7] =	ssyncset.done $0x0  }
0xfd: {  	[sflag:s7] =	ssyncadd.s32 $0xFFFFF000  }
0xfe: {  	_ =	swait.ge [sflag:s7], $0x1000  }
0xff: {  	[sflag:s7] =	ssyncset.done $0x0  }
0x100: {  	[sflag:s7] =	ssyncadd.s32 $0xFFFFF000  }
0x101: {  	v1 =	vld [tilespmem:$0x13D80];
	_ =	sdelay $0x2  }
0x102: {  	v28 =	vld [tilespmem:$0x12D80]  }
0x103: {  	v25 =	vld [tilespmem:$0x13180]  }
0x104: {  	v27 =	vld [tilespmem:$0x13200];
	v2 =	vadd.s32 v0, v1  }
0x105: {  	v26 =	vld [tilespmem:$0x13280];
	v3 =	vadd.s32 v21, v1  }
0x106: {  	v24 =	vld [tilespmem:$0x13300];
	v45 =	vadd.s32 v22, v1  }
0x107: {  	v38 =	vld [tilespmem:$0x12F80];
	v47 =	vadd.s32 v23, v1  }
0x108: {  	v30 =	vld [tilespmem:$0x12E00];
	v48 =	vadd.s32 v63, v1  }
0x109: {  	v40 =	vadd.s32 v4, v1;
	v46 =	vld.idx.msk [tilespmem:v2+s14+$0x0], $0xffff  }
0x10a: {  	v33 =	vadd.s32 $0x1, v1;
	v60 =	vadd.s32 v5, v1;
	v3 =	vld.idx.msk [tilespmem:v3+s14+$0x0], $0xffff  }
0x10b: {  	v34 =	vadd.s32 $0x2, v1;
	v52 =	vadd.s32 v63, v33;
	v51 =	vld.idx.msk [tilespmem:v45+s14+$0x0], $0xffff  }
0x10c: {  	v54 =	vadd.s32 v63, v34;
	v53 =	vld.idx.msk [tilespmem:v47+s14+$0x0], $0xffff  }
0x10d: {  	v57 =	vadd.s32 v4, v33;
	v31 =	vld.idx.msk [tilespmem:v48+s14+$0x0], $0xffff  }
0x10e: {  	v41 =	vadd.s32 v4, v34;
	v40 =	vld.idx.msk [tilespmem:v40+s14+$0x0], $0xffff  }
0x10f: {  	v42 =	vadd.s32 v5, v33;
	v48 =	vld.idx.msk [tilespmem:v60+s14+$0x0], $0xffff  }
0x110: {  	v44 =	vadd.s32 v5, v34;
	v56 =	vld.idx.msk [tilespmem:v52+s14+$0x0], $0xffff  }
0x111: {  	v59 =	vld.idx.msk [tilespmem:v54+s14+$0x0], $0xffff  }
0x112: {  	v2 =	vadd.s32 $0x3, v1;
	v35 =	vld.idx.msk [tilespmem:v57+s14+$0x0], $0xffff  }
0x113: {  	v61 =	vmul.f32 v38, v28;
	v39 =	vadd.s32 v63, v2;
	v62 =	vld.idx.msk [tilespmem:v41+s14+$0x0], $0xffff  }
0x114: {  	v43 =	vadd.s32 v4, v2;
	v52 =	vld.idx.msk [tilespmem:v42+s14+$0x0], $0xffff;
	v29 =	vmul.f32 v46, v25;
	v3 =	vmul.f32 v3, v27  }
0x115: {  	v45 =	vadd.s32 v7, v1;
	v44 =	vld.idx.msk [tilespmem:v44+s14+$0x0], $0xffff;
	v55 =	vmul.f32 v51, v26;
	v58 =	vmul.f32 v53, v24  }
0x116: {  	v54 =	vadd.s32 v6, v1;
	v31 =	vmul.f32 v31, v25;
	v40 =	vmul.f32 v40, v25  }
0x117: {  	v51 =	vadd.s32 v5, v2;
	v46 =	vmul.f32 v38, v30;
	v36 =	vmul.f32 v48, v25  }
0x118: {  	v48 =	vadd.s32 v11, v1;
	v39 =	vld.idx.msk [tilespmem:v39+s14+$0x0], $0xffff;
	v32 =	vmul.f32 v56, v27;
	v47 =	vmul.f32 v59, v26  }
0x119: {  	v53 =	vld.idx.msk [tilespmem:v43+s14+$0x0], $0xffff;
	v35 =	vmul.f32 v35, v27;
	v41 =	vmul.f32 v52, v27;
	v3 =	vadd.f32 v3, v29  }
0x11a: {  	v60 =	vld.idx.msk [tilespmem:v45+s14+$0x0], $0xffff;
	v59 =	vmul.f32 v44, v26;
	v29 =	vmul.f32 v62, v26;
	v31 =	vadd.f32 v32, v31  }
0x11b: {  	v57 =	vld.idx.msk [tilespmem:v54+s14+$0x0], $0xffff;
	v35 =	vadd.f32 v35, v40;
	v3 =	vadd.f32 v55, v3;
	v55 =	vadd.s32 v10, v1  }
0x11c: {  	v52 =	vadd.s32 v13, v1;
	v32 =	vadd.f32 v47, v31;
	v31 =	vld [tilespmem:$0x12E80];
	v47 =	vadd.s32 v8, v1  }
0x11d: {  	v36 =	vadd.f32 v41, v36;
	v37 =	vld.idx.msk [tilespmem:v51+s14+$0x0], $0xffff;
	v29 =	vadd.f32 v29, v35;
	v39 =	vmul.f32 v39, v24  }
0x11e: {  	v3 =	vadd.f32 v58, v3;
	v56 =	vmul.f32 v53, v24;
	v58 =	vadd.s32 v9, v1;
	v53 =	vld.idx.msk [tilespmem:v48+s14+$0x0], $0xffff  }
0x11f: {  	v36 =	vadd.f32 v59, v36;
	v59 =	vadd.s32 v15, v1;
	v39 =	vadd.f32 v39, v32;
	v32 =	vld [tilespmem:$0x12F00]  }
0x120: {  	v42 =	vmul.f32 v57, v25;
	v3 =	vmul.f32 v3, v61;
	v61 =	vadd.s32 v12, v1;
	v40 =	vld.idx.msk [tilespmem:v55+s14+$0x0], $0xffff  }
0x121: {  	v57 =	vmul.f32 v60, v27;
	v29 =	vadd.f32 v56, v29;
	v56 =	vadd.s32 v14, v1;
	v51 =	vld.idx.msk [tilespmem:v47+s14+$0x0], $0xffff  }
0x122: {  	v3 =	vadd.f32 $0.0e+00, v3;
	v39 =	vmul.f32 v39, v46;
	v62 =	vmul.f32 v38, v31;
	v47 =	vld [tilespmem:$0x13000]  }
0x123: {  	v48 =	vadd.s32 v18, v1;
	v37 =	vmul.f32 v37, v24;
	v55 =	vld.idx.msk [tilespmem:v58+s14+$0x0], $0xffff;
	v35 =	vmul.f32 v53, v27  }
0x124: {  	v41 =	vld.idx.msk [tilespmem:v52+s14+$0x0], $0xffff;
	v53 =	vadd.s32 v19, v1;
	v3 =	vadd.f32 v39, v3;
	v29 =	vmul.f32 v29, v62  }
0x125: {  	v36 =	vadd.f32 v37, v36;
	v62 =	vadd.s32 v16, v1;
	v54 =	vmul.f32 v38, v32;
	v58 =	vld.idx.msk [tilespmem:v61+s14+$0x0], $0xffff  }
0x126: {  	v60 =	vadd.f32 v57, v42;
	v52 =	vld.idx.msk [tilespmem:v56+s14+$0x0], $0xffff;
	v56 =	vadd.s32 v17, v1;
	v40 =	vmul.f32 v40, v25  }
0x127: {  	v3 =	vadd.f32 v29, v3;
	v29 =	vmul.f32 v36, v54;
	v61 =	vmul.f32 v51, v26  }
0x128: {  	v57 =	vmul.f32 v47, v28;
	v51 =	vmul.f32 v55, v24;
	v35 =	vadd.f32 v35, v40;
	v55 =	vld.idx.msk [tilespmem:v59+s14+$0x0], $0xffff  }
0x129: {  	v59 =	vmul.f32 v41, v24;
	v39 =	vld.idx.msk [tilespmem:v53+s14+$0x0], $0xffff;
	v53 =	vadd.s32 $0x43, v1;
	v36 =	vadd.f32 v61, v60  }
0x12a: {  	v41 =	vld.idx.msk [tilespmem:v62+s14+$0x0], $0xffff;
	v3 =	vadd.f32 v29, v3;
	v61 =	vadd.s32 v49, v1;
	v62 =	vmul.f32 v47, v30  }
0x12b: {  	v49 =	vadd.s32 $0x41, v1;
	v54 =	vmul.f32 v58, v26;
	v58 =	vadd.s32 v20, v1  }
0x12c: {  	v4 =	vld [tilespmem:$0x1FFF0];
	v38 =	vmul.f32 v52, v25;
	v52 =	vor.u32 $0x3000, v0;
	v36 =	vadd.f32 v51, v36  }
0x12d: {  	v29 =	vor.u32 $0x7000, v0;
	v56 =	vld.idx.msk [tilespmem:v56+s14+$0x0], $0xffff;
	v51 =	vadd.s32 $0x42, v1;
	v44 =	vadd.s32 v52, v1  }
0x12e: {  	v35 =	vadd.f32 v54, v35;
	v54 =	vadd.s32 v50, v1;
	v60 =	vmul.f32 v36, v57;
	v36 =	vld.idx.msk [tilespmem:v48+s14+$0x0], $0xffff  }
0x12f: {  	v45 =	vadd.s32 v52, v33;
	v55 =	vmul.f32 v55, v27;
	v57 =	vadd.s32 v50, v33;
	v37 =	vld.idx.msk [tilespmem:v61+s14+$0x0], $0xffff  }
0x130: {  	v48 =	vadd.s32 $0x40, v1;
	v35 =	vadd.f32 v59, v35;
	v61 =	vadd.s32 v50, v34;
	v46 =	vld.idx.msk [tilespmem:v58+s14+$0x0], $0xffff  }
0x131: {  	v3 =	vadd.f32 v60, v3;
	v59 =	vadd.f32 v55, v38;
	v60 =	vmul.f32 v41, v26;
	v55 =	vld [tilespmem:$0x13100]  }
0x132: {  	v39 =	vmul.f32 v39, v27;
	v58 =	vmul.f32 v35, v62;
	v62 =	vadd.s32 v50, v2;
	v44 =	vld.idx.msk [tilespmem:v44+s14+$0x0], $0xffff  }
0x133: {  	v50 =	vmul.f32 v56, v24;
	v41 =	vld.idx.msk [tilespmem:v54+s14+$0x0], $0xffff;
	v35 =	vadd.f32 v60, v59;
	v36 =	vmul.f32 v36, v25  }
0x134: {  	v60 =	vadd.s32 v52, v34;
	v43 =	vld.idx.msk [tilespmem:v57+s14+$0x0], $0xffff;
	v3 =	vadd.f32 v58, v3;
	v58 =	vmul.f32 v47, v31  }
0x135: {  	v57 =	vadd.f32 v50, v35;
	v59 =	vld.idx.msk [tilespmem:v61+s14+$0x0], $0xffff;
	v50 =	vor.u32 $0x5000, v0;
	v36 =	vadd.f32 v39, v36  }
0x136: {  	v56 =	vmul.f32 v46, v26;
	v46 =	vld [tilespmem:$0x13080];
	v54 =	vadd.s32 v50, v1;
	v1 =	vadd.s32 v29, v1  }
0x137: {  	v37 =	vmul.f32 v37, v24;
	v61 =	vld.idx.msk [tilespmem:v62+s14+$0x0], $0xffff;
	v62 =	vadd.s32 v52, v2  }
0x138: {  	v35 =	vmul.f32 v57, v58;
	v58 =	vadd.s32 v4, v48;
	v4 =	vld [tilespmem:$0x1FFF0];
	v36 =	vadd.f32 v56, v36  }
0x139: {  	v41 =	vmul.f32 v41, v25;
	v39 =	vld.idx.msk [tilespmem:v60+s14+$0x0], $0xffff;
	v43 =	vmul.f32 v43, v27  }
0x13a: {  	v47 =	vmul.f32 v47, v32;
	v36 =	vadd.f32 v37, v36;
	v37 =	vld.idx.msk [tilespmem:v45+s14+$0x0], $0xffff;
	v45 =	vadd.s32 v50, v33  }
0x13b: {  	v56 =	vadd.s32 v50, v2;
	v41 =	vadd.f32 v43, v41;
	v43 =	vadd.s32 v50, v34;
	v1 =	vld.idx.msk [tilespmem:v1+s14+$0x0], $0xffff  }
0x13c: {  	v3 =	vadd.f32 v35, v3;
	v38 =	vmul.f32 v59, v26;
	v59 =	vmul.f32 v36, v47;
	v60 =	vld.idx.msk [tilespmem:v62+s14+$0x0], $0xffff  }
0x13d: {  	v33 =	vadd.s32 v29, v33;
	v40 =	vmul.f32 v61, v24;
	v61 =	vld.idx.msk [tilespmem:v54+s14+$0x0], $0xffff  }
0x13e: {  	v34 =	vadd.s32 v29, v34;
	v3 =	vadd.f32 v59, v3;
	v59 =	vadd.s32 v4, v49;
	v4 =	vld [tilespmem:$0x1FFF0]  }
0x13f: {  	v38 =	vadd.f32 v38, v41;
	v54 =	vld.idx.msk [tilespmem:v45+s14+$0x0], $0xffff  }
0x140: {  	v62 =	vmul.f32 v44, v25;
	v37 =	vmul.f32 v37, v27;
	v43 =	vld.idx.msk [tilespmem:v43+s14+$0x0], $0xffff  }
0x141: {  	v2 =	vadd.s32 v29, v2;
	v57 =	vmul.f32 v46, v28;
	v42 =	vld.idx.msk [tilespmem:v56+s14+$0x0], $0xffff;
	v38 =	vadd.f32 v40, v38  }
0x142: {  	v39 =	vmul.f32 v39, v26;
	v56 =	vadd.s32 v52, v48;
	v33 =	vld.idx.msk [tilespmem:v33+s14+$0x0], $0xffff;
	v37 =	vadd.f32 v37, v62  }
0x143: {  	v44 =	vadd.s32 v50, v48;
	v34 =	vld.idx.msk [tilespmem:v34+s14+$0x0], $0xffff;
	v35 =	vmul.f32 v38, v57;
	v36 =	vmul.f32 v60, v24  }
0x144: {  	v60 =	vmul.f32 v61, v25;
	v37 =	vadd.f32 v39, v37;
	v39 =	vadd.s32 v4, v51;
	v4 =	vld [tilespmem:$0x1FFF0]  }
0x145: {  	v61 =	vmul.f32 v54, v27;
	v57 =	vmul.f32 v43, v26;
	v43 =	vld.idx.msk [tilespmem:v58+s14+$0x0], $0xffff;
	v58 =	vadd.s32 v52, v49  }
0x146: {  	v2 =	vld.idx.msk [tilespmem:v2+s14+$0x0], $0xffff;
	v54 =	vmul.f32 v46, v30;
	v36 =	vadd.f32 v36, v37;
	v37 =	vadd.s32 v52, v51  }
0x147: {  	v1 =	vmul.f32 v1, v25;
	v47 =	vld.idx.msk [tilespmem:v56+s14+$0x0], $0xffff;
	v3 =	vadd.f32 v35, v3;
	v33 =	vmul.f32 v33, v27  }
0x148: {  	v40 =	vadd.f32 v61, v60;
	v61 =	vadd.s32 v52, v53;
	v35 =	vmul.f32 v36, v54;
	v36 =	vld.idx.msk [tilespmem:v59+s14+$0x0], $0xffff  }
0x149: {  	v56 =	vmul.f32 v34, v26;
	v60 =	vmul.f32 v42, v24;
	v62 =	vadd.s32 v4, v53;
	v39 =	vld.idx.msk [tilespmem:v39+s14+$0x0], $0xffff  }
0x14a: {  	v1 =	vadd.f32 v33, v1;
	v54 =	vadd.s32 v50, v49;
	v59 =	vadd.f32 v57, v40;
	v57 =	vld.idx.msk [tilespmem:v58+s14+$0x0], $0xffff  }
0x14b: {  	v28 =	vmul.f32 v55, v28;
	v2 =	vmul.f32 v2, v24;
	v58 =	vadd.s32 v50, v51;
	v37 =	vld.idx.msk [tilespmem:v37+s14+$0x0], $0xffff  }
0x14c: {  	v1 =	vadd.f32 v56, v1;
	v38 =	vadd.f32 v60, v59;
	v60 =	vadd.s32 v29, v48;
	v48 =	vld.idx.msk [tilespmem:v44+s14+$0x0], $0xffff  }
0x14d: {  	v30 =	vmul.f32 v55, v30;
	v56 =	vmul.f32 v47, v25;
	v33 =	vld.idx.msk [tilespmem:v61+s14+$0x0], $0xffff;
	v61 =	vadd.s32 v29, v49  }
0x14e: {  	v1 =	vadd.f32 v2, v1;
	v49 =	vadd.s32 v50, v53;
	v42 =	vld.idx.msk [tilespmem:v62+s14+$0x0], $0xffff;
	v62 =	vmul.f32 v46, v31  }
0x14f: {  	v51 =	vadd.s32 v29, v51;
	v36 =	vmul.f32 v36, v27;
	v2 =	vld.idx.msk [tilespmem:v54+s14+$0x0], $0xffff;
	v46 =	vmul.f32 v46, v32  }
0x150: {  	v3 =	vadd.f32 v35, v3;
	v39 =	vmul.f32 v39, v26;
	v59 =	vmul.f32 v38, v62;
	v54 =	vld.idx.msk [tilespmem:v58+s14+$0x0], $0xffff  }
0x151: {  	v62 =	vmul.f32 v43, v25;
	v34 =	vmul.f32 v57, v27;
	v38 =	vld.idx.msk [tilespmem:v60+s14+$0x0], $0xffff;
	v57 =	vadd.s32 v29, v53  }
0x152: {  	v1 =	vmul.f32 v1, v46;
	v37 =	vmul.f32 v37, v26;
	v40 =	vld.idx.msk [tilespmem:v61+s14+$0x0], $0xffff  }
0x153: {  	v60 =	vmul.f32 v48, v25;
	v3 =	vadd.f32 v59, v3;
	v36 =	vadd.f32 v36, v62;
	v59 =	vld.idx.msk [tilespmem:v49+s14+$0x0], $0xffff  }
0x154: {  	v35 =	vld.idx.msk [tilespmem:v51+s14+$0x0], $0xffff;
	v33 =	vmul.f32 v33, v24;
	v34 =	vadd.f32 v34, v56;
	v2 =	vmul.f32 v2, v27  }
0x155: {  	v58 =	vmul.f32 v42, v24;
	v36 =	vadd.f32 v39, v36;
	v1 =	vadd.f32 v1, v3  }
0x156: {  	v3 =	vadd.f32 v37, v34;
	v2 =	vadd.f32 v2, v60;
	v61 =	vmul.f32 v54, v26;
	v62 =	vld.idx.msk [tilespmem:v57+s14+$0x0], $0xffff  }
0x157: {  	v25 =	vmul.f32 v38, v25;
	v36 =	vadd.f32 v58, v36;
	v27 =	vmul.f32 v40, v27  }
0x158: {  	v3 =	vadd.f32 v33, v3;
	v2 =	vadd.f32 v61, v2;
	v39 =	vmul.f32 v59, v24  }
0x159: {  	v26 =	vmul.f32 v35, v26;
	v28 =	vmul.f32 v36, v28;
	v25 =	vadd.f32 v27, v25  }
0x15a: {  	v40 =	vmul.f32 v55, v31;
	v3 =	vmul.f32 v3, v30;
	v2 =	vadd.f32 v39, v2  }
0x15b: {  	v1 =	vadd.f32 v28, v1;
	v25 =	vadd.f32 v26, v25;
	v24 =	vmul.f32 v62, v24  }
0x15c: {  	v41 =	vmul.f32 v55, v32  }
0x15d: {  	v2 =	vmul.f32 v2, v40;
	v1 =	vadd.f32 v3, v1;
	v3 =	vadd.f32 v24, v25;
	_ =	sdelay $0x1  }
0x15e: {  	v1 =	vadd.f32 v2, v1;
	v2 =	vmul.f32 v3, v41;
	_ =	sdelay $0x1  }
0x15f: {  	v1 =	vadd.f32 v2, v1;
	_ =	sdelay $0x1  }
0x160: {  	[tilespmem:s9+$0x13E80] =	vst v1  }
0x161: {  	v62 =	vld [tilespmem:$0x13D90];
	_ =	sdelay $0x3  }
0x162: {  	v1 =	vor.u32 $0x800, v0  }
0x163: {  	v28 =	vor.u32 $0x801, v0;
	[tilespmem:$0x1FEA0] =	vst v1;
	v55 =	vld [tilespmem:$0x13190];
	v1 =	vadd.s32 v1, v62  }
0x164: {  	v3 =	vor.u32 $0x802, v0;
	v57 =	vld [tilespmem:$0x13210];
	v2 =	vadd.s32 v28, v62  }
0x165: {  	v30 =	vor.u32 $0x2800, v0;
	[tilespmem:$0x1FEB0] =	vst v3;
	v54 =	vld [tilespmem:$0x13290];
	v3 =	vadd.s32 v3, v62  }
0x166: {  	v4 =	vor.u32 $0x803, v0;
	v56 =	vld [tilespmem:$0x13310];
	v42 =	vadd.s32 v30, v62  }
0x167: {  	v27 =	vmov v63;
	v58 =	vld [tilespmem:$0x12D90];
	v63 =	vadd.s32 $0x1, v62;
	v46 =	vadd.s32 v4, v62  }
0x168: {  	v34 =	vor.u32 $0x4800, v0;
	v44 =	vadd.s32 v30, v63;
	v43 =	vld.idx.msk [tilespmem:v1+s14+$0x0], $0xffff  }
0x169: {  	v53 =	vadd.s32 v34, v63;
	v45 =	vld.idx.msk [tilespmem:v2+s14+$0x0], $0xffff;
	v1 =	vadd.s32 $0x2, v62  }
0x16a: {  	v3 =	vld.idx.msk [tilespmem:v3+s14+$0x0], $0xffff;
	v47 =	vadd.s32 v30, v1  }
0x16b: {  	v26 =	vld.idx.msk [tilespmem:v42+s14+$0x0], $0xffff  }
0x16c: {  	v2 =	vadd.s32 $0x3, v62;
	v49 =	vld.idx.msk [tilespmem:v46+s14+$0x0], $0xffff  }
0x16d: {  	v32 =	vld.idx.msk [tilespmem:v44+s14+$0x0], $0xffff;
	v48 =	vadd.s32 v30, v2  }
0x16e: {  	v38 =	vld.idx.msk [tilespmem:v53+s14+$0x0], $0xffff;
	v39 =	vadd.s32 v34, v2  }
0x16f: {  	v51 =	vadd.s32 v34, v62;
	v31 =	vmul.f32 v43, v55;
	v33 =	vmul.f32 v45, v57;
	v35 =	vld.idx.msk [tilespmem:v47+s14+$0x0], $0xffff  }
0x170: {  	v40 =	vld [tilespmem:$0x12F90];
	v60 =	vadd.s32 v34, v1  }
0x171: {  	v59 =	vld [tilespmem:$0x12E10];
	v31 =	vadd.f32 v33, v31;
	v33 =	vor.u32 $0x6800, v0  }
0x172: {  	v26 =	vmul.f32 v26, v55;
	v32 =	vmul.f32 v32, v57;
	v36 =	vld.idx.msk [tilespmem:v48+s14+$0x0], $0xffff;
	v61 =	vadd.s32 v33, v62  }
0x173: {  	v3 =	vmul.f32 v3, v54;
	v47 =	vmul.f32 v49, v56;
	v39 =	vld.idx.msk [tilespmem:v39+s14+$0x0], $0xffff;
	v48 =	vadd.s32 v33, v63  }
0x174: {  	v38 =	vmul.f32 v38, v57;
	v26 =	vadd.f32 v32, v26;
	v49 =	vmul.f32 v35, v54;
	v35 =	vld.idx.msk [tilespmem:v51+s14+$0x0], $0xffff  }
0x175: {  	v41 =	vld.idx.msk [tilespmem:v60+s14+$0x0], $0xffff;
	v44 =	vadd.s32 v33, v1;
	v3 =	vadd.f32 v3, v31;
	v31 =	vor.u32 $0x840, v0  }
0x176: {  	v53 =	vadd.s32 v33, v2;
	v32 =	vor.u32 $0x841, v0;
	v46 =	vadd.s32 v31, v62  }
0x177: {  	v3 =	vadd.f32 v47, v3;
	v51 =	vmul.f32 v40, v58;
	v36 =	vmul.f32 v36, v56;
	v42 =	vld.idx.msk [tilespmem:v61+s14+$0x0], $0xffff  }
0x178: {  	v47 =	vmul.f32 v40, v59;
	v26 =	vadd.f32 v49, v26;
	v43 =	vld.idx.msk [tilespmem:v48+s14+$0x0], $0xffff;
	v48 =	vadd.s32 v32, v62  }
0x179: {  	v37 =	vor.u32 $0x842, v0;
	v39 =	vmul.f32 v39, v56;
	v35 =	vmul.f32 v35, v55  }
0x17a: {  	v3 =	vmul.f32 v3, v51;
	v51 =	vmul.f32 v41, v54;
	v26 =	vadd.f32 v36, v26;
	v36 =	vld.idx.msk [tilespmem:v44+s14+$0x0], $0xffff  }
0x17b: {  	v41 =	vld.idx.msk [tilespmem:v53+s14+$0x0], $0xffff;
	v53 =	vadd.s32 v37, v62;
	v49 =	vor.u32 $0x2840, v0;
	v35 =	vadd.f32 v38, v35  }
0x17c: {  	v45 =	vld.idx.msk [tilespmem:v46+s14+$0x0], $0xffff;
	v26 =	vmul.f32 v26, v47;
	v47 =	vor.u32 $0x843, v0;
	v42 =	vmul.f32 v42, v55  }
0x17d: {  	v43 =	vmul.f32 v43, v57;
	v38 =	vadd.s32 v47, v62;
	v61 =	vadd.f32 v51, v35;
	v35 =	vld.idx.msk [tilespmem:v48+s14+$0x0], $0xffff  }
0x17e: {  	v60 =	vld [tilespmem:$0x12E90];
	v3 =	vadd.f32 $0.0e+00, v3;
	v46 =	vadd.s32 v49, v62;
	v44 =	vor.u32 $0x4841, v0  }
0x17f: {  	v42 =	vadd.f32 v43, v42;
	v36 =	vmul.f32 v36, v54;
	v48 =	vor.u32 $0x2841, v0  }
0x180: {  	v41 =	vmul.f32 v41, v56;
	v3 =	vadd.f32 v26, v3;
	v51 =	vld.idx.msk [tilespmem:v53+s14+$0x0], $0xffff;
	v53 =	vadd.s32 v48, v62  }
0x181: {  	v43 =	vor.u32 $0x2842, v0;
	v26 =	vadd.f32 v39, v61;
	v61 =	vld [tilespmem:$0x12F10];
	v36 =	vadd.f32 v36, v42  }
0x182: {  	v42 =	vmul.f32 v45, v55;
	v45 =	vadd.s32 v43, v62;
	v38 =	vld.idx.msk [tilespmem:v38+s14+$0x0], $0xffff;
	v35 =	vmul.f32 v35, v57  }
0x183: {  	v25 =	vmul.f32 v40, v60;
	v8 =	vadd.s32 v44, v62;
	v39 =	vor.u32 $0x4840, v0  }
0x184: {  	v41 =	vadd.f32 v41, v36;
	v35 =	vadd.f32 v35, v42;
	v42 =	vld.idx.msk [tilespmem:v46+s14+$0x0], $0xffff;
	v46 =	vadd.s32 v39, v62  }
0x185: {  	v36 =	vor.u32 $0x4842, v0;
	v7 =	vmul.f32 v51, v54;
	v51 =	vor.u32 $0x2843, v0;
	v53 =	vld.idx.msk [tilespmem:v53+s14+$0x0], $0xffff  }
0x186: {  	v9 =	vld [tilespmem:$0x13010];
	v26 =	vmul.f32 v26, v25;
	v11 =	vadd.s32 v36, v62;
	v10 =	vadd.s32 v51, v62  }
0x187: {  	v40 =	vmul.f32 v40, v61;
	v45 =	vld.idx.msk [tilespmem:v45+s14+$0x0], $0xffff;
	v38 =	vmul.f32 v38, v56;
	v7 =	vadd.f32 v7, v35  }
0x188: {  	v8 =	vld.idx.msk [tilespmem:v8+s14+$0x0], $0xffff;
	v3 =	vadd.f32 v26, v3;
	v35 =	vor.u32 $0x4843, v0  }
0x189: {  	v26 =	vmul.f32 v41, v40;
	v7 =	vadd.f32 v38, v7;
	v12 =	vld.idx.msk [tilespmem:v46+s14+$0x0], $0xffff;
	v46 =	vadd.s32 v35, v62  }
0x18a: {  	v24 =	vmul.f32 v53, v57;
	v38 =	vor.u32 $0x6840, v0;
	v41 =	vmul.f32 v42, v55  }
0x18b: {  	v25 =	vmul.f32 v9, v58;
	v40 =	vor.u32 $0x6841, v0;
	v10 =	vld.idx.msk [tilespmem:v10+s14+$0x0], $0xffff;
	v13 =	vadd.s32 v38, v62  }
0x18c: {  	v11 =	vld.idx.msk [tilespmem:v11+s14+$0x0], $0xffff;
	v14 =	vadd.s32 v40, v62;
	v45 =	vmul.f32 v45, v54;
	v42 =	vadd.f32 v24, v41  }
0x18d: {  	v8 =	vmul.f32 v8, v57;
	v3 =	vadd.f32 v26, v3;
	v41 =	vor.u32 $0x6842, v0  }
0x18e: {  	v53 =	vadd.s32 v41, v62;
	v26 =	vadd.f32 v45, v42;
	v45 =	vld.idx.msk [tilespmem:v46+s14+$0x0], $0xffff;
	v46 =	vor.u32 $0x1800, v0  }
0x18f: {  	v7 =	vmul.f32 v7, v25;
	v12 =	vmul.f32 v12, v55;
	v15 =	vadd.s32 v46, v62  }
0x190: {  	v10 =	vmul.f32 v10, v56;
	v42 =	vor.u32 $0x6843, v0;
	v13 =	vld.idx.msk [tilespmem:v13+s14+$0x0], $0xffff;
	v16 =	vadd.s32 v46, v63  }
0x191: {  	v11 =	vmul.f32 v11, v54;
	v8 =	vadd.f32 v8, v12;
	v12 =	vld.idx.msk [tilespmem:v14+s14+$0x0], $0xffff;
	v14 =	vadd.s32 v42, v62  }
0x192: {  	v10 =	vadd.f32 v10, v26;
	v26 =	vmul.f32 v9, v59;
	v17 =	vadd.s32 v46, v1  }
0x193: {  	v18 =	vadd.s32 $0x40, v62;
	v8 =	vadd.f32 v11, v8;
	v11 =	vmul.f32 v45, v56;
	v45 =	vld.idx.msk [tilespmem:v53+s14+$0x0], $0xffff  }
0x194: {  	v19 =	vadd.s32 $0x41, v62;
	v3 =	vadd.f32 v7, v3;
	v7 =	vmul.f32 v10, v26;
	v10 =	vld.idx.msk [tilespmem:v15+s14+$0x0], $0xffff  }
0x195: {  	v13 =	vmul.f32 v13, v55;
	v53 =	vor.u32 $0x3800, v0;
	v15 =	vld.idx.msk [tilespmem:v16+s14+$0x0], $0xffff;
	v16 =	vadd.s32 v46, v2  }
0x196: {  	v8 =	vadd.f32 v11, v8;
	v11 =	vmul.f32 v9, v60;
	v12 =	vmul.f32 v12, v57;
	v14 =	vld.idx.msk [tilespmem:v14+s14+$0x0], $0xffff  }
0x197: {  	[tilespmem:$0x1FEC0] =	vst v4;
	v20 =	vadd.s32 $0x42, v62;
	v7 =	vadd.f32 v7, v3;
	v17 =	vld.idx.msk [tilespmem:v17+s14+$0x0], $0xffff;
	v26 =	vadd.s32 v53, v62  }
0x198: {  	v25 =	vmovc v21;
	v8 =	vmul.f32 v8, v11;
	v11 =	vadd.f32 v12, v13;
	v12 =	vadd.s32 v53, v63  }
0x199: {  	v24 =	vmovc v23;
	v23 =	vmovc v22;
	v22 =	vadd.s32 v53, v1;
	v21 =	vmul.f32 v45, v54;
	v45 =	vor.u32 $0x5800, v0  }
0x19a: {  	v10 =	vmul.f32 v10, v55;
	v15 =	vmul.f32 v15, v57;
	v16 =	vld.idx.msk [tilespmem:v16+s14+$0x0], $0xffff;
	v4 =	vadd.s32 v45, v62  }
0x19b: {  	v13 =	vld [tilespmem:$0x13090];
	v11 =	vadd.f32 v21, v11;
	v14 =	vmul.f32 v14, v56;
	v21 =	vadd.s32 v45, v63  }
0x19c: {  	v5 =	vadd.s32 v53, v2;
	v10 =	vadd.f32 v15, v10;
	v15 =	vmul.f32 v17, v54;
	v17 =	vld.idx.msk [tilespmem:v26+s14+$0x0], $0xffff  }
0x19d: {  	v6 =	vadd.s32 $0x43, v62;
	v11 =	vadd.f32 v14, v11;
	v12 =	vld.idx.msk [tilespmem:v12+s14+$0x0], $0xffff;
	v14 =	vadd.s32 v45, v1  }
0x19e: {  	v9 =	vmul.f32 v9, v61;
	v7 =	vadd.f32 v8, v7;
	v10 =	vadd.f32 v15, v10;
	v15 =	vld.idx.msk [tilespmem:v22+s14+$0x0], $0xffff  }
0x19f: {  	v26 =	vor.u32 $0x7800, v0;
	v22 =	vadd.s32 v45, v2;
	v16 =	vmul.f32 v16, v56;
	v4 =	vld.idx.msk [tilespmem:v4+s14+$0x0], $0xffff  }
0x1a0: {  	v62 =	vadd.s32 v26, v62;
	v1 =	vadd.s32 v26, v1;
	v8 =	vmul.f32 v11, v9;
	v9 =	vld.idx.msk [tilespmem:v21+s14+$0x0], $0xffff  }
0x1a1: {  	v5 =	vld.idx.msk [tilespmem:v5+s14+$0x0], $0xffff;
	v11 =	vadd.s32 v26, v63;
	v10 =	vadd.f32 v16, v10;
	v16 =	vmul.f32 v13, v58  }
0x1a2: {  	v2 =	vadd.s32 v26, v2;
	v17 =	vmul.f32 v17, v55;
	v12 =	vmul.f32 v12, v57;
	v14 =	vld.idx.msk [tilespmem:v14+s14+$0x0], $0xffff  }
0x1a3: {  	v3 =	vld [tilespmem:$0x13110];
	v7 =	vadd.f32 v8, v7;
	v8 =	vmul.f32 v10, v16;
	v16 =	vadd.s32 v46, v18  }
0x1a4: {  	v10 =	vld.idx.msk [tilespmem:v22+s14+$0x0], $0xffff;
	v15 =	vmul.f32 v15, v54;
	v22 =	vadd.s32 v46, v20;
	v12 =	vadd.f32 v12, v17  }
0x1a5: {  	v21 =	vadd.s32 v46, v19;
	v17 =	vld.idx.msk [tilespmem:v62+s14+$0x0], $0xffff;
	v4 =	vmul.f32 v4, v55;
	v9 =	vmul.f32 v9, v57  }
0x1a6: {  	v5 =	vmul.f32 v5, v56;
	v63 =	vadd.s32 v45, v19;
	v11 =	vld.idx.msk [tilespmem:v11+s14+$0x0], $0xffff;
	v12 =	vadd.f32 v15, v12  }
0x1a7: {  	v1 =	vld.idx.msk [tilespmem:v1+s14+$0x0], $0xffff;
	v4 =	vadd.f32 v9, v4;
	v9 =	vmul.f32 v14, v54;
	v14 =	vadd.s32 v53, v18  }
0x1a8: {  	v62 =	vadd.s32 v53, v19;
	v7 =	vadd.f32 v8, v7;
	v15 =	vadd.s32 v46, v6;
	v16 =	vld.idx.msk [tilespmem:v16+s14+$0x0], $0xffff  }
0x1a9: {  	v5 =	vadd.f32 v5, v12;
	v12 =	vmul.f32 v13, v59;
	v8 =	vld.idx.msk [tilespmem:v22+s14+$0x0], $0xffff;
	v22 =	vadd.s32 v45, v18  }
0x1aa: {  	v4 =	vadd.f32 v9, v4;
	v9 =	vmul.f32 v10, v56;
	v10 =	vld.idx.msk [tilespmem:v21+s14+$0x0], $0xffff;
	v17 =	vmul.f32 v17, v55  }
0x1ab: {  	v2 =	vld.idx.msk [tilespmem:v2+s14+$0x0], $0xffff;
	v21 =	vadd.s32 v53, v20;
	v11 =	vmul.f32 v11, v57;
	v5 =	vmul.f32 v5, v12  }
0x1ac: {  	v12 =	vadd.s32 v53, v6;
	v4 =	vadd.f32 v9, v4;
	v9 =	vmul.f32 v13, v60;
	v14 =	vld.idx.msk [tilespmem:v14+s14+$0x0], $0xffff  }
0x1ad: {  	v1 =	vmul.f32 v1, v54;
	v11 =	vadd.f32 v11, v17;
	v5 =	vadd.f32 v5, v7;
	v7 =	vld.idx.msk [tilespmem:v62+s14+$0x0], $0xffff  }
0x1ae: {  	v18 =	vadd.s32 v26, v18;
	v15 =	vld.idx.msk [tilespmem:v15+s14+$0x0], $0xffff;
	v4 =	vmul.f32 v4, v9;
	v9 =	vadd.s32 v45, v20  }
0x1af: {  	v16 =	vmul.f32 v16, v55;
	v1 =	vadd.f32 v1, v11;
	v11 =	vld.idx.msk [tilespmem:v22+s14+$0x0], $0xffff;
	v10 =	vmul.f32 v10, v57  }
0x1b0: {  	v19 =	vadd.s32 v26, v19;
	v2 =	vmul.f32 v2, v56;
	v8 =	vmul.f32 v8, v54;
	v17 =	vld.idx.msk [tilespmem:v21+s14+$0x0], $0xffff  }
0x1b1: {  	v20 =	vadd.s32 v26, v20;
	v21 =	vadd.s32 v45, v6;
	v12 =	vld.idx.msk [tilespmem:v12+s14+$0x0], $0xffff;
	v10 =	vadd.f32 v10, v16  }
0x1b2: {  	v1 =	vadd.f32 v2, v1;
	v16 =	vld.idx.msk [tilespmem:v63+s14+$0x0], $0xffff;
	v2 =	vmul.f32 v14, v55;
	v7 =	vmul.f32 v7, v57  }
0x1b3: {  	v9 =	vld.idx.msk [tilespmem:v9+s14+$0x0], $0xffff;
	v8 =	vadd.f32 v8, v10;
	v10 =	vmul.f32 v13, v61;
	v13 =	vmul.f32 v15, v56  }
0x1b4: {  	v6 =	vadd.s32 v26, v6;
	v4 =	vadd.f32 v4, v5;
	v15 =	vld.idx.msk [tilespmem:v18+s14+$0x0], $0xffff;
	v11 =	vmul.f32 v11, v55  }
0x1b5: {  	v2 =	vadd.f32 v7, v2;
	v7 =	vmul.f32 v17, v54;
	v5 =	vadd.f32 v13, v8;
	v8 =	vld.idx.msk [tilespmem:v19+s14+$0x0], $0xffff  }
0x1b6: {  	v14 =	vld.idx.msk [tilespmem:v21+s14+$0x0], $0xffff;
	v1 =	vmul.f32 v1, v10;
	v10 =	vmul.f32 v3, v58  }
0x1b7: {  	v2 =	vadd.f32 v7, v2;
	v7 =	vmul.f32 v12, v56;
	v13 =	vmul.f32 v16, v57;
	v16 =	vld [tilespmem:s9+$0x40]  }
0x1b8: {  	v12 =	vld.idx.msk [tilespmem:v20+s14+$0x0], $0xffff;
	v1 =	vadd.f32 v1, v4;
	v4 =	vmul.f32 v5, v10;
	v5 =	vmul.f32 v3, v59  }
0x1b9: {  	v6 =	vld.idx.msk [tilespmem:v6+s14+$0x0], $0xffff;
	v2 =	vadd.f32 v7, v2;
	v7 =	vadd.f32 v13, v11;
	v9 =	vmul.f32 v9, v54  }
0x1ba: {  	v1 =	vadd.f32 v4, v1;
	v4 =	vmul.f32 v15, v55;
	v8 =	vmul.f32 v8, v57  }
0x1bb: {  	v10 =	vld [tilespmem:s9+$0x1940];
	v2 =	vmul.f32 v2, v5;
	v5 =	vadd.f32 v9, v7;
	v7 =	vmul.f32 v14, v56  }
0x1bc: {  	v9 =	vld [tilespmem:s9+$0xCC0];
	v11 =	vtrunc.f32 v16;
	v4 =	vadd.f32 v8, v4  }
0x1bd: {  	v8 =	vmul.f32 v12, v54;
	v5 =	vadd.f32 v7, v5;
	v7 =	vmul.f32 v3, v60  }
0x1be: {  	v6 =	vmul.f32 v6, v56;
	v11 =	vcvt.f32.s32 v11;
	v1 =	vadd.f32 v2, v1  }
0x1bf: {  	v3 =	vmul.f32 v3, v61;
	v4 =	vadd.f32 v8, v4;
	v2 =	vmul.f32 v5, v7  }
0x1c0: {  	v5 =	vcvt.s32.f32 v11;
	v7 =	vtrunc.f32 v10  }
0x1c1: {  	v8 =	vadd.s32 $0xFFFFFFFF, v11;
	v4 =	vadd.f32 v6, v4;
	v6 =	vtrunc.f32 v9  }
0x1c2: {  	vm10 =	vgt.s32 v8, $0x0;
	v5 =	vsub.f32 v16, v5;
	v6 =	vcvt.f32.s32 v6  }
0x1c3: {  	v1 =	vadd.f32 v2, v1;
	v2 =	vcvt.f32.s32 v7;
	v8 =	vnsel vm10, $0x0, v8  }
0x1c4: {  	v3 =	vmul.f32 v4, v3;
	v4 =	vmax.f32 v5, $0.0e+00;
	v5 =	vcvt.s32.f32 v6  }
0x1c5: {  	v7 =	vcvt.s32.f32 v2;
	v2 =	vadd.s32 $0xFFFFFFFF, v2;
	v4 =	vmin.f32 v4, $1.000000000e+00  }
0x1c6: {  	v6 =	vadd.s32 $0xFFFFFFFF, v6;
	vm12 =	vgt.s32 v2, $0x0;
	v5 =	vsub.f32 v9, v5  }
0x1c7: {  	v1 =	vadd.f32 v3, v1;
	v3 =	vmul.f32 $1.500000000e+00, v4;
	v7 =	vsub.f32 v10, v7  }
0x1c8: {  	v2 =	vnsel vm12, $0x0, v2;
	v9 =	vmul.f32 $5.000000000e-01, v4;
	v5 =	vmax.f32 v5, $0.0e+00  }
0x1c9: {  	v10 =	vadd.f32 $-2.500000000e+00, v3;
	v7 =	vmax.f32 v7, $0.0e+00;
	v5 =	vmin.f32 v5, $1.000000000e+00  }
0x1ca: {  	v3 =	vsub.f32 $2.000000000e+00, v3;
	v7 =	vmin.f32 v7, $1.000000000e+00;
	v12 =	vmul.f32 $5.000000000e-01, v5  }
0x1cb: {  	v11 =	vsub.f32 $1.000000000e+00, v9;
	v10 =	vmul.f32 v10, v4;
	v13 =	vmul.f32 $5.000000000e-01, v7  }
0x1cc: {  	v17 =	vmul.f32 $1.500000000e+00, v7;
	v3 =	vmul.f32 v3, v4;
	v14 =	vsub.f32 $1.000000000e+00, v12  }
0x1cd: {  	v11 =	vmul.f32 v11, v4;
	v15 =	vmul.f32 $1.500000000e+00, v5;
	v16 =	vsub.f32 $1.000000000e+00, v13  }
0x1ce: {  	v19 =	vadd.f32 $-2.500000000e+00, v17;
	v17 =	vsub.f32 $2.000000000e+00, v17;
	v14 =	vmul.f32 v14, v5  }
0x1cf: {  	v10 =	vmul.f32 v10, v4;
	v3 =	vadd.f32 $5.000000000e-01, v3;
	v11 =	vadd.f32 $-5.000000000e-01, v11  }
0x1d0: {  	v2 =	vmin.u32 v2, $0x3C;
	v18 =	vadd.f32 $-2.500000000e+00, v15;
	v14 =	vadd.f32 $-5.000000000e-01, v14  }
0x1d1: {  	[tilespmem:s9+$0x13E90] =	vst v1;
	v10 =	vadd.f32 $1.000000000e+00, v10;
	v16 =	vmul.f32 v16, v7;
	v11 =	vmul.f32 v11, v4  }
0x1d2: {  	[tilespmem:$0x13D80] =	vst v2;
	v18 =	vmul.f32 v18, v5;
	v1 =	vmul.f32 v14, v5;
	v14 =	vsub.f32 $2.000000000e+00, v15  }
0x1d3: {  	v3 =	vmul.f32 v3, v4;
	v16 =	vadd.f32 $-5.000000000e-01, v16;
	[tilespmem:$0x12E00] =	vst v10;
	v15 =	vmul.f32 v19, v7  }
0x1d4: {  	v10 =	vadd.f32 $-5.000000000e-01, v12;
	v18 =	vmul.f32 v18, v5;
	[tilespmem:$0x12D80] =	vst v11;
	v11 =	vmul.f32 v14, v5  }
0x1d5: {  	v16 =	vmul.f32 v16, v7;
	v14 =	vmul.f32 v15, v7;
	[tilespmem:$0x12F80] =	vst v1;
	v1 =	vadd.f32 $-5.000000000e-01, v9  }
0x1d6: {  	vm11 =	vgt.s32 v6, $0x0;
	[tilespmem:$0x12E80] =	vst v3;
	v9 =	vadd.f32 $1.000000000e+00, v18;
	v11 =	vadd.f32 $5.000000000e-01, v11  }
0x1d7: {  	[tilespmem:$0x13180] =	vst v16;
	v15 =	vmul.f32 v17, v7;
	v14 =	vadd.f32 $1.000000000e+00, v14;
	v1 =	vmul.f32 v1, v4  }
0x1d8: {  	v10 =	vmul.f32 v10, v5;
	[tilespmem:$0x13000] =	vst v9;
	v9 =	vmul.f32 v11, v5;
	v11 =	vadd.f32 $-5.000000000e-01, v13  }
0x1d9: {  	v3 =	vnsel vm11, $0x0, v6;
	v12 =	vadd.f32 $5.000000000e-01, v15;
	[tilespmem:$0x13200] =	vst v14;
	v1 =	vmul.f32 v1, v4  }
0x1da: {  	v3 =	vmin.u32 v3, $0x3C;
	v5 =	vmul.f32 v10, v5;
	v4 =	vmul.f32 v11, v7;
	[tilespmem:$0x13080] =	vst v9  }
0x1db: {  	v8 =	vmin.u32 v8, $0x3C;
	v12 =	vmul.f32 v12, v7;
	[tilespmem:$0x12F00] =	vst v1;
	v1 =	vshll.u32 v3, $0xB  }
0x1dc: {  	[tilespmem:$0x13100] =	vst v5;
	v5 =	vshll.u32 v8, $0x5;
	v1 =	vand.u32 $0x800, v1;
	v4 =	vmul.f32 v4, v7  }
0x1dd: {  	[tilespmem:$0x13280] =	vst v12;
	v3 =	vshrl.u32 v3, $0x1;
	v1 =	vor.u32 v5, v1  }
0x1de: {  	v1 =	vor.u32 v3, v1;
	[tilespmem:$0x13300] =	vst v4  }
0x1df: {  	[tilespmem:$0x2580] =	vst v1;
	v2 =	vadd.s32 $0x1, v1  }
0x1e0: {  	[tilespmem:$0x2600] =	vst v2;
	v2 =	vadd.s32 $0x20, v1  }
0x1e1: {  	[tilespmem:$0x2680] =	vst v2;
	v2 =	vadd.s32 $0x21, v1  }
0x1e2: {  	[tilespmem:$0x2700] =	vst v2;
	v2 =	vadd.s32 $0x40, v1  }
0x1e3: {  	[tilespmem:$0x2780] =	vst v2;
	v2 =	vadd.s32 $0x41, v1  }
0x1e4: {  	[tilespmem:$0x2800] =	vst v2;
	v2 =	vadd.s32 $0x60, v1  }
0x1e5: {  	v1 =	vadd.s32 $0x61, v1;
	[tilespmem:$0x2880] =	vst v2  }
0x1e6: {  	[tilespmem:$0x2900] =	vst v1  }
0x1e7: {  	v1 =	vld [tilespmem:s9+$0x50];
	_ =	sdelay $0x4  }
0x1e8: {  	v2 =	vld [tilespmem:s9+$0xCD0];
	v4 =	vtrunc.f32 v1  }
0x1e9: {  	v3 =	vld [tilespmem:s9+$0x1950];
	v4 =	vcvt.f32.s32 v4;
	_ =	sdelay $0x1  }
0x1ea: {  	v5 =	vcvt.s32.f32 v4;
	_ =	sdelay $0x1  }
0x1eb: {  	v6 =	vtrunc.f32 v2;
	v1 =	vsub.f32 v1, v5  }
0x1ec: {  	v5 =	vcvt.f32.s32 v6;
	v6 =	vtrunc.f32 v3  }
0x1ed: {  	v6 =	vcvt.f32.s32 v6;
	v1 =	vmax.f32 v1, $0.0e+00  }
0x1ee: {  	v7 =	vcvt.s32.f32 v5;
	v1 =	vmin.f32 v1, $1.000000000e+00  }
0x1ef: {  	v4 =	vadd.s32 $0xFFFFFFFF, v4;
	v8 =	vcvt.s32.f32 v6;
	v9 =	vmul.f32 $1.500000000e+00, v1  }
0x1f0: {  	vm13 =	vgt.s32 v4, $0x0;
	v2 =	vsub.f32 v2, v7;
	v7 =	vmul.f32 $5.000000000e-01, v1  }
0x1f1: {  	v4 =	vnsel vm13, $0x0, v4;
	v3 =	vsub.f32 v3, v8;
	v8 =	vadd.f32 $-2.500000000e+00, v9  }
0x1f2: {  	v2 =	vmax.f32 v2, $0.0e+00;
	v10 =	vsub.f32 $1.000000000e+00, v7;
	v9 =	vsub.f32 $2.000000000e+00, v9  }
0x1f3: {  	v7 =	vadd.f32 $-5.000000000e-01, v7;
	v2 =	vmin.f32 v2, $1.000000000e+00;
	v8 =	vmul.f32 v8, v1  }
0x1f4: {  	v3 =	vmax.f32 v3, $0.0e+00;
	v11 =	vmul.f32 $5.000000000e-01, v2;
	v10 =	vmul.f32 v10, v1  }
0x1f5: {  	v3 =	vmin.f32 v3, $1.000000000e+00;
	v14 =	vmul.f32 $1.500000000e+00, v2;
	v9 =	vmul.f32 v9, v1  }
0x1f6: {  	v7 =	vmul.f32 v7, v1;
	v12 =	vmul.f32 $5.000000000e-01, v3;
	v13 =	vsub.f32 $1.000000000e+00, v11  }
0x1f7: {  	v16 =	vmul.f32 $1.500000000e+00, v3;
	v10 =	vadd.f32 $-5.000000000e-01, v10;
	v17 =	vadd.f32 $-2.500000000e+00, v14  }
0x1f8: {  	v8 =	vmul.f32 v8, v1;
	v14 =	vsub.f32 $2.000000000e+00, v14;
	v9 =	vadd.f32 $5.000000000e-01, v9  }
0x1f9: {  	v15 =	vsub.f32 $1.000000000e+00, v12;
	v18 =	vadd.f32 $-2.500000000e+00, v16;
	v13 =	vmul.f32 v13, v2  }
0x1fa: {  	v16 =	vsub.f32 $2.000000000e+00, v16;
	v10 =	vmul.f32 v10, v1;
	v17 =	vmul.f32 v17, v2  }
0x1fb: {  	v8 =	vadd.f32 $1.000000000e+00, v8;
	v9 =	vmul.f32 v9, v1;
	v15 =	vmul.f32 v15, v3  }
0x1fc: {  	v1 =	vmul.f32 v7, v1;
	v18 =	vmul.f32 v18, v3;
	v13 =	vadd.f32 $-5.000000000e-01, v13;
	[tilespmem:$0x12D90] =	vst v10  }
0x1fd: {  	v16 =	vmul.f32 v16, v3;
	v10 =	vmul.f32 v14, v2;
	[tilespmem:$0x12E10] =	vst v8;
	v15 =	vadd.f32 $-5.000000000e-01, v15  }
0x1fe: {  	v12 =	vadd.f32 $-5.000000000e-01, v12;
	[tilespmem:$0x12E90] =	vst v9;
	v14 =	vmul.f32 v18, v3;
	v13 =	vmul.f32 v13, v2  }
0x1ff: {  	v8 =	vadd.f32 $-5.000000000e-01, v11;
	[tilespmem:$0x12F10] =	vst v1;
	v11 =	vadd.f32 $5.000000000e-01, v16;
	v15 =	vmul.f32 v15, v3  }
0x200: {  	v5 =	vadd.s32 $0xFFFFFFFF, v5;
	v7 =	vmul.f32 v12, v3;
	v14 =	vadd.f32 $1.000000000e+00, v14;
	[tilespmem:$0x12F90] =	vst v13  }
0x201: {  	vm14 =	vgt.s32 v5, $0x0;
	v17 =	vmul.f32 v17, v2;
	v11 =	vmul.f32 v11, v3;
	[tilespmem:$0x13190] =	vst v15  }
0x202: {  	v10 =	vadd.f32 $5.000000000e-01, v10;
	v8 =	vmul.f32 v8, v2;
	v3 =	vmul.f32 v7, v3;
	[tilespmem:$0x13210] =	vst v14  }
0x203: {  	v6 =	vadd.s32 $0xFFFFFFFF, v6;
	v5 =	vnsel vm14, $0x0, v5;
	v13 =	vadd.f32 $1.000000000e+00, v17;
	[tilespmem:$0x13290] =	vst v11  }
0x204: {  	v5 =	vmin.u32 v5, $0x3C;
	v10 =	vmul.f32 v10, v2;
	v2 =	vmul.f32 v8, v2;
	[tilespmem:$0x13310] =	vst v3  }
0x205: {  	v4 =	vmin.u32 v4, $0x3C;
	vm15 =	vgt.s32 v6, $0x0;
	v1 =	vshll.u32 v5, $0xB;
	[tilespmem:$0x13010] =	vst v13  }
0x206: {  	v6 =	vnsel vm15, $0x0, v6;
	v1 =	vand.u32 $0x800, v1;
	[tilespmem:$0x13110] =	vst v2;
	v2 =	vshll.u32 v4, $0x5  }
0x207: {  	v3 =	vshrl.u32 v5, $0x1;
	[tilespmem:$0x13090] =	vst v10;
	v4 =	vmin.u32 v6, $0x3C;
	v1 =	vor.u32 v2, v1  }
0x208: {  	[tilespmem:$0x13D90] =	vst v4;
	v1 =	vor.u32 v3, v1  }
0x209: {  	[tilespmem:$0x2590] =	vst v1;
	v2 =	vadd.s32 $0x1, v1  }
0x20a: {  	[tilespmem:$0x2610] =	vst v2;
	v2 =	vadd.s32 $0x20, v1  }
0x20b: {  	[tilespmem:$0x2690] =	vst v2;
	v2 =	vadd.s32 $0x21, v1  }
0x20c: {  	[tilespmem:$0x2710] =	vst v2;
	v2 =	vadd.s32 $0x40, v1  }
0x20d: {  	[tilespmem:$0x2790] =	vst v2;
	v2 =	vadd.s32 $0x41, v1  }
0x20e: {  	[tilespmem:$0x2810] =	vst v2;
	v2 =	vadd.s32 $0x60, v1  }
0x20f: {  	v1 =	vadd.s32 $0x61, v1;
	[tilespmem:$0x2890] =	vst v2  }
0x210: {  	[tilespmem:$0x2910] =	vst v1  }
0x211: {  	[tilespmem:s14], [sflag:$0x1] =	stream.indirect.gather [hbm4b:s2+s12], $0x80, s13, s12, $0xb8;
	[tilespmem:$0x14B00] =	vst v63  }
0x212: {  	_ = 	snop  }
0x213: {  	[tilespmem:s16], [sflag:$0x1] =	stream.indirect.gather [hbm4b:s2+s12], $0x80, s15, s12, $0xb8;
	[tilespmem:$0x14B00] =	vst v63  }
0x214: {  	_ = 	snop  }
0x215: {  	[tilespmem:s18], [sflag:$0x1] =	stream.indirect.gather [hbm4b:s2+s12], $0x80, s17, s12, $0xb8;
	[tilespmem:$0x14B00] =	vst v63  }
0x216: {  	_ = 	snop  }
0x217: {  	[tilespmem:s20], [sflag:$0x1] =	stream.indirect.gather [hbm4b:s2+s12], $0x80, s19, s12, $0xb8;
	[tilespmem:$0x14B00] =	vst v63  }
0x218: {  	_ = 	snop  }
0x219: {  	[tilespmem:s22], [sflag:$0x1] =	stream.indirect.gather [hbm4b:s2+s12], $0x80, s21, s12, $0xb8;
	[tilespmem:$0x14B00] =	vst v63  }
0x21a: {  	_ = 	snop  }
0x21b: {  	[tilespmem:s24], [sflag:$0x1] =	stream.indirect.gather [hbm4b:s2+s12], $0x80, s23, s12, $0xb8;
	[tilespmem:$0x14B00] =	vst v63  }
0x21c: {  	_ = 	snop  }
0x21d: {  	[tilespmem:s26], [sflag:$0x1] =	stream.indirect.gather [hbm4b:s2+s12], $0x80, s25, s12, $0xb8;
	[tilespmem:$0x14B00] =	vst v63  }
0x21e: {  	_ = 	snop  }
0x21f: {  	[tilespmem:s29], [sflag:$0x1] =	stream.indirect.gather [hbm4b:s2+s12], $0x80, s28, s12, $0xb8;
	[tilespmem:$0x14B00] =	vst v63  }
0x220: {  	_ =	swait.ge [sflag:s7], $0x1000  }
0x221: {  	[sflag:s7] =	ssyncset.done $0x0  }
0x222: {  	[sflag:s7] =	ssyncadd.s32 $0xFFFFF000  }
0x223: {  	_ =	swait.ge [sflag:s7], $0x1000  }
0x224: {  	[sflag:s7] =	ssyncset.done $0x0  }
0x225: {  	[sflag:s7] =	ssyncadd.s32 $0xFFFFF000  }
0x226: {  	_ =	swait.ge [sflag:s7], $0x1000  }
0x227: {  	[sflag:s7] =	ssyncset.done $0x0  }
0x228: {  	[sflag:s7] =	ssyncadd.s32 $0xFFFFF000  }
0x229: {  	_ =	swait.ge [sflag:s7], $0x1000  }
0x22a: {  	[sflag:s7] =	ssyncset.done $0x0  }
0x22b: {  	[sflag:s7] =	ssyncadd.s32 $0xFFFFF000  }
0x22c: {  	_ =	swait.ge [sflag:s7], $0x1000  }
0x22d: {  	[sflag:s7] =	ssyncset.done $0x0  }
0x22e: {  	[sflag:s7] =	ssyncadd.s32 $0xFFFFF000  }
0x22f: {  	_ =	swait.ge [sflag:s7], $0x1000  }
0x230: {  	[sflag:s7] =	ssyncset.done $0x0  }
0x231: {  	[sflag:s7] =	ssyncadd.s32 $0xFFFFF000  }
0x232: {  	_ =	swait.ge [sflag:s7], $0x1000  }
0x233: {  	[sflag:s7] =	ssyncset.done $0x0  }
0x234: {  	[sflag:s7] =	ssyncadd.s32 $0xFFFFF000  }
0x235: {  	_ =	swait.ge [sflag:s7], $0x1000  }
0x236: {  	[sflag:s7] =	ssyncset.done $0x0  }
0x237: {  	[sflag:s7] =	ssyncadd.s32 $0xFFFFF000  }
0x238: {  	v60 =	vld [tilespmem:$0x13E00];
	_ =	sdelay $0x4  }
0x239: {  	v1 =	vadd.s32 v0, v60  }
0x23a: {  	v9 =	vld [tilespmem:$0x1FED0];
	v2 =	vadd.s32 v25, v60  }
0x23b: {  	v14 =	vld [tilespmem:$0x1FF00]  }
0x23c: {  	v56 =	vld [tilespmem:$0x13980]  }
0x23d: {  	v57 =	vld [tilespmem:$0x13A00]  }
0x23e: {  	v5 =	vor.u32 $0x2001, v0;
	v4 =	vadd.s32 v27, v60;
	v1 =	vld.idx.msk [tilespmem:v1+s30+$0x0], $0xffff  }
0x23f: {  	v5 =	vadd.s32 v5, v60;
	v2 =	vld.idx.msk [tilespmem:v2+s30+$0x0], $0xffff  }
0x240: {  	v7 =	vor.u32 $0x2002, v0;
	v15 =	vld [tilespmem:$0x1FF10]  }
0x241: {  	v22 =	vmov v23;
	v58 =	vld [tilespmem:$0x13580];
	v7 =	vadd.s32 v7, v60  }
0x242: {  	v8 =	vor.u32 $0x2003, v0;
	v54 =	vld [tilespmem:$0x13A80];
	v3 =	vadd.s32 v22, v60  }
0x243: {  	v8 =	vadd.s32 v8, v60;
	v4 =	vld.idx.msk [tilespmem:v4+s30+$0x0], $0xffff  }
0x244: {  	v6 =	vadd.s32 v24, v60;
	v5 =	vld.idx.msk [tilespmem:v5+s30+$0x0], $0xffff;
	v1 =	vmul.f32 v1, v56;
	v2 =	vmul.f32 v2, v57  }
0x245: {  	v55 =	vld [tilespmem:$0x13B00]  }
0x246: {  	v9 =	vadd.s32 v9, v60;
	v1 =	vadd.f32 v2, v1;
	v2 =	vld.idx.msk [tilespmem:v7+s30+$0x0], $0xffff  }
0x247: {  	v11 =	vor.u32 $0x4002, v0;
	v3 =	vld.idx.msk [tilespmem:v3+s30+$0x0], $0xffff  }
0x248: {  	v11 =	vadd.s32 v11, v60;
	v8 =	vld.idx.msk [tilespmem:v8+s30+$0x0], $0xffff  }
0x249: {  	v10 =	vor.u32 $0x4001, v0;
	v6 =	vld.idx.msk [tilespmem:v6+s30+$0x0], $0xffff;
	v4 =	vmul.f32 v4, v56;
	v5 =	vmul.f32 v5, v57  }
0x24a: {  	v7 =	vadd.s32 v10, v60;
	v10 =	vld [tilespmem:$0x13780]  }
0x24b: {  	v4 =	vadd.f32 v5, v4;
	v5 =	vld.idx.msk [tilespmem:v9+s30+$0x0], $0xffff;
	v2 =	vmul.f32 v2, v54  }
0x24c: {  	v3 =	vmul.f32 v3, v54;
	v9 =	vld [tilespmem:$0x1FEE0]  }
0x24d: {  	v2 =	vadd.f32 v2, v4;
	v4 =	vmul.f32 v8, v55;
	v8 =	vld.idx.msk [tilespmem:v11+s30+$0x0], $0xffff  }
0x24e: {  	v12 =	vor.u32 $0x4003, v0;
	v1 =	vadd.f32 v3, v1;
	v11 =	vld [tilespmem:$0x1FEF0]  }
0x24f: {  	v16 =	vld [tilespmem:$0x1FF40];
	v3 =	vmul.f32 v6, v55;
	v6 =	vadd.s32 v12, v60;
	v12 =	vor.u32 $0x6001, v0  }
0x250: {  	v23 =	vmov v24;
	v24 =	vld [tilespmem:$0x13600];
	v12 =	vadd.s32 v12, v60  }
0x251: {  	v13 =	vor.u32 $0x6002, v0;
	v9 =	vadd.s32 v9, v60;
	v7 =	vld.idx.msk [tilespmem:v7+s30+$0x0], $0xffff  }
0x252: {  	v17 =	vld [tilespmem:$0x1FF80];
	v13 =	vadd.s32 v13, v60;
	v1 =	vadd.f32 v3, v1;
	v3 =	vmul.f32 v10, v58  }
0x253: {  	v21 =	vmov v25;
	v25 =	vld [tilespmem:$0x13680];
	v11 =	vadd.s32 v11, v60  }
0x254: {  	v1 =	vmul.f32 v1, v3;
	v3 =	vld.idx.msk [tilespmem:v6+s30+$0x0], $0xffff  }
0x255: {  	v6 =	vor.u32 $0x6003, v0;
	v12 =	vld.idx.msk [tilespmem:v12+s30+$0x0], $0xffff;
	v2 =	vadd.f32 v4, v2;
	v4 =	vmul.f32 v10, v24  }
0x256: {  	v5 =	vmul.f32 v5, v56;
	v6 =	vadd.s32 v6, v60;
	v9 =	vld.idx.msk [tilespmem:v9+s30+$0x0], $0xffff;
	v7 =	vmul.f32 v7, v57  }
0x257: {  	v2 =	vmul.f32 v2, v4;
	v4 =	vld.idx.msk [tilespmem:v13+s30+$0x0], $0xffff  }
0x258: {  	v14 =	vadd.s32 v14, v60;
	v5 =	vadd.f32 v7, v5;
	v7 =	vmul.f32 v8, v54;
	v8 =	vld.idx.msk [tilespmem:v11+s30+$0x0], $0xffff  }
0x259: {  	v1 =	vadd.f32 $0.0e+00, v1;
	v11 =	vld [tilespmem:$0x1FF30]  }
0x25a: {  	v63 =	vmov v27;
	v27 =	vld [tilespmem:$0x13700];
	v15 =	vadd.s32 v15, v60  }
0x25b: {  	v3 =	vmul.f32 v3, v55;
	v1 =	vadd.f32 v2, v1;
	v2 =	vadd.f32 v7, v5;
	v5 =	vld.idx.msk [tilespmem:v6+s30+$0x0], $0xffff  }
0x25c: {  	v16 =	vadd.s32 v16, v60;
	v13 =	vld [tilespmem:$0x1FF20];
	v7 =	vmul.f32 v12, v57;
	v6 =	vmul.f32 v9, v56  }
0x25d: {  	v14 =	vld.idx.msk [tilespmem:v14+s30+$0x0], $0xffff;
	v2 =	vadd.f32 v3, v2;
	v3 =	vmul.f32 v10, v25  }
0x25e: {  	v12 =	vld [tilespmem:$0x1FF50];
	v4 =	vmul.f32 v4, v54;
	v6 =	vadd.f32 v7, v6;
	v11 =	vadd.s32 v11, v60  }
0x25f: {  	v9 =	vld.idx.msk [tilespmem:v15+s30+$0x0], $0xffff  }
0x260: {  	v15 =	vld [tilespmem:$0x1FF60];
	v2 =	vmul.f32 v2, v3;
	v4 =	vadd.f32 v4, v6;
	v5 =	vmul.f32 v5, v55  }
0x261: {  	v16 =	vld.idx.msk [tilespmem:v16+s30+$0x0], $0xffff;
	v13 =	vadd.s32 v13, v60  }
0x262: {  	v1 =	vadd.f32 v2, v1;
	v2 =	vadd.f32 v5, v4;
	v5 =	vld [tilespmem:$0x1FF90]  }
0x263: {  	v12 =	vadd.s32 v12, v60;
	v7 =	vld.idx.msk [tilespmem:v11+s30+$0x0], $0xffff  }
0x264: {  	v11 =	vld [tilespmem:$0x1FF70]  }
0x265: {  	v10 =	vmul.f32 v10, v27;
	v3 =	vld [tilespmem:$0x13800];
	v15 =	vadd.s32 v15, v60  }
0x266: {  	v17 =	vadd.s32 v17, v60;
	v14 =	vmul.f32 v14, v57;
	v13 =	vld.idx.msk [tilespmem:v13+s30+$0x0], $0xffff;
	v8 =	vmul.f32 v8, v56  }
0x267: {  	v2 =	vmul.f32 v2, v10;
	v10 =	vld [tilespmem:$0x1FFB0];
	v5 =	vadd.s32 v5, v60  }
0x268: {  	v6 =	vadd.f32 v14, v8;
	v8 =	vmul.f32 v9, v54;
	v9 =	vld.idx.msk [tilespmem:v12+s30+$0x0], $0xffff  }
0x269: {  	v14 =	vld [tilespmem:$0x1FFA0];
	v11 =	vadd.s32 v11, v60  }
0x26a: {  	v4 =	vld.idx.msk [tilespmem:v15+s30+$0x0], $0xffff  }
0x26b: {  	v6 =	vadd.f32 v8, v6;
	v8 =	vmul.f32 v13, v55;
	v13 =	vld.idx.msk [tilespmem:v17+s30+$0x0], $0xffff  }
0x26c: {  	v1 =	vadd.f32 v2, v1;
	v2 =	vld.idx.msk [tilespmem:v5+s30+$0x0], $0xffff  }
0x26d: {  	v6 =	vadd.f32 v8, v6;
	v8 =	vmul.f32 v3, v58;
	v5 =	vld [tilespmem:$0x1FFC0]  }
0x26e: {  	v12 =	vmul.f32 v16, v57;
	v11 =	vld.idx.msk [tilespmem:v11+s30+$0x0], $0xffff  }
0x26f: {  	v6 =	vmul.f32 v6, v8;
	v7 =	vmul.f32 v7, v56  }
0x270: {  	v10 =	vadd.s32 v10, v60  }
0x271: {  	v9 =	vmul.f32 v9, v54;
	v1 =	vadd.f32 v6, v1;
	v6 =	vld [tilespmem:$0x1FFF0];
	v7 =	vadd.f32 v12, v7  }
0x272: {  	v14 =	vadd.s32 v14, v60;
	v4 =	vmul.f32 v4, v55;
	v12 =	vld [tilespmem:$0x1FFD0];
	v5 =	vadd.s32 v5, v60  }
0x273: {  	v7 =	vadd.f32 v9, v7;
	v9 =	vmul.f32 v13, v57;
	v8 =	vmul.f32 v11, v56;
	_ =	sdelay $0x1  }
0x274: {  	v4 =	vadd.f32 v4, v7;
	v7 =	vadd.f32 v9, v8;
	v8 =	vld.idx.msk [tilespmem:v10+s30+$0x0], $0xffff  }
0x275: {  	v6 =	vadd.s32 v6, v60;
	v10 =	vld [tilespmem:$0x1FFE0]  }
0x276: {  	v13 =	vor.u32 $0x1001, v0;
	v12 =	vadd.s32 v12, v60;
	v11 =	vld.idx.msk [tilespmem:v14+s30+$0x0], $0xffff  }
0x277: {  	v5 =	vld.idx.msk [tilespmem:v5+s30+$0x0], $0xffff;
	v9 =	vadd.s32 v13, v60  }
0x278: {  	v14 =	vmul.f32 v3, v24;
	v13 =	vor.u32 $0x1002, v0  }
0x279: {  	v16 =	vor.u32 $0x3002, v0;
	v2 =	vmul.f32 v2, v54;
	v13 =	vadd.s32 v13, v60  }
0x27a: {  	v15 =	vor.u32 $0x1003, v0;
	v6 =	vld.idx.msk [tilespmem:v6+s30+$0x0], $0xffff;
	v4 =	vmul.f32 v4, v14;
	v10 =	vadd.s32 v10, v60  }
0x27b: {  	v2 =	vadd.f32 v2, v7;
	v7 =	vmul.f32 v11, v55;
	v11 =	vld.idx.msk [tilespmem:v12+s30+$0x0], $0xffff;
	v12 =	vadd.s32 v15, v60  }
0x27c: {  	v14 =	vadd.s32 v52, v60;
	v5 =	vmul.f32 v5, v57;
	v15 =	vor.u32 $0x3001, v0;
	v9 =	vld.idx.msk [tilespmem:v9+s30+$0x0], $0xffff  }
0x27d: {  	v1 =	vadd.f32 v4, v1;
	v15 =	vadd.s32 v15, v60;
	v8 =	vmul.f32 v8, v56  }
0x27e: {  	v2 =	vadd.f32 v7, v2;
	v7 =	vmul.f32 v3, v25;
	v4 =	vld.idx.msk [tilespmem:v13+s30+$0x0], $0xffff;
	v13 =	vadd.s32 v16, v60  }
0x27f: {  	v5 =	vadd.f32 v5, v8;
	v8 =	vor.u32 $0x3003, v0;
	v10 =	vld.idx.msk [tilespmem:v10+s30+$0x0], $0xffff  }
0x280: {  	v2 =	vmul.f32 v2, v7;
	v7 =	vld.idx.msk [tilespmem:v12+s30+$0x0], $0xffff;
	v8 =	vadd.s32 v8, v60  }
0x281: {  	v6 =	vmul.f32 v6, v56;
	v12 =	vld.idx.msk [tilespmem:v14+s30+$0x0], $0xffff;
	v9 =	vmul.f32 v9, v57  }
0x282: {  	v3 =	vmul.f32 v3, v27;
	v16 =	vor.u32 $0x5001, v0;
	v11 =	vmul.f32 v11, v54;
	v14 =	vld.idx.msk [tilespmem:v15+s30+$0x0], $0xffff  }
0x283: {  	v15 =	vadd.s32 v50, v60;
	v4 =	vmul.f32 v4, v54;
	v6 =	vadd.f32 v9, v6;
	v9 =	vld.idx.msk [tilespmem:v13+s30+$0x0], $0xffff  }
0x284: {  	v17 =	vld [tilespmem:$0x13880];
	v5 =	vadd.f32 v11, v5;
	v11 =	vadd.s32 v16, v60;
	v10 =	vmul.f32 v10, v55  }
0x285: {  	v13 =	vor.u32 $0x5002, v0;
	v4 =	vadd.f32 v4, v6;
	v6 =	vmul.f32 v7, v55;
	v7 =	vld.idx.msk [tilespmem:v8+s30+$0x0], $0xffff  }
0x286: {  	v1 =	vadd.f32 v2, v1;
	v2 =	vadd.f32 v10, v5;
	v5 =	vadd.s32 v13, v60  }
0x287: {  	v8 =	vmul.f32 v12, v56;
	v10 =	vmul.f32 v14, v57;
	v13 =	vor.u32 $0x5003, v0  }
0x288: {  	v12 =	vld.idx.msk [tilespmem:v15+s30+$0x0], $0xffff;
	v9 =	vmul.f32 v9, v54;
	v2 =	vmul.f32 v2, v3;
	v3 =	vadd.f32 v6, v4  }
0x289: {  	v4 =	vld.idx.msk [tilespmem:v11+s30+$0x0], $0xffff;
	v6 =	vadd.s32 v13, v60;
	v11 =	vmul.f32 v17, v58;
	v8 =	vadd.f32 v10, v8  }
0x28a: {  	v7 =	vmul.f32 v7, v55;
	v1 =	vadd.f32 v2, v1  }
0x28b: {  	v2 =	vmul.f32 v3, v11;
	v3 =	vadd.f32 v9, v8;
	v9 =	vor.u32 $0x7001, v0;
	v5 =	vld.idx.msk [tilespmem:v5+s30+$0x0], $0xffff  }
0x28c: {  	v8 =	vadd.s32 v29, v60;
	v9 =	vadd.s32 v9, v60  }
0x28d: {  	v1 =	vadd.f32 v2, v1;
	v2 =	vadd.f32 v7, v3;
	v3 =	vmul.f32 v17, v24  }
0x28e: {  	v10 =	vmul.f32 v12, v56;
	v7 =	vor.u32 $0x7002, v0;
	v4 =	vmul.f32 v4, v57;
	v6 =	vld.idx.msk [tilespmem:v6+s30+$0x0], $0xffff  }
0x28f: {  	v16 =	vor.u32 $0x5041, v0;
	v2 =	vmul.f32 v2, v3;
	v3 =	vadd.s32 v7, v60  }
0x290: {  	v7 =	vor.u32 $0x7003, v0;
	v4 =	vadd.f32 v4, v10;
	v5 =	vmul.f32 v5, v54  }
0x291: {  	v7 =	vadd.s32 v7, v60;
	v10 =	vor.u32 $0x1041, v0;
	v9 =	vld.idx.msk [tilespmem:v9+s30+$0x0], $0xffff;
	v1 =	vadd.f32 v2, v1  }
0x292: {  	v2 =	vadd.s32 v10, v60;
	v4 =	vadd.f32 v5, v4;
	v5 =	vld.idx.msk [tilespmem:v8+s30+$0x0], $0xffff;
	v8 =	vor.u32 $0x1040, v0  }
0x293: {  	v13 =	vor.u32 $0x3040, v0;
	v6 =	vmul.f32 v6, v55;
	v8 =	vadd.s32 v8, v60  }
0x294: {  	v12 =	vmul.f32 v17, v25;
	v13 =	vadd.s32 v13, v60;
	v10 =	vor.u32 $0x1042, v0;
	v3 =	vld.idx.msk [tilespmem:v3+s30+$0x0], $0xffff  }
0x295: {  	v11 =	vld [tilespmem:$0x13900];
	v4 =	vadd.f32 v6, v4;
	v6 =	vadd.s32 v10, v60;
	v10 =	vor.u32 $0x1043, v0  }
0x296: {  	v15 =	vor.u32 $0x3042, v0;
	v14 =	vor.u32 $0x3041, v0;
	v7 =	vld.idx.msk [tilespmem:v7+s30+$0x0], $0xffff;
	v10 =	vadd.s32 v10, v60  }
0x297: {  	v14 =	vadd.s32 v14, v60;
	v9 =	vmul.f32 v9, v57;
	v2 =	vld.idx.msk [tilespmem:v2+s30+$0x0], $0xffff;
	v4 =	vmul.f32 v4, v12  }
0x298: {  	v12 =	vadd.s32 v15, v60;
	v15 =	vor.u32 $0x3043, v0;
	v5 =	vmul.f32 v5, v56;
	v8 =	vld.idx.msk [tilespmem:v8+s30+$0x0], $0xffff  }
0x299: {  	v3 =	vmul.f32 v3, v54;
	v1 =	vadd.f32 v4, v1;
	v4 =	vld.idx.msk [tilespmem:v13+s30+$0x0], $0xffff;
	v13 =	vadd.s32 v16, v60  }
0x29a: {  	v5 =	vadd.f32 v9, v5;
	v6 =	vld.idx.msk [tilespmem:v6+s30+$0x0], $0xffff;
	v9 =	vadd.s32 v15, v60;
	v15 =	vor.u32 $0x5040, v0  }
0x29b: {  	v19 =	vor.u32 $0x5043, v0;
	v16 =	vor.u32 $0x5042, v0;
	v10 =	vld.idx.msk [tilespmem:v10+s30+$0x0], $0xffff;
	v15 =	vadd.s32 v15, v60  }
0x29c: {  	v18 =	vor.u32 $0x7041, v0;
	v3 =	vadd.f32 v3, v5;
	v5 =	vld.idx.msk [tilespmem:v14+s30+$0x0], $0xffff;
	v14 =	vadd.s32 v16, v60  }
0x29d: {  	v18 =	vadd.s32 v18, v60;
	v7 =	vmul.f32 v7, v55;
	v16 =	vor.u32 $0x7040, v0;
	v12 =	vld.idx.msk [tilespmem:v12+s30+$0x0], $0xffff  }
0x29e: {  	v20 =	vor.u32 $0x7042, v0;
	v19 =	vadd.s32 v19, v60;
	v16 =	vadd.s32 v16, v60;
	v13 =	vld.idx.msk [tilespmem:v13+s30+$0x0], $0xffff  }
0x29f: {  	v2 =	vmul.f32 v2, v57;
	v8 =	vmul.f32 v8, v56;
	v3 =	vadd.f32 v7, v3;
	v9 =	vld.idx.msk [tilespmem:v9+s30+$0x0], $0xffff  }
0x2a0: {  	v7 =	vmul.f32 v17, v27;
	v17 =	vadd.s32 v20, v60;
	v4 =	vmul.f32 v4, v56;
	v15 =	vld.idx.msk [tilespmem:v15+s30+$0x0], $0xffff  }
0x2a1: {  	v6 =	vmul.f32 v6, v54;
	v2 =	vadd.f32 v2, v8;
	v8 =	vld.idx.msk [tilespmem:v14+s30+$0x0], $0xffff;
	v14 =	vor.u32 $0x7043, v0  }
0x2a2: {  	v3 =	vmul.f32 v3, v7;
	v7 =	vld.idx.msk [tilespmem:v18+s30+$0x0], $0xffff;
	v5 =	vmul.f32 v5, v57;
	v14 =	vadd.s32 v14, v60  }
0x2a3: {  	v16 =	vld.idx.msk [tilespmem:v16+s30+$0x0], $0xffff;
	v2 =	vadd.f32 v6, v2;
	v6 =	vmul.f32 v10, v55  }
0x2a4: {  	v10 =	vmul.f32 v12, v54;
	v12 =	vld.idx.msk [tilespmem:v19+s30+$0x0], $0xffff;
	v4 =	vadd.f32 v5, v4;
	v5 =	vmul.f32 v11, v58  }
0x2a5: {  	v13 =	vmul.f32 v13, v57;
	v2 =	vadd.f32 v6, v2;
	v6 =	vmul.f32 v15, v56;
	v15 =	vld.idx.msk [tilespmem:v17+s30+$0x0], $0xffff  }
0x2a6: {  	v1 =	vadd.f32 v3, v1;
	v3 =	vadd.f32 v10, v4;
	v4 =	vmul.f32 v9, v55  }
0x2a7: {  	v2 =	vmul.f32 v2, v5;
	v5 =	vadd.f32 v13, v6;
	v6 =	vmul.f32 v8, v54;
	v8 =	vld.idx.msk [tilespmem:v14+s30+$0x0], $0xffff  }
0x2a8: {  	v7 =	vmul.f32 v7, v57;
	v3 =	vadd.f32 v4, v3;
	v4 =	vmul.f32 v16, v56  }
0x2a9: {  	v9 =	vmul.f32 v11, v24;
	v5 =	vadd.f32 v6, v5;
	v6 =	vmul.f32 v12, v55  }
0x2aa: {  	v4 =	vadd.f32 v7, v4;
	v7 =	vmul.f32 v15, v54  }
0x2ab: {  	v1 =	vadd.f32 v2, v1;
	v2 =	vmul.f32 v3, v9;
	v3 =	vadd.f32 v6, v5  }
0x2ac: {  	v5 =	vmul.f32 v11, v25;
	v4 =	vadd.f32 v7, v4;
	v6 =	vmul.f32 v8, v55  }
0x2ad: {  	v1 =	vadd.f32 v2, v1  }
0x2ae: {  	v2 =	vmul.f32 v3, v5;
	v3 =	vadd.f32 v6, v4;
	v4 =	vmul.f32 v11, v27;
	_ =	sdelay $0x1  }
0x2af: {  	v1 =	vadd.f32 v2, v1;
	v2 =	vmul.f32 v3, v4;
	_ =	sdelay $0x1  }
0x2b0: {  	v1 =	vadd.f32 v2, v1;
	_ =	sdelay $0x1  }
0x2b1: {  	[tilespmem:s9+$0x13EA0] =	vst v1;
	v1 =	vld [tilespmem:$0x1FEA0]  }
0x2b2: {  	v54 =	vld [tilespmem:$0x13E10];
	_ =	sdelay $0x2  }
0x2b3: {  	v7 =	vld [tilespmem:$0x1FEC0]  }
0x2b4: {  	v5 =	vld [tilespmem:$0x1FEB0]  }
0x2b5: {  	v52 =	vld [tilespmem:$0x13590];
	v1 =	vadd.s32 v1, v54  }
0x2b6: {  	v56 =	vld [tilespmem:$0x13610];
	v2 =	vadd.s32 v28, v54  }
0x2b7: {  	v57 =	vld [tilespmem:$0x13690]  }
0x2b8: {  	v58 =	vld [tilespmem:$0x13990]  }
0x2b9: {  	v4 =	vor.u32 $0x2801, v0;
	v59 =	vld [tilespmem:$0x13A10];
	v3 =	vadd.s32 v30, v54  }
0x2ba: {  	v4 =	vadd.s32 v4, v54;
	v1 =	vld.idx.msk [tilespmem:v1+s30+$0x0], $0xffff  }
0x2bb: {  	v6 =	vor.u32 $0x2802, v0;
	v5 =	vadd.s32 v5, v54;
	v2 =	vld.idx.msk [tilespmem:v2+s30+$0x0], $0xffff  }
0x2bc: {  	v60 =	vld [tilespmem:$0x13A90];
	v6 =	vadd.s32 v6, v54  }
0x2bd: {  	v8 =	vor.u32 $0x2803, v0;
	v61 =	vld [tilespmem:$0x13B10];
	v7 =	vadd.s32 v7, v54  }
0x2be: {  	v8 =	vadd.s32 v8, v54;
	v3 =	vld.idx.msk [tilespmem:v3+s30+$0x0], $0xffff  }
0x2bf: {  	v10 =	vor.u32 $0x4801, v0;
	v9 =	vadd.s32 v34, v54;
	v4 =	vld.idx.msk [tilespmem:v4+s30+$0x0], $0xffff  }
0x2c0: {  	v10 =	vadd.s32 v10, v54;
	v5 =	vld.idx.msk [tilespmem:v5+s30+$0x0], $0xffff;
	v1 =	vmul.f32 v1, v58;
	v2 =	vmul.f32 v2, v59  }
0x2c1: {  	v11 =	vor.u32 $0x4802, v0;
	v6 =	vld.idx.msk [tilespmem:v6+s30+$0x0], $0xffff  }
0x2c2: {  	v1 =	vadd.f32 v2, v1;
	v2 =	vld.idx.msk [tilespmem:v7+s30+$0x0], $0xffff;
	v7 =	vadd.s32 v11, v54  }
0x2c3: {  	v13 =	vor.u32 $0x4803, v0;
	v12 =	vor.u32 $0x6801, v0;
	v8 =	vld.idx.msk [tilespmem:v8+s30+$0x0], $0xffff;
	v11 =	vadd.s32 v33, v54  }
0x2c4: {  	v12 =	vadd.s32 v12, v54;
	v9 =	vld.idx.msk [tilespmem:v9+s30+$0x0], $0xffff;
	v3 =	vmul.f32 v3, v58;
	v4 =	vmul.f32 v4, v59  }
0x2c5: {  	v14 =	vor.u32 $0x6802, v0;
	v13 =	vadd.s32 v13, v54;
	v10 =	vld.idx.msk [tilespmem:v10+s30+$0x0], $0xffff;
	v5 =	vmul.f32 v5, v60  }
0x2c6: {  	v15 =	vld [tilespmem:$0x13790];
	v3 =	vadd.f32 v4, v3;
	v4 =	vmul.f32 v6, v60;
	v6 =	vadd.s32 v14, v54  }
0x2c7: {  	v14 =	vor.u32 $0x6803, v0;
	v7 =	vld.idx.msk [tilespmem:v7+s30+$0x0], $0xffff  }
0x2c8: {  	v1 =	vadd.f32 v5, v1;
	v3 =	vadd.f32 v4, v3;
	v5 =	vadd.s32 v14, v54;
	v4 =	vld.idx.msk [tilespmem:v11+s30+$0x0], $0xffff  }
0x2c9: {  	v8 =	vmul.f32 v8, v61;
	v14 =	vadd.s32 v32, v54;
	v2 =	vmul.f32 v2, v61;
	v11 =	vld.idx.msk [tilespmem:v12+s30+$0x0], $0xffff  }
0x2ca: {  	v13 =	vld.idx.msk [tilespmem:v13+s30+$0x0], $0xffff;
	v9 =	vmul.f32 v9, v58;
	v10 =	vmul.f32 v10, v59;
	v12 =	vadd.s32 v31, v54  }
0x2cb: {  	v1 =	vadd.f32 v2, v1;
	v2 =	vld.idx.msk [tilespmem:v6+s30+$0x0], $0xffff;
	v6 =	vadd.s32 v37, v54  }
0x2cc: {  	v62 =	vld [tilespmem:$0x13710];
	v3 =	vadd.f32 v8, v3;
	v8 =	vadd.f32 v10, v9;
	v9 =	vadd.s32 v47, v54  }
0x2cd: {  	v16 =	vadd.s32 v49, v54;
	v10 =	vmul.f32 v15, v52;
	v5 =	vld.idx.msk [tilespmem:v5+s30+$0x0], $0xffff;
	v7 =	vmul.f32 v7, v60  }
0x2ce: {  	v17 =	vadd.s32 v48, v54;
	v14 =	vld.idx.msk [tilespmem:v14+s30+$0x0], $0xffff;
	v4 =	vmul.f32 v4, v58;
	v11 =	vmul.f32 v11, v59  }
0x2cf: {  	v13 =	vmul.f32 v13, v61;
	v12 =	vld.idx.msk [tilespmem:v12+s30+$0x0], $0xffff;
	v7 =	vadd.f32 v7, v8;
	v8 =	vmul.f32 v15, v56  }
0x2d0: {  	v1 =	vmul.f32 v1, v10;
	v4 =	vadd.f32 v11, v4;
	v2 =	vmul.f32 v2, v60;
	v6 =	vld.idx.msk [tilespmem:v6+s30+$0x0], $0xffff  }
0x2d1: {  	v10 =	vadd.s32 v51, v54;
	v3 =	vmul.f32 v3, v8;
	v8 =	vld.idx.msk [tilespmem:v9+s30+$0x0], $0xffff;
	v9 =	vadd.s32 v43, v54  }
0x2d2: {  	v1 =	vadd.f32 $0.0e+00, v1;
	v11 =	vmul.f32 v15, v57;
	v2 =	vadd.f32 v2, v4;
	v4 =	vld.idx.msk [tilespmem:v16+s30+$0x0], $0xffff  }
0x2d3: {  	v5 =	vmul.f32 v5, v61;
	v7 =	vadd.f32 v13, v7;
	v13 =	vld.idx.msk [tilespmem:v17+s30+$0x0], $0xffff;
	v16 =	vadd.s32 v39, v54  }
0x2d4: {  	v14 =	vmul.f32 v14, v59;
	v17 =	vadd.s32 v44, v54;
	v12 =	vmul.f32 v12, v58  }
0x2d5: {  	v1 =	vadd.f32 v3, v1;
	v3 =	vmul.f32 v7, v11;
	v7 =	vld [tilespmem:$0x13810]  }
0x2d6: {  	v2 =	vadd.f32 v5, v2;
	v5 =	vadd.f32 v14, v12;
	v6 =	vmul.f32 v6, v60;
	v9 =	vld.idx.msk [tilespmem:v9+s30+$0x0], $0xffff  }
0x2d7: {  	v10 =	vld.idx.msk [tilespmem:v10+s30+$0x0], $0xffff;
	v11 =	vmul.f32 v15, v62;
	v12 =	vadd.s32 v36, v54;
	v8 =	vmul.f32 v8, v61  }
0x2d8: {  	v5 =	vadd.f32 v6, v5;
	v4 =	vmul.f32 v4, v58;
	v6 =	vmul.f32 v13, v59;
	v13 =	vld.idx.msk [tilespmem:v16+s30+$0x0], $0xffff  }
0x2d9: {  	v14 =	vadd.s32 v35, v54;
	v1 =	vadd.f32 v3, v1;
	v3 =	vld.idx.msk [tilespmem:v17+s30+$0x0], $0xffff  }
0x2da: {  	v2 =	vmul.f32 v2, v11;
	v5 =	vadd.f32 v8, v5;
	v4 =	vadd.f32 v6, v4  }
0x2db: {  	v6 =	vmul.f32 v7, v52;
	v8 =	vmul.f32 v9, v60;
	v9 =	vadd.s32 v38, v54  }
0x2dc: {  	v11 =	vadd.s32 v40, v54;
	v1 =	vadd.f32 v2, v1;
	v2 =	vld.idx.msk [tilespmem:v12+s30+$0x0], $0xffff  }
0x2dd: {  	v12 =	vadd.s32 v41, v54;
	v5 =	vmul.f32 v5, v6;
	v6 =	vmul.f32 v10, v61  }
0x2de: {  	v10 =	vld.idx.msk [tilespmem:v14+s30+$0x0], $0xffff;
	v3 =	vmul.f32 v3, v59;
	v4 =	vadd.f32 v8, v4;
	v8 =	vmul.f32 v13, v58  }
0x2df: {  	v1 =	vadd.f32 v5, v1;
	v5 =	vadd.s32 v46, v54;
	v13 =	vor.u32 $0x1801, v0  }
0x2e0: {  	v4 =	vadd.f32 v6, v4;
	v3 =	vadd.f32 v3, v8;
	v8 =	vadd.s32 v13, v54;
	v6 =	vld.idx.msk [tilespmem:v9+s30+$0x0], $0xffff  }
0x2e1: {  	v2 =	vmul.f32 v2, v60;
	v13 =	vor.u32 $0x1802, v0;
	v9 =	vld.idx.msk [tilespmem:v11+s30+$0x0], $0xffff;
	v11 =	vadd.s32 v42, v54  }
0x2e2: {  	v15 =	vor.u32 $0x1803, v0;
	v14 =	vmul.f32 v7, v56;
	v13 =	vadd.s32 v13, v54  }
0x2e3: {  	v2 =	vadd.f32 v2, v3;
	v3 =	vmul.f32 v10, v61;
	v10 =	vld.idx.msk [tilespmem:v12+s30+$0x0], $0xffff;
	v12 =	vadd.s32 v15, v54  }
0x2e4: {  	v4 =	vmul.f32 v4, v14;
	v5 =	vld.idx.msk [tilespmem:v5+s30+$0x0], $0xffff;
	v14 =	vadd.s32 v53, v54;
	v15 =	vor.u32 $0x3801, v0  }
0x2e5: {  	v15 =	vadd.s32 v15, v54;
	v2 =	vadd.f32 v3, v2;
	v3 =	vmul.f32 v7, v57;
	v8 =	vld.idx.msk [tilespmem:v8+s30+$0x0], $0xffff  }
0x2e6: {  	v16 =	vor.u32 $0x3802, v0;
	v6 =	vmul.f32 v6, v58;
	v9 =	vmul.f32 v9, v59;
	v11 =	vld.idx.msk [tilespmem:v11+s30+$0x0], $0xffff  }
0x2e7: {  	v1 =	vadd.f32 v4, v1;
	v4 =	vld.idx.msk [tilespmem:v13+s30+$0x0], $0xffff;
	v13 =	vadd.s32 v16, v54  }
0x2e8: {  	v2 =	vmul.f32 v2, v3;
	v3 =	vadd.f32 v9, v6;
	v6 =	vld.idx.msk [tilespmem:v12+s30+$0x0], $0xffff;
	v9 =	vor.u32 $0x3803, v0  }
0x2e9: {  	v16 =	vor.u32 $0x5801, v0;
	v10 =	vmul.f32 v10, v60;
	v12 =	vld.idx.msk [tilespmem:v14+s30+$0x0], $0xffff;
	v9 =	vadd.s32 v9, v54  }
0x2ea: {  	v5 =	vmul.f32 v5, v58;
	v14 =	vld.idx.msk [tilespmem:v15+s30+$0x0], $0xffff;
	v15 =	vadd.s32 v45, v54;
	v8 =	vmul.f32 v8, v59  }
0x2eb: {  	v17 =	vld [tilespmem:$0x13890];
	v3 =	vadd.f32 v10, v3;
	v10 =	vmul.f32 v11, v61;
	v11 =	vadd.s32 v16, v54  }
0x2ec: {  	v4 =	vmul.f32 v4, v60;
	v5 =	vadd.f32 v8, v5;
	v8 =	vld.idx.msk [tilespmem:v13+s30+$0x0], $0xffff;
	v13 =	vor.u32 $0x5802, v0  }
0x2ed: {  	v1 =	vadd.f32 v2, v1;
	v2 =	vadd.f32 v10, v3;
	v3 =	vadd.s32 v13, v54  }
0x2ee: {  	v7 =	vmul.f32 v7, v62;
	v4 =	vadd.f32 v4, v5;
	v5 =	vmul.f32 v6, v61;
	v6 =	vld.idx.msk [tilespmem:v9+s30+$0x0], $0xffff  }
0x2ef: {  	v10 =	vmul.f32 v14, v59;
	v13 =	vor.u32 $0x5803, v0;
	v9 =	vmul.f32 v12, v58;
	v12 =	vld.idx.msk [tilespmem:v15+s30+$0x0], $0xffff  }
0x2f0: {  	v2 =	vmul.f32 v2, v7;
	v7 =	vadd.s32 v13, v54;
	v4 =	vadd.f32 v5, v4;
	v5 =	vld.idx.msk [tilespmem:v11+s30+$0x0], $0xffff  }
0x2f1: {  	v11 =	vmul.f32 v17, v52;
	v9 =	vadd.f32 v10, v9;
	v8 =	vmul.f32 v8, v60  }
0x2f2: {  	v3 =	vld.idx.msk [tilespmem:v3+s30+$0x0], $0xffff  }
0x2f3: {  	v1 =	vadd.f32 v2, v1;
	v2 =	vmul.f32 v4, v11;
	v4 =	vadd.f32 v8, v9  }
0x2f4: {  	v6 =	vmul.f32 v6, v61;
	v8 =	vadd.s32 v26, v54;
	v9 =	vor.u32 $0x7801, v0  }
0x2f5: {  	v10 =	vmul.f32 v12, v58;
	v9 =	vadd.s32 v9, v54;
	v5 =	vmul.f32 v5, v59  }
0x2f6: {  	v7 =	vld.idx.msk [tilespmem:v7+s30+$0x0], $0xffff;
	v1 =	vadd.f32 v2, v1;
	v2 =	vadd.f32 v6, v4;
	v4 =	vmul.f32 v17, v56  }
0x2f7: {  	v6 =	vor.u32 $0x7802, v0;
	v5 =	vadd.f32 v5, v10;
	v3 =	vmul.f32 v3, v60  }
0x2f8: {  	v50 =	vld [tilespmem:$0x1FFF0];
	v2 =	vmul.f32 v2, v4;
	v4 =	vadd.s32 v6, v54;
	v6 =	vor.u32 $0x7803, v0  }
0x2f9: {  	v49 =	vld [tilespmem:$0x1FFE0];
	v10 =	vor.u32 $0x1841, v0;
	v6 =	vadd.s32 v6, v54;
	v3 =	vadd.f32 v3, v5  }
0x2fa: {  	v5 =	vld.idx.msk [tilespmem:v8+s30+$0x0], $0xffff;
	v8 =	vor.u32 $0x1840, v0;
	v1 =	vadd.f32 v2, v1;
	v2 =	vadd.s32 v10, v54  }
0x2fb: {  	v13 =	vor.u32 $0x3840, v0;
	v7 =	vmul.f32 v7, v61;
	v9 =	vld.idx.msk [tilespmem:v9+s30+$0x0], $0xffff;
	v8 =	vadd.s32 v8, v54  }
0x2fc: {  	v13 =	vadd.s32 v13, v54;
	v11 =	vld [tilespmem:$0x13910];
	v12 =	vmul.f32 v17, v57;
	v10 =	vor.u32 $0x1842, v0  }
0x2fd: {  	v3 =	vadd.f32 v7, v3;
	v7 =	vadd.s32 v10, v54;
	v10 =	vor.u32 $0x1843, v0;
	v4 =	vld.idx.msk [tilespmem:v4+s30+$0x0], $0xffff  }
0x2fe: {  	v16 =	vor.u32 $0x5841, v0;
	v15 =	vor.u32 $0x3842, v0;
	v10 =	vadd.s32 v10, v54;
	v6 =	vld.idx.msk [tilespmem:v6+s30+$0x0], $0xffff  }
0x2ff: {  	v14 =	vor.u32 $0x3841, v0;
	v3 =	vmul.f32 v3, v12;
	v12 =	vadd.s32 v15, v54;
	v2 =	vld.idx.msk [tilespmem:v2+s30+$0x0], $0xffff  }
0x300: {  	v14 =	vadd.s32 v14, v54;
	v5 =	vmul.f32 v5, v58;
	v9 =	vmul.f32 v9, v59;
	v8 =	vld.idx.msk [tilespmem:v8+s30+$0x0], $0xffff  }
0x301: {  	v15 =	vor.u32 $0x3843, v0;
	v1 =	vadd.f32 v3, v1;
	v3 =	vld.idx.msk [tilespmem:v13+s30+$0x0], $0xffff;
	v13 =	vadd.s32 v16, v54  }
0x302: {  	v5 =	vadd.f32 v9, v5;
	v7 =	vld.idx.msk [tilespmem:v7+s30+$0x0], $0xffff;
	v9 =	vadd.s32 v15, v54  }
0x303: {  	v15 =	vor.u32 $0x5840, v0;
	v4 =	vmul.f32 v4, v60;
	v10 =	vld.idx.msk [tilespmem:v10+s30+$0x0], $0xffff  }
0x304: {  	v18 =	vor.u32 $0x7841, v0;
	v19 =	vor.u32 $0x5843, v0;
	v15 =	vadd.s32 v15, v54;
	v12 =	vld.idx.msk [tilespmem:v12+s30+$0x0], $0xffff  }
0x305: {  	v19 =	vadd.s32 v19, v54;
	v6 =	vmul.f32 v6, v61;
	v4 =	vadd.f32 v4, v5;
	v5 =	vld.idx.msk [tilespmem:v14+s30+$0x0], $0xffff  }
0x306: {  	v20 =	vor.u32 $0x7842, v0;
	v18 =	vadd.s32 v18, v54;
	v16 =	vor.u32 $0x5842, v0;
	v13 =	vld.idx.msk [tilespmem:v13+s30+$0x0], $0xffff  }
0x307: {  	v14 =	vadd.s32 v16, v54;
	v9 =	vld.idx.msk [tilespmem:v9+s30+$0x0], $0xffff;
	v4 =	vadd.f32 v6, v4;
	v6 =	vmul.f32 v17, v62  }
0x308: {  	v16 =	vor.u32 $0x7840, v0;
	v2 =	vmul.f32 v2, v59;
	v17 =	vadd.s32 v20, v54;
	v20 =	vld [tilespmem:$0x1FFD0]  }
0x309: {  	v16 =	vadd.s32 v16, v54;
	v8 =	vmul.f32 v8, v58;
	v15 =	vld.idx.msk [tilespmem:v15+s30+$0x0], $0xffff;
	v4 =	vmul.f32 v4, v6  }
0x30a: {  	v6 =	vmul.f32 v10, v61;
	v10 =	vmul.f32 v12, v60;
	v12 =	vld.idx.msk [tilespmem:v19+s30+$0x0], $0xffff  }
0x30b: {  	v7 =	vmul.f32 v7, v60;
	v2 =	vadd.f32 v2, v8;
	v19 =	vld [tilespmem:$0x1FFC0]  }
0x30c: {  	v3 =	vmul.f32 v3, v58;
	v8 =	vld.idx.msk [tilespmem:v14+s30+$0x0], $0xffff;
	v14 =	vor.u32 $0x7843, v0  }
0x30d: {  	v5 =	vmul.f32 v5, v59;
	v2 =	vadd.f32 v7, v2;
	v7 =	vld.idx.msk [tilespmem:v18+s30+$0x0], $0xffff;
	v14 =	vadd.s32 v14, v54  }
0x30e: {  	v16 =	vld.idx.msk [tilespmem:v16+s30+$0x0], $0xffff  }
0x30f: {  	v18 =	vld [tilespmem:$0x1FFB0];
	v13 =	vmul.f32 v13, v59;
	v3 =	vadd.f32 v5, v3  }
0x310: {  	v5 =	vmul.f32 v11, v52;
	v2 =	vadd.f32 v6, v2;
	v6 =	vmul.f32 v15, v58;
	v15 =	vld.idx.msk [tilespmem:v17+s30+$0x0], $0xffff  }
0x311: {  	v1 =	vadd.f32 v4, v1;
	v4 =	vmul.f32 v9, v61;
	v17 =	vld [tilespmem:$0x1FFA0];
	v3 =	vadd.f32 v10, v3  }
0x312: {  	v2 =	vmul.f32 v2, v5;
	v5 =	vadd.f32 v13, v6;
	v6 =	vmul.f32 v8, v60;
	v8 =	vld.idx.msk [tilespmem:v14+s30+$0x0], $0xffff  }
0x313: {  	v10 =	vld [tilespmem:$0x1FF30];
	v7 =	vmul.f32 v7, v59;
	v3 =	vadd.f32 v4, v3;
	v4 =	vmul.f32 v16, v58  }
0x314: {  	v9 =	vmul.f32 v12, v61;
	v12 =	vld [tilespmem:$0x1FF50];
	v5 =	vadd.f32 v6, v5;
	v6 =	vmul.f32 v11, v56  }
0x315: {  	v13 =	vld [tilespmem:$0x1FF60];
	v4 =	vadd.f32 v7, v4;
	v7 =	vmul.f32 v15, v60  }
0x316: {  	v14 =	vld [tilespmem:$0x1FF70];
	v1 =	vadd.f32 v2, v1;
	v2 =	vmul.f32 v3, v6;
	v3 =	vadd.f32 v9, v5  }
0x317: {  	v16 =	vld [tilespmem:$0x1FF90];
	v6 =	vmul.f32 v11, v57;
	v4 =	vadd.f32 v7, v4;
	v5 =	vmul.f32 v8, v61  }
0x318: {  	v15 =	vld [tilespmem:$0x1FF80];
	v1 =	vadd.f32 v2, v1  }
0x319: {  	v9 =	vld [tilespmem:$0x1FF20];
	v2 =	vmul.f32 v3, v6;
	v3 =	vadd.f32 v5, v4;
	v4 =	vmul.f32 v11, v62  }
0x31a: {  	p0 =	sne.s32 s3, $0x3000;
	v7 =	vld [tilespmem:$0x1FF00]  }
.Ltmp0:
0x31b: {  	v8 =	vld [tilespmem:$0x1FF10];
	v1 =	vadd.f32 v2, v1;
	v2 =	vmul.f32 v3, v4;
	(pc) =	sbr.rel @p0 .LBB2_2-.Ltmp0, $4  }
0x31c: {  	v6 =	vld [tilespmem:$0x1FEF0]  }
0x31d: {  	v5 =	vld [tilespmem:$0x1FEE0];
	v1 =	vadd.f32 v2, v1  }
0x31e: {  	v11 =	vld [tilespmem:$0x1FF40]  }
0x31f: {  	s3 =	sadd.s32 $0x100, s3;
	v4 =	vld [tilespmem:$0x1FED0];
	[tilespmem:s9+$0x13EB0] =	vst v1  }
0x320: {  	_ =	swait.ge [sflag:s7], $0x1000  }
0x321: {  	[sflag:s7] =	ssyncset.done $0x0  }
0x322: {  	[sflag:s7] =	ssyncadd.s32 $0xFFFFF000  }
0x323: {  	_ =	swait.ge [sflag:s7], $0x1000  }
0x324: {  	[sflag:s7] =	ssyncset.done $0x0  }
0x325: {  	[sflag:s7] =	ssyncadd.s32 $0xFFFFF000  }
0x326: {  	_ =	swait.ge [sflag:s7], $0x1000  }
0x327: {  	[sflag:s7] =	ssyncset.done $0x0  }
0x328: {  	[sflag:s7] =	ssyncadd.s32 $0xFFFFF000  }
0x329: {  	_ =	swait.ge [sflag:s7], $0x1000  }
0x32a: {  	[sflag:s7] =	ssyncset.done $0x0  }
0x32b: {  	[sflag:s7] =	ssyncadd.s32 $0xFFFFF000  }
0x32c: {  	_ =	swait.ge [sflag:s7], $0x1000  }
0x32d: {  	[sflag:s7] =	ssyncset.done $0x0  }
0x32e: {  	[sflag:s7] =	ssyncadd.s32 $0xFFFFF000  }
0x32f: {  	_ =	swait.ge [sflag:s7], $0x1000  }
0x330: {  	[sflag:s7] =	ssyncset.done $0x0  }
0x331: {  	[sflag:s7] =	ssyncadd.s32 $0xFFFFF000  }
0x332: {  	_ =	swait.ge [sflag:s7], $0x1000  }
0x333: {  	[sflag:s7] =	ssyncset.done $0x0  }
0x334: {  	[sflag:s7] =	ssyncadd.s32 $0xFFFFF000  }
0x335: {  	_ =	swait.ge [sflag:s7], $0x1000  }
0x336: {  	s8 =	simm.s32 $0x0;
	[sflag:s7] =	ssyncset.done $0x0  }
0x337: {  	s1 =	simm.s32 $0x13E80;
	s0 =	rddreg [dreg:$0xc];
	[sflag:s7] =	ssyncadd.s32 $0xFFFFF000  }
0x338: {  	[hbm4b:s0+s8] =	stream.linear.scatter [tilespmem:s1], [sflag:$0x2], $0xC40, $0x38;
	[tilespmem:$0x14B00] =	vst v63  }
0x339: {  	s1 =	simm.s32 $0x2  }
0x33a: {  	_ =	swait.ge [sflag:s1], $0xC40  }
0x33b: {  	s3 =	rddreg [dreg:$0xe]  }
0x33c: {  	s31 =	rddreg [dreg:$0xd];
	s3 =	sadd.s32 $0x1, s3  }
0x33d: {  	p0 =	sne.s32 s3, s31  }
.Ltmp1:
0x33e: {  	_ = 	snop;
	(pc) =	sbr.rel @p0 .LBB2_1-.Ltmp1, $3  }
0x33f: {  	_ =	sdelay $0x1  }
0x340: {  	[sflag:s1] =	ssyncset.done $0x0  }
0x341: {  	[sflag:s1] =	ssyncadd.s32 $0xFFFFF3C0  }
0x342: {  	_ =	sfence.sel $0x180000  }
0x343: {  	[bflag:$0x0] =	sbarrier.arrive $0xFFFF  }
0x344: {  	_ =	strace $0x90000047  }
0x345: {  	s0 =	stileid.u32;
	[bflag:$0x2] =	sbarrier.arrive $0xFFFF  }
0x346: {  	p0 =	sne.s32 s0, $0x0;
	s0 =	rddreg [dreg:$0x1]  }
0x347: {  	s0 =	sadd.s32 @!p0 $0x100000, s0  }
0x348: {  	[sflag:s0] =	ssyncadd.tile.s32 @!p0 $0x1;
	_ =	shalt  }
.Lfunc_end2:
_tile_overlayer_lowered:
.L_overlay_start_2:
0x349: {  	(tag) =	ssettag $0x2  }
0x34a: {  	s0 =	rddreg [dreg:$0x0];
	s2 =	stileid.u32  }
0x34b: {  	s1 =	rddreg [dreg:$0x1];
	p0 =	sne.s32 s2, $0x0  }
0x34c: {  	s3 =	rddreg [dreg:$0x2];
	[bflag:$0x3] =	sbarrier.arrive $0xFFFF;
	s2 =	simm.s32 @!p0 $0x1C02  }
0x34d: {  	[timem:s3], [sflag:s2] =	dma.local @!p0 [hbm:s0], s1  }
0x34e: {  	s0 =	simm.s32 @!p0 $0x2  }
0x34f: {  	_ =	swait.ge @!p0 [sflag:s0], s1  }
0x350: {  	s1 =	ssub.s32 @!p0 $0x0, s1;
	[sflag:s0] =	ssyncset.done @!p0 $0x0  }
0x351: {  	[sflag:s0] =	ssyncadd.s32 @!p0 s1  }
0x352: {  	[bflag:$0x3] =	sbarrier.arrive $0xFFFF  }
0x353: {  	_ =	shalt  }

</sc_bundles>
